<compile_context>
chip_gen: v7x
topology: tpu7x:2x2x1
jax: 0.10.2.dev20260603
libtpu: 0.0.44.dev20260713+nightly
codegen_flags: <defaults>
</compile_context>

<pallas_src>
import functools

import jax
import jax.numpy as jnp
from jax import lax
from jax.experimental import pallas as pl
from jax.experimental.pallas import tpu as pltpu
from jax.experimental.pallas import tpu_sc as plsc

_N = 10000
_E = 320000
_D = 128
_H = 128
_C = 10
_G = 64
_NC = 2
_NS = 16
_NW = _NC * _NS
_EPW = _E // _NW
_K = 80
_NCHUNK = _EPW // _K
_RPS = 624
_TAIL = _N - _NS * _RPS


def _acc_init_drain(c, s, acc, zeros_hbm, out_hbm, body_fn, pre_fn=None):
    if pre_fn is not None:
        pre_fn()
    pltpu.sync_copy(zeros_hbm, acc.at[pl.ds(s * _RPS, _RPS)])

    @pl.when(s == 0)
    def _zero_tail():
        pltpu.sync_copy(zeros_hbm.at[pl.ds(0, _TAIL)],
                        acc.at[pl.ds(_NS * _RPS, _TAIL)])

    plsc.subcore_barrier()
    body_fn()
    plsc.subcore_barrier()
    pltpu.sync_copy(acc.at[pl.ds(s * _RPS, _RPS)],
                    out_hbm.at[c, pl.ds(s * _RPS, _RPS)])

    @pl.when(s == 0)
    def _drain_tail():
        pltpu.sync_copy(acc.at[pl.ds(_NS * _RPS, _TAIL)],
                        out_hbm.at[c, pl.ds(_NS * _RPS, _TAIL)])


def _make_edge_scatter():
    mesh = plsc.VectorSubcoreMesh(core_axis_name="c", subcore_axis_name="s")

    @functools.partial(
        pl.kernel,
        mesh=mesh,
        out_type=jax.ShapeDtypeStruct((_NC, _N, _D), jnp.float32),
        scratch_types=[
            pltpu.VMEM((_K,), jnp.int32),
            pltpu.VMEM((_K,), jnp.int32),
            pltpu.VMEM((_K,), jnp.int32),
            pltpu.VMEM((_K,), jnp.int32),
            pltpu.VMEM((_K,), jnp.int32),
            pltpu.VMEM((_K,), jnp.int32),
            pltpu.VMEM((_K,), jnp.int32),
            pltpu.VMEM((_K,), jnp.int32),
            pltpu.VMEM((_K, _D), jnp.float32),
            pltpu.VMEM((_K, _D), jnp.float32),
            pltpu.VMEM((_K, _D), jnp.float32),
            pltpu.VMEM((_K, _D), jnp.float32),
            pltpu.VMEM_SHARED((_N, _D), jnp.float32),
            pltpu.SemaphoreType.DMA,
            pltpu.SemaphoreType.DMA,
            pltpu.SemaphoreType.DMA,
            pltpu.SemaphoreType.DMA,
            pltpu.SemaphoreType.DMA,
            pltpu.SemaphoreType.DMA,
            pltpu.SemaphoreType.DMA,
            pltpu.SemaphoreType.DMA,
            pltpu.SemaphoreType.DMA,
        ],
    )
    def edge_scatter(src_hbm, dst_hbm, tbl_hbm, zeros_hbm, out_hbm,
                     sidx0, sidx1, sidx2, sidx3, didx0, didx1, didx2, didx3,
                     rows0, rows1, rows2, rows3,
                     acc, semI0, semI1, semI2, semI3,
                     semG0, semG1, semG2, semG3, semS):
        c = lax.axis_index("c")
        s = lax.axis_index("s")
        base = (c * _NS + s) * _EPW
        sidx = (sidx0, sidx1, sidx2, sidx3)
        didx = (didx0, didx1, didx2, didx3)
        rows = (rows0, rows1, rows2, rows3)
        semI = (semI0, semI1, semI2, semI3)
        semG = (semG0, semG1, semG2, semG3)

        def issue_idx(t, b):
            off = base + t * _K
            pltpu.async_copy(src_hbm.at[pl.ds(off, _K)], sidx[b], semI[b])
            pltpu.async_copy(dst_hbm.at[pl.ds(off, _K)], didx[b], semI[b])

        def wait_idx(b):
            pltpu.make_async_copy(src_hbm.at[pl.ds(0, _K)],
                                  sidx[b], semI[b]).wait()
            pltpu.make_async_copy(dst_hbm.at[pl.ds(0, _K)],
                                  didx[b], semI[b]).wait()

        def issue_gather(t, b):
            pltpu.async_copy(tbl_hbm.at[sidx[b]], rows[b], semG[b])

        def wait_gather(b):
            pltpu.make_async_copy(tbl_hbm.at[sidx[b]], rows[b],
                                  semG[b]).wait()

        def issue_scatter(b):
            pltpu.async_copy(rows[b], acc.at[didx[b]], semS, add=True)

        def wait_scatter(b):
            pltpu.make_async_copy(rows[b], acc.at[didx[b]], semS).wait()

        def chunk_step(t, b, has_g2, has_i3, first=False):
            if has_g2:
                wait_idx((b + 2) % 4)
                issue_gather(t + 2, (b + 2) % 4)
            wait_gather(b)
            if not first:
                wait_scatter((b - 1) % 4)
            issue_scatter(b)
            if has_i3:
                issue_idx(t + 3, (b + 3) % 4)

        def pre():
            issue_idx(0, 0)
            issue_idx(1, 1)
            issue_idx(2, 2)
            wait_idx(0)
            issue_gather(0, 0)
            wait_idx(1)
            issue_gather(1, 1)

        def body():
            chunk_step(0, 0, True, True, first=True)

            def quad(i, carry):
                t = 1 + 4 * i
                chunk_step(t, 1, True, True)
                chunk_step(t + 1, 2, True, True)
                chunk_step(t + 2, 3, True, True)
                chunk_step(t + 3, 0, True, True)
                return carry

            lax.fori_loop(0, (_NCHUNK - 5) // 4, quad, 0)
            chunk_step(_NCHUNK - 4, (_NCHUNK - 4) % 4, True, True)
            chunk_step(_NCHUNK - 3, (_NCHUNK - 3) % 4, True, False)
            chunk_step(_NCHUNK - 2, (_NCHUNK - 2) % 4, False, False)
            chunk_step(_NCHUNK - 1, (_NCHUNK - 1) % 4, False, False)
            wait_scatter((_NCHUNK - 1) % 4)

        _acc_init_drain(c, s, acc, zeros_hbm, out_hbm, body, pre_fn=pre)

    return edge_scatter


def _make_count_scatter():
    mesh = plsc.VectorSubcoreMesh(core_axis_name="c", subcore_axis_name="s")

    @functools.partial(
        pl.kernel,
        mesh=mesh,
        out_type=jax.ShapeDtypeStruct((_NC, _N, _D), jnp.float32),
        scratch_types=[
            pltpu.VMEM((_K,), jnp.int32),
            pltpu.VMEM((_K,), jnp.int32),
            pltpu.VMEM((_K,), jnp.int32),
            pltpu.VMEM((_K,), jnp.int32),
            pltpu.VMEM((_K, _D), jnp.float32),
            pltpu.VMEM_SHARED((_N, _D), jnp.float32),
            pltpu.SemaphoreType.DMA,
            pltpu.SemaphoreType.DMA,
            pltpu.SemaphoreType.DMA,
            pltpu.SemaphoreType.DMA,
            pltpu.SemaphoreType.DMA,
            pltpu.SemaphoreType.DMA,
            pltpu.SemaphoreType.DMA,
            pltpu.SemaphoreType.DMA,
        ],
    )
    def count_scatter(dst_hbm, ones_hbm, zeros_hbm, out_hbm,
                      didx0, didx1, didx2, didx3, ones_v, acc,
                      semI0, semI1, semI2, semI3,
                      semS0, semS1, semS2, semS3):
        c = lax.axis_index("c")
        s = lax.axis_index("s")
        base = (c * _NS + s) * _EPW
        didx = (didx0, didx1, didx2, didx3)
        semI = (semI0, semI1, semI2, semI3)
        semS = (semS0, semS1, semS2, semS3)

        def issue_idx(t, b):
            pltpu.async_copy(dst_hbm.at[pl.ds(base + t * _K, _K)],
                             didx[b], semI[b])

        def wait_scatter(b):
            pltpu.make_async_copy(ones_v, acc.at[didx[b]], semS[b]).wait()

        def chunk_step(t, b, has_i2, first=False):
            pltpu.make_async_copy(dst_hbm.at[pl.ds(0, _K)],
                                  didx[b], semI[b]).wait()
            if not first:
                wait_scatter((b + 2) % 4)
            pltpu.async_copy(ones_v, acc.at[didx[b]], semS[b], add=True)
            if has_i2:
                issue_idx(t + 2, (b + 2) % 4)

        def pre():
            pltpu.sync_copy(ones_hbm, ones_v)
            issue_idx(0, 0)
            issue_idx(1, 1)

        def body():
            chunk_step(0, 0, True, first=True)
            chunk_step(1, 1, True, first=True)

            def quad(i, carry):
                t = 2 + 4 * i
                chunk_step(t, 2, True)
                chunk_step(t + 1, 3, True)
                chunk_step(t + 2, 0, True)
                chunk_step(t + 3, 1, True)
                return carry

            lax.fori_loop(0, (_NCHUNK - 5) // 4, quad, 0)
            chunk_step(_NCHUNK - 3, (_NCHUNK - 3) % 4, True)
            chunk_step(_NCHUNK - 2, (_NCHUNK - 2) % 4, False)
            chunk_step(_NCHUNK - 1, (_NCHUNK - 1) % 4, False)
            wait_scatter((_NCHUNK - 2) % 4)
            wait_scatter((_NCHUNK - 1) % 4)

        _acc_init_drain(c, s, acc, zeros_hbm, out_hbm, body, pre_fn=pre)

    return count_scatter


def _dense_layer1(p, cp, h, Wl, bl, Wr):
    nb = 10
    bs = _N // nb

    def body(p0_ref, p1_ref, c0_ref, c1_ref, h_ref, wl_ref, bl_ref, wr_ref,
             o_ref, dinv_ref):
        cnt = c0_ref[0][:, :1] + c1_ref[0][:, :1]
        dinv = 1.0 / jnp.maximum(cnt, 1.0)
        dinv_ref[...] = dinv
        mean = (p0_ref[0] + p1_ref[0]) * dinv
        hh = jnp.dot(mean, wl_ref[...], preferred_element_type=jnp.float32)
        hh = hh + bl_ref[...]
        hh = hh + jnp.dot(h_ref[...], wr_ref[...],
                          preferred_element_type=jnp.float32)
        o_ref[...] = jnp.maximum(hh, 0.0)

    return pl.pallas_call(
        body,
        grid=(nb,),
        in_specs=[
            pl.BlockSpec((1, bs, _D), lambda i: (0, i, 0)),
            pl.BlockSpec((1, bs, _D), lambda i: (1, i, 0)),
            pl.BlockSpec((1, bs, _D), lambda i: (0, i, 0)),
            pl.BlockSpec((1, bs, _D), lambda i: (1, i, 0)),
            pl.BlockSpec((bs, _D), lambda i: (i, 0)),
            pl.BlockSpec((_D, _H), lambda i: (0, 0)),
            pl.BlockSpec((1, _H), lambda i: (0, 0)),
            pl.BlockSpec((_D, _H), lambda i: (0, 0)),
        ],
        out_specs=[
            pl.BlockSpec((bs, _H), lambda i: (i, 0)),
            pl.BlockSpec((bs, 1), lambda i: (i, 0)),
        ],
        out_shape=[
            jax.ShapeDtypeStruct((_N, _H), jnp.float32),
            jax.ShapeDtypeStruct((_N, 1), jnp.float32),
        ],
    )(p, p, cp, cp, h, Wl, bl, Wr)


def _dense_layer2(p, dinv, h, Wl, bl, Wr):
    nb = 10
    bs = _N // nb

    def body(p0_ref, p1_ref, dinv_ref, h_ref, wl_ref, bl_ref, wr_ref,
             o_ref):
        mean = (p0_ref[0] + p1_ref[0]) * dinv_ref[...]
        hh = jnp.dot(mean, wl_ref[...], preferred_element_type=jnp.float32)
        hh = hh + bl_ref[...]
        hh = hh + jnp.dot(h_ref[...], wr_ref[...],
                          preferred_element_type=jnp.float32)
        o_ref[...] = jnp.maximum(hh, 0.0)

    return pl.pallas_call(
        body,
        grid=(nb,),
        in_specs=[
            pl.BlockSpec((1, bs, _D), lambda i: (0, i, 0)),
            pl.BlockSpec((1, bs, _D), lambda i: (1, i, 0)),
            pl.BlockSpec((bs, 1), lambda i: (i, 0)),
            pl.BlockSpec((bs, _D), lambda i: (i, 0)),
            pl.BlockSpec((_D, _H), lambda i: (0, 0)),
            pl.BlockSpec((1, _H), lambda i: (0, 0)),
            pl.BlockSpec((_D, _H), lambda i: (0, 0)),
        ],
        out_specs=pl.BlockSpec((bs, _H), lambda i: (i, 0)),
        out_shape=jax.ShapeDtypeStruct((_N, _H), jnp.float32),
    )(p, p, dinv, h, Wl, bl, Wr)


def _dense_pool_head(p, dinv, h2, Wl, bl, Wr, batch_row, Wg, bg,
                     Wlin1, blin1, Wlin2, blin2):

    def body(p0_ref, p1_ref, dinv_ref, h2_ref, wl_ref, bl_ref, wr_ref,
             b_ref, wg_ref, bg_ref, w1_ref, b1_ref, w2_ref, b2_ref, o_ref):
        mean = (p0_ref[0] + p1_ref[0]) * dinv_ref[...]
        h = jnp.dot(mean, wl_ref[...], preferred_element_type=jnp.float32)
        h = h + bl_ref[...]
        h = h + jnp.dot(h2_ref[...], wr_ref[...],
                        preferred_element_type=jnp.float32)
        h = jnp.maximum(h, 0.0)
        gate = jnp.dot(h, wg_ref[...], preferred_element_type=jnp.float32)
        gate = gate + bg_ref[0, 0]
        e = jnp.exp(gate - jnp.max(gate))
        seg = b_ref[...]
        m = (lax.broadcasted_iota(jnp.int32, (_G, _N), 0) == seg)
        mf = m.astype(jnp.float32)
        gsum = jnp.dot(mf, e, preferred_element_type=jnp.float32)
        pooled = jnp.dot(mf, e * h, preferred_element_type=jnp.float32)
        pooled = pooled / (gsum + 1e-16)
        z = jnp.dot(pooled, w1_ref[...], preferred_element_type=jnp.float32)
        z = jnp.maximum(z + b1_ref[...], 0.0)
        o = jnp.dot(z, w2_ref[...], preferred_element_type=jnp.float32)
        o = o + b2_ref[...]
        omax = jnp.max(o, axis=1, keepdims=True)
        lse = jnp.log(jnp.sum(jnp.exp(o - omax), axis=1, keepdims=True))
        o_ref[...] = o - (lse + omax)

    return pl.pallas_call(
        body,
        grid=(1,),
        in_specs=[
            pl.BlockSpec((1, _N, _D), lambda i: (0, 0, 0)),
            pl.BlockSpec((1, _N, _D), lambda i: (1, 0, 0)),
            pl.BlockSpec((_N, 1), lambda i: (0, 0)),
            pl.BlockSpec((_N, _D), lambda i: (0, 0)),
            pl.BlockSpec((_D, _H), lambda i: (0, 0)),
            pl.BlockSpec((1, _H), lambda i: (0, 0)),
            pl.BlockSpec((_D, _H), lambda i: (0, 0)),
            pl.BlockSpec((1, _N), lambda i: (0, 0)),
            pl.BlockSpec((_D, 1), lambda i: (0, 0)),
            pl.BlockSpec((1, 1), lambda i: (0, 0)),
            pl.BlockSpec((_H, _H), lambda i: (0, 0)),
            pl.BlockSpec((1, _H), lambda i: (0, 0)),
            pl.BlockSpec((_H, _C), lambda i: (0, 0)),
            pl.BlockSpec((1, _C), lambda i: (0, 0)),
        ],
        out_specs=pl.BlockSpec((_G, _C), lambda i: (0, 0)),
        out_shape=jax.ShapeDtypeStruct((_G, _C), jnp.float32),
    )(p, p, dinv, h2, Wl, bl, Wr, batch_row, Wg, bg,
      Wlin1, blin1, Wlin2, blin2)


def kernel(x, edge_index, batch, W1l, b1l, W1r, W2l, b2l, W2r, W3l, b3l,
           W3r, Wg, bg, Wlin1, blin1, Wlin2, blin2):
    src = edge_index[0]
    dst = edge_index[1]
    zeros = jnp.zeros((_RPS, _D), jnp.float32)
    ones = jnp.ones((_K, _D), jnp.float32)
    batch_row = batch.reshape(1, _N)

    edge_scatter = _make_edge_scatter()
    count_scatter = _make_count_scatter()

    cp = count_scatter(dst, ones, zeros)

    p = edge_scatter(src, dst, x, zeros)
    h1, dinv = _dense_layer1(p, cp, x, W1l, b1l.reshape(1, _H), W1r)
    p = edge_scatter(src, dst, h1, zeros)
    h2 = _dense_layer2(p, dinv, h1, W2l, b2l.reshape(1, _H), W2r)
    p = edge_scatter(src, dst, h2, zeros)
    return _dense_pool_head(
        p, dinv, h2, W3l, b3l.reshape(1, _H), W3r, batch_row,
        Wg, bg.reshape(1, 1), Wlin1, blin1.reshape(1, _H),
        Wlin2, blin2.reshape(1, _C))

# --- scband reference (transcript-rebuilt; emitter-appended) ---
"""Pipeline reference for scband-global-attention-net-85452669321992 (READ-ONLY COPY).

The authoritative reference and input builder live on the scoring server;
editing this copy changes nothing except your own understanding.
"""

import jax, jax.numpy as jnp
import numpy as np

N = 10000
E = 320000
D = 128
H = 128
C = 10
G = 64


def setup_inputs(seed: int = 0) -> dict:
    key = jax.random.key(seed)
    ks = jax.random.split(key, 18)
    s = 0.05
    inp = {}
    inp["x"] = jax.random.normal(ks[0], (N, D), dtype=jnp.float32)
    inp["edge_index"] = jax.random.randint(ks[1], (2, E), 0, N, dtype=jnp.int32)
    inp["batch"] = jnp.sort(jax.random.randint(ks[2], (N,), 0, G, dtype=jnp.int32))
    # SAGEConv layer 1 (lin_l has bias, lin_r has no bias, matching PyG)
    inp["W1l"] = jax.random.normal(ks[3], (D, H), dtype=jnp.float32) * s
    inp["b1l"] = jnp.zeros((H,), dtype=jnp.float32)
    inp["W1r"] = jax.random.normal(ks[4], (D, H), dtype=jnp.float32) * s
    # SAGEConv layer 2
    inp["W2l"] = jax.random.normal(ks[5], (H, H), dtype=jnp.float32) * s
    inp["b2l"] = jnp.zeros((H,), dtype=jnp.float32)
    inp["W2r"] = jax.random.normal(ks[6], (H, H), dtype=jnp.float32) * s
    # SAGEConv layer 3
    inp["W3l"] = jax.random.normal(ks[7], (H, H), dtype=jnp.float32) * s
    inp["b3l"] = jnp.zeros((H,), dtype=jnp.float32)
    inp["W3r"] = jax.random.normal(ks[8], (H, H), dtype=jnp.float32) * s
    # Attentional aggregation gate: Linear(hidden, 1)
    inp["Wg"] = jax.random.normal(ks[9], (H, 1), dtype=jnp.float32) * s
    inp["bg"] = jnp.zeros((1,), dtype=jnp.float32)
    # Final MLP
    inp["Wlin1"] = jax.random.normal(ks[10], (H, H), dtype=jnp.float32) * s
    inp["blin1"] = jnp.zeros((H,), dtype=jnp.float32)
    inp["Wlin2"] = jax.random.normal(ks[11], (H, C), dtype=jnp.float32) * s
    inp["blin2"] = jnp.zeros((C,), dtype=jnp.float32)
    return inp


def _sage(x, src, dst, Wl, bl, Wr):
    # PyG SAGEConv with mean aggregation: out = lin_l(mean_{j->i} x_j) + lin_r(x_i)
    msgs = x[src]
    summed = jax.ops.segment_sum(msgs, dst, num_segments=N)
    cnt = jax.ops.segment_sum(jnp.ones((msgs.shape[0], 1), jnp.float32), dst, num_segments=N)
    mean = summed / jnp.clip(cnt, 1.0, None)
    return mean @ Wl + bl + x @ Wr


def reference(x, edge_index, batch, W1l, b1l, W1r, W2l, b2l, W2r, W3l, b3l, W3r, Wg, bg, Wlin1, blin1, Wlin2, blin2):
    src = edge_index[0]
    dst = edge_index[1]
    h = jax.nn.relu(_sage(x, src, dst, W1l, b1l, W1r))
    h = jax.nn.relu(_sage(h, src, dst, W2l, b2l, W2r))
    h = jax.nn.relu(_sage(h, src, dst, W3l, b3l, W3r))
    # AttentionalAggregation: segment softmax of gate_nn(h) over batch, weighted sum
    gate = h @ Wg + bg  # [N, 1]
    gmax = jax.ops.segment_max(gate, batch, num_segments=G)
    gate = jnp.exp(gate - gmax[batch])
    gsum = jax.ops.segment_sum(gate, batch, num_segments=G)
    gate = gate / (gsum[batch] + 1e-16)
    pooled = jax.ops.segment_sum(gate * h, batch, num_segments=G)  # [G, H]
    out = jax.nn.relu(pooled @ Wlin1 + blin1)
    # dropout is identity in eval mode
    out = out @ Wlin2 + blin2
    return jax.nn.log_softmax(out, axis=-1)

if __name__ == "__main__":
    import jax
    _d = setup_inputs()
    print(jax.jit(kernel)(*tuple(_d.values())))

</pallas_src>

<mosaic_0001>
#map = affine_map<(d0, d1) -> (0)>
#map1 = affine_map<(d0, d1) -> (0, 0)>
#map2 = affine_map<(d0, d1) -> (0, 0, 0)>
module attributes {stable_mosaic.version = 14 : i64} {
  func.func @edge_scatter(%arg0: i32, %arg1: i32, %arg2: memref<320000xi32, #tpu.memory_space<hbm>>, %arg3: memref<320000xi32, #tpu.memory_space<hbm>>, %arg4: memref<10000x128xf32, #tpu.memory_space<hbm>>, %arg5: memref<624x128xf32, #tpu.memory_space<hbm>>, %arg6: memref<2x10000x128xf32, #tpu.memory_space<hbm>>, %arg7: memref<80xi32, #tpu.memory_space<vmem>>, %arg8: memref<80xi32, #tpu.memory_space<vmem>>, %arg9: memref<80xi32, #tpu.memory_space<vmem>>, %arg10: memref<80xi32, #tpu.memory_space<vmem>>, %arg11: memref<80xi32, #tpu.memory_space<vmem>>, %arg12: memref<80xi32, #tpu.memory_space<vmem>>, %arg13: memref<80xi32, #tpu.memory_space<vmem>>, %arg14: memref<80xi32, #tpu.memory_space<vmem>>, %arg15: memref<80x128xf32, #tpu.memory_space<vmem>>, %arg16: memref<80x128xf32, #tpu.memory_space<vmem>>, %arg17: memref<80x128xf32, #tpu.memory_space<vmem>>, %arg18: memref<80x128xf32, #tpu.memory_space<vmem>>, %arg19: memref<10000x128xf32, #tpu.memory_space<vmem_shared>>, %arg20: memref<!tpu.dma_semaphore, #tpu.memory_space<semaphore_mem>>, %arg21: memref<!tpu.dma_semaphore, #tpu.memory_space<semaphore_mem>>, %arg22: memref<!tpu.dma_semaphore, #tpu.memory_space<semaphore_mem>>, %arg23: memref<!tpu.dma_semaphore, #tpu.memory_space<semaphore_mem>>, %arg24: memref<!tpu.dma_semaphore, #tpu.memory_space<semaphore_mem>>, %arg25: memref<!tpu.dma_semaphore, #tpu.memory_space<semaphore_mem>>, %arg26: memref<!tpu.dma_semaphore, #tpu.memory_space<semaphore_mem>>, %arg27: memref<!tpu.dma_semaphore, #tpu.memory_space<semaphore_mem>>, %arg28: memref<!tpu.dma_semaphore, #tpu.memory_space<semaphore_mem>>) attributes {dimension_semantics = [#tpu.dimension_semantics<core_parallel>, #tpu.dimension_semantics<subcore_parallel>], iteration_bounds = array<i64: 2, 16>, scalar_prefetch = 0 : i64, scratch_operands = 22 : i64, tpu.core_type = #tpu.core_type<sc_vector_subcore>, window_params = [{transform_indices = #map}, {transform_indices = #map}, {transform_indices = #map1}, {transform_indices = #map1}, {transform_indices = #map2}]} {
    %mul3A = arith.constant 16 : i32
    %mul3A_0 = arith.muli %arg0, %mul3A : i32
    %add3A = arith.addi %mul3A_0, %arg1 : i32
    %mul3A_1 = arith.constant 10000 : i32
    %mul3A_2 = arith.muli %add3A, %mul3A_1 : i32
    %add3A_3 = arith.constant 0 : i32
    %add3A_4 = arith.addi %mul3A_2, %add3A_3 : i32
    %dma_start3A = tpu.memref_slice %arg2[%add3A_4] : memref<320000xi32, #tpu.memory_space<hbm>> -> memref<80xi32, #tpu.memory_space<hbm>>
    %dma_start3A_5 = tpu.memref_slice %arg2[%add3A_4] : memref<320000xi32, #tpu.memory_space<hbm>> -> memref<80xi32, #tpu.memory_space<hbm>>
    tpu.enqueue_dma source(%dma_start3A_5 : memref<80xi32, #tpu.memory_space<hbm>>) target(%arg7 : memref<80xi32, #tpu.memory_space<vmem>>) target_semaphore(%arg20 : memref<!tpu.dma_semaphore, #tpu.memory_space<semaphore_mem>>)
    %dma_start3A_6 = tpu.memref_slice %arg3[%add3A_4] : memref<320000xi32, #tpu.memory_space<hbm>> -> memref<80xi32, #tpu.memory_space<hbm>>
    %dma_start3A_7 = tpu.memref_slice %arg3[%add3A_4] : memref<320000xi32, #tpu.memory_space<hbm>> -> memref<80xi32, #tpu.memory_space<hbm>>
    tpu.enqueue_dma source(%dma_start3A_7 : memref<80xi32, #tpu.memory_space<hbm>>) target(%arg11 : memref<80xi32, #tpu.memory_space<vmem>>) target_semaphore(%arg20 : memref<!tpu.dma_semaphore, #tpu.memory_space<semaphore_mem>>)
    %add3A_8 = arith.constant 80 : i32
    %add3A_9 = arith.addi %mul3A_2, %add3A_8 : i32
    %dma_start3A_10 = tpu.memref_slice %arg2[%add3A_9] : memref<320000xi32, #tpu.memory_space<hbm>> -> memref<80xi32, #tpu.memory_space<hbm>>
    %dma_start3A_11 = tpu.memref_slice %arg2[%add3A_9] : memref<320000xi32, #tpu.memory_space<hbm>> -> memref<80xi32, #tpu.memory_space<hbm>>
    tpu.enqueue_dma source(%dma_start3A_11 : memref<80xi32, #tpu.memory_space<hbm>>) target(%arg8 : memref<80xi32, #tpu.memory_space<vmem>>) target_semaphore(%arg21 : memref<!tpu.dma_semaphore, #tpu.memory_space<semaphore_mem>>)
    %dma_start3A_12 = tpu.memref_slice %arg3[%add3A_9] : memref<320000xi32, #tpu.memory_space<hbm>> -> memref<80xi32, #tpu.memory_space<hbm>>
    %dma_start3A_13 = tpu.memref_slice %arg3[%add3A_9] : memref<320000xi32, #tpu.memory_space<hbm>> -> memref<80xi32, #tpu.memory_space<hbm>>
    tpu.enqueue_dma source(%dma_start3A_13 : memref<80xi32, #tpu.memory_space<hbm>>) target(%arg12 : memref<80xi32, #tpu.memory_space<vmem>>) target_semaphore(%arg21 : memref<!tpu.dma_semaphore, #tpu.memory_space<semaphore_mem>>)
    %add3A_14 = arith.constant 160 : i32
    %add3A_15 = arith.addi %mul3A_2, %add3A_14 : i32
    %dma_start3A_16 = tpu.memref_slice %arg2[%add3A_15] : memref<320000xi32, #tpu.memory_space<hbm>> -> memref<80xi32, #tpu.memory_space<hbm>>
    %dma_start3A_17 = tpu.memref_slice %arg2[%add3A_15] : memref<320000xi32, #tpu.memory_space<hbm>> -> memref<80xi32, #tpu.memory_space<hbm>>
    tpu.enqueue_dma source(%dma_start3A_17 : memref<80xi32, #tpu.memory_space<hbm>>) target(%arg9 : memref<80xi32, #tpu.memory_space<vmem>>) target_semaphore(%arg22 : memref<!tpu.dma_semaphore, #tpu.memory_space<semaphore_mem>>)
    %dma_start3A_18 = tpu.memref_slice %arg3[%add3A_15] : memref<320000xi32, #tpu.memory_space<hbm>> -> memref<80xi32, #tpu.memory_space<hbm>>
    %dma_start3A_19 = tpu.memref_slice %arg3[%add3A_15] : memref<320000xi32, #tpu.memory_space<hbm>> -> memref<80xi32, #tpu.memory_space<hbm>>
    tpu.enqueue_dma source(%dma_start3A_19 : memref<80xi32, #tpu.memory_space<hbm>>) target(%arg13 : memref<80xi32, #tpu.memory_space<vmem>>) target_semaphore(%arg22 : memref<!tpu.dma_semaphore, #tpu.memory_space<semaphore_mem>>)
    %dma_wait3A = arith.constant 0 : i32
    %dma_wait3A_20 = tpu.memref_slice %arg2[%dma_wait3A] : memref<320000xi32, #tpu.memory_space<hbm>> -> memref<80xi32, #tpu.memory_space<hbm>>
    %dma_wait3A_21 = arith.constant 0 : i32
    %dma_wait3A_22 = tpu.memref_slice %arg2[%dma_wait3A_21] : memref<320000xi32, #tpu.memory_space<hbm>> -> memref<80xi32, #tpu.memory_space<hbm>>
    tpu.wait_dma2 semaphore(%arg20 : memref<!tpu.dma_semaphore, #tpu.memory_space<semaphore_mem>>) src(%dma_wait3A_22 : memref<80xi32, #tpu.memory_space<hbm>>) dst(%arg7 : memref<80xi32, #tpu.memory_space<vmem>>)
    %dma_wait3A_23 = arith.constant 0 : i32
    %dma_wait3A_24 = tpu.memref_slice %arg3[%dma_wait3A_23] : memref<320000xi32, #tpu.memory_space<hbm>> -> memref<80xi32, #tpu.memory_space<hbm>>
    %dma_wait3A_25 = arith.constant 0 : i32
    %dma_wait3A_26 = tpu.memref_slice %arg3[%dma_wait3A_25] : memref<320000xi32, #tpu.memory_space<hbm>> -> memref<80xi32, #tpu.memory_space<hbm>>
    tpu.wait_dma2 semaphore(%arg20 : memref<!tpu.dma_semaphore, #tpu.memory_space<semaphore_mem>>) src(%dma_wait3A_26 : memref<80xi32, #tpu.memory_space<hbm>>) dst(%arg11 : memref<80xi32, #tpu.memory_space<vmem>>)
    %dma_start3A_27 = arith.constant 0 : i32
    %dma_start3A_28 = arith.constant 0 : i32
    %dma_start3A_29 = tpu.memref_slice %arg4[%dma_start3A_27, %dma_start3A_28] : memref<10000x128xf32, #tpu.memory_space<hbm>> -> memref<10000x128xf32, #tpu.memory_space<hbm>>
    tpu.enqueue_indirect_dma source(%dma_start3A_29 : memref<10000x128xf32, #tpu.memory_space<hbm>>) target(%arg15 : memref<80x128xf32, #tpu.memory_space<vmem>>) offsets(%arg7 : memref<80xi32, #tpu.memory_space<vmem>>) semaphore(%arg24 : memref<!tpu.dma_semaphore, #tpu.memory_space<semaphore_mem>>)
    %dma_wait3A_30 = arith.constant 0 : i32
    %dma_wait3A_31 = tpu.memref_slice %arg2[%dma_wait3A_30] : memref<320000xi32, #tpu.memory_space<hbm>> -> memref<80xi32, #tpu.memory_space<hbm>>
    %dma_wait3A_32 = arith.constant 0 : i32
    %dma_wait3A_33 = tpu.memref_slice %arg2[%dma_wait3A_32] : memref<320000xi32, #tpu.memory_space<hbm>> -> memref<80xi32, #tpu.memory_space<hbm>>
    tpu.wait_dma2 semaphore(%arg21 : memref<!tpu.dma_semaphore, #tpu.memory_space<semaphore_mem>>) src(%dma_wait3A_33 : memref<80xi32, #tpu.memory_space<hbm>>) dst(%arg8 : memref<80xi32, #tpu.memory_space<vmem>>)
    %dma_wait3A_34 = arith.constant 0 : i32
    %dma_wait3A_35 = tpu.memref_slice %arg3[%dma_wait3A_34] : memref<320000xi32, #tpu.memory_space<hbm>> -> memref<80xi32, #tpu.memory_space<hbm>>
    %dma_wait3A_36 = arith.constant 0 : i32
    %dma_wait3A_37 = tpu.memref_slice %arg3[%dma_wait3A_36] : memref<320000xi32, #tpu.memory_space<hbm>> -> memref<80xi32, #tpu.memory_space<hbm>>
    tpu.wait_dma2 semaphore(%arg21 : memref<!tpu.dma_semaphore, #tpu.memory_space<semaphore_mem>>) src(%dma_wait3A_37 : memref<80xi32, #tpu.memory_space<hbm>>) dst(%arg12 : memref<80xi32, #tpu.memory_space<vmem>>)
    %dma_start3A_38 = arith.constant 0 : i32
    %dma_start3A_39 = arith.constant 0 : i32
    %dma_start3A_40 = tpu.memref_slice %arg4[%dma_start3A_38, %dma_start3A_39] : memref<10000x128xf32, #tpu.memory_space<hbm>> -> memref<10000x128xf32, #tpu.memory_space<hbm>>
    tpu.enqueue_indirect_dma source(%dma_start3A_40 : memref<10000x128xf32, #tpu.memory_space<hbm>>) target(%arg16 : memref<80x128xf32, #tpu.memory_space<vmem>>) offsets(%arg8 : memref<80xi32, #tpu.memory_space<vmem>>) semaphore(%arg25 : memref<!tpu.dma_semaphore, #tpu.memory_space<semaphore_mem>>)
    %mul3A_41 = arith.constant 624 : i32
    %mul3A_42 = arith.muli %arg1, %mul3A_41 : i32
    "tpu.region"() ({
      %run_scoped3A = tpu.sem_alloc : memref<!tpu.dma_semaphore, #tpu.memory_space<semaphore_mem>>
      %dma_start3A_150 = arith.constant 0 : i32
      %dma_start3A_151 = tpu.memref_slice %arg19[%mul3A_42, %dma_start3A_150] : memref<10000x128xf32, #tpu.memory_space<vmem_shared>> -> memref<624x128xf32, #tpu.memory_space<vmem_shared>>
      tpu.enqueue_dma source(%arg5 : memref<624x128xf32, #tpu.memory_space<hbm>>) target(%dma_start3A_151 : memref<624x128xf32, #tpu.memory_space<vmem_shared>>) target_semaphore(%run_scoped3A : memref<!tpu.dma_semaphore, #tpu.memory_space<semaphore_mem>>)
      %dma_wait3A_152 = arith.constant 0 : i32
      %dma_wait3A_153 = tpu.memref_slice %arg19[%mul3A_42, %dma_wait3A_152] : memref<10000x128xf32, #tpu.memory_space<vmem_shared>> -> memref<624x128xf32, #tpu.memory_space<vmem_shared>>
      tpu.wait_dma2 semaphore(%run_scoped3A : memref<!tpu.dma_semaphore, #tpu.memory_space<semaphore_mem>>) src(%arg5 : memref<624x128xf32, #tpu.memory_space<hbm>>) dst(%dma_wait3A_153 : memref<624x128xf32, #tpu.memory_space<vmem_shared>>)
      tpu.yield
    }) : () -> ()
    %eq3A = arith.constant 0 : i32
    %eq3A_43 = arith.cmpi eq, %arg1, %eq3A : i32
    %convert_element_type3A = arith.extui %eq3A_43 : i1 to i32
    %cond3A = arith.constant 0 : i32
    %cond3A_44 = arith.cmpi ne, %convert_element_type3A, %cond3A : i32
    scf.if %cond3A_44 {
      "tpu.region"() ({
        %run_scoped3A = tpu.sem_alloc : memref<!tpu.dma_semaphore, #tpu.memory_space<semaphore_mem>>
        %dma_start3A_150 = arith.constant 9984 : i32
        %dma_start3A_151 = arith.constant 0 : i32
        %dma_start3A_152 = tpu.memref_slice %arg19[%dma_start3A_150, %dma_start3A_151] : memref<10000x128xf32, #tpu.memory_space<vmem_shared>> -> memref<16x128xf32, #tpu.memory_space<vmem_shared>>
        %dma_start3A_153 = arith.constant 0 : i32
        %dma_start3A_154 = arith.constant 0 : i32
        %dma_start3A_155 = tpu.memref_slice %arg5[%dma_start3A_153, %dma_start3A_154] : memref<624x128xf32, #tpu.memory_space<hbm>> -> memref<16x128xf32, #tpu.memory_space<hbm>>
        tpu.enqueue_dma source(%dma_start3A_155 : memref<16x128xf32, #tpu.memory_space<hbm>>) target(%dma_start3A_152 : memref<16x128xf32, #tpu.memory_space<vmem_shared>>) target_semaphore(%run_scoped3A : memref<!tpu.dma_semaphore, #tpu.memory_space<semaphore_mem>>)
        %dma_wait3A_156 = arith.constant 9984 : i32
        %dma_wait3A_157 = arith.constant 0 : i32
        %dma_wait3A_158 = tpu.memref_slice %arg19[%dma_wait3A_156, %dma_wait3A_157] : memref<10000x128xf32, #tpu.memory_space<vmem_shared>> -> memref<16x128xf32, #tpu.memory_space<vmem_shared>>
        %dma_wait3A_159 = arith.constant 0 : i32
        %dma_wait3A_160 = arith.constant 0 : i32
        %dma_wait3A_161 = tpu.memref_slice %arg5[%dma_wait3A_159, %dma_wait3A_160] : memref<624x128xf32, #tpu.memory_space<hbm>> -> memref<16x128xf32, #tpu.memory_space<hbm>>
        tpu.wait_dma2 semaphore(%run_scoped3A : memref<!tpu.dma_semaphore, #tpu.memory_space<semaphore_mem>>) src(%dma_wait3A_161 : memref<16x128xf32, #tpu.memory_space<hbm>>) dst(%dma_wait3A_158 : memref<16x128xf32, #tpu.memory_space<vmem_shared>>)
        tpu.yield
      }) : () -> ()
    } else {
    }
    %barrier3A = arith.constant 0 : index
    tpu.barrier barrier_id(%barrier3A)
    %dma_wait3A_45 = arith.constant 0 : i32
    %dma_wait3A_46 = tpu.memref_slice %arg2[%dma_wait3A_45] : memref<320000xi32, #tpu.memory_space<hbm>> -> memref<80xi32, #tpu.memory_space<hbm>>
    %dma_wait3A_47 = arith.constant 0 : i32
    %dma_wait3A_48 = tpu.memref_slice %arg2[%dma_wait3A_47] : memref<320000xi32, #tpu.memory_space<hbm>> -> memref<80xi32, #tpu.memory_space<hbm>>
    tpu.wait_dma2 semaphore(%arg22 : memref<!tpu.dma_semaphore, #tpu.memory_space<semaphore_mem>>) src(%dma_wait3A_48 : memref<80xi32, #tpu.memory_space<hbm>>) dst(%arg9 : memref<80xi32, #tpu.memory_space<vmem>>)
    %dma_wait3A_49 = arith.constant 0 : i32
    %dma_wait3A_50 = tpu.memref_slice %arg3[%dma_wait3A_49] : memref<320000xi32, #tpu.memory_space<hbm>> -> memref<80xi32, #tpu.memory_space<hbm>>
    %dma_wait3A_51 = arith.constant 0 : i32
    %dma_wait3A_52 = tpu.memref_slice %arg3[%dma_wait3A_51] : memref<320000xi32, #tpu.memory_space<hbm>> -> memref<80xi32, #tpu.memory_space<hbm>>
    tpu.wait_dma2 semaphore(%arg22 : memref<!tpu.dma_semaphore, #tpu.memory_space<semaphore_mem>>) src(%dma_wait3A_52 : memref<80xi32, #tpu.memory_space<hbm>>) dst(%arg13 : memref<80xi32, #tpu.memory_space<vmem>>)
    %dma_start3A_53 = arith.constant 0 : i32
    %dma_start3A_54 = arith.constant 0 : i32
    %dma_start3A_55 = tpu.memref_slice %arg4[%dma_start3A_53, %dma_start3A_54] : memref<10000x128xf32, #tpu.memory_space<hbm>> -> memref<10000x128xf32, #tpu.memory_space<hbm>>
    tpu.enqueue_indirect_dma source(%dma_start3A_55 : memref<10000x128xf32, #tpu.memory_space<hbm>>) target(%arg17 : memref<80x128xf32, #tpu.memory_space<vmem>>) offsets(%arg9 : memref<80xi32, #tpu.memory_space<vmem>>) semaphore(%arg26 : memref<!tpu.dma_semaphore, #tpu.memory_space<semaphore_mem>>)
    %dma_wait3A_56 = arith.constant 0 : i32
    %dma_wait3A_57 = arith.constant 0 : i32
    %dma_wait3A_58 = tpu.memref_slice %arg4[%dma_wait3A_56, %dma_wait3A_57] : memref<10000x128xf32, #tpu.memory_space<hbm>> -> memref<10000x128xf32, #tpu.memory_space<hbm>>
    tpu.wait_indirect_dma semaphore(%arg24 : memref<!tpu.dma_semaphore, #tpu.memory_space<semaphore_mem>>) src(%dma_wait3A_58 : memref<10000x128xf32, #tpu.memory_space<hbm>>) dst(%arg15 : memref<80x128xf32, #tpu.memory_space<vmem>>)
    %dma_start3A_59 = arith.constant 0 : i32
    %dma_start3A_60 = arith.constant 0 : i32
    %dma_start3A_61 = tpu.memref_slice %arg19[%dma_start3A_59, %dma_start3A_60] : memref<10000x128xf32, #tpu.memory_space<vmem_shared>> -> memref<10000x128xf32, #tpu.memory_space<vmem_shared>>
    tpu.enqueue_indirect_dma source(%arg15 : memref<80x128xf32, #tpu.memory_space<vmem>>) target(%dma_start3A_61 : memref<10000x128xf32, #tpu.memory_space<vmem_shared>>) offsets(%arg11 : memref<80xi32, #tpu.memory_space<vmem>>) semaphore(%arg28 : memref<!tpu.dma_semaphore, #tpu.memory_space<semaphore_mem>>) {add = true}
    %add3A_62 = arith.constant 240 : i32
    %add3A_63 = arith.addi %mul3A_2, %add3A_62 : i32
    %dma_start3A_64 = tpu.memref_slice %arg2[%add3A_63] : memref<320000xi32, #tpu.memory_space<hbm>> -> memref<80xi32, #tpu.memory_space<hbm>>
    %dma_start3A_65 = tpu.memref_slice %arg2[%add3A_63] : memref<320000xi32, #tpu.memory_space<hbm>> -> memref<80xi32, #tpu.memory_space<hbm>>
    tpu.enqueue_dma source(%dma_start3A_65 : memref<80xi32, #tpu.memory_space<hbm>>) target(%arg10 : memref<80xi32, #tpu.memory_space<vmem>>) target_semaphore(%arg23 : memref<!tpu.dma_semaphore, #tpu.memory_space<semaphore_mem>>)
    %dma_start3A_66 = tpu.memref_slice %arg3[%add3A_63] : memref<320000xi32, #tpu.memory_space<hbm>> -> memref<80xi32, #tpu.memory_space<hbm>>
    %dma_start3A_67 = tpu.memref_slice %arg3[%add3A_63] : memref<320000xi32, #tpu.memory_space<hbm>> -> memref<80xi32, #tpu.memory_space<hbm>>
    tpu.enqueue_dma source(%dma_start3A_67 : memref<80xi32, #tpu.memory_space<hbm>>) target(%arg14 : memref<80xi32, #tpu.memory_space<vmem>>) target_semaphore(%arg23 : memref<!tpu.dma_semaphore, #tpu.memory_space<semaphore_mem>>)
    %scan3A = arith.constant 0 : i32
    %scan3A_68 = arith.constant 0 : i32
    %scan3A_69 = arith.constant 30 : i32
    %scan3A_70 = arith.addi %scan3A_68, %scan3A_69 : i32
    %scan3A_71 = arith.constant 1 : i32
    scf.for %scan3A_150 = %scan3A_68 to %scan3A_70 step %scan3A_71  : i32 {
      %mul3A_151 = arith.constant 4 : i32
      %mul3A_152 = arith.muli %mul3A_151, %scan3A_150 : i32
      %add3A_153 = arith.constant 1 : i32
      %add3A_154 = arith.addi %add3A_153, %mul3A_152 : i32
      %dma_wait3A_155 = arith.constant 0 : i32
      %dma_wait3A_156 = tpu.memref_slice %arg2[%dma_wait3A_155] : memref<320000xi32, #tpu.memory_space<hbm>> -> memref<80xi32, #tpu.memory_space<hbm>>
      %dma_wait3A_157 = arith.constant 0 : i32
      %dma_wait3A_158 = tpu.memref_slice %arg2[%dma_wait3A_157] : memref<320000xi32, #tpu.memory_space<hbm>> -> memref<80xi32, #tpu.memory_space<hbm>>
      tpu.wait_dma2 semaphore(%arg23 : memref<!tpu.dma_semaphore, #tpu.memory_space<semaphore_mem>>) src(%dma_wait3A_158 : memref<80xi32, #tpu.memory_space<hbm>>) dst(%arg10 : memref<80xi32, #tpu.memory_space<vmem>>)
      %dma_wait3A_159 = arith.constant 0 : i32
      %dma_wait3A_160 = tpu.memref_slice %arg3[%dma_wait3A_159] : memref<320000xi32, #tpu.memory_space<hbm>> -> memref<80xi32, #tpu.memory_space<hbm>>
      %dma_wait3A_161 = arith.constant 0 : i32
      %dma_wait3A_162 = tpu.memref_slice %arg3[%dma_wait3A_161] : memref<320000xi32, #tpu.memory_space<hbm>> -> memref<80xi32, #tpu.memory_space<hbm>>
      tpu.wait_dma2 semaphore(%arg23 : memref<!tpu.dma_semaphore, #tpu.memory_space<semaphore_mem>>) src(%dma_wait3A_162 : memref<80xi32, #tpu.memory_space<hbm>>) dst(%arg14 : memref<80xi32, #tpu.memory_space<vmem>>)
      %add3A_163 = arith.constant 2 : i32
      %add3A_164 = arith.addi %add3A_154, %add3A_163 : i32
      %dma_start3A_165 = arith.constant 0 : i32
      %dma_start3A_166 = arith.constant 0 : i32
      %dma_start3A_167 = tpu.memref_slice %arg4[%dma_start3A_165, %dma_start3A_166] : memref<10000x128xf32, #tpu.memory_space<hbm>> -> memref<10000x128xf32, #tpu.memory_space<hbm>>
      tpu.enqueue_indirect_dma source(%dma_start3A_167 : memref<10000x128xf32, #tpu.memory_space<hbm>>) target(%arg18 : memref<80x128xf32, #tpu.memory_space<vmem>>) offsets(%arg10 : memref<80xi32, #tpu.memory_space<vmem>>) semaphore(%arg27 : memref<!tpu.dma_semaphore, #tpu.memory_space<semaphore_mem>>)
      %dma_wait3A_168 = arith.constant 0 : i32
      %dma_wait3A_169 = arith.constant 0 : i32
      %dma_wait3A_170 = tpu.memref_slice %arg4[%dma_wait3A_168, %dma_wait3A_169] : memref<10000x128xf32, #tpu.memory_space<hbm>> -> memref<10000x128xf32, #tpu.memory_space<hbm>>
      tpu.wait_indirect_dma semaphore(%arg25 : memref<!tpu.dma_semaphore, #tpu.memory_space<semaphore_mem>>) src(%dma_wait3A_170 : memref<10000x128xf32, #tpu.memory_space<hbm>>) dst(%arg16 : memref<80x128xf32, #tpu.memory_space<vmem>>)
      %dma_wait3A_171 = arith.constant 0 : i32
      %dma_wait3A_172 = arith.constant 0 : i32
      %dma_wait3A_173 = tpu.memref_slice %arg19[%dma_wait3A_171, %dma_wait3A_172] : memref<10000x128xf32, #tpu.memory_space<vmem_shared>> -> memref<10000x128xf32, #tpu.memory_space<vmem_shared>>
      tpu.wait_indirect_dma semaphore(%arg28 : memref<!tpu.dma_semaphore, #tpu.memory_space<semaphore_mem>>) src(%arg15 : memref<80x128xf32, #tpu.memory_space<vmem>>) dst(%dma_wait3A_173 : memref<10000x128xf32, #tpu.memory_space<vmem_shared>>)
      %dma_start3A_174 = arith.constant 0 : i32
      %dma_start3A_175 = arith.constant 0 : i32
      %dma_start3A_176 = tpu.memref_slice %arg19[%dma_start3A_174, %dma_start3A_175] : memref<10000x128xf32, #tpu.memory_space<vmem_shared>> -> memref<10000x128xf32, #tpu.memory_space<vmem_shared>>
      tpu.enqueue_indirect_dma source(%arg16 : memref<80x128xf32, #tpu.memory_space<vmem>>) target(%dma_start3A_176 : memref<10000x128xf32, #tpu.memory_space<vmem_shared>>) offsets(%arg12 : memref<80xi32, #tpu.memory_space<vmem>>) semaphore(%arg28 : memref<!tpu.dma_semaphore, #tpu.memory_space<semaphore_mem>>) {add = true}
      %add3A_177 = arith.constant 3 : i32
      %add3A_178 = arith.addi %add3A_154, %add3A_177 : i32
      %mul3A_179 = arith.constant 80 : i32
      %mul3A_180 = arith.muli %add3A_178, %mul3A_179 : i32
      %add3A_181 = arith.addi %mul3A_2, %mul3A_180 : i32
      %dma_start3A_182 = tpu.memref_slice %arg2[%add3A_181] : memref<320000xi32, #tpu.memory_space<hbm>> -> memref<80xi32, #tpu.memory_space<hbm>>
      %dma_start3A_183 = tpu.memref_slice %arg2[%add3A_181] : memref<320000xi32, #tpu.memory_space<hbm>> -> memref<80xi32, #tpu.memory_space<hbm>>
      tpu.enqueue_dma source(%dma_start3A_183 : memref<80xi32, #tpu.memory_space<hbm>>) target(%arg7 : memref<80xi32, #tpu.memory_space<vmem>>) target_semaphore(%arg20 : memref<!tpu.dma_semaphore, #tpu.memory_space<semaphore_mem>>)
      %dma_start3A_184 = tpu.memref_slice %arg3[%add3A_181] : memref<320000xi32, #tpu.memory_space<hbm>> -> memref<80xi32, #tpu.memory_space<hbm>>
      %dma_start3A_185 = tpu.memref_slice %arg3[%add3A_181] : memref<320000xi32, #tpu.memory_space<hbm>> -> memref<80xi32, #tpu.memory_space<hbm>>
      tpu.enqueue_dma source(%dma_start3A_185 : memref<80xi32, #tpu.memory_space<hbm>>) target(%arg11 : memref<80xi32, #tpu.memory_space<vmem>>) target_semaphore(%arg20 : memref<!tpu.dma_semaphore, #tpu.memory_space<semaphore_mem>>)
      %add3A_186 = arith.constant 1 : i32
      %add3A_187 = arith.addi %add3A_154, %add3A_186 : i32
      %dma_wait3A_188 = arith.constant 0 : i32
      %dma_wait3A_189 = tpu.memref_slice %arg2[%dma_wait3A_188] : memref<320000xi32, #tpu.memory_space<hbm>> -> memref<80xi32, #tpu.memory_space<hbm>>
      %dma_wait3A_190 = arith.constant 0 : i32
      %dma_wait3A_191 = tpu.memref_slice %arg2[%dma_wait3A_190] : memref<320000xi32, #tpu.memory_space<hbm>> -> memref<80xi32, #tpu.memory_space<hbm>>
      tpu.wait_dma2 semaphore(%arg20 : memref<!tpu.dma_semaphore, #tpu.memory_space<semaphore_mem>>) src(%dma_wait3A_191 : memref<80xi32, #tpu.memory_space<hbm>>) dst(%arg7 : memref<80xi32, #tpu.memory_space<vmem>>)
      %dma_wait3A_192 = arith.constant 0 : i32
      %dma_wait3A_193 = tpu.memref_slice %arg3[%dma_wait3A_192] : memref<320000xi32, #tpu.memory_space<hbm>> -> memref<80xi32, #tpu.memory_space<hbm>>
      %dma_wait3A_194 = arith.constant 0 : i32
      %dma_wait3A_195 = tpu.memref_slice %arg3[%dma_wait3A_194] : memref<320000xi32, #tpu.memory_space<hbm>> -> memref<80xi32, #tpu.memory_space<hbm>>
      tpu.wait_dma2 semaphore(%arg20 : memref<!tpu.dma_semaphore, #tpu.memory_space<semaphore_mem>>) src(%dma_wait3A_195 : memref<80xi32, #tpu.memory_space<hbm>>) dst(%arg11 : memref<80xi32, #tpu.memory_space<vmem>>)
      %add3A_196 = arith.constant 2 : i32
      %add3A_197 = arith.addi %add3A_187, %add3A_196 : i32
      %dma_start3A_198 = arith.constant 0 : i32
      %dma_start3A_199 = arith.constant 0 : i32
      %dma_start3A_200 = tpu.memref_slice %arg4[%dma_start3A_198, %dma_start3A_199] : memref<10000x128xf32, #tpu.memory_space<hbm>> -> memref<10000x128xf32, #tpu.memory_space<hbm>>
      tpu.enqueue_indirect_dma source(%dma_start3A_200 : memref<10000x128xf32, #tpu.memory_space<hbm>>) target(%arg15 : memref<80x128xf32, #tpu.memory_space<vmem>>) offsets(%arg7 : memref<80xi32, #tpu.memory_space<vmem>>) semaphore(%arg24 : memref<!tpu.dma_semaphore, #tpu.memory_space<semaphore_mem>>)
      %dma_wait3A_201 = arith.constant 0 : i32
      %dma_wait3A_202 = arith.constant 0 : i32
      %dma_wait3A_203 = tpu.memref_slice %arg4[%dma_wait3A_201, %dma_wait3A_202] : memref<10000x128xf32, #tpu.memory_space<hbm>> -> memref<10000x128xf32, #tpu.memory_space<hbm>>
      tpu.wait_indirect_dma semaphore(%arg26 : memref<!tpu.dma_semaphore, #tpu.memory_space<semaphore_mem>>) src(%dma_wait3A_203 : memref<10000x128xf32, #tpu.memory_space<hbm>>) dst(%arg17 : memref<80x128xf32, #tpu.memory_space<vmem>>)
      %dma_wait3A_204 = arith.constant 0 : i32
      %dma_wait3A_205 = arith.constant 0 : i32
      %dma_wait3A_206 = tpu.memref_slice %arg19[%dma_wait3A_204, %dma_wait3A_205] : memref<10000x128xf32, #tpu.memory_space<vmem_shared>> -> memref<10000x128xf32, #tpu.memory_space<vmem_shared>>
      tpu.wait_indirect_dma semaphore(%arg28 : memref<!tpu.dma_semaphore, #tpu.memory_space<semaphore_mem>>) src(%arg16 : memref<80x128xf32, #tpu.memory_space<vmem>>) dst(%dma_wait3A_206 : memref<10000x128xf32, #tpu.memory_space<vmem_shared>>)
      %dma_start3A_207 = arith.constant 0 : i32
      %dma_start3A_208 = arith.constant 0 : i32
      %dma_start3A_209 = tpu.memref_slice %arg19[%dma_start3A_207, %dma_start3A_208] : memref<10000x128xf32, #tpu.memory_space<vmem_shared>> -> memref<10000x128xf32, #tpu.memory_space<vmem_shared>>
      tpu.enqueue_indirect_dma source(%arg17 : memref<80x128xf32, #tpu.memory_space<vmem>>) target(%dma_start3A_209 : memref<10000x128xf32, #tpu.memory_space<vmem_shared>>) offsets(%arg13 : memref<80xi32, #tpu.memory_space<vmem>>) semaphore(%arg28 : memref<!tpu.dma_semaphore, #tpu.memory_space<semaphore_mem>>) {add = true}
      %add3A_210 = arith.constant 3 : i32
      %add3A_211 = arith.addi %add3A_187, %add3A_210 : i32
      %mul3A_212 = arith.constant 80 : i32
      %mul3A_213 = arith.muli %add3A_211, %mul3A_212 : i32
      %add3A_214 = arith.addi %mul3A_2, %mul3A_213 : i32
      %dma_start3A_215 = tpu.memref_slice %arg2[%add3A_214] : memref<320000xi32, #tpu.memory_space<hbm>> -> memref<80xi32, #tpu.memory_space<hbm>>
      %dma_start3A_216 = tpu.memref_slice %arg2[%add3A_214] : memref<320000xi32, #tpu.memory_space<hbm>> -> memref<80xi32, #tpu.memory_space<hbm>>
      tpu.enqueue_dma source(%dma_start3A_216 : memref<80xi32, #tpu.memory_space<hbm>>) target(%arg8 : memref<80xi32, #tpu.memory_space<vmem>>) target_semaphore(%arg21 : memref<!tpu.dma_semaphore, #tpu.memory_space<semaphore_mem>>)
      %dma_start3A_217 = tpu.memref_slice %arg3[%add3A_214] : memref<320000xi32, #tpu.memory_space<hbm>> -> memref<80xi32, #tpu.memory_space<hbm>>
      %dma_start3A_218 = tpu.memref_slice %arg3[%add3A_214] : memref<320000xi32, #tpu.memory_space<hbm>> -> memref<80xi32, #tpu.memory_space<hbm>>
      tpu.enqueue_dma source(%dma_start3A_218 : memref<80xi32, #tpu.memory_space<hbm>>) target(%arg12 : memref<80xi32, #tpu.memory_space<vmem>>) target_semaphore(%arg21 : memref<!tpu.dma_semaphore, #tpu.memory_space<semaphore_mem>>)
      %add3A_219 = arith.constant 2 : i32
      %add3A_220 = arith.addi %add3A_154, %add3A_219 : i32
      %dma_wait3A_221 = arith.constant 0 : i32
      %dma_wait3A_222 = tpu.memref_slice %arg2[%dma_wait3A_221] : memref<320000xi32, #tpu.memory_space<hbm>> -> memref<80xi32, #tpu.memory_space<hbm>>
      %dma_wait3A_223 = arith.constant 0 : i32
      %dma_wait3A_224 = tpu.memref_slice %arg2[%dma_wait3A_223] : memref<320000xi32, #tpu.memory_space<hbm>> -> memref<80xi32, #tpu.memory_space<hbm>>
      tpu.wait_dma2 semaphore(%arg21 : memref<!tpu.dma_semaphore, #tpu.memory_space<semaphore_mem>>) src(%dma_wait3A_224 : memref<80xi32, #tpu.memory_space<hbm>>) dst(%arg8 : memref<80xi32, #tpu.memory_space<vmem>>)
      %dma_wait3A_225 = arith.constant 0 : i32
      %dma_wait3A_226 = tpu.memref_slice %arg3[%dma_wait3A_225] : memref<320000xi32, #tpu.memory_space<hbm>> -> memref<80xi32, #tpu.memory_space<hbm>>
      %dma_wait3A_227 = arith.constant 0 : i32
      %dma_wait3A_228 = tpu.memref_slice %arg3[%dma_wait3A_227] : memref<320000xi32, #tpu.memory_space<hbm>> -> memref<80xi32, #tpu.memory_space<hbm>>
      tpu.wait_dma2 semaphore(%arg21 : memref<!tpu.dma_semaphore, #tpu.memory_space<semaphore_mem>>) src(%dma_wait3A_228 : memref<80xi32, #tpu.memory_space<hbm>>) dst(%arg12 : memref<80xi32, #tpu.memory_space<vmem>>)
      %add3A_229 = arith.constant 2 : i32
      %add3A_230 = arith.addi %add3A_220, %add3A_229 : i32
      %dma_start3A_231 = arith.constant 0 : i32
      %dma_start3A_232 = arith.constant 0 : i32
      %dma_start3A_233 = tpu.memref_slice %arg4[%dma_start3A_231, %dma_start3A_232] : memref<10000x128xf32, #tpu.memory_space<hbm>> -> memref<10000x128xf32, #tpu.memory_space<hbm>>
      tpu.enqueue_indirect_dma source(%dma_start3A_233 : memref<10000x128xf32, #tpu.memory_space<hbm>>) target(%arg16 : memref<80x128xf32, #tpu.memory_space<vmem>>) offsets(%arg8 : memref<80xi32, #tpu.memory_space<vmem>>) semaphore(%arg25 : memref<!tpu.dma_semaphore, #tpu.memory_space<semaphore_mem>>)
      %dma_wait3A_234 = arith.constant 0 : i32
      %dma_wait3A_235 = arith.constant 0 : i32
      %dma_wait3A_236 = tpu.memref_slice %arg4[%dma_wait3A_234, %dma_wait3A_235] : memref<10000x128xf32, #tpu.memory_space<hbm>> -> memref<10000x128xf32, #tpu.memory_space<hbm>>
      tpu.wait_indirect_dma semaphore(%arg27 : memref<!tpu.dma_semaphore, #tpu.memory_space<semaphore_mem>>) src(%dma_wait3A_236 : memref<10000x128xf32, #tpu.memory_space<hbm>>) dst(%arg18 : memref<80x128xf32, #tpu.memory_space<vmem>>)
      %dma_wait3A_237 = arith.constant 0 : i32
      %dma_wait3A_238 = arith.constant 0 : i32
      %dma_wait3A_239 = tpu.memref_slice %arg19[%dma_wait3A_237, %dma_wait3A_238] : memref<10000x128xf32, #tpu.memory_space<vmem_shared>> -> memref<10000x128xf32, #tpu.memory_space<vmem_shared>>
      tpu.wait_indirect_dma semaphore(%arg28 : memref<!tpu.dma_semaphore, #tpu.memory_space<semaphore_mem>>) src(%arg17 : memref<80x128xf32, #tpu.memory_space<vmem>>) dst(%dma_wait3A_239 : memref<10000x128xf32, #tpu.memory_space<vmem_shared>>)
      %dma_start3A_240 = arith.constant 0 : i32
      %dma_start3A_241 = arith.constant 0 : i32
      %dma_start3A_242 = tpu.memref_slice %arg19[%dma_start3A_240, %dma_start3A_241] : memref<10000x128xf32, #tpu.memory_space<vmem_shared>> -> memref<10000x128xf32, #tpu.memory_space<vmem_shared>>
      tpu.enqueue_indirect_dma source(%arg18 : memref<80x128xf32, #tpu.memory_space<vmem>>) target(%dma_start3A_242 : memref<10000x128xf32, #tpu.memory_space<vmem_shared>>) offsets(%arg14 : memref<80xi32, #tpu.memory_space<vmem>>) semaphore(%arg28 : memref<!tpu.dma_semaphore, #tpu.memory_space<semaphore_mem>>) {add = true}
      %add3A_243 = arith.constant 3 : i32
      %add3A_244 = arith.addi %add3A_220, %add3A_243 : i32
      %mul3A_245 = arith.constant 80 : i32
      %mul3A_246 = arith.muli %add3A_244, %mul3A_245 : i32
      %add3A_247 = arith.addi %mul3A_2, %mul3A_246 : i32
      %dma_start3A_248 = tpu.memref_slice %arg2[%add3A_247] : memref<320000xi32, #tpu.memory_space<hbm>> -> memref<80xi32, #tpu.memory_space<hbm>>
      %dma_start3A_249 = tpu.memref_slice %arg2[%add3A_247] : memref<320000xi32, #tpu.memory_space<hbm>> -> memref<80xi32, #tpu.memory_space<hbm>>
      tpu.enqueue_dma source(%dma_start3A_249 : memref<80xi32, #tpu.memory_space<hbm>>) target(%arg9 : memref<80xi32, #tpu.memory_space<vmem>>) target_semaphore(%arg22 : memref<!tpu.dma_semaphore, #tpu.memory_space<semaphore_mem>>)
      %dma_start3A_250 = tpu.memref_slice %arg3[%add3A_247] : memref<320000xi32, #tpu.memory_space<hbm>> -> memref<80xi32, #tpu.memory_space<hbm>>
      %dma_start3A_251 = tpu.memref_slice %arg3[%add3A_247] : memref<320000xi32, #tpu.memory_space<hbm>> -> memref<80xi32, #tpu.memory_space<hbm>>
      tpu.enqueue_dma source(%dma_start3A_251 : memref<80xi32, #tpu.memory_space<hbm>>) target(%arg13 : memref<80xi32, #tpu.memory_space<vmem>>) target_semaphore(%arg22 : memref<!tpu.dma_semaphore, #tpu.memory_space<semaphore_mem>>)
      %add3A_252 = arith.constant 3 : i32
      %add3A_253 = arith.addi %add3A_154, %add3A_252 : i32
      %dma_wait3A_254 = arith.constant 0 : i32
      %dma_wait3A_255 = tpu.memref_slice %arg2[%dma_wait3A_254] : memref<320000xi32, #tpu.memory_space<hbm>> -> memref<80xi32, #tpu.memory_space<hbm>>
      %dma_wait3A_256 = arith.constant 0 : i32
      %dma_wait3A_257 = tpu.memref_slice %arg2[%dma_wait3A_256] : memref<320000xi32, #tpu.memory_space<hbm>> -> memref<80xi32, #tpu.memory_space<hbm>>
      tpu.wait_dma2 semaphore(%arg22 : memref<!tpu.dma_semaphore, #tpu.memory_space<semaphore_mem>>) src(%dma_wait3A_257 : memref<80xi32, #tpu.memory_space<hbm>>) dst(%arg9 : memref<80xi32, #tpu.memory_space<vmem>>)
      %dma_wait3A_258 = arith.constant 0 : i32
      %dma_wait3A_259 = tpu.memref_slice %arg3[%dma_wait3A_258] : memref<320000xi32, #tpu.memory_space<hbm>> -> memref<80xi32, #tpu.memory_space<hbm>>
      %dma_wait3A_260 = arith.constant 0 : i32
      %dma_wait3A_261 = tpu.memref_slice %arg3[%dma_wait3A_260] : memref<320000xi32, #tpu.memory_space<hbm>> -> memref<80xi32, #tpu.memory_space<hbm>>
      tpu.wait_dma2 semaphore(%arg22 : memref<!tpu.dma_semaphore, #tpu.memory_space<semaphore_mem>>) src(%dma_wait3A_261 : memref<80xi32, #tpu.memory_space<hbm>>) dst(%arg13 : memref<80xi32, #tpu.memory_space<vmem>>)
      %add3A_262 = arith.constant 2 : i32
      %add3A_263 = arith.addi %add3A_253, %add3A_262 : i32
      %dma_start3A_264 = arith.constant 0 : i32
      %dma_start3A_265 = arith.constant 0 : i32
      %dma_start3A_266 = tpu.memref_slice %arg4[%dma_start3A_264, %dma_start3A_265] : memref<10000x128xf32, #tpu.memory_space<hbm>> -> memref<10000x128xf32, #tpu.memory_space<hbm>>
      tpu.enqueue_indirect_dma source(%dma_start3A_266 : memref<10000x128xf32, #tpu.memory_space<hbm>>) target(%arg17 : memref<80x128xf32, #tpu.memory_space<vmem>>) offsets(%arg9 : memref<80xi32, #tpu.memory_space<vmem>>) semaphore(%arg26 : memref<!tpu.dma_semaphore, #tpu.memory_space<semaphore_mem>>)
      %dma_wait3A_267 = arith.constant 0 : i32
      %dma_wait3A_268 = arith.constant 0 : i32
      %dma_wait3A_269 = tpu.memref_slice %arg4[%dma_wait3A_267, %dma_wait3A_268] : memref<10000x128xf32, #tpu.memory_space<hbm>> -> memref<10000x128xf32, #tpu.memory_space<hbm>>
      tpu.wait_indirect_dma semaphore(%arg24 : memref<!tpu.dma_semaphore, #tpu.memory_space<semaphore_mem>>) src(%dma_wait3A_269 : memref<10000x128xf32, #tpu.memory_space<hbm>>) dst(%arg15 : memref<80x128xf32, #tpu.memory_space<vmem>>)
      %dma_wait3A_270 = arith.constant 0 : i32
      %dma_wait3A_271 = arith.constant 0 : i32
      %dma_wait3A_272 = tpu.memref_slice %arg19[%dma_wait3A_270, %dma_wait3A_271] : memref<10000x128xf32, #tpu.memory_space<vmem_shared>> -> memref<10000x128xf32, #tpu.memory_space<vmem_shared>>
      tpu.wait_indirect_dma semaphore(%arg28 : memref<!tpu.dma_semaphore, #tpu.memory_space<semaphore_mem>>) src(%arg18 : memref<80x128xf32, #tpu.memory_space<vmem>>) dst(%dma_wait3A_272 : memref<10000x128xf32, #tpu.memory_space<vmem_shared>>)
      %dma_start3A_273 = arith.constant 0 : i32
      %dma_start3A_274 = arith.constant 0 : i32
      %dma_start3A_275 = tpu.memref_slice %arg19[%dma_start3A_273, %dma_start3A_274] : memref<10000x128xf32, #tpu.memory_space<vmem_shared>> -> memref<10000x128xf32, #tpu.memory_space<vmem_shared>>
      tpu.enqueue_indirect_dma source(%arg15 : memref<80x128xf32, #tpu.memory_space<vmem>>) target(%dma_start3A_275 : memref<10000x128xf32, #tpu.memory_space<vmem_shared>>) offsets(%arg11 : memref<80xi32, #tpu.memory_space<vmem>>) semaphore(%arg28 : memref<!tpu.dma_semaphore, #tpu.memory_space<semaphore_mem>>) {add = true}
      %add3A_276 = arith.constant 3 : i32
      %add3A_277 = arith.addi %add3A_253, %add3A_276 : i32
      %mul3A_278 = arith.constant 80 : i32
      %mul3A_279 = arith.muli %add3A_277, %mul3A_278 : i32
      %add3A_280 = arith.addi %mul3A_2, %mul3A_279 : i32
      %dma_start3A_281 = tpu.memref_slice %arg2[%add3A_280] : memref<320000xi32, #tpu.memory_space<hbm>> -> memref<80xi32, #tpu.memory_space<hbm>>
      %dma_start3A_282 = tpu.memref_slice %arg2[%add3A_280] : memref<320000xi32, #tpu.memory_space<hbm>> -> memref<80xi32, #tpu.memory_space<hbm>>
      tpu.enqueue_dma source(%dma_start3A_282 : memref<80xi32, #tpu.memory_space<hbm>>) target(%arg10 : memref<80xi32, #tpu.memory_space<vmem>>) target_semaphore(%arg23 : memref<!tpu.dma_semaphore, #tpu.memory_space<semaphore_mem>>)
      %dma_start3A_283 = tpu.memref_slice %arg3[%add3A_280] : memref<320000xi32, #tpu.memory_space<hbm>> -> memref<80xi32, #tpu.memory_space<hbm>>
      %dma_start3A_284 = tpu.memref_slice %arg3[%add3A_280] : memref<320000xi32, #tpu.memory_space<hbm>> -> memref<80xi32, #tpu.memory_space<hbm>>
      tpu.enqueue_dma source(%dma_start3A_284 : memref<80xi32, #tpu.memory_space<hbm>>) target(%arg14 : memref<80xi32, #tpu.memory_space<vmem>>) target_semaphore(%arg23 : memref<!tpu.dma_semaphore, #tpu.memory_space<semaphore_mem>>)
    }
    %scan3A_72 = arith.constant 30 : i32
    %dma_wait3A_73 = arith.constant 0 : i32
    %dma_wait3A_74 = tpu.memref_slice %arg2[%dma_wait3A_73] : memref<320000xi32, #tpu.memory_space<hbm>> -> memref<80xi32, #tpu.memory_space<hbm>>
    %dma_wait3A_75 = arith.constant 0 : i32
    %dma_wait3A_76 = tpu.memref_slice %arg2[%dma_wait3A_75] : memref<320000xi32, #tpu.memory_space<hbm>> -> memref<80xi32, #tpu.memory_space<hbm>>
    tpu.wait_dma2 semaphore(%arg23 : memref<!tpu.dma_semaphore, #tpu.memory_space<semaphore_mem>>) src(%dma_wait3A_76 : memref<80xi32, #tpu.memory_space<hbm>>) dst(%arg10 : memref<80xi32, #tpu.memory_space<vmem>>)
    %dma_wait3A_77 = arith.constant 0 : i32
    %dma_wait3A_78 = tpu.memref_slice %arg3[%dma_wait3A_77] : memref<320000xi32, #tpu.memory_space<hbm>> -> memref<80xi32, #tpu.memory_space<hbm>>
    %dma_wait3A_79 = arith.constant 0 : i32
    %dma_wait3A_80 = tpu.memref_slice %arg3[%dma_wait3A_79] : memref<320000xi32, #tpu.memory_space<hbm>> -> memref<80xi32, #tpu.memory_space<hbm>>
    tpu.wait_dma2 semaphore(%arg23 : memref<!tpu.dma_semaphore, #tpu.memory_space<semaphore_mem>>) src(%dma_wait3A_80 : memref<80xi32, #tpu.memory_space<hbm>>) dst(%arg14 : memref<80xi32, #tpu.memory_space<vmem>>)
    %dma_start3A_81 = arith.constant 0 : i32
    %dma_start3A_82 = arith.constant 0 : i32
    %dma_start3A_83 = tpu.memref_slice %arg4[%dma_start3A_81, %dma_start3A_82] : memref<10000x128xf32, #tpu.memory_space<hbm>> -> memref<10000x128xf32, #tpu.memory_space<hbm>>
    tpu.enqueue_indirect_dma source(%dma_start3A_83 : memref<10000x128xf32, #tpu.memory_space<hbm>>) target(%arg18 : memref<80x128xf32, #tpu.memory_space<vmem>>) offsets(%arg10 : memref<80xi32, #tpu.memory_space<vmem>>) semaphore(%arg27 : memref<!tpu.dma_semaphore, #tpu.memory_space<semaphore_mem>>)
    %dma_wait3A_84 = arith.constant 0 : i32
    %dma_wait3A_85 = arith.constant 0 : i32
    %dma_wait3A_86 = tpu.memref_slice %arg4[%dma_wait3A_84, %dma_wait3A_85] : memref<10000x128xf32, #tpu.memory_space<hbm>> -> memref<10000x128xf32, #tpu.memory_space<hbm>>
    tpu.wait_indirect_dma semaphore(%arg25 : memref<!tpu.dma_semaphore, #tpu.memory_space<semaphore_mem>>) src(%dma_wait3A_86 : memref<10000x128xf32, #tpu.memory_space<hbm>>) dst(%arg16 : memref<80x128xf32, #tpu.memory_space<vmem>>)
    %dma_wait3A_87 = arith.constant 0 : i32
    %dma_wait3A_88 = arith.constant 0 : i32
    %dma_wait3A_89 = tpu.memref_slice %arg19[%dma_wait3A_87, %dma_wait3A_88] : memref<10000x128xf32, #tpu.memory_space<vmem_shared>> -> memref<10000x128xf32, #tpu.memory_space<vmem_shared>>
    tpu.wait_indirect_dma semaphore(%arg28 : memref<!tpu.dma_semaphore, #tpu.memory_space<semaphore_mem>>) src(%arg15 : memref<80x128xf32, #tpu.memory_space<vmem>>) dst(%dma_wait3A_89 : memref<10000x128xf32, #tpu.memory_space<vmem_shared>>)
    %dma_start3A_90 = arith.constant 0 : i32
    %dma_start3A_91 = arith.constant 0 : i32
    %dma_start3A_92 = tpu.memref_slice %arg19[%dma_start3A_90, %dma_start3A_91] : memref<10000x128xf32, #tpu.memory_space<vmem_shared>> -> memref<10000x128xf32, #tpu.memory_space<vmem_shared>>
    tpu.enqueue_indirect_dma source(%arg16 : memref<80x128xf32, #tpu.memory_space<vmem>>) target(%dma_start3A_92 : memref<10000x128xf32, #tpu.memory_space<vmem_shared>>) offsets(%arg12 : memref<80xi32, #tpu.memory_space<vmem>>) semaphore(%arg28 : memref<!tpu.dma_semaphore, #tpu.memory_space<semaphore_mem>>) {add = true}
    %add3A_93 = arith.constant 9920 : i32
    %add3A_94 = arith.addi %mul3A_2, %add3A_93 : i32
    %dma_start3A_95 = tpu.memref_slice %arg2[%add3A_94] : memref<320000xi32, #tpu.memory_space<hbm>> -> memref<80xi32, #tpu.memory_space<hbm>>
    %dma_start3A_96 = tpu.memref_slice %arg2[%add3A_94] : memref<320000xi32, #tpu.memory_space<hbm>> -> memref<80xi32, #tpu.memory_space<hbm>>
    tpu.enqueue_dma source(%dma_start3A_96 : memref<80xi32, #tpu.memory_space<hbm>>) target(%arg7 : memref<80xi32, #tpu.memory_space<vmem>>) target_semaphore(%arg20 : memref<!tpu.dma_semaphore, #tpu.memory_space<semaphore_mem>>)
    %dma_start3A_97 = tpu.memref_slice %arg3[%add3A_94] : memref<320000xi32, #tpu.memory_space<hbm>> -> memref<80xi32, #tpu.memory_space<hbm>>
    %dma_start3A_98 = tpu.memref_slice %arg3[%add3A_94] : memref<320000xi32, #tpu.memory_space<hbm>> -> memref<80xi32, #tpu.memory_space<hbm>>
    tpu.enqueue_dma source(%dma_start3A_98 : memref<80xi32, #tpu.memory_space<hbm>>) target(%arg11 : memref<80xi32, #tpu.memory_space<vmem>>) target_semaphore(%arg20 : memref<!tpu.dma_semaphore, #tpu.memory_space<semaphore_mem>>)
    %dma_wait3A_99 = arith.constant 0 : i32
    %dma_wait3A_100 = tpu.memref_slice %arg2[%dma_wait3A_99] : memref<320000xi32, #tpu.memory_space<hbm>> -> memref<80xi32, #tpu.memory_space<hbm>>
    %dma_wait3A_101 = arith.constant 0 : i32
    %dma_wait3A_102 = tpu.memref_slice %arg2[%dma_wait3A_101] : memref<320000xi32, #tpu.memory_space<hbm>> -> memref<80xi32, #tpu.memory_space<hbm>>
    tpu.wait_dma2 semaphore(%arg20 : memref<!tpu.dma_semaphore, #tpu.memory_space<semaphore_mem>>) src(%dma_wait3A_102 : memref<80xi32, #tpu.memory_space<hbm>>) dst(%arg7 : memref<80xi32, #tpu.memory_space<vmem>>)
    %dma_wait3A_103 = arith.constant 0 : i32
    %dma_wait3A_104 = tpu.memref_slice %arg3[%dma_wait3A_103] : memref<320000xi32, #tpu.memory_space<hbm>> -> memref<80xi32, #tpu.memory_space<hbm>>
    %dma_wait3A_105 = arith.constant 0 : i32
    %dma_wait3A_106 = tpu.memref_slice %arg3[%dma_wait3A_105] : memref<320000xi32, #tpu.memory_space<hbm>> -> memref<80xi32, #tpu.memory_space<hbm>>
    tpu.wait_dma2 semaphore(%arg20 : memref<!tpu.dma_semaphore, #tpu.memory_space<semaphore_mem>>) src(%dma_wait3A_106 : memref<80xi32, #tpu.memory_space<hbm>>) dst(%arg11 : memref<80xi32, #tpu.memory_space<vmem>>)
    %dma_start3A_107 = arith.constant 0 : i32
    %dma_start3A_108 = arith.constant 0 : i32
    %dma_start3A_109 = tpu.memref_slice %arg4[%dma_start3A_107, %dma_start3A_108] : memref<10000x128xf32, #tpu.memory_space<hbm>> -> memref<10000x128xf32, #tpu.memory_space<hbm>>
    tpu.enqueue_indirect_dma source(%dma_start3A_109 : memref<10000x128xf32, #tpu.memory_space<hbm>>) target(%arg15 : memref<80x128xf32, #tpu.memory_space<vmem>>) offsets(%arg7 : memref<80xi32, #tpu.memory_space<vmem>>) semaphore(%arg24 : memref<!tpu.dma_semaphore, #tpu.memory_space<semaphore_mem>>)
    %dma_wait3A_110 = arith.constant 0 : i32
    %dma_wait3A_111 = arith.constant 0 : i32
    %dma_wait3A_112 = tpu.memref_slice %arg4[%dma_wait3A_110, %dma_wait3A_111] : memref<10000x128xf32, #tpu.memory_space<hbm>> -> memref<10000x128xf32, #tpu.memory_space<hbm>>
    tpu.wait_indirect_dma semaphore(%arg26 : memref<!tpu.dma_semaphore, #tpu.memory_space<semaphore_mem>>) src(%dma_wait3A_112 : memref<10000x128xf32, #tpu.memory_space<hbm>>) dst(%arg17 : memref<80x128xf32, #tpu.memory_space<vmem>>)
    %dma_wait3A_113 = arith.constant 0 : i32
    %dma_wait3A_114 = arith.constant 0 : i32
    %dma_wait3A_115 = tpu.memref_slice %arg19[%dma_wait3A_113, %dma_wait3A_114] : memref<10000x128xf32, #tpu.memory_space<vmem_shared>> -> memref<10000x128xf32, #tpu.memory_space<vmem_shared>>
    tpu.wait_indirect_dma semaphore(%arg28 : memref<!tpu.dma_semaphore, #tpu.memory_space<semaphore_mem>>) src(%arg16 : memref<80x128xf32, #tpu.memory_space<vmem>>) dst(%dma_wait3A_115 : memref<10000x128xf32, #tpu.memory_space<vmem_shared>>)
    %dma_start3A_116 = arith.constant 0 : i32
    %dma_start3A_117 = arith.constant 0 : i32
    %dma_start3A_118 = tpu.memref_slice %arg19[%dma_start3A_116, %dma_start3A_117] : memref<10000x128xf32, #tpu.memory_space<vmem_shared>> -> memref<10000x128xf32, #tpu.memory_space<vmem_shared>>
    tpu.enqueue_indirect_dma source(%arg17 : memref<80x128xf32, #tpu.memory_space<vmem>>) target(%dma_start3A_118 : memref<10000x128xf32, #tpu.memory_space<vmem_shared>>) offsets(%arg13 : memref<80xi32, #tpu.memory_space<vmem>>) semaphore(%arg28 : memref<!tpu.dma_semaphore, #tpu.memory_space<semaphore_mem>>) {add = true}
    %dma_wait3A_119 = arith.constant 0 : i32
    %dma_wait3A_120 = arith.constant 0 : i32
    %dma_wait3A_121 = tpu.memref_slice %arg4[%dma_wait3A_119, %dma_wait3A_120] : memref<10000x128xf32, #tpu.memory_space<hbm>> -> memref<10000x128xf32, #tpu.memory_space<hbm>>
    tpu.wait_indirect_dma semaphore(%arg27 : memref<!tpu.dma_semaphore, #tpu.memory_space<semaphore_mem>>) src(%dma_wait3A_121 : memref<10000x128xf32, #tpu.memory_space<hbm>>) dst(%arg18 : memref<80x128xf32, #tpu.memory_space<vmem>>)
    %dma_wait3A_122 = arith.constant 0 : i32
    %dma_wait3A_123 = arith.constant 0 : i32
    %dma_wait3A_124 = tpu.memref_slice %arg19[%dma_wait3A_122, %dma_wait3A_123] : memref<10000x128xf32, #tpu.memory_space<vmem_shared>> -> memref<10000x128xf32, #tpu.memory_space<vmem_shared>>
    tpu.wait_indirect_dma semaphore(%arg28 : memref<!tpu.dma_semaphore, #tpu.memory_space<semaphore_mem>>) src(%arg17 : memref<80x128xf32, #tpu.memory_space<vmem>>) dst(%dma_wait3A_124 : memref<10000x128xf32, #tpu.memory_space<vmem_shared>>)
    %dma_start3A_125 = arith.constant 0 : i32
    %dma_start3A_126 = arith.constant 0 : i32
    %dma_start3A_127 = tpu.memref_slice %arg19[%dma_start3A_125, %dma_start3A_126] : memref<10000x128xf32, #tpu.memory_space<vmem_shared>> -> memref<10000x128xf32, #tpu.memory_space<vmem_shared>>
    tpu.enqueue_indirect_dma source(%arg18 : memref<80x128xf32, #tpu.memory_space<vmem>>) target(%dma_start3A_127 : memref<10000x128xf32, #tpu.memory_space<vmem_shared>>) offsets(%arg14 : memref<80xi32, #tpu.memory_space<vmem>>) semaphore(%arg28 : memref<!tpu.dma_semaphore, #tpu.memory_space<semaphore_mem>>) {add = true}
    %dma_wait3A_128 = arith.constant 0 : i32
    %dma_wait3A_129 = arith.constant 0 : i32
    %dma_wait3A_130 = tpu.memref_slice %arg4[%dma_wait3A_128, %dma_wait3A_129] : memref<10000x128xf32, #tpu.memory_space<hbm>> -> memref<10000x128xf32, #tpu.memory_space<hbm>>
    tpu.wait_indirect_dma semaphore(%arg24 : memref<!tpu.dma_semaphore, #tpu.memory_space<semaphore_mem>>) src(%dma_wait3A_130 : memref<10000x128xf32, #tpu.memory_space<hbm>>) dst(%arg15 : memref<80x128xf32, #tpu.memory_space<vmem>>)
    %dma_wait3A_131 = arith.constant 0 : i32
    %dma_wait3A_132 = arith.constant 0 : i32
    %dma_wait3A_133 = tpu.memref_slice %arg19[%dma_wait3A_131, %dma_wait3A_132] : memref<10000x128xf32, #tpu.memory_space<vmem_shared>> -> memref<10000x128xf32, #tpu.memory_space<vmem_shared>>
    tpu.wait_indirect_dma semaphore(%arg28 : memref<!tpu.dma_semaphore, #tpu.memory_space<semaphore_mem>>) src(%arg18 : memref<80x128xf32, #tpu.memory_space<vmem>>) dst(%dma_wait3A_133 : memref<10000x128xf32, #tpu.memory_space<vmem_shared>>)
    %dma_start3A_134 = arith.constant 0 : i32
    %dma_start3A_135 = arith.constant 0 : i32
    %dma_start3A_136 = tpu.memref_slice %arg19[%dma_start3A_134, %dma_start3A_135] : memref<10000x128xf32, #tpu.memory_space<vmem_shared>> -> memref<10000x128xf32, #tpu.memory_space<vmem_shared>>
    tpu.enqueue_indirect_dma source(%arg15 : memref<80x128xf32, #tpu.memory_space<vmem>>) target(%dma_start3A_136 : memref<10000x128xf32, #tpu.memory_space<vmem_shared>>) offsets(%arg11 : memref<80xi32, #tpu.memory_space<vmem>>) semaphore(%arg28 : memref<!tpu.dma_semaphore, #tpu.memory_space<semaphore_mem>>) {add = true}
    %dma_wait3A_137 = arith.constant 0 : i32
    %dma_wait3A_138 = arith.constant 0 : i32
    %dma_wait3A_139 = tpu.memref_slice %arg19[%dma_wait3A_137, %dma_wait3A_138] : memref<10000x128xf32, #tpu.memory_space<vmem_shared>> -> memref<10000x128xf32, #tpu.memory_space<vmem_shared>>
    tpu.wait_indirect_dma semaphore(%arg28 : memref<!tpu.dma_semaphore, #tpu.memory_space<semaphore_mem>>) src(%arg15 : memref<80x128xf32, #tpu.memory_space<vmem>>) dst(%dma_wait3A_139 : memref<10000x128xf32, #tpu.memory_space<vmem_shared>>)
    %barrier3A_140 = arith.constant 0 : index
    tpu.barrier barrier_id(%barrier3A_140)
    %mul3A_141 = arith.constant 624 : i32
    %mul3A_142 = arith.muli %arg1, %mul3A_141 : i32
    %mul3A_143 = arith.constant 624 : i32
    %mul3A_144 = arith.muli %arg1, %mul3A_143 : i32
    "tpu.region"() ({
      %run_scoped3A = tpu.sem_alloc : memref<!tpu.dma_semaphore, #tpu.memory_space<semaphore_mem>>
      %dma_start3A_150 = arith.constant 0 : i32
      %dma_start3A_151 = tpu.memref_slice %arg6[%arg0, %mul3A_144, %dma_start3A_150] : memref<2x10000x128xf32, #tpu.memory_space<hbm>> -> memref<1x624x128xf32, #tpu.memory_space<hbm>>
      %dma_start3A_152 = tpu.memref_squeeze %dma_start3A_151 : memref<1x624x128xf32, #tpu.memory_space<hbm>> -> memref<624x128xf32, #tpu.memory_space<hbm>>
      %dma_start3A_153 = arith.constant 0 : i32
      %dma_start3A_154 = tpu.memref_slice %arg19[%mul3A_142, %dma_start3A_153] : memref<10000x128xf32, #tpu.memory_space<vmem_shared>> -> memref<624x128xf32, #tpu.memory_space<vmem_shared>>
      tpu.enqueue_dma source(%dma_start3A_154 : memref<624x128xf32, #tpu.memory_space<vmem_shared>>) target(%dma_start3A_152 : memref<624x128xf32, #tpu.memory_space<hbm>>) target_semaphore(%run_scoped3A : memref<!tpu.dma_semaphore, #tpu.memory_space<semaphore_mem>>)
      %dma_wait3A_155 = arith.constant 0 : i32
      %dma_wait3A_156 = tpu.memref_slice %arg6[%arg0, %mul3A_144, %dma_wait3A_155] : memref<2x10000x128xf32, #tpu.memory_space<hbm>> -> memref<1x624x128xf32, #tpu.memory_space<hbm>>
      %dma_wait3A_157 = tpu.memref_squeeze %dma_wait3A_156 : memref<1x624x128xf32, #tpu.memory_space<hbm>> -> memref<624x128xf32, #tpu.memory_space<hbm>>
      %dma_wait3A_158 = arith.constant 0 : i32
      %dma_wait3A_159 = tpu.memref_slice %arg19[%mul3A_142, %dma_wait3A_158] : memref<10000x128xf32, #tpu.memory_space<vmem_shared>> -> memref<624x128xf32, #tpu.memory_space<vmem_shared>>
      tpu.wait_dma2 semaphore(%run_scoped3A : memref<!tpu.dma_semaphore, #tpu.memory_space<semaphore_mem>>) src(%dma_wait3A_159 : memref<624x128xf32, #tpu.memory_space<vmem_shared>>) dst(%dma_wait3A_157 : memref<624x128xf32, #tpu.memory_space<hbm>>)
      tpu.yield
    }) : () -> ()
    %eq3A_145 = arith.constant 0 : i32
    %eq3A_146 = arith.cmpi eq, %arg1, %eq3A_145 : i32
    %convert_element_type3A_147 = arith.extui %eq3A_146 : i1 to i32
    %cond3A_148 = arith.constant 0 : i32
    %cond3A_149 = arith.cmpi ne, %convert_element_type3A_147, %cond3A_148 : i32
    scf.if %cond3A_149 {
      "tpu.region"() ({
        %run_scoped3A = tpu.sem_alloc : memref<!tpu.dma_semaphore, #tpu.memory_space<semaphore_mem>>
        %dma_start3A_150 = arith.constant 9984 : i32
        %dma_start3A_151 = arith.constant 0 : i32
        %dma_start3A_152 = tpu.memref_slice %arg6[%arg0, %dma_start3A_150, %dma_start3A_151] : memref<2x10000x128xf32, #tpu.memory_space<hbm>> -> memref<1x16x128xf32, #tpu.memory_space<hbm>>
        %dma_start3A_153 = tpu.memref_squeeze %dma_start3A_152 : memref<1x16x128xf32, #tpu.memory_space<hbm>> -> memref<16x128xf32, #tpu.memory_space<hbm>>
        %dma_start3A_154 = arith.constant 9984 : i32
        %dma_start3A_155 = arith.constant 0 : i32
        %dma_start3A_156 = tpu.memref_slice %arg19[%dma_start3A_154, %dma_start3A_155] : memref<10000x128xf32, #tpu.memory_space<vmem_shared>> -> memref<16x128xf32, #tpu.memory_space<vmem_shared>>
        tpu.enqueue_dma source(%dma_start3A_156 : memref<16x128xf32, #tpu.memory_space<vmem_shared>>) target(%dma_start3A_153 : memref<16x128xf32, #tpu.memory_space<hbm>>) target_semaphore(%run_scoped3A : memref<!tpu.dma_semaphore, #tpu.memory_space<semaphore_mem>>)
        %dma_wait3A_157 = arith.constant 9984 : i32
        %dma_wait3A_158 = arith.constant 0 : i32
        %dma_wait3A_159 = tpu.memref_slice %arg6[%arg0, %dma_wait3A_157, %dma_wait3A_158] : memref<2x10000x128xf32, #tpu.memory_space<hbm>> -> memref<1x16x128xf32, #tpu.memory_space<hbm>>
        %dma_wait3A_160 = tpu.memref_squeeze %dma_wait3A_159 : memref<1x16x128xf32, #tpu.memory_space<hbm>> -> memref<16x128xf32, #tpu.memory_space<hbm>>
        %dma_wait3A_161 = arith.constant 9984 : i32
        %dma_wait3A_162 = arith.constant 0 : i32
        %dma_wait3A_163 = tpu.memref_slice %arg19[%dma_wait3A_161, %dma_wait3A_162] : memref<10000x128xf32, #tpu.memory_space<vmem_shared>> -> memref<16x128xf32, #tpu.memory_space<vmem_shared>>
        tpu.wait_dma2 semaphore(%run_scoped3A : memref<!tpu.dma_semaphore, #tpu.memory_space<semaphore_mem>>) src(%dma_wait3A_163 : memref<16x128xf32, #tpu.memory_space<vmem_shared>>) dst(%dma_wait3A_160 : memref<16x128xf32, #tpu.memory_space<hbm>>)
        tpu.yield
      }) : () -> ()
    } else {
    }
    return
  }
}

#map = affine_map<(d0, d1) -> (0)>
#map1 = affine_map<(d0, d1) -> (0, 0)>
#map2 = affine_map<(d0, d1) -> (0, 0, 0)>
module attributes {stable_mosaic.version = 14 : i64} {
  func.func @edge_scatter(%arg0: i32, %arg1: i32, %arg2: memref<320000xi32, #tpu.memory_space<hbm>>, %arg3: memref<320000xi32, #tpu.memory_space<hbm>>, %arg4: memref<10000x128xf32, #tpu.memory_space<hbm>>, %arg5: memref<624x128xf32, #tpu.memory_space<hbm>>, %arg6: memref<2x10000x128xf32, #tpu.memory_space<hbm>>, %arg7: memref<80xi32, #tpu.memory_space<vmem>>, %arg8: memref<80xi32, #tpu.memory_space<vmem>>, %arg9: memref<80xi32, #tpu.memory_space<vmem>>, %arg10: memref<80xi32, #tpu.memory_space<vmem>>, %arg11: memref<80xi32, #tpu.memory_space<vmem>>, %arg12: memref<80xi32, #tpu.memory_space<vmem>>, %arg13: memref<80xi32, #tpu.memory_space<vmem>>, %arg14: memref<80xi32, #tpu.memory_space<vmem>>, %arg15: memref<80x128xf32, #tpu.memory_space<vmem>>, %arg16: memref<80x128xf32, #tpu.memory_space<vmem>>, %arg17: memref<80x128xf32, #tpu.memory_space<vmem>>, %arg18: memref<80x128xf32, #tpu.memory_space<vmem>>, %arg19: memref<10000x128xf32, #tpu.memory_space<vmem_shared>>, %arg20: memref<!tpu.dma_semaphore, #tpu.memory_space<semaphore_mem>>, %arg21: memref<!tpu.dma_semaphore, #tpu.memory_space<semaphore_mem>>, %arg22: memref<!tpu.dma_semaphore, #tpu.memory_space<semaphore_mem>>, %arg23: memref<!tpu.dma_semaphore, #tpu.memory_space<semaphore_mem>>, %arg24: memref<!tpu.dma_semaphore, #tpu.memory_space<semaphore_mem>>, %arg25: memref<!tpu.dma_semaphore, #tpu.memory_space<semaphore_mem>>, %arg26: memref<!tpu.dma_semaphore, #tpu.memory_space<semaphore_mem>>, %arg27: memref<!tpu.dma_semaphore, #tpu.memory_space<semaphore_mem>>, %arg28: memref<!tpu.dma_semaphore, #tpu.memory_space<semaphore_mem>>) attributes {dimension_semantics = [#tpu.dimension_semantics<core_parallel>, #tpu.dimension_semantics<subcore_parallel>], iteration_bounds = array<i64: 2, 16>, scalar_prefetch = 0 : i64, scratch_operands = 22 : i64, tpu.core_type = #tpu.core_type<sc_vector_subcore>, window_params = [{transform_indices = #map}, {transform_indices = #map}, {transform_indices = #map1}, {transform_indices = #map1}, {transform_indices = #map2}]} {
    %mul3A = arith.constant 16 : i32
    %mul3A_0 = arith.muli %arg0, %mul3A : i32
    %add3A = arith.addi %mul3A_0, %arg1 : i32
    %mul3A_1 = arith.constant 10000 : i32
    %mul3A_2 = arith.muli %add3A, %mul3A_1 : i32
    %add3A_3 = arith.constant 0 : i32
    %add3A_4 = arith.addi %mul3A_2, %add3A_3 : i32
    %dma_start3A = tpu.memref_slice %arg2[%add3A_4] : memref<320000xi32, #tpu.memory_space<hbm>> -> memref<80xi32, #tpu.memory_space<hbm>>
    %dma_start3A_5 = tpu.memref_slice %arg2[%add3A_4] : memref<320000xi32, #tpu.memory_space<hbm>> -> memref<80xi32, #tpu.memory_space<hbm>>
    tpu.enqueue_dma source(%dma_start3A_5 : memref<80xi32, #tpu.memory_space<hbm>>) target(%arg7 : memref<80xi32, #tpu.memory_space<vmem>>) target_semaphore(%arg20 : memref<!tpu.dma_semaphore, #tpu.memory_space<semaphore_mem>>)
    %dma_start3A_6 = tpu.memref_slice %arg3[%add3A_4] : memref<320000xi32, #tpu.memory_space<hbm>> -> memref<80xi32, #tpu.memory_space<hbm>>
    %dma_start3A_7 = tpu.memref_slice %arg3[%add3A_4] : memref<320000xi32, #tpu.memory_space<hbm>> -> memref<80xi32, #tpu.memory_space<hbm>>
    tpu.enqueue_dma source(%dma_start3A_7 : memref<80xi32, #tpu.memory_space<hbm>>) target(%arg11 : memref<80xi32, #tpu.memory_space<vmem>>) target_semaphore(%arg20 : memref<!tpu.dma_semaphore, #tpu.memory_space<semaphore_mem>>)
    %add3A_8 = arith.constant 80 : i32
    %add3A_9 = arith.addi %mul3A_2, %add3A_8 : i32
    %dma_start3A_10 = tpu.memref_slice %arg2[%add3A_9] : memref<320000xi32, #tpu.memory_space<hbm>> -> memref<80xi32, #tpu.memory_space<hbm>>
    %dma_start3A_11 = tpu.memref_slice %arg2[%add3A_9] : memref<320000xi32, #tpu.memory_space<hbm>> -> memref<80xi32, #tpu.memory_space<hbm>>
    tpu.enqueue_dma source(%dma_start3A_11 : memref<80xi32, #tpu.memory_space<hbm>>) target(%arg8 : memref<80xi32, #tpu.memory_space<vmem>>) target_semaphore(%arg21 : memref<!tpu.dma_semaphore, #tpu.memory_space<semaphore_mem>>)
    %dma_start3A_12 = tpu.memref_slice %arg3[%add3A_9] : memref<320000xi32, #tpu.memory_space<hbm>> -> memref<80xi32, #tpu.memory_space<hbm>>
    %dma_start3A_13 = tpu.memref_slice %arg3[%add3A_9] : memref<320000xi32, #tpu.memory_space<hbm>> -> memref<80xi32, #tpu.memory_space<hbm>>
    tpu.enqueue_dma source(%dma_start3A_13 : memref<80xi32, #tpu.memory_space<hbm>>) target(%arg12 : memref<80xi32, #tpu.memory_space<vmem>>) target_semaphore(%arg21 : memref<!tpu.dma_semaphore, #tpu.memory_space<semaphore_mem>>)
    %add3A_14 = arith.constant 160 : i32
    %add3A_15 = arith.addi %mul3A_2, %add3A_14 : i32
    %dma_start3A_16 = tpu.memref_slice %arg2[%add3A_15] : memref<320000xi32, #tpu.memory_space<hbm>> -> memref<80xi32, #tpu.memory_space<hbm>>
    %dma_start3A_17 = tpu.memref_slice %arg2[%add3A_15] : memref<320000xi32, #tpu.memory_space<hbm>> -> memref<80xi32, #tpu.memory_space<hbm>>
    tpu.enqueue_dma source(%dma_start3A_17 : memref<80xi32, #tpu.memory_space<hbm>>) target(%arg9 : memref<80xi32, #tpu.memory_space<vmem>>) target_semaphore(%arg22 : memref<!tpu.dma_semaphore, #tpu.memory_space<semaphore_mem>>)
    %dma_start3A_18 = tpu.memref_slice %arg3[%add3A_15] : memref<320000xi32, #tpu.memory_space<hbm>> -> memref<80xi32, #tpu.memory_space<hbm>>
    %dma_start3A_19 = tpu.memref_slice %arg3[%add3A_15] : memref<320000xi32, #tpu.memory_space<hbm>> -> memref<80xi32, #tpu.memory_space<hbm>>
    tpu.enqueue_dma source(%dma_start3A_19 : memref<80xi32, #tpu.memory_space<hbm>>) target(%arg13 : memref<80xi32, #tpu.memory_space<vmem>>) target_semaphore(%arg22 : memref<!tpu.dma_semaphore, #tpu.memory_space<semaphore_mem>>)
    %dma_wait3A = arith.constant 0 : i32
    %dma_wait3A_20 = tpu.memref_slice %arg2[%dma_wait3A] : memref<320000xi32, #tpu.memory_space<hbm>> -> memref<80xi32, #tpu.memory_space<hbm>>
    %dma_wait3A_21 = arith.constant 0 : i32
    %dma_wait3A_22 = tpu.memref_slice %arg2[%dma_wait3A_21] : memref<320000xi32, #tpu.memory_space<hbm>> -> memref<80xi32, #tpu.memory_space<hbm>>
    tpu.wait_dma2 semaphore(%arg20 : memref<!tpu.dma_semaphore, #tpu.memory_space<semaphore_mem>>) src(%dma_wait3A_22 : memref<80xi32, #tpu.memory_space<hbm>>) dst(%arg7 : memref<80xi32, #tpu.memory_space<vmem>>)
    %dma_wait3A_23 = arith.constant 0 : i32
    %dma_wait3A_24 = tpu.memref_slice %arg3[%dma_wait3A_23] : memref<320000xi32, #tpu.memory_space<hbm>> -> memref<80xi32, #tpu.memory_space<hbm>>
    %dma_wait3A_25 = arith.constant 0 : i32
    %dma_wait3A_26 = tpu.memref_slice %arg3[%dma_wait3A_25] : memref<320000xi32, #tpu.memory_space<hbm>> -> memref<80xi32, #tpu.memory_space<hbm>>
    tpu.wait_dma2 semaphore(%arg20 : memref<!tpu.dma_semaphore, #tpu.memory_space<semaphore_mem>>) src(%dma_wait3A_26 : memref<80xi32, #tpu.memory_space<hbm>>) dst(%arg11 : memref<80xi32, #tpu.memory_space<vmem>>)
    %dma_start3A_27 = arith.constant 0 : i32
    %dma_start3A_28 = arith.constant 0 : i32
    %dma_start3A_29 = tpu.memref_slice %arg4[%dma_start3A_27, %dma_start3A_28] : memref<10000x128xf32, #tpu.memory_space<hbm>> -> memref<10000x128xf32, #tpu.memory_space<hbm>>
    tpu.enqueue_indirect_dma source(%dma_start3A_29 : memref<10000x128xf32, #tpu.memory_space<hbm>>) target(%arg15 : memref<80x128xf32, #tpu.memory_space<vmem>>) offsets(%arg7 : memref<80xi32, #tpu.memory_space<vmem>>) semaphore(%arg24 : memref<!tpu.dma_semaphore, #tpu.memory_space<semaphore_mem>>)
    %dma_wait3A_30 = arith.constant 0 : i32
    %dma_wait3A_31 = tpu.memref_slice %arg2[%dma_wait3A_30] : memref<320000xi32, #tpu.memory_space<hbm>> -> memref<80xi32, #tpu.memory_space<hbm>>
    %dma_wait3A_32 = arith.constant 0 : i32
    %dma_wait3A_33 = tpu.memref_slice %arg2[%dma_wait3A_32] : memref<320000xi32, #tpu.memory_space<hbm>> -> memref<80xi32, #tpu.memory_space<hbm>>
    tpu.wait_dma2 semaphore(%arg21 : memref<!tpu.dma_semaphore, #tpu.memory_space<semaphore_mem>>) src(%dma_wait3A_33 : memref<80xi32, #tpu.memory_space<hbm>>) dst(%arg8 : memref<80xi32, #tpu.memory_space<vmem>>)
    %dma_wait3A_34 = arith.constant 0 : i32
    %dma_wait3A_35 = tpu.memref_slice %arg3[%dma_wait3A_34] : memref<320000xi32, #tpu.memory_space<hbm>> -> memref<80xi32, #tpu.memory_space<hbm>>
    %dma_wait3A_36 = arith.constant 0 : i32
    %dma_wait3A_37 = tpu.memref_slice %arg3[%dma_wait3A_36] : memref<320000xi32, #tpu.memory_space<hbm>> -> memref<80xi32, #tpu.memory_space<hbm>>
    tpu.wait_dma2 semaphore(%arg21 : memref<!tpu.dma_semaphore, #tpu.memory_space<semaphore_mem>>) src(%dma_wait3A_37 : memref<80xi32, #tpu.memory_space<hbm>>) dst(%arg12 : memref<80xi32, #tpu.memory_space<vmem>>)
    %dma_start3A_38 = arith.constant 0 : i32
    %dma_start3A_39 = arith.constant 0 : i32
    %dma_start3A_40 = tpu.memref_slice %arg4[%dma_start3A_38, %dma_start3A_39] : memref<10000x128xf32, #tpu.memory_space<hbm>> -> memref<10000x128xf32, #tpu.memory_space<hbm>>
    tpu.enqueue_indirect_dma source(%dma_start3A_40 : memref<10000x128xf32, #tpu.memory_space<hbm>>) target(%arg16 : memref<80x128xf32, #tpu.memory_space<vmem>>) offsets(%arg8 : memref<80xi32, #tpu.memory_space<vmem>>) semaphore(%arg25 : memref<!tpu.dma_semaphore, #tpu.memory_space<semaphore_mem>>)
    %mul3A_41 = arith.constant 624 : i32
    %mul3A_42 = arith.muli %arg1, %mul3A_41 : i32
    "tpu.region"() ({
      %run_scoped3A = tpu.sem_alloc : memref<!tpu.dma_semaphore, #tpu.memory_space<semaphore_mem>>
      %dma_start3A_150 = arith.constant 0 : i32
      %dma_start3A_151 = tpu.memref_slice %arg19[%mul3A_42, %dma_start3A_150] : memref<10000x128xf32, #tpu.memory_space<vmem_shared>> -> memref<624x128xf32, #tpu.memory_space<vmem_shared>>
      tpu.enqueue_dma source(%arg5 : memref<624x128xf32, #tpu.memory_space<hbm>>) target(%dma_start3A_151 : memref<624x128xf32, #tpu.memory_space<vmem_shared>>) target_semaphore(%run_scoped3A : memref<!tpu.dma_semaphore, #tpu.memory_space<semaphore_mem>>)
      %dma_wait3A_152 = arith.constant 0 : i32
      %dma_wait3A_153 = tpu.memref_slice %arg19[%mul3A_42, %dma_wait3A_152] : memref<10000x128xf32, #tpu.memory_space<vmem_shared>> -> memref<624x128xf32, #tpu.memory_space<vmem_shared>>
      tpu.wait_dma2 semaphore(%run_scoped3A : memref<!tpu.dma_semaphore, #tpu.memory_space<semaphore_mem>>) src(%arg5 : memref<624x128xf32, #tpu.memory_space<hbm>>) dst(%dma_wait3A_153 : memref<624x128xf32, #tpu.memory_space<vmem_shared>>)
      tpu.yield
    }) : () -> ()
    %eq3A = arith.constant 0 : i32
    %eq3A_43 = arith.cmpi eq, %arg1, %eq3A : i32
    %convert_element_type3A = arith.extui %eq3A_43 : i1 to i32
    %cond3A = arith.constant 0 : i32
    %cond3A_44 = arith.cmpi ne, %convert_element_type3A, %cond3A : i32
    scf.if %cond3A_44 {
      "tpu.region"() ({
        %run_scoped3A = tpu.sem_alloc : memref<!tpu.dma_semaphore, #tpu.memory_space<semaphore_mem>>
        %dma_start3A_150 = arith.constant 9984 : i32
        %dma_start3A_151 = arith.constant 0 : i32
        %dma_start3A_152 = tpu.memref_slice %arg19[%dma_start3A_150, %dma_start3A_151] : memref<10000x128xf32, #tpu.memory_space<vmem_shared>> -> memref<16x128xf32, #tpu.memory_space<vmem_shared>>
        %dma_start3A_153 = arith.constant 0 : i32
        %dma_start3A_154 = arith.constant 0 : i32
        %dma_start3A_155 = tpu.memref_slice %arg5[%dma_start3A_153, %dma_start3A_154] : memref<624x128xf32, #tpu.memory_space<hbm>> -> memref<16x128xf32, #tpu.memory_space<hbm>>
        tpu.enqueue_dma source(%dma_start3A_155 : memref<16x128xf32, #tpu.memory_space<hbm>>) target(%dma_start3A_152 : memref<16x128xf32, #tpu.memory_space<vmem_shared>>) target_semaphore(%run_scoped3A : memref<!tpu.dma_semaphore, #tpu.memory_space<semaphore_mem>>)
        %dma_wait3A_156 = arith.constant 9984 : i32
        %dma_wait3A_157 = arith.constant 0 : i32
        %dma_wait3A_158 = tpu.memref_slice %arg19[%dma_wait3A_156, %dma_wait3A_157] : memref<10000x128xf32, #tpu.memory_space<vmem_shared>> -> memref<16x128xf32, #tpu.memory_space<vmem_shared>>
        %dma_wait3A_159 = arith.constant 0 : i32
        %dma_wait3A_160 = arith.constant 0 : i32
        %dma_wait3A_161 = tpu.memref_slice %arg5[%dma_wait3A_159, %dma_wait3A_160] : memref<624x128xf32, #tpu.memory_space<hbm>> -> memref<16x128xf32, #tpu.memory_space<hbm>>
        tpu.wait_dma2 semaphore(%run_scoped3A : memref<!tpu.dma_semaphore, #tpu.memory_space<semaphore_mem>>) src(%dma_wait3A_161 : memref<16x128xf32, #tpu.memory_space<hbm>>) dst(%dma_wait3A_158 : memref<16x128xf32, #tpu.memory_space<vmem_shared>>)
        tpu.yield
      }) : () -> ()
    } else {
    }
    %barrier3A = arith.constant 0 : index
    tpu.barrier barrier_id(%barrier3A)
    %dma_wait3A_45 = arith.constant 0 : i32
    %dma_wait3A_46 = tpu.memref_slice %arg2[%dma_wait3A_45] : memref<320000xi32, #tpu.memory_space<hbm>> -> memref<80xi32, #tpu.memory_space<hbm>>
    %dma_wait3A_47 = arith.constant 0 : i32
    %dma_wait3A_48 = tpu.memref_slice %arg2[%dma_wait3A_47] : memref<320000xi32, #tpu.memory_space<hbm>> -> memref<80xi32, #tpu.memory_space<hbm>>
    tpu.wait_dma2 semaphore(%arg22 : memref<!tpu.dma_semaphore, #tpu.memory_space<semaphore_mem>>) src(%dma_wait3A_48 : memref<80xi32, #tpu.memory_space<hbm>>) dst(%arg9 : memref<80xi32, #tpu.memory_space<vmem>>)
    %dma_wait3A_49 = arith.constant 0 : i32
    %dma_wait3A_50 = tpu.memref_slice %arg3[%dma_wait3A_49] : memref<320000xi32, #tpu.memory_space<hbm>> -> memref<80xi32, #tpu.memory_space<hbm>>
    %dma_wait3A_51 = arith.constant 0 : i32
    %dma_wait3A_52 = tpu.memref_slice %arg3[%dma_wait3A_51] : memref<320000xi32, #tpu.memory_space<hbm>> -> memref<80xi32, #tpu.memory_space<hbm>>
    tpu.wait_dma2 semaphore(%arg22 : memref<!tpu.dma_semaphore, #tpu.memory_space<semaphore_mem>>) src(%dma_wait3A_52 : memref<80xi32, #tpu.memory_space<hbm>>) dst(%arg13 : memref<80xi32, #tpu.memory_space<vmem>>)
    %dma_start3A_53 = arith.constant 0 : i32
    %dma_start3A_54 = arith.constant 0 : i32
    %dma_start3A_55 = tpu.memref_slice %arg4[%dma_start3A_53, %dma_start3A_54] : memref<10000x128xf32, #tpu.memory_space<hbm>> -> memref<10000x128xf32, #tpu.memory_space<hbm>>
    tpu.enqueue_indirect_dma source(%dma_start3A_55 : memref<10000x128xf32, #tpu.memory_space<hbm>>) target(%arg17 : memref<80x128xf32, #tpu.memory_space<vmem>>) offsets(%arg9 : memref<80xi32, #tpu.memory_space<vmem>>) semaphore(%arg26 : memref<!tpu.dma_semaphore, #tpu.memory_space<semaphore_mem>>)
    %dma_wait3A_56 = arith.constant 0 : i32
    %dma_wait3A_57 = arith.constant 0 : i32
    %dma_wait3A_58 = tpu.memref_slice %arg4[%dma_wait3A_56, %dma_wait3A_57] : memref<10000x128xf32, #tpu.memory_space<hbm>> -> memref<10000x128xf32, #tpu.memory_space<hbm>>
    tpu.wait_indirect_dma semaphore(%arg24 : memref<!tpu.dma_semaphore, #tpu.memory_space<semaphore_mem>>) src(%dma_wait3A_58 : memref<10000x128xf32, #tpu.memory_space<hbm>>) dst(%arg15 : memref<80x128xf32, #tpu.memory_space<vmem>>)
    %dma_start3A_59 = arith.constant 0 : i32
    %dma_start3A_60 = arith.constant 0 : i32
    %dma_start3A_61 = tpu.memref_slice %arg19[%dma_start3A_59, %dma_start3A_60] : memref<10000x128xf32, #tpu.memory_space<vmem_shared>> -> memref<10000x128xf32, #tpu.memory_space<vmem_shared>>
    tpu.enqueue_indirect_dma source(%arg15 : memref<80x128xf32, #tpu.memory_space<vmem>>) target(%dma_start3A_61 : memref<10000x128xf32, #tpu.memory_space<vmem_shared>>) offsets(%arg11 : memref<80xi32, #tpu.memory_space<vmem>>) semaphore(%arg28 : memref<!tpu.dma_semaphore, #tpu.memory_space<semaphore_mem>>) {add = true}
    %add3A_62 = arith.constant 240 : i32
    %add3A_63 = arith.addi %mul3A_2, %add3A_62 : i32
    %dma_start3A_64 = tpu.memref_slice %arg2[%add3A_63] : memref<320000xi32, #tpu.memory_space<hbm>> -> memref<80xi32, #tpu.memory_space<hbm>>
    %dma_start3A_65 = tpu.memref_slice %arg2[%add3A_63] : memref<320000xi32, #tpu.memory_space<hbm>> -> memref<80xi32, #tpu.memory_space<hbm>>
    tpu.enqueue_dma source(%dma_start3A_65 : memref<80xi32, #tpu.memory_space<hbm>>) target(%arg10 : memref<80xi32, #tpu.memory_space<vmem>>) target_semaphore(%arg23 : memref<!tpu.dma_semaphore, #tpu.memory_space<semaphore_mem>>)
    %dma_start3A_66 = tpu.memref_slice %arg3[%add3A_63] : memref<320000xi32, #tpu.memory_space<hbm>> -> memref<80xi32, #tpu.memory_space<hbm>>
    %dma_start3A_67 = tpu.memref_slice %arg3[%add3A_63] : memref<320000xi32, #tpu.memory_space<hbm>> -> memref<80xi32, #tpu.memory_space<hbm>>
    tpu.enqueue_dma source(%dma_start3A_67 : memref<80xi32, #tpu.memory_space<hbm>>) target(%arg14 : memref<80xi32, #tpu.memory_space<vmem>>) target_semaphore(%arg23 : memref<!tpu.dma_semaphore, #tpu.memory_space<semaphore_mem>>)
    %scan3A = arith.constant 0 : i32
    %scan3A_68 = arith.constant 0 : i32
    %scan3A_69 = arith.constant 30 : i32
    %scan3A_70 = arith.addi %scan3A_68, %scan3A_69 : i32
    %scan3A_71 = arith.constant 1 : i32
    scf.for %scan3A_150 = %scan3A_68 to %scan3A_70 step %scan3A_71  : i32 {
      %mul3A_151 = arith.constant 4 : i32
      %mul3A_152 = arith.muli %mul3A_151, %scan3A_150 : i32
      %add3A_153 = arith.constant 1 : i32
      %add3A_154 = arith.addi %add3A_153, %mul3A_152 : i32
      %dma_wait3A_155 = arith.constant 0 : i32
      %dma_wait3A_156 = tpu.memref_slice %arg2[%dma_wait3A_155] : memref<320000xi32, #tpu.memory_space<hbm>> -> memref<80xi32, #tpu.memory_space<hbm>>
      %dma_wait3A_157 = arith.constant 0 : i32
      %dma_wait3A_158 = tpu.memref_slice %arg2[%dma_wait3A_157] : memref<320000xi32, #tpu.memory_space<hbm>> -> memref<80xi32, #tpu.memory_space<hbm>>
      tpu.wait_dma2 semaphore(%arg23 : memref<!tpu.dma_semaphore, #tpu.memory_space<semaphore_mem>>) src(%dma_wait3A_158 : memref<80xi32, #tpu.memory_space<hbm>>) dst(%arg10 : memref<80xi32, #tpu.memory_space<vmem>>)
      %dma_wait3A_159 = arith.constant 0 : i32
      %dma_wait3A_160 = tpu.memref_slice %arg3[%dma_wait3A_159] : memref<320000xi32, #tpu.memory_space<hbm>> -> memref<80xi32, #tpu.memory_space<hbm>>
      %dma_wait3A_161 = arith.constant 0 : i32
      %dma_wait3A_162 = tpu.memref_slice %arg3[%dma_wait3A_161] : memref<320000xi32, #tpu.memory_space<hbm>> -> memref<80xi32, #tpu.memory_space<hbm>>
      tpu.wait_dma2 semaphore(%arg23 : memref<!tpu.dma_semaphore, #tpu.memory_space<semaphore_mem>>) src(%dma_wait3A_162 : memref<80xi32, #tpu.memory_space<hbm>>) dst(%arg14 : memref<80xi32, #tpu.memory_space<vmem>>)
      %add3A_163 = arith.constant 2 : i32
      %add3A_164 = arith.addi %add3A_154, %add3A_163 : i32
      %dma_start3A_165 = arith.constant 0 : i32
      %dma_start3A_166 = arith.constant 0 : i32
      %dma_start3A_167 = tpu.memref_slice %arg4[%dma_start3A_165, %dma_start3A_166] : memref<10000x128xf32, #tpu.memory_space<hbm>> -> memref<10000x128xf32, #tpu.memory_space<hbm>>
      tpu.enqueue_indirect_dma source(%dma_start3A_167 : memref<10000x128xf32, #tpu.memory_space<hbm>>) target(%arg18 : memref<80x128xf32, #tpu.memory_space<vmem>>) offsets(%arg10 : memref<80xi32, #tpu.memory_space<vmem>>) semaphore(%arg27 : memref<!tpu.dma_semaphore, #tpu.memory_space<semaphore_mem>>)
      %dma_wait3A_168 = arith.constant 0 : i32
      %dma_wait3A_169 = arith.constant 0 : i32
      %dma_wait3A_170 = tpu.memref_slice %arg4[%dma_wait3A_168, %dma_wait3A_169] : memref<10000x128xf32, #tpu.memory_space<hbm>> -> memref<10000x128xf32, #tpu.memory_space<hbm>>
      tpu.wait_indirect_dma semaphore(%arg25 : memref<!tpu.dma_semaphore, #tpu.memory_space<semaphore_mem>>) src(%dma_wait3A_170 : memref<10000x128xf32, #tpu.memory_space<hbm>>) dst(%arg16 : memref<80x128xf32, #tpu.memory_space<vmem>>)
      %dma_wait3A_171 = arith.constant 0 : i32
      %dma_wait3A_172 = arith.constant 0 : i32
      %dma_wait3A_173 = tpu.memref_slice %arg19[%dma_wait3A_171, %dma_wait3A_172] : memref<10000x128xf32, #tpu.memory_space<vmem_shared>> -> memref<10000x128xf32, #tpu.memory_space<vmem_shared>>
      tpu.wait_indirect_dma semaphore(%arg28 : memref<!tpu.dma_semaphore, #tpu.memory_space<semaphore_mem>>) src(%arg15 : memref<80x128xf32, #tpu.memory_space<vmem>>) dst(%dma_wait3A_173 : memref<10000x128xf32, #tpu.memory_space<vmem_shared>>)
      %dma_start3A_174 = arith.constant 0 : i32
      %dma_start3A_175 = arith.constant 0 : i32
      %dma_start3A_176 = tpu.memref_slice %arg19[%dma_start3A_174, %dma_start3A_175] : memref<10000x128xf32, #tpu.memory_space<vmem_shared>> -> memref<10000x128xf32, #tpu.memory_space<vmem_shared>>
      tpu.enqueue_indirect_dma source(%arg16 : memref<80x128xf32, #tpu.memory_space<vmem>>) target(%dma_start3A_176 : memref<10000x128xf32, #tpu.memory_space<vmem_shared>>) offsets(%arg12 : memref<80xi32, #tpu.memory_space<vmem>>) semaphore(%arg28 : memref<!tpu.dma_semaphore, #tpu.memory_space<semaphore_mem>>) {add = true}
      %add3A_177 = arith.constant 3 : i32
      %add3A_178 = arith.addi %add3A_154, %add3A_177 : i32
      %mul3A_179 = arith.constant 80 : i32
      %mul3A_180 = arith.muli %add3A_178, %mul3A_179 : i32
      %add3A_181 = arith.addi %mul3A_2, %mul3A_180 : i32
      %dma_start3A_182 = tpu.memref_slice %arg2[%add3A_181] : memref<320000xi32, #tpu.memory_space<hbm>> -> memref<80xi32, #tpu.memory_space<hbm>>
      %dma_start3A_183 = tpu.memref_slice %arg2[%add3A_181] : memref<320000xi32, #tpu.memory_space<hbm>> -> memref<80xi32, #tpu.memory_space<hbm>>
      tpu.enqueue_dma source(%dma_start3A_183 : memref<80xi32, #tpu.memory_space<hbm>>) target(%arg7 : memref<80xi32, #tpu.memory_space<vmem>>) target_semaphore(%arg20 : memref<!tpu.dma_semaphore, #tpu.memory_space<semaphore_mem>>)
      %dma_start3A_184 = tpu.memref_slice %arg3[%add3A_181] : memref<320000xi32, #tpu.memory_space<hbm>> -> memref<80xi32, #tpu.memory_space<hbm>>
      %dma_start3A_185 = tpu.memref_slice %arg3[%add3A_181] : memref<320000xi32, #tpu.memory_space<hbm>> -> memref<80xi32, #tpu.memory_space<hbm>>
      tpu.enqueue_dma source(%dma_start3A_185 : memref<80xi32, #tpu.memory_space<hbm>>) target(%arg11 : memref<80xi32, #tpu.memory_space<vmem>>) target_semaphore(%arg20 : memref<!tpu.dma_semaphore, #tpu.memory_space<semaphore_mem>>)
      %add3A_186 = arith.constant 1 : i32
      %add3A_187 = arith.addi %add3A_154, %add3A_186 : i32
      %dma_wait3A_188 = arith.constant 0 : i32
      %dma_wait3A_189 = tpu.memref_slice %arg2[%dma_wait3A_188] : memref<320000xi32, #tpu.memory_space<hbm>> -> memref<80xi32, #tpu.memory_space<hbm>>
      %dma_wait3A_190 = arith.constant 0 : i32
      %dma_wait3A_191 = tpu.memref_slice %arg2[%dma_wait3A_190] : memref<320000xi32, #tpu.memory_space<hbm>> -> memref<80xi32, #tpu.memory_space<hbm>>
      tpu.wait_dma2 semaphore(%arg20 : memref<!tpu.dma_semaphore, #tpu.memory_space<semaphore_mem>>) src(%dma_wait3A_191 : memref<80xi32, #tpu.memory_space<hbm>>) dst(%arg7 : memref<80xi32, #tpu.memory_space<vmem>>)
      %dma_wait3A_192 = arith.constant 0 : i32
      %dma_wait3A_193 = tpu.memref_slice %arg3[%dma_wait3A_192] : memref<320000xi32, #tpu.memory_space<hbm>> -> memref<80xi32, #tpu.memory_space<hbm>>
      %dma_wait3A_194 = arith.constant 0 : i32
      %dma_wait3A_195 = tpu.memref_slice %arg3[%dma_wait3A_194] : memref<320000xi32, #tpu.memory_space<hbm>> -> memref<80xi32, #tpu.memory_space<hbm>>
      tpu.wait_dma2 semaphore(%arg20 : memref<!tpu.dma_semaphore, #tpu.memory_space<semaphore_mem>>) src(%dma_wait3A_195 : memref<80xi32, #tpu.memory_space<hbm>>) dst(%arg11 : memref<80xi32, #tpu.memory_space<vmem>>)
      %add3A_196 = arith.constant 2 : i32
      %add3A_197 = arith.addi %add3A_187, %add3A_196 : i32
      %dma_start3A_198 = arith.constant 0 : i32
      %dma_start3A_199 = arith.constant 0 : i32
      %dma_start3A_200 = tpu.memref_slice %arg4[%dma_start3A_198, %dma_start3A_199] : memref<10000x128xf32, #tpu.memory_space<hbm>> -> memref<10000x128xf32, #tpu.memory_space<hbm>>
      tpu.enqueue_indirect_dma source(%dma_start3A_200 : memref<10000x128xf32, #tpu.memory_space<hbm>>) target(%arg15 : memref<80x128xf32, #tpu.memory_space<vmem>>) offsets(%arg7 : memref<80xi32, #tpu.memory_space<vmem>>) semaphore(%arg24 : memref<!tpu.dma_semaphore, #tpu.memory_space<semaphore_mem>>)
      %dma_wait3A_201 = arith.constant 0 : i32
      %dma_wait3A_202 = arith.constant 0 : i32
      %dma_wait3A_203 = tpu.memref_slice %arg4[%dma_wait3A_201, %dma_wait3A_202] : memref<10000x128xf32, #tpu.memory_space<hbm>> -> memref<10000x128xf32, #tpu.memory_space<hbm>>
      tpu.wait_indirect_dma semaphore(%arg26 : memref<!tpu.dma_semaphore, #tpu.memory_space<semaphore_mem>>) src(%dma_wait3A_203 : memref<10000x128xf32, #tpu.memory_space<hbm>>) dst(%arg17 : memref<80x128xf32, #tpu.memory_space<vmem>>)
      %dma_wait3A_204 = arith.constant 0 : i32
      %dma_wait3A_205 = arith.constant 0 : i32
      %dma_wait3A_206 = tpu.memref_slice %arg19[%dma_wait3A_204, %dma_wait3A_205] : memref<10000x128xf32, #tpu.memory_space<vmem_shared>> -> memref<10000x128xf32, #tpu.memory_space<vmem_shared>>
      tpu.wait_indirect_dma semaphore(%arg28 : memref<!tpu.dma_semaphore, #tpu.memory_space<semaphore_mem>>) src(%arg16 : memref<80x128xf32, #tpu.memory_space<vmem>>) dst(%dma_wait3A_206 : memref<10000x128xf32, #tpu.memory_space<vmem_shared>>)
      %dma_start3A_207 = arith.constant 0 : i32
      %dma_start3A_208 = arith.constant 0 : i32
      %dma_start3A_209 = tpu.memref_slice %arg19[%dma_start3A_207, %dma_start3A_208] : memref<10000x128xf32, #tpu.memory_space<vmem_shared>> -> memref<10000x128xf32, #tpu.memory_space<vmem_shared>>
      tpu.enqueue_indirect_dma source(%arg17 : memref<80x128xf32, #tpu.memory_space<vmem>>) target(%dma_start3A_209 : memref<10000x128xf32, #tpu.memory_space<vmem_shared>>) offsets(%arg13 : memref<80xi32, #tpu.memory_space<vmem>>) semaphore(%arg28 : memref<!tpu.dma_semaphore, #tpu.memory_space<semaphore_mem>>) {add = true}
      %add3A_210 = arith.constant 3 : i32
      %add3A_211 = arith.addi %add3A_187, %add3A_210 : i32
      %mul3A_212 = arith.constant 80 : i32
      %mul3A_213 = arith.muli %add3A_211, %mul3A_212 : i32
      %add3A_214 = arith.addi %mul3A_2, %mul3A_213 : i32
      %dma_start3A_215 = tpu.memref_slice %arg2[%add3A_214] : memref<320000xi32, #tpu.memory_space<hbm>> -> memref<80xi32, #tpu.memory_space<hbm>>
      %dma_start3A_216 = tpu.memref_slice %arg2[%add3A_214] : memref<320000xi32, #tpu.memory_space<hbm>> -> memref<80xi32, #tpu.memory_space<hbm>>
      tpu.enqueue_dma source(%dma_start3A_216 : memref<80xi32, #tpu.memory_space<hbm>>) target(%arg8 : memref<80xi32, #tpu.memory_space<vmem>>) target_semaphore(%arg21 : memref<!tpu.dma_semaphore, #tpu.memory_space<semaphore_mem>>)
      %dma_start3A_217 = tpu.memref_slice %arg3[%add3A_214] : memref<320000xi32, #tpu.memory_space<hbm>> -> memref<80xi32, #tpu.memory_space<hbm>>
      %dma_start3A_218 = tpu.memref_slice %arg3[%add3A_214] : memref<320000xi32, #tpu.memory_space<hbm>> -> memref<80xi32, #tpu.memory_space<hbm>>
      tpu.enqueue_dma source(%dma_start3A_218 : memref<80xi32, #tpu.memory_space<hbm>>) target(%arg12 : memref<80xi32, #tpu.memory_space<vmem>>) target_semaphore(%arg21 : memref<!tpu.dma_semaphore, #tpu.memory_space<semaphore_mem>>)
      %add3A_219 = arith.constant 2 : i32
      %add3A_220 = arith.addi %add3A_154, %add3A_219 : i32
      %dma_wait3A_221 = arith.constant 0 : i32
      %dma_wait3A_222 = tpu.memref_slice %arg2[%dma_wait3A_221] : memref<320000xi32, #tpu.memory_space<hbm>> -> memref<80xi32, #tpu.memory_space<hbm>>
      %dma_wait3A_223 = arith.constant 0 : i32
      %dma_wait3A_224 = tpu.memref_slice %arg2[%dma_wait3A_223] : memref<320000xi32, #tpu.memory_space<hbm>> -> memref<80xi32, #tpu.memory_space<hbm>>
      tpu.wait_dma2 semaphore(%arg21 : memref<!tpu.dma_semaphore, #tpu.memory_space<semaphore_mem>>) src(%dma_wait3A_224 : memref<80xi32, #tpu.memory_space<hbm>>) dst(%arg8 : memref<80xi32, #tpu.memory_space<vmem>>)
      %dma_wait3A_225 = arith.constant 0 : i32
      %dma_wait3A_226 = tpu.memref_slice %arg3[%dma_wait3A_225] : memref<320000xi32, #tpu.memory_space<hbm>> -> memref<80xi32, #tpu.memory_space<hbm>>
      %dma_wait3A_227 = arith.constant 0 : i32
      %dma_wait3A_228 = tpu.memref_slice %arg3[%dma_wait3A_227] : memref<320000xi32, #tpu.memory_space<hbm>> -> memref<80xi32, #tpu.memory_space<hbm>>
      tpu.wait_dma2 semaphore(%arg21 : memref<!tpu.dma_semaphore, #tpu.memory_space<semaphore_mem>>) src(%dma_wait3A_228 : memref<80xi32, #tpu.memory_space<hbm>>) dst(%arg12 : memref<80xi32, #tpu.memory_space<vmem>>)
      %add3A_229 = arith.constant 2 : i32
      %add3A_230 = arith.addi %add3A_220, %add3A_229 : i32
      %dma_start3A_231 = arith.constant 0 : i32
      %dma_start3A_232 = arith.constant 0 : i32
      %dma_start3A_233 = tpu.memref_slice %arg4[%dma_start3A_231, %dma_start3A_232] : memref<10000x128xf32, #tpu.memory_space<hbm>> -> memref<10000x128xf32, #tpu.memory_space<hbm>>
      tpu.enqueue_indirect_dma source(%dma_start3A_233 : memref<10000x128xf32, #tpu.memory_space<hbm>>) target(%arg16 : memref<80x128xf32, #tpu.memory_space<vmem>>) offsets(%arg8 : memref<80xi32, #tpu.memory_space<vmem>>) semaphore(%arg25 : memref<!tpu.dma_semaphore, #tpu.memory_space<semaphore_mem>>)
      %dma_wait3A_234 = arith.constant 0 : i32
      %dma_wait3A_235 = arith.constant 0 : i32
      %dma_wait3A_236 = tpu.memref_slice %arg4[%dma_wait3A_234, %dma_wait3A_235] : memref<10000x128xf32, #tpu.memory_space<hbm>> -> memref<10000x128xf32, #tpu.memory_space<hbm>>
      tpu.wait_indirect_dma semaphore(%arg27 : memref<!tpu.dma_semaphore, #tpu.memory_space<semaphore_mem>>) src(%dma_wait3A_236 : memref<10000x128xf32, #tpu.memory_space<hbm>>) dst(%arg18 : memref<80x128xf32, #tpu.memory_space<vmem>>)
      %dma_wait3A_237 = arith.constant 0 : i32
      %dma_wait3A_238 = arith.constant 0 : i32
      %dma_wait3A_239 = tpu.memref_slice %arg19[%dma_wait3A_237, %dma_wait3A_238] : memref<10000x128xf32, #tpu.memory_space<vmem_shared>> -> memref<10000x128xf32, #tpu.memory_space<vmem_shared>>
      tpu.wait_indirect_dma semaphore(%arg28 : memref<!tpu.dma_semaphore, #tpu.memory_space<semaphore_mem>>) src(%arg17 : memref<80x128xf32, #tpu.memory_space<vmem>>) dst(%dma_wait3A_239 : memref<10000x128xf32, #tpu.memory_space<vmem_shared>>)
      %dma_start3A_240 = arith.constant 0 : i32
      %dma_start3A_241 = arith.constant 0 : i32
      %dma_start3A_242 = tpu.memref_slice %arg19[%dma_start3A_240, %dma_start3A_241] : memref<10000x128xf32, #tpu.memory_space<vmem_shared>> -> memref<10000x128xf32, #tpu.memory_space<vmem_shared>>
      tpu.enqueue_indirect_dma source(%arg18 : memref<80x128xf32, #tpu.memory_space<vmem>>) target(%dma_start3A_242 : memref<10000x128xf32, #tpu.memory_space<vmem_shared>>) offsets(%arg14 : memref<80xi32, #tpu.memory_space<vmem>>) semaphore(%arg28 : memref<!tpu.dma_semaphore, #tpu.memory_space<semaphore_mem>>) {add = true}
      %add3A_243 = arith.constant 3 : i32
      %add3A_244 = arith.addi %add3A_220, %add3A_243 : i32
      %mul3A_245 = arith.constant 80 : i32
      %mul3A_246 = arith.muli %add3A_244, %mul3A_245 : i32
      %add3A_247 = arith.addi %mul3A_2, %mul3A_246 : i32
      %dma_start3A_248 = tpu.memref_slice %arg2[%add3A_247] : memref<320000xi32, #tpu.memory_space<hbm>> -> memref<80xi32, #tpu.memory_space<hbm>>
      %dma_start3A_249 = tpu.memref_slice %arg2[%add3A_247] : memref<320000xi32, #tpu.memory_space<hbm>> -> memref<80xi32, #tpu.memory_space<hbm>>
      tpu.enqueue_dma source(%dma_start3A_249 : memref<80xi32, #tpu.memory_space<hbm>>) target(%arg9 : memref<80xi32, #tpu.memory_space<vmem>>) target_semaphore(%arg22 : memref<!tpu.dma_semaphore, #tpu.memory_space<semaphore_mem>>)
      %dma_start3A_250 = tpu.memref_slice %arg3[%add3A_247] : memref<320000xi32, #tpu.memory_space<hbm>> -> memref<80xi32, #tpu.memory_space<hbm>>
      %dma_start3A_251 = tpu.memref_slice %arg3[%add3A_247] : memref<320000xi32, #tpu.memory_space<hbm>> -> memref<80xi32, #tpu.memory_space<hbm>>
      tpu.enqueue_dma source(%dma_start3A_251 : memref<80xi32, #tpu.memory_space<hbm>>) target(%arg13 : memref<80xi32, #tpu.memory_space<vmem>>) target_semaphore(%arg22 : memref<!tpu.dma_semaphore, #tpu.memory_space<semaphore_mem>>)
      %add3A_252 = arith.constant 3 : i32
      %add3A_253 = arith.addi %add3A_154, %add3A_252 : i32
      %dma_wait3A_254 = arith.constant 0 : i32
      %dma_wait3A_255 = tpu.memref_slice %arg2[%dma_wait3A_254] : memref<320000xi32, #tpu.memory_space<hbm>> -> memref<80xi32, #tpu.memory_space<hbm>>
      %dma_wait3A_256 = arith.constant 0 : i32
      %dma_wait3A_257 = tpu.memref_slice %arg2[%dma_wait3A_256] : memref<320000xi32, #tpu.memory_space<hbm>> -> memref<80xi32, #tpu.memory_space<hbm>>
      tpu.wait_dma2 semaphore(%arg22 : memref<!tpu.dma_semaphore, #tpu.memory_space<semaphore_mem>>) src(%dma_wait3A_257 : memref<80xi32, #tpu.memory_space<hbm>>) dst(%arg9 : memref<80xi32, #tpu.memory_space<vmem>>)
      %dma_wait3A_258 = arith.constant 0 : i32
      %dma_wait3A_259 = tpu.memref_slice %arg3[%dma_wait3A_258] : memref<320000xi32, #tpu.memory_space<hbm>> -> memref<80xi32, #tpu.memory_space<hbm>>
      %dma_wait3A_260 = arith.constant 0 : i32
      %dma_wait3A_261 = tpu.memref_slice %arg3[%dma_wait3A_260] : memref<320000xi32, #tpu.memory_space<hbm>> -> memref<80xi32, #tpu.memory_space<hbm>>
      tpu.wait_dma2 semaphore(%arg22 : memref<!tpu.dma_semaphore, #tpu.memory_space<semaphore_mem>>) src(%dma_wait3A_261 : memref<80xi32, #tpu.memory_space<hbm>>) dst(%arg13 : memref<80xi32, #tpu.memory_space<vmem>>)
      %add3A_262 = arith.constant 2 : i32
      %add3A_263 = arith.addi %add3A_253, %add3A_262 : i32
      %dma_start3A_264 = arith.constant 0 : i32
      %dma_start3A_265 = arith.constant 0 : i32
      %dma_start3A_266 = tpu.memref_slice %arg4[%dma_start3A_264, %dma_start3A_265] : memref<10000x128xf32, #tpu.memory_space<hbm>> -> memref<10000x128xf32, #tpu.memory_space<hbm>>
      tpu.enqueue_indirect_dma source(%dma_start3A_266 : memref<10000x128xf32, #tpu.memory_space<hbm>>) target(%arg17 : memref<80x128xf32, #tpu.memory_space<vmem>>) offsets(%arg9 : memref<80xi32, #tpu.memory_space<vmem>>) semaphore(%arg26 : memref<!tpu.dma_semaphore, #tpu.memory_space<semaphore_mem>>)
      %dma_wait3A_267 = arith.constant 0 : i32
      %dma_wait3A_268 = arith.constant 0 : i32
      %dma_wait3A_269 = tpu.memref_slice %arg4[%dma_wait3A_267, %dma_wait3A_268] : memref<10000x128xf32, #tpu.memory_space<hbm>> -> memref<10000x128xf32, #tpu.memory_space<hbm>>
      tpu.wait_indirect_dma semaphore(%arg24 : memref<!tpu.dma_semaphore, #tpu.memory_space<semaphore_mem>>) src(%dma_wait3A_269 : memref<10000x128xf32, #tpu.memory_space<hbm>>) dst(%arg15 : memref<80x128xf32, #tpu.memory_space<vmem>>)
      %dma_wait3A_270 = arith.constant 0 : i32
      %dma_wait3A_271 = arith.constant 0 : i32
      %dma_wait3A_272 = tpu.memref_slice %arg19[%dma_wait3A_270, %dma_wait3A_271] : memref<10000x128xf32, #tpu.memory_space<vmem_shared>> -> memref<10000x128xf32, #tpu.memory_space<vmem_shared>>
      tpu.wait_indirect_dma semaphore(%arg28 : memref<!tpu.dma_semaphore, #tpu.memory_space<semaphore_mem>>) src(%arg18 : memref<80x128xf32, #tpu.memory_space<vmem>>) dst(%dma_wait3A_272 : memref<10000x128xf32, #tpu.memory_space<vmem_shared>>)
      %dma_start3A_273 = arith.constant 0 : i32
      %dma_start3A_274 = arith.constant 0 : i32
      %dma_start3A_275 = tpu.memref_slice %arg19[%dma_start3A_273, %dma_start3A_274] : memref<10000x128xf32, #tpu.memory_space<vmem_shared>> -> memref<10000x128xf32, #tpu.memory_space<vmem_shared>>
      tpu.enqueue_indirect_dma source(%arg15 : memref<80x128xf32, #tpu.memory_space<vmem>>) target(%dma_start3A_275 : memref<10000x128xf32, #tpu.memory_space<vmem_shared>>) offsets(%arg11 : memref<80xi32, #tpu.memory_space<vmem>>) semaphore(%arg28 : memref<!tpu.dma_semaphore, #tpu.memory_space<semaphore_mem>>) {add = true}
      %add3A_276 = arith.constant 3 : i32
      %add3A_277 = arith.addi %add3A_253, %add3A_276 : i32
      %mul3A_278 = arith.constant 80 : i32
      %mul3A_279 = arith.muli %add3A_277, %mul3A_278 : i32
      %add3A_280 = arith.addi %mul3A_2, %mul3A_279 : i32
      %dma_start3A_281 = tpu.memref_slice %arg2[%add3A_280] : memref<320000xi32, #tpu.memory_space<hbm>> -> memref<80xi32, #tpu.memory_space<hbm>>
      %dma_start3A_282 = tpu.memref_slice %arg2[%add3A_280] : memref<320000xi32, #tpu.memory_space<hbm>> -> memref<80xi32, #tpu.memory_space<hbm>>
      tpu.enqueue_dma source(%dma_start3A_282 : memref<80xi32, #tpu.memory_space<hbm>>) target(%arg10 : memref<80xi32, #tpu.memory_space<vmem>>) target_semaphore(%arg23 : memref<!tpu.dma_semaphore, #tpu.memory_space<semaphore_mem>>)
      %dma_start3A_283 = tpu.memref_slice %arg3[%add3A_280] : memref<320000xi32, #tpu.memory_space<hbm>> -> memref<80xi32, #tpu.memory_space<hbm>>
      %dma_start3A_284 = tpu.memref_slice %arg3[%add3A_280] : memref<320000xi32, #tpu.memory_space<hbm>> -> memref<80xi32, #tpu.memory_space<hbm>>
      tpu.enqueue_dma source(%dma_start3A_284 : memref<80xi32, #tpu.memory_space<hbm>>) target(%arg14 : memref<80xi32, #tpu.memory_space<vmem>>) target_semaphore(%arg23 : memref<!tpu.dma_semaphore, #tpu.memory_space<semaphore_mem>>)
    }
    %scan3A_72 = arith.constant 30 : i32
    %dma_wait3A_73 = arith.constant 0 : i32
    %dma_wait3A_74 = tpu.memref_slice %arg2[%dma_wait3A_73] : memref<320000xi32, #tpu.memory_space<hbm>> -> memref<80xi32, #tpu.memory_space<hbm>>
    %dma_wait3A_75 = arith.constant 0 : i32
    %dma_wait3A_76 = tpu.memref_slice %arg2[%dma_wait3A_75] : memref<320000xi32, #tpu.memory_space<hbm>> -> memref<80xi32, #tpu.memory_space<hbm>>
    tpu.wait_dma2 semaphore(%arg23 : memref<!tpu.dma_semaphore, #tpu.memory_space<semaphore_mem>>) src(%dma_wait3A_76 : memref<80xi32, #tpu.memory_space<hbm>>) dst(%arg10 : memref<80xi32, #tpu.memory_space<vmem>>)
    %dma_wait3A_77 = arith.constant 0 : i32
    %dma_wait3A_78 = tpu.memref_slice %arg3[%dma_wait3A_77] : memref<320000xi32, #tpu.memory_space<hbm>> -> memref<80xi32, #tpu.memory_space<hbm>>
    %dma_wait3A_79 = arith.constant 0 : i32
    %dma_wait3A_80 = tpu.memref_slice %arg3[%dma_wait3A_79] : memref<320000xi32, #tpu.memory_space<hbm>> -> memref<80xi32, #tpu.memory_space<hbm>>
    tpu.wait_dma2 semaphore(%arg23 : memref<!tpu.dma_semaphore, #tpu.memory_space<semaphore_mem>>) src(%dma_wait3A_80 : memref<80xi32, #tpu.memory_space<hbm>>) dst(%arg14 : memref<80xi32, #tpu.memory_space<vmem>>)
    %dma_start3A_81 = arith.constant 0 : i32
    %dma_start3A_82 = arith.constant 0 : i32
    %dma_start3A_83 = tpu.memref_slice %arg4[%dma_start3A_81, %dma_start3A_82] : memref<10000x128xf32, #tpu.memory_space<hbm>> -> memref<10000x128xf32, #tpu.memory_space<hbm>>
    tpu.enqueue_indirect_dma source(%dma_start3A_83 : memref<10000x128xf32, #tpu.memory_space<hbm>>) target(%arg18 : memref<80x128xf32, #tpu.memory_space<vmem>>) offsets(%arg10 : memref<80xi32, #tpu.memory_space<vmem>>) semaphore(%arg27 : memref<!tpu.dma_semaphore, #tpu.memory_space<semaphore_mem>>)
    %dma_wait3A_84 = arith.constant 0 : i32
    %dma_wait3A_85 = arith.constant 0 : i32
    %dma_wait3A_86 = tpu.memref_slice %arg4[%dma_wait3A_84, %dma_wait3A_85] : memref<10000x128xf32, #tpu.memory_space<hbm>> -> memref<10000x128xf32, #tpu.memory_space<hbm>>
    tpu.wait_indirect_dma semaphore(%arg25 : memref<!tpu.dma_semaphore, #tpu.memory_space<semaphore_mem>>) src(%dma_wait3A_86 : memref<10000x128xf32, #tpu.memory_space<hbm>>) dst(%arg16 : memref<80x128xf32, #tpu.memory_space<vmem>>)
    %dma_wait3A_87 = arith.constant 0 : i32
    %dma_wait3A_88 = arith.constant 0 : i32
    %dma_wait3A_89 = tpu.memref_slice %arg19[%dma_wait3A_87, %dma_wait3A_88] : memref<10000x128xf32, #tpu.memory_space<vmem_shared>> -> memref<10000x128xf32, #tpu.memory_space<vmem_shared>>
    tpu.wait_indirect_dma semaphore(%arg28 : memref<!tpu.dma_semaphore, #tpu.memory_space<semaphore_mem>>) src(%arg15 : memref<80x128xf32, #tpu.memory_space<vmem>>) dst(%dma_wait3A_89 : memref<10000x128xf32, #tpu.memory_space<vmem_shared>>)
    %dma_start3A_90 = arith.constant 0 : i32
    %dma_start3A_91 = arith.constant 0 : i32
    %dma_start3A_92 = tpu.memref_slice %arg19[%dma_start3A_90, %dma_start3A_91] : memref<10000x128xf32, #tpu.memory_space<vmem_shared>> -> memref<10000x128xf32, #tpu.memory_space<vmem_shared>>
    tpu.enqueue_indirect_dma source(%arg16 : memref<80x128xf32, #tpu.memory_space<vmem>>) target(%dma_start3A_92 : memref<10000x128xf32, #tpu.memory_space<vmem_shared>>) offsets(%arg12 : memref<80xi32, #tpu.memory_space<vmem>>) semaphore(%arg28 : memref<!tpu.dma_semaphore, #tpu.memory_space<semaphore_mem>>) {add = true}
    %add3A_93 = arith.constant 9920 : i32
    %add3A_94 = arith.addi %mul3A_2, %add3A_93 : i32
    %dma_start3A_95 = tpu.memref_slice %arg2[%add3A_94] : memref<320000xi32, #tpu.memory_space<hbm>> -> memref<80xi32, #tpu.memory_space<hbm>>
    %dma_start3A_96 = tpu.memref_slice %arg2[%add3A_94] : memref<320000xi32, #tpu.memory_space<hbm>> -> memref<80xi32, #tpu.memory_space<hbm>>
    tpu.enqueue_dma source(%dma_start3A_96 : memref<80xi32, #tpu.memory_space<hbm>>) target(%arg7 : memref<80xi32, #tpu.memory_space<vmem>>) target_semaphore(%arg20 : memref<!tpu.dma_semaphore, #tpu.memory_space<semaphore_mem>>)
    %dma_start3A_97 = tpu.memref_slice %arg3[%add3A_94] : memref<320000xi32, #tpu.memory_space<hbm>> -> memref<80xi32, #tpu.memory_space<hbm>>
    %dma_start3A_98 = tpu.memref_slice %arg3[%add3A_94] : memref<320000xi32, #tpu.memory_space<hbm>> -> memref<80xi32, #tpu.memory_space<hbm>>
    tpu.enqueue_dma source(%dma_start3A_98 : memref<80xi32, #tpu.memory_space<hbm>>) target(%arg11 : memref<80xi32, #tpu.memory_space<vmem>>) target_semaphore(%arg20 : memref<!tpu.dma_semaphore, #tpu.memory_space<semaphore_mem>>)
    %dma_wait3A_99 = arith.constant 0 : i32
    %dma_wait3A_100 = tpu.memref_slice %arg2[%dma_wait3A_99] : memref<320000xi32, #tpu.memory_space<hbm>> -> memref<80xi32, #tpu.memory_space<hbm>>
    %dma_wait3A_101 = arith.constant 0 : i32
    %dma_wait3A_102 = tpu.memref_slice %arg2[%dma_wait3A_101] : memref<320000xi32, #tpu.memory_space<hbm>> -> memref<80xi32, #tpu.memory_space<hbm>>
    tpu.wait_dma2 semaphore(%arg20 : memref<!tpu.dma_semaphore, #tpu.memory_space<semaphore_mem>>) src(%dma_wait3A_102 : memref<80xi32, #tpu.memory_space<hbm>>) dst(%arg7 : memref<80xi32, #tpu.memory_space<vmem>>)
    %dma_wait3A_103 = arith.constant 0 : i32
    %dma_wait3A_104 = tpu.memref_slice %arg3[%dma_wait3A_103] : memref<320000xi32, #tpu.memory_space<hbm>> -> memref<80xi32, #tpu.memory_space<hbm>>
    %dma_wait3A_105 = arith.constant 0 : i32
    %dma_wait3A_106 = tpu.memref_slice %arg3[%dma_wait3A_105] : memref<320000xi32, #tpu.memory_space<hbm>> -> memref<80xi32, #tpu.memory_space<hbm>>
    tpu.wait_dma2 semaphore(%arg20 : memref<!tpu.dma_semaphore, #tpu.memory_space<semaphore_mem>>) src(%dma_wait3A_106 : memref<80xi32, #tpu.memory_space<hbm>>) dst(%arg11 : memref<80xi32, #tpu.memory_space<vmem>>)
    %dma_start3A_107 = arith.constant 0 : i32
    %dma_start3A_108 = arith.constant 0 : i32
    %dma_start3A_109 = tpu.memref_slice %arg4[%dma_start3A_107, %dma_start3A_108] : memref<10000x128xf32, #tpu.memory_space<hbm>> -> memref<10000x128xf32, #tpu.memory_space<hbm>>
    tpu.enqueue_indirect_dma source(%dma_start3A_109 : memref<10000x128xf32, #tpu.memory_space<hbm>>) target(%arg15 : memref<80x128xf32, #tpu.memory_space<vmem>>) offsets(%arg7 : memref<80xi32, #tpu.memory_space<vmem>>) semaphore(%arg24 : memref<!tpu.dma_semaphore, #tpu.memory_space<semaphore_mem>>)
    %dma_wait3A_110 = arith.constant 0 : i32
    %dma_wait3A_111 = arith.constant 0 : i32
    %dma_wait3A_112 = tpu.memref_slice %arg4[%dma_wait3A_110, %dma_wait3A_111] : memref<10000x128xf32, #tpu.memory_space<hbm>> -> memref<10000x128xf32, #tpu.memory_space<hbm>>
    tpu.wait_indirect_dma semaphore(%arg26 : memref<!tpu.dma_semaphore, #tpu.memory_space<semaphore_mem>>) src(%dma_wait3A_112 : memref<10000x128xf32, #tpu.memory_space<hbm>>) dst(%arg17 : memref<80x128xf32, #tpu.memory_space<vmem>>)
    %dma_wait3A_113 = arith.constant 0 : i32
    %dma_wait3A_114 = arith.constant 0 : i32
    %dma_wait3A_115 = tpu.memref_slice %arg19[%dma_wait3A_113, %dma_wait3A_114] : memref<10000x128xf32, #tpu.memory_space<vmem_shared>> -> memref<10000x128xf32, #tpu.memory_space<vmem_shared>>
    tpu.wait_indirect_dma semaphore(%arg28 : memref<!tpu.dma_semaphore, #tpu.memory_space<semaphore_mem>>) src(%arg16 : memref<80x128xf32, #tpu.memory_space<vmem>>) dst(%dma_wait3A_115 : memref<10000x128xf32, #tpu.memory_space<vmem_shared>>)
    %dma_start3A_116 = arith.constant 0 : i32
    %dma_start3A_117 = arith.constant 0 : i32
    %dma_start3A_118 = tpu.memref_slice %arg19[%dma_start3A_116, %dma_start3A_117] : memref<10000x128xf32, #tpu.memory_space<vmem_shared>> -> memref<10000x128xf32, #tpu.memory_space<vmem_shared>>
    tpu.enqueue_indirect_dma source(%arg17 : memref<80x128xf32, #tpu.memory_space<vmem>>) target(%dma_start3A_118 : memref<10000x128xf32, #tpu.memory_space<vmem_shared>>) offsets(%arg13 : memref<80xi32, #tpu.memory_space<vmem>>) semaphore(%arg28 : memref<!tpu.dma_semaphore, #tpu.memory_space<semaphore_mem>>) {add = true}
    %dma_wait3A_119 = arith.constant 0 : i32
    %dma_wait3A_120 = arith.constant 0 : i32
    %dma_wait3A_121 = tpu.memref_slice %arg4[%dma_wait3A_119, %dma_wait3A_120] : memref<10000x128xf32, #tpu.memory_space<hbm>> -> memref<10000x128xf32, #tpu.memory_space<hbm>>
    tpu.wait_indirect_dma semaphore(%arg27 : memref<!tpu.dma_semaphore, #tpu.memory_space<semaphore_mem>>) src(%dma_wait3A_121 : memref<10000x128xf32, #tpu.memory_space<hbm>>) dst(%arg18 : memref<80x128xf32, #tpu.memory_space<vmem>>)
    %dma_wait3A_122 = arith.constant 0 : i32
    %dma_wait3A_123 = arith.constant 0 : i32
    %dma_wait3A_124 = tpu.memref_slice %arg19[%dma_wait3A_122, %dma_wait3A_123] : memref<10000x128xf32, #tpu.memory_space<vmem_shared>> -> memref<10000x128xf32, #tpu.memory_space<vmem_shared>>
    tpu.wait_indirect_dma semaphore(%arg28 : memref<!tpu.dma_semaphore, #tpu.memory_space<semaphore_mem>>) src(%arg17 : memref<80x128xf32, #tpu.memory_space<vmem>>) dst(%dma_wait3A_124 : memref<10000x128xf32, #tpu.memory_space<vmem_shared>>)
    %dma_start3A_125 = arith.constant 0 : i32
    %dma_start3A_126 = arith.constant 0 : i32
    %dma_start3A_127 = tpu.memref_slice %arg19[%dma_start3A_125, %dma_start3A_126] : memref<10000x128xf32, #tpu.memory_space<vmem_shared>> -> memref<10000x128xf32, #tpu.memory_space<vmem_shared>>
    tpu.enqueue_indirect_dma source(%arg18 : memref<80x128xf32, #tpu.memory_space<vmem>>) target(%dma_start3A_127 : memref<10000x128xf32, #tpu.memory_space<vmem_shared>>) offsets(%arg14 : memref<80xi32, #tpu.memory_space<vmem>>) semaphore(%arg28 : memref<!tpu.dma_semaphore, #tpu.memory_space<semaphore_mem>>) {add = true}
    %dma_wait3A_128 = arith.constant 0 : i32
    %dma_wait3A_129 = arith.constant 0 : i32
    %dma_wait3A_130 = tpu.memref_slice %arg4[%dma_wait3A_128, %dma_wait3A_129] : memref<10000x128xf32, #tpu.memory_space<hbm>> -> memref<10000x128xf32, #tpu.memory_space<hbm>>
    tpu.wait_indirect_dma semaphore(%arg24 : memref<!tpu.dma_semaphore, #tpu.memory_space<semaphore_mem>>) src(%dma_wait3A_130 : memref<10000x128xf32, #tpu.memory_space<hbm>>) dst(%arg15 : memref<80x128xf32, #tpu.memory_space<vmem>>)
    %dma_wait3A_131 = arith.constant 0 : i32
    %dma_wait3A_132 = arith.constant 0 : i32
    %dma_wait3A_133 = tpu.memref_slice %arg19[%dma_wait3A_131, %dma_wait3A_132] : memref<10000x128xf32, #tpu.memory_space<vmem_shared>> -> memref<10000x128xf32, #tpu.memory_space<vmem_shared>>
    tpu.wait_indirect_dma semaphore(%arg28 : memref<!tpu.dma_semaphore, #tpu.memory_space<semaphore_mem>>) src(%arg18 : memref<80x128xf32, #tpu.memory_space<vmem>>) dst(%dma_wait3A_133 : memref<10000x128xf32, #tpu.memory_space<vmem_shared>>)
    %dma_start3A_134 = arith.constant 0 : i32
    %dma_start3A_135 = arith.constant 0 : i32
    %dma_start3A_136 = tpu.memref_slice %arg19[%dma_start3A_134, %dma_start3A_135] : memref<10000x128xf32, #tpu.memory_space<vmem_shared>> -> memref<10000x128xf32, #tpu.memory_space<vmem_shared>>
    tpu.enqueue_indirect_dma source(%arg15 : memref<80x128xf32, #tpu.memory_space<vmem>>) target(%dma_start3A_136 : memref<10000x128xf32, #tpu.memory_space<vmem_shared>>) offsets(%arg11 : memref<80xi32, #tpu.memory_space<vmem>>) semaphore(%arg28 : memref<!tpu.dma_semaphore, #tpu.memory_space<semaphore_mem>>) {add = true}
    %dma_wait3A_137 = arith.constant 0 : i32
    %dma_wait3A_138 = arith.constant 0 : i32
    %dma_wait3A_139 = tpu.memref_slice %arg19[%dma_wait3A_137, %dma_wait3A_138] : memref<10000x128xf32, #tpu.memory_space<vmem_shared>> -> memref<10000x128xf32, #tpu.memory_space<vmem_shared>>
    tpu.wait_indirect_dma semaphore(%arg28 : memref<!tpu.dma_semaphore, #tpu.memory_space<semaphore_mem>>) src(%arg15 : memref<80x128xf32, #tpu.memory_space<vmem>>) dst(%dma_wait3A_139 : memref<10000x128xf32, #tpu.memory_space<vmem_shared>>)
    %barrier3A_140 = arith.constant 0 : index
    tpu.barrier barrier_id(%barrier3A_140)
    %mul3A_141 = arith.constant 624 : i32
    %mul3A_142 = arith.muli %arg1, %mul3A_141 : i32
    %mul3A_143 = arith.constant 624 : i32
    %mul3A_144 = arith.muli %arg1, %mul3A_143 : i32
    "tpu.region"() ({
      %run_scoped3A = tpu.sem_alloc : memref<!tpu.dma_semaphore, #tpu.memory_space<semaphore_mem>>
      %dma_start3A_150 = arith.constant 0 : i32
      %dma_start3A_151 = tpu.memref_slice %arg6[%arg0, %mul3A_144, %dma_start3A_150] : memref<2x10000x128xf32, #tpu.memory_space<hbm>> -> memref<1x624x128xf32, #tpu.memory_space<hbm>>
      %dma_start3A_152 = tpu.memref_squeeze %dma_start3A_151 : memref<1x624x128xf32, #tpu.memory_space<hbm>> -> memref<624x128xf32, #tpu.memory_space<hbm>>
      %dma_start3A_153 = arith.constant 0 : i32
      %dma_start3A_154 = tpu.memref_slice %arg19[%mul3A_142, %dma_start3A_153] : memref<10000x128xf32, #tpu.memory_space<vmem_shared>> -> memref<624x128xf32, #tpu.memory_space<vmem_shared>>
      tpu.enqueue_dma source(%dma_start3A_154 : memref<624x128xf32, #tpu.memory_space<vmem_shared>>) target(%dma_start3A_152 : memref<624x128xf32, #tpu.memory_space<hbm>>) target_semaphore(%run_scoped3A : memref<!tpu.dma_semaphore, #tpu.memory_space<semaphore_mem>>)
      %dma_wait3A_155 = arith.constant 0 : i32
      %dma_wait3A_156 = tpu.memref_slice %arg6[%arg0, %mul3A_144, %dma_wait3A_155] : memref<2x10000x128xf32, #tpu.memory_space<hbm>> -> memref<1x624x128xf32, #tpu.memory_space<hbm>>
      %dma_wait3A_157 = tpu.memref_squeeze %dma_wait3A_156 : memref<1x624x128xf32, #tpu.memory_space<hbm>> -> memref<624x128xf32, #tpu.memory_space<hbm>>
      %dma_wait3A_158 = arith.constant 0 : i32
      %dma_wait3A_159 = tpu.memref_slice %arg19[%mul3A_142, %dma_wait3A_158] : memref<10000x128xf32, #tpu.memory_space<vmem_shared>> -> memref<624x128xf32, #tpu.memory_space<vmem_shared>>
      tpu.wait_dma2 semaphore(%run_scoped3A : memref<!tpu.dma_semaphore, #tpu.memory_space<semaphore_mem>>) src(%dma_wait3A_159 : memref<624x128xf32, #tpu.memory_space<vmem_shared>>) dst(%dma_wait3A_157 : memref<624x128xf32, #tpu.memory_space<hbm>>)
      tpu.yield
    }) : () -> ()
    %eq3A_145 = arith.constant 0 : i32
    %eq3A_146 = arith.cmpi eq, %arg1, %eq3A_145 : i32
    %convert_element_type3A_147 = arith.extui %eq3A_146 : i1 to i32
    %cond3A_148 = arith.constant 0 : i32
    %cond3A_149 = arith.cmpi ne, %convert_element_type3A_147, %cond3A_148 : i32
    scf.if %cond3A_149 {
      "tpu.region"() ({
        %run_scoped3A = tpu.sem_alloc : memref<!tpu.dma_semaphore, #tpu.memory_space<semaphore_mem>>
        %dma_start3A_150 = arith.constant 9984 : i32
        %dma_start3A_151 = arith.constant 0 : i32
        %dma_start3A_152 = tpu.memref_slice %arg6[%arg0, %dma_start3A_150, %dma_start3A_151] : memref<2x10000x128xf32, #tpu.memory_space<hbm>> -> memref<1x16x128xf32, #tpu.memory_space<hbm>>
        %dma_start3A_153 = tpu.memref_squeeze %dma_start3A_152 : memref<1x16x128xf32, #tpu.memory_space<hbm>> -> memref<16x128xf32, #tpu.memory_space<hbm>>
        %dma_start3A_154 = arith.constant 9984 : i32
        %dma_start3A_155 = arith.constant 0 : i32
        %dma_start3A_156 = tpu.memref_slice %arg19[%dma_start3A_154, %dma_start3A_155] : memref<10000x128xf32, #tpu.memory_space<vmem_shared>> -> memref<16x128xf32, #tpu.memory_space<vmem_shared>>
        tpu.enqueue_dma source(%dma_start3A_156 : memref<16x128xf32, #tpu.memory_space<vmem_shared>>) target(%dma_start3A_153 : memref<16x128xf32, #tpu.memory_space<hbm>>) target_semaphore(%run_scoped3A : memref<!tpu.dma_semaphore, #tpu.memory_space<semaphore_mem>>)
        %dma_wait3A_157 = arith.constant 9984 : i32
        %dma_wait3A_158 = arith.constant 0 : i32
        %dma_wait3A_159 = tpu.memref_slice %arg6[%arg0, %dma_wait3A_157, %dma_wait3A_158] : memref<2x10000x128xf32, #tpu.memory_space<hbm>> -> memref<1x16x128xf32, #tpu.memory_space<hbm>>
        %dma_wait3A_160 = tpu.memref_squeeze %dma_wait3A_159 : memref<1x16x128xf32, #tpu.memory_space<hbm>> -> memref<16x128xf32, #tpu.memory_space<hbm>>
        %dma_wait3A_161 = arith.constant 9984 : i32
        %dma_wait3A_162 = arith.constant 0 : i32
        %dma_wait3A_163 = tpu.memref_slice %arg19[%dma_wait3A_161, %dma_wait3A_162] : memref<10000x128xf32, #tpu.memory_space<vmem_shared>> -> memref<16x128xf32, #tpu.memory_space<vmem_shared>>
        tpu.wait_dma2 semaphore(%run_scoped3A : memref<!tpu.dma_semaphore, #tpu.memory_space<semaphore_mem>>) src(%dma_wait3A_163 : memref<16x128xf32, #tpu.memory_space<vmem_shared>>) dst(%dma_wait3A_160 : memref<16x128xf32, #tpu.memory_space<hbm>>)
        tpu.yield
      }) : () -> ()
    } else {
    }
    return
  }
}

#map = affine_map<(d0, d1) -> (0)>
#map1 = affine_map<(d0, d1) -> (0, 0)>
#map2 = affine_map<(d0, d1) -> (0, 0, 0)>
module attributes {stable_mosaic.version = 14 : i64} {
  func.func @count_scatter(%arg0: i32, %arg1: i32, %arg2: memref<320000xi32, #tpu.memory_space<hbm>>, %arg3: memref<80x128xf32, #tpu.memory_space<hbm>>, %arg4: memref<624x128xf32, #tpu.memory_space<hbm>>, %arg5: memref<2x10000x128xf32, #tpu.memory_space<hbm>>, %arg6: memref<80xi32, #tpu.memory_space<vmem>>, %arg7: memref<80xi32, #tpu.memory_space<vmem>>, %arg8: memref<80xi32, #tpu.memory_space<vmem>>, %arg9: memref<80xi32, #tpu.memory_space<vmem>>, %arg10: memref<80x128xf32, #tpu.memory_space<vmem>>, %arg11: memref<10000x128xf32, #tpu.memory_space<vmem_shared>>, %arg12: memref<!tpu.dma_semaphore, #tpu.memory_space<semaphore_mem>>, %arg13: memref<!tpu.dma_semaphore, #tpu.memory_space<semaphore_mem>>, %arg14: memref<!tpu.dma_semaphore, #tpu.memory_space<semaphore_mem>>, %arg15: memref<!tpu.dma_semaphore, #tpu.memory_space<semaphore_mem>>, %arg16: memref<!tpu.dma_semaphore, #tpu.memory_space<semaphore_mem>>, %arg17: memref<!tpu.dma_semaphore, #tpu.memory_space<semaphore_mem>>, %arg18: memref<!tpu.dma_semaphore, #tpu.memory_space<semaphore_mem>>, %arg19: memref<!tpu.dma_semaphore, #tpu.memory_space<semaphore_mem>>) attributes {dimension_semantics = [#tpu.dimension_semantics<core_parallel>, #tpu.dimension_semantics<subcore_parallel>], iteration_bounds = array<i64: 2, 16>, scalar_prefetch = 0 : i64, scratch_operands = 14 : i64, tpu.core_type = #tpu.core_type<sc_vector_subcore>, window_params = [{transform_indices = #map}, {transform_indices = #map1}, {transform_indices = #map1}, {transform_indices = #map2}]} {
    %mul3A = arith.constant 16 : i32
    %mul3A_0 = arith.muli %arg0, %mul3A : i32
    %add3A = arith.addi %mul3A_0, %arg1 : i32
    %mul3A_1 = arith.constant 10000 : i32
    %mul3A_2 = arith.muli %add3A, %mul3A_1 : i32
    "tpu.region"() ({
      %run_scoped3A = tpu.sem_alloc : memref<!tpu.dma_semaphore, #tpu.memory_space<semaphore_mem>>
      tpu.enqueue_dma source(%arg3 : memref<80x128xf32, #tpu.memory_space<hbm>>) target(%arg10 : memref<80x128xf32, #tpu.memory_space<vmem>>) target_semaphore(%run_scoped3A : memref<!tpu.dma_semaphore, #tpu.memory_space<semaphore_mem>>)
      tpu.wait_dma2 semaphore(%run_scoped3A : memref<!tpu.dma_semaphore, #tpu.memory_space<semaphore_mem>>) src(%arg3 : memref<80x128xf32, #tpu.memory_space<hbm>>) dst(%arg10 : memref<80x128xf32, #tpu.memory_space<vmem>>)
      tpu.yield
    }) : () -> ()
    %add3A_3 = arith.constant 0 : i32
    %add3A_4 = arith.addi %mul3A_2, %add3A_3 : i32
    %dma_start3A = tpu.memref_slice %arg2[%add3A_4] : memref<320000xi32, #tpu.memory_space<hbm>> -> memref<80xi32, #tpu.memory_space<hbm>>
    %dma_start3A_5 = tpu.memref_slice %arg2[%add3A_4] : memref<320000xi32, #tpu.memory_space<hbm>> -> memref<80xi32, #tpu.memory_space<hbm>>
    tpu.enqueue_dma source(%dma_start3A_5 : memref<80xi32, #tpu.memory_space<hbm>>) target(%arg6 : memref<80xi32, #tpu.memory_space<vmem>>) target_semaphore(%arg12 : memref<!tpu.dma_semaphore, #tpu.memory_space<semaphore_mem>>)
    %add3A_6 = arith.constant 80 : i32
    %add3A_7 = arith.addi %mul3A_2, %add3A_6 : i32
    %dma_start3A_8 = tpu.memref_slice %arg2[%add3A_7] : memref<320000xi32, #tpu.memory_space<hbm>> -> memref<80xi32, #tpu.memory_space<hbm>>
    %dma_start3A_9 = tpu.memref_slice %arg2[%add3A_7] : memref<320000xi32, #tpu.memory_space<hbm>> -> memref<80xi32, #tpu.memory_space<hbm>>
    tpu.enqueue_dma source(%dma_start3A_9 : memref<80xi32, #tpu.memory_space<hbm>>) target(%arg7 : memref<80xi32, #tpu.memory_space<vmem>>) target_semaphore(%arg13 : memref<!tpu.dma_semaphore, #tpu.memory_space<semaphore_mem>>)
    %mul3A_10 = arith.constant 624 : i32
    %mul3A_11 = arith.muli %arg1, %mul3A_10 : i32
    "tpu.region"() ({
      %run_scoped3A = tpu.sem_alloc : memref<!tpu.dma_semaphore, #tpu.memory_space<semaphore_mem>>
      %dma_start3A_90 = arith.constant 0 : i32
      %dma_start3A_91 = tpu.memref_slice %arg11[%mul3A_11, %dma_start3A_90] : memref<10000x128xf32, #tpu.memory_space<vmem_shared>> -> memref<624x128xf32, #tpu.memory_space<vmem_shared>>
      tpu.enqueue_dma source(%arg4 : memref<624x128xf32, #tpu.memory_space<hbm>>) target(%dma_start3A_91 : memref<624x128xf32, #tpu.memory_space<vmem_shared>>) target_semaphore(%run_scoped3A : memref<!tpu.dma_semaphore, #tpu.memory_space<semaphore_mem>>)
      %dma_wait3A_92 = arith.constant 0 : i32
      %dma_wait3A_93 = tpu.memref_slice %arg11[%mul3A_11, %dma_wait3A_92] : memref<10000x128xf32, #tpu.memory_space<vmem_shared>> -> memref<624x128xf32, #tpu.memory_space<vmem_shared>>
      tpu.wait_dma2 semaphore(%run_scoped3A : memref<!tpu.dma_semaphore, #tpu.memory_space<semaphore_mem>>) src(%arg4 : memref<624x128xf32, #tpu.memory_space<hbm>>) dst(%dma_wait3A_93 : memref<624x128xf32, #tpu.memory_space<vmem_shared>>)
      tpu.yield
    }) : () -> ()
    %eq3A = arith.constant 0 : i32
    %eq3A_12 = arith.cmpi eq, %arg1, %eq3A : i32
    %convert_element_type3A = arith.extui %eq3A_12 : i1 to i32
    %cond3A = arith.constant 0 : i32
    %cond3A_13 = arith.cmpi ne, %convert_element_type3A, %cond3A : i32
    scf.if %cond3A_13 {
      "tpu.region"() ({
        %run_scoped3A = tpu.sem_alloc : memref<!tpu.dma_semaphore, #tpu.memory_space<semaphore_mem>>
        %dma_start3A_90 = arith.constant 9984 : i32
        %dma_start3A_91 = arith.constant 0 : i32
        %dma_start3A_92 = tpu.memref_slice %arg11[%dma_start3A_90, %dma_start3A_91] : memref<10000x128xf32, #tpu.memory_space<vmem_shared>> -> memref<16x128xf32, #tpu.memory_space<vmem_shared>>
        %dma_start3A_93 = arith.constant 0 : i32
        %dma_start3A_94 = arith.constant 0 : i32
        %dma_start3A_95 = tpu.memref_slice %arg4[%dma_start3A_93, %dma_start3A_94] : memref<624x128xf32, #tpu.memory_space<hbm>> -> memref<16x128xf32, #tpu.memory_space<hbm>>
        tpu.enqueue_dma source(%dma_start3A_95 : memref<16x128xf32, #tpu.memory_space<hbm>>) target(%dma_start3A_92 : memref<16x128xf32, #tpu.memory_space<vmem_shared>>) target_semaphore(%run_scoped3A : memref<!tpu.dma_semaphore, #tpu.memory_space<semaphore_mem>>)
        %dma_wait3A_96 = arith.constant 9984 : i32
        %dma_wait3A_97 = arith.constant 0 : i32
        %dma_wait3A_98 = tpu.memref_slice %arg11[%dma_wait3A_96, %dma_wait3A_97] : memref<10000x128xf32, #tpu.memory_space<vmem_shared>> -> memref<16x128xf32, #tpu.memory_space<vmem_shared>>
        %dma_wait3A_99 = arith.constant 0 : i32
        %dma_wait3A_100 = arith.constant 0 : i32
        %dma_wait3A_101 = tpu.memref_slice %arg4[%dma_wait3A_99, %dma_wait3A_100] : memref<624x128xf32, #tpu.memory_space<hbm>> -> memref<16x128xf32, #tpu.memory_space<hbm>>
        tpu.wait_dma2 semaphore(%run_scoped3A : memref<!tpu.dma_semaphore, #tpu.memory_space<semaphore_mem>>) src(%dma_wait3A_101 : memref<16x128xf32, #tpu.memory_space<hbm>>) dst(%dma_wait3A_98 : memref<16x128xf32, #tpu.memory_space<vmem_shared>>)
        tpu.yield
      }) : () -> ()
    } else {
    }
    %barrier3A = arith.constant 0 : index
    tpu.barrier barrier_id(%barrier3A)
    %dma_wait3A = arith.constant 0 : i32
    %dma_wait3A_14 = tpu.memref_slice %arg2[%dma_wait3A] : memref<320000xi32, #tpu.memory_space<hbm>> -> memref<80xi32, #tpu.memory_space<hbm>>
    %dma_wait3A_15 = arith.constant 0 : i32
    %dma_wait3A_16 = tpu.memref_slice %arg2[%dma_wait3A_15] : memref<320000xi32, #tpu.memory_space<hbm>> -> memref<80xi32, #tpu.memory_space<hbm>>
    tpu.wait_dma2 semaphore(%arg12 : memref<!tpu.dma_semaphore, #tpu.memory_space<semaphore_mem>>) src(%dma_wait3A_16 : memref<80xi32, #tpu.memory_space<hbm>>) dst(%arg6 : memref<80xi32, #tpu.memory_space<vmem>>)
    %dma_start3A_17 = arith.constant 0 : i32
    %dma_start3A_18 = arith.constant 0 : i32
    %dma_start3A_19 = tpu.memref_slice %arg11[%dma_start3A_17, %dma_start3A_18] : memref<10000x128xf32, #tpu.memory_space<vmem_shared>> -> memref<10000x128xf32, #tpu.memory_space<vmem_shared>>
    tpu.enqueue_indirect_dma source(%arg10 : memref<80x128xf32, #tpu.memory_space<vmem>>) target(%dma_start3A_19 : memref<10000x128xf32, #tpu.memory_space<vmem_shared>>) offsets(%arg6 : memref<80xi32, #tpu.memory_space<vmem>>) semaphore(%arg16 : memref<!tpu.dma_semaphore, #tpu.memory_space<semaphore_mem>>) {add = true}
    %add3A_20 = arith.constant 160 : i32
    %add3A_21 = arith.addi %mul3A_2, %add3A_20 : i32
    %dma_start3A_22 = tpu.memref_slice %arg2[%add3A_21] : memref<320000xi32, #tpu.memory_space<hbm>> -> memref<80xi32, #tpu.memory_space<hbm>>
    %dma_start3A_23 = tpu.memref_slice %arg2[%add3A_21] : memref<320000xi32, #tpu.memory_space<hbm>> -> memref<80xi32, #tpu.memory_space<hbm>>
    tpu.enqueue_dma source(%dma_start3A_23 : memref<80xi32, #tpu.memory_space<hbm>>) target(%arg8 : memref<80xi32, #tpu.memory_space<vmem>>) target_semaphore(%arg14 : memref<!tpu.dma_semaphore, #tpu.memory_space<semaphore_mem>>)
    %dma_wait3A_24 = arith.constant 0 : i32
    %dma_wait3A_25 = tpu.memref_slice %arg2[%dma_wait3A_24] : memref<320000xi32, #tpu.memory_space<hbm>> -> memref<80xi32, #tpu.memory_space<hbm>>
    %dma_wait3A_26 = arith.constant 0 : i32
    %dma_wait3A_27 = tpu.memref_slice %arg2[%dma_wait3A_26] : memref<320000xi32, #tpu.memory_space<hbm>> -> memref<80xi32, #tpu.memory_space<hbm>>
    tpu.wait_dma2 semaphore(%arg13 : memref<!tpu.dma_semaphore, #tpu.memory_space<semaphore_mem>>) src(%dma_wait3A_27 : memref<80xi32, #tpu.memory_space<hbm>>) dst(%arg7 : memref<80xi32, #tpu.memory_space<vmem>>)
    %dma_start3A_28 = arith.constant 0 : i32
    %dma_start3A_29 = arith.constant 0 : i32
    %dma_start3A_30 = tpu.memref_slice %arg11[%dma_start3A_28, %dma_start3A_29] : memref<10000x128xf32, #tpu.memory_space<vmem_shared>> -> memref<10000x128xf32, #tpu.memory_space<vmem_shared>>
    tpu.enqueue_indirect_dma source(%arg10 : memref<80x128xf32, #tpu.memory_space<vmem>>) target(%dma_start3A_30 : memref<10000x128xf32, #tpu.memory_space<vmem_shared>>) offsets(%arg7 : memref<80xi32, #tpu.memory_space<vmem>>) semaphore(%arg17 : memref<!tpu.dma_semaphore, #tpu.memory_space<semaphore_mem>>) {add = true}
    %add3A_31 = arith.constant 240 : i32
    %add3A_32 = arith.addi %mul3A_2, %add3A_31 : i32
    %dma_start3A_33 = tpu.memref_slice %arg2[%add3A_32] : memref<320000xi32, #tpu.memory_space<hbm>> -> memref<80xi32, #tpu.memory_space<hbm>>
    %dma_start3A_34 = tpu.memref_slice %arg2[%add3A_32] : memref<320000xi32, #tpu.memory_space<hbm>> -> memref<80xi32, #tpu.memory_space<hbm>>
    tpu.enqueue_dma source(%dma_start3A_34 : memref<80xi32, #tpu.memory_space<hbm>>) target(%arg9 : memref<80xi32, #tpu.memory_space<vmem>>) target_semaphore(%arg15 : memref<!tpu.dma_semaphore, #tpu.memory_space<semaphore_mem>>)
    %scan3A = arith.constant 0 : i32
    %scan3A_35 = arith.constant 0 : i32
    %scan3A_36 = arith.constant 30 : i32
    %scan3A_37 = arith.addi %scan3A_35, %scan3A_36 : i32
    %scan3A_38 = arith.constant 1 : i32
    scf.for %scan3A_90 = %scan3A_35 to %scan3A_37 step %scan3A_38  : i32 {
      %mul3A_91 = arith.constant 4 : i32
      %mul3A_92 = arith.muli %mul3A_91, %scan3A_90 : i32
      %add3A_93 = arith.constant 2 : i32
      %add3A_94 = arith.addi %add3A_93, %mul3A_92 : i32
      %dma_wait3A_95 = arith.constant 0 : i32
      %dma_wait3A_96 = tpu.memref_slice %arg2[%dma_wait3A_95] : memref<320000xi32, #tpu.memory_space<hbm>> -> memref<80xi32, #tpu.memory_space<hbm>>
      %dma_wait3A_97 = arith.constant 0 : i32
      %dma_wait3A_98 = tpu.memref_slice %arg2[%dma_wait3A_97] : memref<320000xi32, #tpu.memory_space<hbm>> -> memref<80xi32, #tpu.memory_space<hbm>>
      tpu.wait_dma2 semaphore(%arg14 : memref<!tpu.dma_semaphore, #tpu.memory_space<semaphore_mem>>) src(%dma_wait3A_98 : memref<80xi32, #tpu.memory_space<hbm>>) dst(%arg8 : memref<80xi32, #tpu.memory_space<vmem>>)
      %dma_wait3A_99 = arith.constant 0 : i32
      %dma_wait3A_100 = arith.constant 0 : i32
      %dma_wait3A_101 = tpu.memref_slice %arg11[%dma_wait3A_99, %dma_wait3A_100] : memref<10000x128xf32, #tpu.memory_space<vmem_shared>> -> memref<10000x128xf32, #tpu.memory_space<vmem_shared>>
      tpu.wait_indirect_dma semaphore(%arg16 : memref<!tpu.dma_semaphore, #tpu.memory_space<semaphore_mem>>) src(%arg10 : memref<80x128xf32, #tpu.memory_space<vmem>>) dst(%dma_wait3A_101 : memref<10000x128xf32, #tpu.memory_space<vmem_shared>>)
      %dma_start3A_102 = arith.constant 0 : i32
      %dma_start3A_103 = arith.constant 0 : i32
      %dma_start3A_104 = tpu.memref_slice %arg11[%dma_start3A_102, %dma_start3A_103] : memref<10000x128xf32, #tpu.memory_space<vmem_shared>> -> memref<10000x128xf32, #tpu.memory_space<vmem_shared>>
      tpu.enqueue_indirect_dma source(%arg10 : memref<80x128xf32, #tpu.memory_space<vmem>>) target(%dma_start3A_104 : memref<10000x128xf32, #tpu.memory_space<vmem_shared>>) offsets(%arg8 : memref<80xi32, #tpu.memory_space<vmem>>) semaphore(%arg18 : memref<!tpu.dma_semaphore, #tpu.memory_space<semaphore_mem>>) {add = true}
      %add3A_105 = arith.constant 2 : i32
      %add3A_106 = arith.addi %add3A_94, %add3A_105 : i32
      %mul3A_107 = arith.constant 80 : i32
      %mul3A_108 = arith.muli %add3A_106, %mul3A_107 : i32
      %add3A_109 = arith.addi %mul3A_2, %mul3A_108 : i32
      %dma_start3A_110 = tpu.memref_slice %arg2[%add3A_109] : memref<320000xi32, #tpu.memory_space<hbm>> -> memref<80xi32, #tpu.memory_space<hbm>>
      %dma_start3A_111 = tpu.memref_slice %arg2[%add3A_109] : memref<320000xi32, #tpu.memory_space<hbm>> -> memref<80xi32, #tpu.memory_space<hbm>>
      tpu.enqueue_dma source(%dma_start3A_111 : memref<80xi32, #tpu.memory_space<hbm>>) target(%arg6 : memref<80xi32, #tpu.memory_space<vmem>>) target_semaphore(%arg12 : memref<!tpu.dma_semaphore, #tpu.memory_space<semaphore_mem>>)
      %add3A_112 = arith.constant 1 : i32
      %add3A_113 = arith.addi %add3A_94, %add3A_112 : i32
      %dma_wait3A_114 = arith.constant 0 : i32
      %dma_wait3A_115 = tpu.memref_slice %arg2[%dma_wait3A_114] : memref<320000xi32, #tpu.memory_space<hbm>> -> memref<80xi32, #tpu.memory_space<hbm>>
      %dma_wait3A_116 = arith.constant 0 : i32
      %dma_wait3A_117 = tpu.memref_slice %arg2[%dma_wait3A_116] : memref<320000xi32, #tpu.memory_space<hbm>> -> memref<80xi32, #tpu.memory_space<hbm>>
      tpu.wait_dma2 semaphore(%arg15 : memref<!tpu.dma_semaphore, #tpu.memory_space<semaphore_mem>>) src(%dma_wait3A_117 : memref<80xi32, #tpu.memory_space<hbm>>) dst(%arg9 : memref<80xi32, #tpu.memory_space<vmem>>)
      %dma_wait3A_118 = arith.constant 0 : i32
      %dma_wait3A_119 = arith.constant 0 : i32
      %dma_wait3A_120 = tpu.memref_slice %arg11[%dma_wait3A_118, %dma_wait3A_119] : memref<10000x128xf32, #tpu.memory_space<vmem_shared>> -> memref<10000x128xf32, #tpu.memory_space<vmem_shared>>
      tpu.wait_indirect_dma semaphore(%arg17 : memref<!tpu.dma_semaphore, #tpu.memory_space<semaphore_mem>>) src(%arg10 : memref<80x128xf32, #tpu.memory_space<vmem>>) dst(%dma_wait3A_120 : memref<10000x128xf32, #tpu.memory_space<vmem_shared>>)
      %dma_start3A_121 = arith.constant 0 : i32
      %dma_start3A_122 = arith.constant 0 : i32
      %dma_start3A_123 = tpu.memref_slice %arg11[%dma_start3A_121, %dma_start3A_122] : memref<10000x128xf32, #tpu.memory_space<vmem_shared>> -> memref<10000x128xf32, #tpu.memory_space<vmem_shared>>
      tpu.enqueue_indirect_dma source(%arg10 : memref<80x128xf32, #tpu.memory_space<vmem>>) target(%dma_start3A_123 : memref<10000x128xf32, #tpu.memory_space<vmem_shared>>) offsets(%arg9 : memref<80xi32, #tpu.memory_space<vmem>>) semaphore(%arg19 : memref<!tpu.dma_semaphore, #tpu.memory_space<semaphore_mem>>) {add = true}
      %add3A_124 = arith.constant 2 : i32
      %add3A_125 = arith.addi %add3A_113, %add3A_124 : i32
      %mul3A_126 = arith.constant 80 : i32
      %mul3A_127 = arith.muli %add3A_125, %mul3A_126 : i32
      %add3A_128 = arith.addi %mul3A_2, %mul3A_127 : i32
      %dma_start3A_129 = tpu.memref_slice %arg2[%add3A_128] : memref<320000xi32, #tpu.memory_space<hbm>> -> memref<80xi32, #tpu.memory_space<hbm>>
      %dma_start3A_130 = tpu.memref_slice %arg2[%add3A_128] : memref<320000xi32, #tpu.memory_space<hbm>> -> memref<80xi32, #tpu.memory_space<hbm>>
      tpu.enqueue_dma source(%dma_start3A_130 : memref<80xi32, #tpu.memory_space<hbm>>) target(%arg7 : memref<80xi32, #tpu.memory_space<vmem>>) target_semaphore(%arg13 : memref<!tpu.dma_semaphore, #tpu.memory_space<semaphore_mem>>)
      %add3A_131 = arith.constant 2 : i32
      %add3A_132 = arith.addi %add3A_94, %add3A_131 : i32
      %dma_wait3A_133 = arith.constant 0 : i32
      %dma_wait3A_134 = tpu.memref_slice %arg2[%dma_wait3A_133] : memref<320000xi32, #tpu.memory_space<hbm>> -> memref<80xi32, #tpu.memory_space<hbm>>
      %dma_wait3A_135 = arith.constant 0 : i32
      %dma_wait3A_136 = tpu.memref_slice %arg2[%dma_wait3A_135] : memref<320000xi32, #tpu.memory_space<hbm>> -> memref<80xi32, #tpu.memory_space<hbm>>
      tpu.wait_dma2 semaphore(%arg12 : memref<!tpu.dma_semaphore, #tpu.memory_space<semaphore_mem>>) src(%dma_wait3A_136 : memref<80xi32, #tpu.memory_space<hbm>>) dst(%arg6 : memref<80xi32, #tpu.memory_space<vmem>>)
      %dma_wait3A_137 = arith.constant 0 : i32
      %dma_wait3A_138 = arith.constant 0 : i32
      %dma_wait3A_139 = tpu.memref_slice %arg11[%dma_wait3A_137, %dma_wait3A_138] : memref<10000x128xf32, #tpu.memory_space<vmem_shared>> -> memref<10000x128xf32, #tpu.memory_space<vmem_shared>>
      tpu.wait_indirect_dma semaphore(%arg18 : memref<!tpu.dma_semaphore, #tpu.memory_space<semaphore_mem>>) src(%arg10 : memref<80x128xf32, #tpu.memory_space<vmem>>) dst(%dma_wait3A_139 : memref<10000x128xf32, #tpu.memory_space<vmem_shared>>)
      %dma_start3A_140 = arith.constant 0 : i32
      %dma_start3A_141 = arith.constant 0 : i32
      %dma_start3A_142 = tpu.memref_slice %arg11[%dma_start3A_140, %dma_start3A_141] : memref<10000x128xf32, #tpu.memory_space<vmem_shared>> -> memref<10000x128xf32, #tpu.memory_space<vmem_shared>>
      tpu.enqueue_indirect_dma source(%arg10 : memref<80x128xf32, #tpu.memory_space<vmem>>) target(%dma_start3A_142 : memref<10000x128xf32, #tpu.memory_space<vmem_shared>>) offsets(%arg6 : memref<80xi32, #tpu.memory_space<vmem>>) semaphore(%arg16 : memref<!tpu.dma_semaphore, #tpu.memory_space<semaphore_mem>>) {add = true}
      %add3A_143 = arith.constant 2 : i32
      %add3A_144 = arith.addi %add3A_132, %add3A_143 : i32
      %mul3A_145 = arith.constant 80 : i32
      %mul3A_146 = arith.muli %add3A_144, %mul3A_145 : i32
      %add3A_147 = arith.addi %mul3A_2, %mul3A_146 : i32
      %dma_start3A_148 = tpu.memref_slice %arg2[%add3A_147] : memref<320000xi32, #tpu.memory_space<hbm>> -> memref<80xi32, #tpu.memory_space<hbm>>
      %dma_start3A_149 = tpu.memref_slice %arg2[%add3A_147] : memref<320000xi32, #tpu.memory_space<hbm>> -> memref<80xi32, #tpu.memory_space<hbm>>
      tpu.enqueue_dma source(%dma_start3A_149 : memref<80xi32, #tpu.memory_space<hbm>>) target(%arg8 : memref<80xi32, #tpu.memory_space<vmem>>) target_semaphore(%arg14 : memref<!tpu.dma_semaphore, #tpu.memory_space<semaphore_mem>>)
      %add3A_150 = arith.constant 3 : i32
      %add3A_151 = arith.addi %add3A_94, %add3A_150 : i32
      %dma_wait3A_152 = arith.constant 0 : i32
      %dma_wait3A_153 = tpu.memref_slice %arg2[%dma_wait3A_152] : memref<320000xi32, #tpu.memory_space<hbm>> -> memref<80xi32, #tpu.memory_space<hbm>>
      %dma_wait3A_154 = arith.constant 0 : i32
      %dma_wait3A_155 = tpu.memref_slice %arg2[%dma_wait3A_154] : memref<320000xi32, #tpu.memory_space<hbm>> -> memref<80xi32, #tpu.memory_space<hbm>>
      tpu.wait_dma2 semaphore(%arg13 : memref<!tpu.dma_semaphore, #tpu.memory_space<semaphore_mem>>) src(%dma_wait3A_155 : memref<80xi32, #tpu.memory_space<hbm>>) dst(%arg7 : memref<80xi32, #tpu.memory_space<vmem>>)
      %dma_wait3A_156 = arith.constant 0 : i32
      %dma_wait3A_157 = arith.constant 0 : i32
      %dma_wait3A_158 = tpu.memref_slice %arg11[%dma_wait3A_156, %dma_wait3A_157] : memref<10000x128xf32, #tpu.memory_space<vmem_shared>> -> memref<10000x128xf32, #tpu.memory_space<vmem_shared>>
      tpu.wait_indirect_dma semaphore(%arg19 : memref<!tpu.dma_semaphore, #tpu.memory_space<semaphore_mem>>) src(%arg10 : memref<80x128xf32, #tpu.memory_space<vmem>>) dst(%dma_wait3A_158 : memref<10000x128xf32, #tpu.memory_space<vmem_shared>>)
      %dma_start3A_159 = arith.constant 0 : i32
      %dma_start3A_160 = arith.constant 0 : i32
      %dma_start3A_161 = tpu.memref_slice %arg11[%dma_start3A_159, %dma_start3A_160] : memref<10000x128xf32, #tpu.memory_space<vmem_shared>> -> memref<10000x128xf32, #tpu.memory_space<vmem_shared>>
      tpu.enqueue_indirect_dma source(%arg10 : memref<80x128xf32, #tpu.memory_space<vmem>>) target(%dma_start3A_161 : memref<10000x128xf32, #tpu.memory_space<vmem_shared>>) offsets(%arg7 : memref<80xi32, #tpu.memory_space<vmem>>) semaphore(%arg17 : memref<!tpu.dma_semaphore, #tpu.memory_space<semaphore_mem>>) {add = true}
      %add3A_162 = arith.constant 2 : i32
      %add3A_163 = arith.addi %add3A_151, %add3A_162 : i32
      %mul3A_164 = arith.constant 80 : i32
      %mul3A_165 = arith.muli %add3A_163, %mul3A_164 : i32
      %add3A_166 = arith.addi %mul3A_2, %mul3A_165 : i32
      %dma_start3A_167 = tpu.memref_slice %arg2[%add3A_166] : memref<320000xi32, #tpu.memory_space<hbm>> -> memref<80xi32, #tpu.memory_space<hbm>>
      %dma_start3A_168 = tpu.memref_slice %arg2[%add3A_166] : memref<320000xi32, #tpu.memory_space<hbm>> -> memref<80xi32, #tpu.memory_space<hbm>>
      tpu.enqueue_dma source(%dma_start3A_168 : memref<80xi32, #tpu.memory_space<hbm>>) target(%arg9 : memref<80xi32, #tpu.memory_space<vmem>>) target_semaphore(%arg15 : memref<!tpu.dma_semaphore, #tpu.memory_space<semaphore_mem>>)
    }
    %scan3A_39 = arith.constant 30 : i32
    %dma_wait3A_40 = arith.constant 0 : i32
    %dma_wait3A_41 = tpu.memref_slice %arg2[%dma_wait3A_40] : memref<320000xi32, #tpu.memory_space<hbm>> -> memref<80xi32, #tpu.memory_space<hbm>>
    %dma_wait3A_42 = arith.constant 0 : i32
    %dma_wait3A_43 = tpu.memref_slice %arg2[%dma_wait3A_42] : memref<320000xi32, #tpu.memory_space<hbm>> -> memref<80xi32, #tpu.memory_space<hbm>>
    tpu.wait_dma2 semaphore(%arg14 : memref<!tpu.dma_semaphore, #tpu.memory_space<semaphore_mem>>) src(%dma_wait3A_43 : memref<80xi32, #tpu.memory_space<hbm>>) dst(%arg8 : memref<80xi32, #tpu.memory_space<vmem>>)
    %dma_wait3A_44 = arith.constant 0 : i32
    %dma_wait3A_45 = arith.constant 0 : i32
    %dma_wait3A_46 = tpu.memref_slice %arg11[%dma_wait3A_44, %dma_wait3A_45] : memref<10000x128xf32, #tpu.memory_space<vmem_shared>> -> memref<10000x128xf32, #tpu.memory_space<vmem_shared>>
    tpu.wait_indirect_dma semaphore(%arg16 : memref<!tpu.dma_semaphore, #tpu.memory_space<semaphore_mem>>) src(%arg10 : memref<80x128xf32, #tpu.memory_space<vmem>>) dst(%dma_wait3A_46 : memref<10000x128xf32, #tpu.memory_space<vmem_shared>>)
    %dma_start3A_47 = arith.constant 0 : i32
    %dma_start3A_48 = arith.constant 0 : i32
    %dma_start3A_49 = tpu.memref_slice %arg11[%dma_start3A_47, %dma_start3A_48] : memref<10000x128xf32, #tpu.memory_space<vmem_shared>> -> memref<10000x128xf32, #tpu.memory_space<vmem_shared>>
    tpu.enqueue_indirect_dma source(%arg10 : memref<80x128xf32, #tpu.memory_space<vmem>>) target(%dma_start3A_49 : memref<10000x128xf32, #tpu.memory_space<vmem_shared>>) offsets(%arg8 : memref<80xi32, #tpu.memory_space<vmem>>) semaphore(%arg18 : memref<!tpu.dma_semaphore, #tpu.memory_space<semaphore_mem>>) {add = true}
    %add3A_50 = arith.constant 9920 : i32
    %add3A_51 = arith.addi %mul3A_2, %add3A_50 : i32
    %dma_start3A_52 = tpu.memref_slice %arg2[%add3A_51] : memref<320000xi32, #tpu.memory_space<hbm>> -> memref<80xi32, #tpu.memory_space<hbm>>
    %dma_start3A_53 = tpu.memref_slice %arg2[%add3A_51] : memref<320000xi32, #tpu.memory_space<hbm>> -> memref<80xi32, #tpu.memory_space<hbm>>
    tpu.enqueue_dma source(%dma_start3A_53 : memref<80xi32, #tpu.memory_space<hbm>>) target(%arg6 : memref<80xi32, #tpu.memory_space<vmem>>) target_semaphore(%arg12 : memref<!tpu.dma_semaphore, #tpu.memory_space<semaphore_mem>>)
    %dma_wait3A_54 = arith.constant 0 : i32
    %dma_wait3A_55 = tpu.memref_slice %arg2[%dma_wait3A_54] : memref<320000xi32, #tpu.memory_space<hbm>> -> memref<80xi32, #tpu.memory_space<hbm>>
    %dma_wait3A_56 = arith.constant 0 : i32
    %dma_wait3A_57 = tpu.memref_slice %arg2[%dma_wait3A_56] : memref<320000xi32, #tpu.memory_space<hbm>> -> memref<80xi32, #tpu.memory_space<hbm>>
    tpu.wait_dma2 semaphore(%arg15 : memref<!tpu.dma_semaphore, #tpu.memory_space<semaphore_mem>>) src(%dma_wait3A_57 : memref<80xi32, #tpu.memory_space<hbm>>) dst(%arg9 : memref<80xi32, #tpu.memory_space<vmem>>)
    %dma_wait3A_58 = arith.constant 0 : i32
    %dma_wait3A_59 = arith.constant 0 : i32
    %dma_wait3A_60 = tpu.memref_slice %arg11[%dma_wait3A_58, %dma_wait3A_59] : memref<10000x128xf32, #tpu.memory_space<vmem_shared>> -> memref<10000x128xf32, #tpu.memory_space<vmem_shared>>
    tpu.wait_indirect_dma semaphore(%arg17 : memref<!tpu.dma_semaphore, #tpu.memory_space<semaphore_mem>>) src(%arg10 : memref<80x128xf32, #tpu.memory_space<vmem>>) dst(%dma_wait3A_60 : memref<10000x128xf32, #tpu.memory_space<vmem_shared>>)
    %dma_start3A_61 = arith.constant 0 : i32
    %dma_start3A_62 = arith.constant 0 : i32
    %dma_start3A_63 = tpu.memref_slice %arg11[%dma_start3A_61, %dma_start3A_62] : memref<10000x128xf32, #tpu.memory_space<vmem_shared>> -> memref<10000x128xf32, #tpu.memory_space<vmem_shared>>
    tpu.enqueue_indirect_dma source(%arg10 : memref<80x128xf32, #tpu.memory_space<vmem>>) target(%dma_start3A_63 : memref<10000x128xf32, #tpu.memory_space<vmem_shared>>) offsets(%arg9 : memref<80xi32, #tpu.memory_space<vmem>>) semaphore(%arg19 : memref<!tpu.dma_semaphore, #tpu.memory_space<semaphore_mem>>) {add = true}
    %dma_wait3A_64 = arith.constant 0 : i32
    %dma_wait3A_65 = tpu.memref_slice %arg2[%dma_wait3A_64] : memref<320000xi32, #tpu.memory_space<hbm>> -> memref<80xi32, #tpu.memory_space<hbm>>
    %dma_wait3A_66 = arith.constant 0 : i32
    %dma_wait3A_67 = tpu.memref_slice %arg2[%dma_wait3A_66] : memref<320000xi32, #tpu.memory_space<hbm>> -> memref<80xi32, #tpu.memory_space<hbm>>
    tpu.wait_dma2 semaphore(%arg12 : memref<!tpu.dma_semaphore, #tpu.memory_space<semaphore_mem>>) src(%dma_wait3A_67 : memref<80xi32, #tpu.memory_space<hbm>>) dst(%arg6 : memref<80xi32, #tpu.memory_space<vmem>>)
    %dma_wait3A_68 = arith.constant 0 : i32
    %dma_wait3A_69 = arith.constant 0 : i32
    %dma_wait3A_70 = tpu.memref_slice %arg11[%dma_wait3A_68, %dma_wait3A_69] : memref<10000x128xf32, #tpu.memory_space<vmem_shared>> -> memref<10000x128xf32, #tpu.memory_space<vmem_shared>>
    tpu.wait_indirect_dma semaphore(%arg18 : memref<!tpu.dma_semaphore, #tpu.memory_space<semaphore_mem>>) src(%arg10 : memref<80x128xf32, #tpu.memory_space<vmem>>) dst(%dma_wait3A_70 : memref<10000x128xf32, #tpu.memory_space<vmem_shared>>)
    %dma_start3A_71 = arith.constant 0 : i32
    %dma_start3A_72 = arith.constant 0 : i32
    %dma_start3A_73 = tpu.memref_slice %arg11[%dma_start3A_71, %dma_start3A_72] : memref<10000x128xf32, #tpu.memory_space<vmem_shared>> -> memref<10000x128xf32, #tpu.memory_space<vmem_shared>>
    tpu.enqueue_indirect_dma source(%arg10 : memref<80x128xf32, #tpu.memory_space<vmem>>) target(%dma_start3A_73 : memref<10000x128xf32, #tpu.memory_space<vmem_shared>>) offsets(%arg6 : memref<80xi32, #tpu.memory_space<vmem>>) semaphore(%arg16 : memref<!tpu.dma_semaphore, #tpu.memory_space<semaphore_mem>>) {add = true}
    %dma_wait3A_74 = arith.constant 0 : i32
    %dma_wait3A_75 = arith.constant 0 : i32
    %dma_wait3A_76 = tpu.memref_slice %arg11[%dma_wait3A_74, %dma_wait3A_75] : memref<10000x128xf32, #tpu.memory_space<vmem_shared>> -> memref<10000x128xf32, #tpu.memory_space<vmem_shared>>
    tpu.wait_indirect_dma semaphore(%arg19 : memref<!tpu.dma_semaphore, #tpu.memory_space<semaphore_mem>>) src(%arg10 : memref<80x128xf32, #tpu.memory_space<vmem>>) dst(%dma_wait3A_76 : memref<10000x128xf32, #tpu.memory_space<vmem_shared>>)
    %dma_wait3A_77 = arith.constant 0 : i32
    %dma_wait3A_78 = arith.constant 0 : i32
    %dma_wait3A_79 = tpu.memref_slice %arg11[%dma_wait3A_77, %dma_wait3A_78] : memref<10000x128xf32, #tpu.memory_space<vmem_shared>> -> memref<10000x128xf32, #tpu.memory_space<vmem_shared>>
    tpu.wait_indirect_dma semaphore(%arg16 : memref<!tpu.dma_semaphore, #tpu.memory_space<semaphore_mem>>) src(%arg10 : memref<80x128xf32, #tpu.memory_space<vmem>>) dst(%dma_wait3A_79 : memref<10000x128xf32, #tpu.memory_space<vmem_shared>>)
    %barrier3A_80 = arith.constant 0 : index
    tpu.barrier barrier_id(%barrier3A_80)
    %mul3A_81 = arith.constant 624 : i32
    %mul3A_82 = arith.muli %arg1, %mul3A_81 : i32
    %mul3A_83 = arith.constant 624 : i32
    %mul3A_84 = arith.muli %arg1, %mul3A_83 : i32
    "tpu.region"() ({
      %run_scoped3A = tpu.sem_alloc : memref<!tpu.dma_semaphore, #tpu.memory_space<semaphore_mem>>
      %dma_start3A_90 = arith.constant 0 : i32
      %dma_start3A_91 = tpu.memref_slice %arg5[%arg0, %mul3A_84, %dma_start3A_90] : memref<2x10000x128xf32, #tpu.memory_space<hbm>> -> memref<1x624x128xf32, #tpu.memory_space<hbm>>
      %dma_start3A_92 = tpu.memref_squeeze %dma_start3A_91 : memref<1x624x128xf32, #tpu.memory_space<hbm>> -> memref<624x128xf32, #tpu.memory_space<hbm>>
      %dma_start3A_93 = arith.constant 0 : i32
      %dma_start3A_94 = tpu.memref_slice %arg11[%mul3A_82, %dma_start3A_93] : memref<10000x128xf32, #tpu.memory_space<vmem_shared>> -> memref<624x128xf32, #tpu.memory_space<vmem_shared>>
      tpu.enqueue_dma source(%dma_start3A_94 : memref<624x128xf32, #tpu.memory_space<vmem_shared>>) target(%dma_start3A_92 : memref<624x128xf32, #tpu.memory_space<hbm>>) target_semaphore(%run_scoped3A : memref<!tpu.dma_semaphore, #tpu.memory_space<semaphore_mem>>)
      %dma_wait3A_95 = arith.constant 0 : i32
      %dma_wait3A_96 = tpu.memref_slice %arg5[%arg0, %mul3A_84, %dma_wait3A_95] : memref<2x10000x128xf32, #tpu.memory_space<hbm>> -> memref<1x624x128xf32, #tpu.memory_space<hbm>>
      %dma_wait3A_97 = tpu.memref_squeeze %dma_wait3A_96 : memref<1x624x128xf32, #tpu.memory_space<hbm>> -> memref<624x128xf32, #tpu.memory_space<hbm>>
      %dma_wait3A_98 = arith.constant 0 : i32
      %dma_wait3A_99 = tpu.memref_slice %arg11[%mul3A_82, %dma_wait3A_98] : memref<10000x128xf32, #tpu.memory_space<vmem_shared>> -> memref<624x128xf32, #tpu.memory_space<vmem_shared>>
      tpu.wait_dma2 semaphore(%run_scoped3A : memref<!tpu.dma_semaphore, #tpu.memory_space<semaphore_mem>>) src(%dma_wait3A_99 : memref<624x128xf32, #tpu.memory_space<vmem_shared>>) dst(%dma_wait3A_97 : memref<624x128xf32, #tpu.memory_space<hbm>>)
      tpu.yield
    }) : () -> ()
    %eq3A_85 = arith.constant 0 : i32
    %eq3A_86 = arith.cmpi eq, %arg1, %eq3A_85 : i32
    %convert_element_type3A_87 = arith.extui %eq3A_86 : i1 to i32
    %cond3A_88 = arith.constant 0 : i32
    %cond3A_89 = arith.cmpi ne, %convert_element_type3A_87, %cond3A_88 : i32
    scf.if %cond3A_89 {
      "tpu.region"() ({
        %run_scoped3A = tpu.sem_alloc : memref<!tpu.dma_semaphore, #tpu.memory_space<semaphore_mem>>
        %dma_start3A_90 = arith.constant 9984 : i32
        %dma_start3A_91 = arith.constant 0 : i32
        %dma_start3A_92 = tpu.memref_slice %arg5[%arg0, %dma_start3A_90, %dma_start3A_91] : memref<2x10000x128xf32, #tpu.memory_space<hbm>> -> memref<1x16x128xf32, #tpu.memory_space<hbm>>
        %dma_start3A_93 = tpu.memref_squeeze %dma_start3A_92 : memref<1x16x128xf32, #tpu.memory_space<hbm>> -> memref<16x128xf32, #tpu.memory_space<hbm>>
        %dma_start3A_94 = arith.constant 9984 : i32
        %dma_start3A_95 = arith.constant 0 : i32
        %dma_start3A_96 = tpu.memref_slice %arg11[%dma_start3A_94, %dma_start3A_95] : memref<10000x128xf32, #tpu.memory_space<vmem_shared>> -> memref<16x128xf32, #tpu.memory_space<vmem_shared>>
        tpu.enqueue_dma source(%dma_start3A_96 : memref<16x128xf32, #tpu.memory_space<vmem_shared>>) target(%dma_start3A_93 : memref<16x128xf32, #tpu.memory_space<hbm>>) target_semaphore(%run_scoped3A : memref<!tpu.dma_semaphore, #tpu.memory_space<semaphore_mem>>)
        %dma_wait3A_97 = arith.constant 9984 : i32
        %dma_wait3A_98 = arith.constant 0 : i32
        %dma_wait3A_99 = tpu.memref_slice %arg5[%arg0, %dma_wait3A_97, %dma_wait3A_98] : memref<2x10000x128xf32, #tpu.memory_space<hbm>> -> memref<1x16x128xf32, #tpu.memory_space<hbm>>
        %dma_wait3A_100 = tpu.memref_squeeze %dma_wait3A_99 : memref<1x16x128xf32, #tpu.memory_space<hbm>> -> memref<16x128xf32, #tpu.memory_space<hbm>>
        %dma_wait3A_101 = arith.constant 9984 : i32
        %dma_wait3A_102 = arith.constant 0 : i32
        %dma_wait3A_103 = tpu.memref_slice %arg11[%dma_wait3A_101, %dma_wait3A_102] : memref<10000x128xf32, #tpu.memory_space<vmem_shared>> -> memref<16x128xf32, #tpu.memory_space<vmem_shared>>
        tpu.wait_dma2 semaphore(%run_scoped3A : memref<!tpu.dma_semaphore, #tpu.memory_space<semaphore_mem>>) src(%dma_wait3A_103 : memref<16x128xf32, #tpu.memory_space<vmem_shared>>) dst(%dma_wait3A_100 : memref<16x128xf32, #tpu.memory_space<hbm>>)
        tpu.yield
      }) : () -> ()
    } else {
    }
    return
  }
}

#map = affine_map<(d0, d1) -> (0)>
#map1 = affine_map<(d0, d1) -> (0, 0)>
#map2 = affine_map<(d0, d1) -> (0, 0, 0)>
module attributes {stable_mosaic.version = 14 : i64} {
  func.func @edge_scatter(%arg0: i32, %arg1: i32, %arg2: memref<320000xi32, #tpu.memory_space<hbm>>, %arg3: memref<320000xi32, #tpu.memory_space<hbm>>, %arg4: memref<10000x128xf32, #tpu.memory_space<hbm>>, %arg5: memref<624x128xf32, #tpu.memory_space<hbm>>, %arg6: memref<2x10000x128xf32, #tpu.memory_space<hbm>>, %arg7: memref<80xi32, #tpu.memory_space<vmem>>, %arg8: memref<80xi32, #tpu.memory_space<vmem>>, %arg9: memref<80xi32, #tpu.memory_space<vmem>>, %arg10: memref<80xi32, #tpu.memory_space<vmem>>, %arg11: memref<80xi32, #tpu.memory_space<vmem>>, %arg12: memref<80xi32, #tpu.memory_space<vmem>>, %arg13: memref<80xi32, #tpu.memory_space<vmem>>, %arg14: memref<80xi32, #tpu.memory_space<vmem>>, %arg15: memref<80x128xf32, #tpu.memory_space<vmem>>, %arg16: memref<80x128xf32, #tpu.memory_space<vmem>>, %arg17: memref<80x128xf32, #tpu.memory_space<vmem>>, %arg18: memref<80x128xf32, #tpu.memory_space<vmem>>, %arg19: memref<10000x128xf32, #tpu.memory_space<vmem_shared>>, %arg20: memref<!tpu.dma_semaphore, #tpu.memory_space<semaphore_mem>>, %arg21: memref<!tpu.dma_semaphore, #tpu.memory_space<semaphore_mem>>, %arg22: memref<!tpu.dma_semaphore, #tpu.memory_space<semaphore_mem>>, %arg23: memref<!tpu.dma_semaphore, #tpu.memory_space<semaphore_mem>>, %arg24: memref<!tpu.dma_semaphore, #tpu.memory_space<semaphore_mem>>, %arg25: memref<!tpu.dma_semaphore, #tpu.memory_space<semaphore_mem>>, %arg26: memref<!tpu.dma_semaphore, #tpu.memory_space<semaphore_mem>>, %arg27: memref<!tpu.dma_semaphore, #tpu.memory_space<semaphore_mem>>, %arg28: memref<!tpu.dma_semaphore, #tpu.memory_space<semaphore_mem>>) attributes {dimension_semantics = [#tpu.dimension_semantics<core_parallel>, #tpu.dimension_semantics<subcore_parallel>], iteration_bounds = array<i64: 2, 16>, scalar_prefetch = 0 : i64, scratch_operands = 22 : i64, tpu.core_type = #tpu.core_type<sc_vector_subcore>, window_params = [{transform_indices = #map}, {transform_indices = #map}, {transform_indices = #map1}, {transform_indices = #map1}, {transform_indices = #map2}]} {
    %mul3A = arith.constant 16 : i32
    %mul3A_0 = arith.muli %arg0, %mul3A : i32
    %add3A = arith.addi %mul3A_0, %arg1 : i32
    %mul3A_1 = arith.constant 10000 : i32
    %mul3A_2 = arith.muli %add3A, %mul3A_1 : i32
    %add3A_3 = arith.constant 0 : i32
    %add3A_4 = arith.addi %mul3A_2, %add3A_3 : i32
    %dma_start3A = tpu.memref_slice %arg2[%add3A_4] : memref<320000xi32, #tpu.memory_space<hbm>> -> memref<80xi32, #tpu.memory_space<hbm>>
    %dma_start3A_5 = tpu.memref_slice %arg2[%add3A_4] : memref<320000xi32, #tpu.memory_space<hbm>> -> memref<80xi32, #tpu.memory_space<hbm>>
    tpu.enqueue_dma source(%dma_start3A_5 : memref<80xi32, #tpu.memory_space<hbm>>) target(%arg7 : memref<80xi32, #tpu.memory_space<vmem>>) target_semaphore(%arg20 : memref<!tpu.dma_semaphore, #tpu.memory_space<semaphore_mem>>)
    %dma_start3A_6 = tpu.memref_slice %arg3[%add3A_4] : memref<320000xi32, #tpu.memory_space<hbm>> -> memref<80xi32, #tpu.memory_space<hbm>>
    %dma_start3A_7 = tpu.memref_slice %arg3[%add3A_4] : memref<320000xi32, #tpu.memory_space<hbm>> -> memref<80xi32, #tpu.memory_space<hbm>>
    tpu.enqueue_dma source(%dma_start3A_7 : memref<80xi32, #tpu.memory_space<hbm>>) target(%arg11 : memref<80xi32, #tpu.memory_space<vmem>>) target_semaphore(%arg20 : memref<!tpu.dma_semaphore, #tpu.memory_space<semaphore_mem>>)
    %add3A_8 = arith.constant 80 : i32
    %add3A_9 = arith.addi %mul3A_2, %add3A_8 : i32
    %dma_start3A_10 = tpu.memref_slice %arg2[%add3A_9] : memref<320000xi32, #tpu.memory_space<hbm>> -> memref<80xi32, #tpu.memory_space<hbm>>
    %dma_start3A_11 = tpu.memref_slice %arg2[%add3A_9] : memref<320000xi32, #tpu.memory_space<hbm>> -> memref<80xi32, #tpu.memory_space<hbm>>
    tpu.enqueue_dma source(%dma_start3A_11 : memref<80xi32, #tpu.memory_space<hbm>>) target(%arg8 : memref<80xi32, #tpu.memory_space<vmem>>) target_semaphore(%arg21 : memref<!tpu.dma_semaphore, #tpu.memory_space<semaphore_mem>>)
    %dma_start3A_12 = tpu.memref_slice %arg3[%add3A_9] : memref<320000xi32, #tpu.memory_space<hbm>> -> memref<80xi32, #tpu.memory_space<hbm>>
    %dma_start3A_13 = tpu.memref_slice %arg3[%add3A_9] : memref<320000xi32, #tpu.memory_space<hbm>> -> memref<80xi32, #tpu.memory_space<hbm>>
    tpu.enqueue_dma source(%dma_start3A_13 : memref<80xi32, #tpu.memory_space<hbm>>) target(%arg12 : memref<80xi32, #tpu.memory_space<vmem>>) target_semaphore(%arg21 : memref<!tpu.dma_semaphore, #tpu.memory_space<semaphore_mem>>)
    %add3A_14 = arith.constant 160 : i32
    %add3A_15 = arith.addi %mul3A_2, %add3A_14 : i32
    %dma_start3A_16 = tpu.memref_slice %arg2[%add3A_15] : memref<320000xi32, #tpu.memory_space<hbm>> -> memref<80xi32, #tpu.memory_space<hbm>>
    %dma_start3A_17 = tpu.memref_slice %arg2[%add3A_15] : memref<320000xi32, #tpu.memory_space<hbm>> -> memref<80xi32, #tpu.memory_space<hbm>>
    tpu.enqueue_dma source(%dma_start3A_17 : memref<80xi32, #tpu.memory_space<hbm>>) target(%arg9 : memref<80xi32, #tpu.memory_space<vmem>>) target_semaphore(%arg22 : memref<!tpu.dma_semaphore, #tpu.memory_space<semaphore_mem>>)
    %dma_start3A_18 = tpu.memref_slice %arg3[%add3A_15] : memref<320000xi32, #tpu.memory_space<hbm>> -> memref<80xi32, #tpu.memory_space<hbm>>
    %dma_start3A_19 = tpu.memref_slice %arg3[%add3A_15] : memref<320000xi32, #tpu.memory_space<hbm>> -> memref<80xi32, #tpu.memory_space<hbm>>
    tpu.enqueue_dma source(%dma_start3A_19 : memref<80xi32, #tpu.memory_space<hbm>>) target(%arg13 : memref<80xi32, #tpu.memory_space<vmem>>) target_semaphore(%arg22 : memref<!tpu.dma_semaphore, #tpu.memory_space<semaphore_mem>>)
    %dma_wait3A = arith.constant 0 : i32
    %dma_wait3A_20 = tpu.memref_slice %arg2[%dma_wait3A] : memref<320000xi32, #tpu.memory_space<hbm>> -> memref<80xi32, #tpu.memory_space<hbm>>
    %dma_wait3A_21 = arith.constant 0 : i32
    %dma_wait3A_22 = tpu.memref_slice %arg2[%dma_wait3A_21] : memref<320000xi32, #tpu.memory_space<hbm>> -> memref<80xi32, #tpu.memory_space<hbm>>
    tpu.wait_dma2 semaphore(%arg20 : memref<!tpu.dma_semaphore, #tpu.memory_space<semaphore_mem>>) src(%dma_wait3A_22 : memref<80xi32, #tpu.memory_space<hbm>>) dst(%arg7 : memref<80xi32, #tpu.memory_space<vmem>>)
    %dma_wait3A_23 = arith.constant 0 : i32
    %dma_wait3A_24 = tpu.memref_slice %arg3[%dma_wait3A_23] : memref<320000xi32, #tpu.memory_space<hbm>> -> memref<80xi32, #tpu.memory_space<hbm>>
    %dma_wait3A_25 = arith.constant 0 : i32
    %dma_wait3A_26 = tpu.memref_slice %arg3[%dma_wait3A_25] : memref<320000xi32, #tpu.memory_space<hbm>> -> memref<80xi32, #tpu.memory_space<hbm>>
    tpu.wait_dma2 semaphore(%arg20 : memref<!tpu.dma_semaphore, #tpu.memory_space<semaphore_mem>>) src(%dma_wait3A_26 : memref<80xi32, #tpu.memory_space<hbm>>) dst(%arg11 : memref<80xi32, #tpu.memory_space<vmem>>)
    %dma_start3A_27 = arith.constant 0 : i32
    %dma_start3A_28 = arith.constant 0 : i32
    %dma_start3A_29 = tpu.memref_slice %arg4[%dma_start3A_27, %dma_start3A_28] : memref<10000x128xf32, #tpu.memory_space<hbm>> -> memref<10000x128xf32, #tpu.memory_space<hbm>>
    tpu.enqueue_indirect_dma source(%dma_start3A_29 : memref<10000x128xf32, #tpu.memory_space<hbm>>) target(%arg15 : memref<80x128xf32, #tpu.memory_space<vmem>>) offsets(%arg7 : memref<80xi32, #tpu.memory_space<vmem>>) semaphore(%arg24 : memref<!tpu.dma_semaphore, #tpu.memory_space<semaphore_mem>>)
    %dma_wait3A_30 = arith.constant 0 : i32
    %dma_wait3A_31 = tpu.memref_slice %arg2[%dma_wait3A_30] : memref<320000xi32, #tpu.memory_space<hbm>> -> memref<80xi32, #tpu.memory_space<hbm>>
    %dma_wait3A_32 = arith.constant 0 : i32
    %dma_wait3A_33 = tpu.memref_slice %arg2[%dma_wait3A_32] : memref<320000xi32, #tpu.memory_space<hbm>> -> memref<80xi32, #tpu.memory_space<hbm>>
    tpu.wait_dma2 semaphore(%arg21 : memref<!tpu.dma_semaphore, #tpu.memory_space<semaphore_mem>>) src(%dma_wait3A_33 : memref<80xi32, #tpu.memory_space<hbm>>) dst(%arg8 : memref<80xi32, #tpu.memory_space<vmem>>)
    %dma_wait3A_34 = arith.constant 0 : i32
    %dma_wait3A_35 = tpu.memref_slice %arg3[%dma_wait3A_34] : memref<320000xi32, #tpu.memory_space<hbm>> -> memref<80xi32, #tpu.memory_space<hbm>>
    %dma_wait3A_36 = arith.constant 0 : i32
    %dma_wait3A_37 = tpu.memref_slice %arg3[%dma_wait3A_36] : memref<320000xi32, #tpu.memory_space<hbm>> -> memref<80xi32, #tpu.memory_space<hbm>>
    tpu.wait_dma2 semaphore(%arg21 : memref<!tpu.dma_semaphore, #tpu.memory_space<semaphore_mem>>) src(%dma_wait3A_37 : memref<80xi32, #tpu.memory_space<hbm>>) dst(%arg12 : memref<80xi32, #tpu.memory_space<vmem>>)
    %dma_start3A_38 = arith.constant 0 : i32
    %dma_start3A_39 = arith.constant 0 : i32
    %dma_start3A_40 = tpu.memref_slice %arg4[%dma_start3A_38, %dma_start3A_39] : memref<10000x128xf32, #tpu.memory_space<hbm>> -> memref<10000x128xf32, #tpu.memory_space<hbm>>
    tpu.enqueue_indirect_dma source(%dma_start3A_40 : memref<10000x128xf32, #tpu.memory_space<hbm>>) target(%arg16 : memref<80x128xf32, #tpu.memory_space<vmem>>) offsets(%arg8 : memref<80xi32, #tpu.memory_space<vmem>>) semaphore(%arg25 : memref<!tpu.dma_semaphore, #tpu.memory_space<semaphore_mem>>)
    %mul3A_41 = arith.constant 624 : i32
    %mul3A_42 = arith.muli %arg1, %mul3A_41 : i32
    "tpu.region"() ({
      %run_scoped3A = tpu.sem_alloc : memref<!tpu.dma_semaphore, #tpu.memory_space<semaphore_mem>>
      %dma_start3A_150 = arith.constant 0 : i32
      %dma_start3A_151 = tpu.memref_slice %arg19[%mul3A_42, %dma_start3A_150] : memref<10000x128xf32, #tpu.memory_space<vmem_shared>> -> memref<624x128xf32, #tpu.memory_space<vmem_shared>>
      tpu.enqueue_dma source(%arg5 : memref<624x128xf32, #tpu.memory_space<hbm>>) target(%dma_start3A_151 : memref<624x128xf32, #tpu.memory_space<vmem_shared>>) target_semaphore(%run_scoped3A : memref<!tpu.dma_semaphore, #tpu.memory_space<semaphore_mem>>)
      %dma_wait3A_152 = arith.constant 0 : i32
      %dma_wait3A_153 = tpu.memref_slice %arg19[%mul3A_42, %dma_wait3A_152] : memref<10000x128xf32, #tpu.memory_space<vmem_shared>> -> memref<624x128xf32, #tpu.memory_space<vmem_shared>>
      tpu.wait_dma2 semaphore(%run_scoped3A : memref<!tpu.dma_semaphore, #tpu.memory_space<semaphore_mem>>) src(%arg5 : memref<624x128xf32, #tpu.memory_space<hbm>>) dst(%dma_wait3A_153 : memref<624x128xf32, #tpu.memory_space<vmem_shared>>)
      tpu.yield
    }) : () -> ()
    %eq3A = arith.constant 0 : i32
    %eq3A_43 = arith.cmpi eq, %arg1, %eq3A : i32
    %convert_element_type3A = arith.extui %eq3A_43 : i1 to i32
    %cond3A = arith.constant 0 : i32
    %cond3A_44 = arith.cmpi ne, %convert_element_type3A, %cond3A : i32
    scf.if %cond3A_44 {
      "tpu.region"() ({
        %run_scoped3A = tpu.sem_alloc : memref<!tpu.dma_semaphore, #tpu.memory_space<semaphore_mem>>
        %dma_start3A_150 = arith.constant 9984 : i32
        %dma_start3A_151 = arith.constant 0 : i32
        %dma_start3A_152 = tpu.memref_slice %arg19[%dma_start3A_150, %dma_start3A_151] : memref<10000x128xf32, #tpu.memory_space<vmem_shared>> -> memref<16x128xf32, #tpu.memory_space<vmem_shared>>
        %dma_start3A_153 = arith.constant 0 : i32
        %dma_start3A_154 = arith.constant 0 : i32
        %dma_start3A_155 = tpu.memref_slice %arg5[%dma_start3A_153, %dma_start3A_154] : memref<624x128xf32, #tpu.memory_space<hbm>> -> memref<16x128xf32, #tpu.memory_space<hbm>>
        tpu.enqueue_dma source(%dma_start3A_155 : memref<16x128xf32, #tpu.memory_space<hbm>>) target(%dma_start3A_152 : memref<16x128xf32, #tpu.memory_space<vmem_shared>>) target_semaphore(%run_scoped3A : memref<!tpu.dma_semaphore, #tpu.memory_space<semaphore_mem>>)
        %dma_wait3A_156 = arith.constant 9984 : i32
        %dma_wait3A_157 = arith.constant 0 : i32
        %dma_wait3A_158 = tpu.memref_slice %arg19[%dma_wait3A_156, %dma_wait3A_157] : memref<10000x128xf32, #tpu.memory_space<vmem_shared>> -> memref<16x128xf32, #tpu.memory_space<vmem_shared>>
        %dma_wait3A_159 = arith.constant 0 : i32
        %dma_wait3A_160 = arith.constant 0 : i32
        %dma_wait3A_161 = tpu.memref_slice %arg5[%dma_wait3A_159, %dma_wait3A_160] : memref<624x128xf32, #tpu.memory_space<hbm>> -> memref<16x128xf32, #tpu.memory_space<hbm>>
        tpu.wait_dma2 semaphore(%run_scoped3A : memref<!tpu.dma_semaphore, #tpu.memory_space<semaphore_mem>>) src(%dma_wait3A_161 : memref<16x128xf32, #tpu.memory_space<hbm>>) dst(%dma_wait3A_158 : memref<16x128xf32, #tpu.memory_space<vmem_shared>>)
        tpu.yield
      }) : () -> ()
    } else {
    }
    %barrier3A = arith.constant 0 : index
    tpu.barrier barrier_id(%barrier3A)
    %dma_wait3A_45 = arith.constant 0 : i32
    %dma_wait3A_46 = tpu.memref_slice %arg2[%dma_wait3A_45] : memref<320000xi32, #tpu.memory_space<hbm>> -> memref<80xi32, #tpu.memory_space<hbm>>
    %dma_wait3A_47 = arith.constant 0 : i32
    %dma_wait3A_48 = tpu.memref_slice %arg2[%dma_wait3A_47] : memref<320000xi32, #tpu.memory_space<hbm>> -> memref<80xi32, #tpu.memory_space<hbm>>
    tpu.wait_dma2 semaphore(%arg22 : memref<!tpu.dma_semaphore, #tpu.memory_space<semaphore_mem>>) src(%dma_wait3A_48 : memref<80xi32, #tpu.memory_space<hbm>>) dst(%arg9 : memref<80xi32, #tpu.memory_space<vmem>>)
    %dma_wait3A_49 = arith.constant 0 : i32
    %dma_wait3A_50 = tpu.memref_slice %arg3[%dma_wait3A_49] : memref<320000xi32, #tpu.memory_space<hbm>> -> memref<80xi32, #tpu.memory_space<hbm>>
    %dma_wait3A_51 = arith.constant 0 : i32
    %dma_wait3A_52 = tpu.memref_slice %arg3[%dma_wait3A_51] : memref<320000xi32, #tpu.memory_space<hbm>> -> memref<80xi32, #tpu.memory_space<hbm>>
    tpu.wait_dma2 semaphore(%arg22 : memref<!tpu.dma_semaphore, #tpu.memory_space<semaphore_mem>>) src(%dma_wait3A_52 : memref<80xi32, #tpu.memory_space<hbm>>) dst(%arg13 : memref<80xi32, #tpu.memory_space<vmem>>)
    %dma_start3A_53 = arith.constant 0 : i32
    %dma_start3A_54 = arith.constant 0 : i32
    %dma_start3A_55 = tpu.memref_slice %arg4[%dma_start3A_53, %dma_start3A_54] : memref<10000x128xf32, #tpu.memory_space<hbm>> -> memref<10000x128xf32, #tpu.memory_space<hbm>>
    tpu.enqueue_indirect_dma source(%dma_start3A_55 : memref<10000x128xf32, #tpu.memory_space<hbm>>) target(%arg17 : memref<80x128xf32, #tpu.memory_space<vmem>>) offsets(%arg9 : memref<80xi32, #tpu.memory_space<vmem>>) semaphore(%arg26 : memref<!tpu.dma_semaphore, #tpu.memory_space<semaphore_mem>>)
    %dma_wait3A_56 = arith.constant 0 : i32
    %dma_wait3A_57 = arith.constant 0 : i32
    %dma_wait3A_58 = tpu.memref_slice %arg4[%dma_wait3A_56, %dma_wait3A_57] : memref<10000x128xf32, #tpu.memory_space<hbm>> -> memref<10000x128xf32, #tpu.memory_space<hbm>>
    tpu.wait_indirect_dma semaphore(%arg24 : memref<!tpu.dma_semaphore, #tpu.memory_space<semaphore_mem>>) src(%dma_wait3A_58 : memref<10000x128xf32, #tpu.memory_space<hbm>>) dst(%arg15 : memref<80x128xf32, #tpu.memory_space<vmem>>)
    %dma_start3A_59 = arith.constant 0 : i32
    %dma_start3A_60 = arith.constant 0 : i32
    %dma_start3A_61 = tpu.memref_slice %arg19[%dma_start3A_59, %dma_start3A_60] : memref<10000x128xf32, #tpu.memory_space<vmem_shared>> -> memref<10000x128xf32, #tpu.memory_space<vmem_shared>>
    tpu.enqueue_indirect_dma source(%arg15 : memref<80x128xf32, #tpu.memory_space<vmem>>) target(%dma_start3A_61 : memref<10000x128xf32, #tpu.memory_space<vmem_shared>>) offsets(%arg11 : memref<80xi32, #tpu.memory_space<vmem>>) semaphore(%arg28 : memref<!tpu.dma_semaphore, #tpu.memory_space<semaphore_mem>>) {add = true}
    %add3A_62 = arith.constant 240 : i32
    %add3A_63 = arith.addi %mul3A_2, %add3A_62 : i32
    %dma_start3A_64 = tpu.memref_slice %arg2[%add3A_63] : memref<320000xi32, #tpu.memory_space<hbm>> -> memref<80xi32, #tpu.memory_space<hbm>>
    %dma_start3A_65 = tpu.memref_slice %arg2[%add3A_63] : memref<320000xi32, #tpu.memory_space<hbm>> -> memref<80xi32, #tpu.memory_space<hbm>>
    tpu.enqueue_dma source(%dma_start3A_65 : memref<80xi32, #tpu.memory_space<hbm>>) target(%arg10 : memref<80xi32, #tpu.memory_space<vmem>>) target_semaphore(%arg23 : memref<!tpu.dma_semaphore, #tpu.memory_space<semaphore_mem>>)
    %dma_start3A_66 = tpu.memref_slice %arg3[%add3A_63] : memref<320000xi32, #tpu.memory_space<hbm>> -> memref<80xi32, #tpu.memory_space<hbm>>
    %dma_start3A_67 = tpu.memref_slice %arg3[%add3A_63] : memref<320000xi32, #tpu.memory_space<hbm>> -> memref<80xi32, #tpu.memory_space<hbm>>
    tpu.enqueue_dma source(%dma_start3A_67 : memref<80xi32, #tpu.memory_space<hbm>>) target(%arg14 : memref<80xi32, #tpu.memory_space<vmem>>) target_semaphore(%arg23 : memref<!tpu.dma_semaphore, #tpu.memory_space<semaphore_mem>>)
    %scan3A = arith.constant 0 : i32
    %scan3A_68 = arith.constant 0 : i32
    %scan3A_69 = arith.constant 30 : i32
    %scan3A_70 = arith.addi %scan3A_68, %scan3A_69 : i32
    %scan3A_71 = arith.constant 1 : i32
    scf.for %scan3A_150 = %scan3A_68 to %scan3A_70 step %scan3A_71  : i32 {
      %mul3A_151 = arith.constant 4 : i32
      %mul3A_152 = arith.muli %mul3A_151, %scan3A_150 : i32
      %add3A_153 = arith.constant 1 : i32
      %add3A_154 = arith.addi %add3A_153, %mul3A_152 : i32
      %dma_wait3A_155 = arith.constant 0 : i32
      %dma_wait3A_156 = tpu.memref_slice %arg2[%dma_wait3A_155] : memref<320000xi32, #tpu.memory_space<hbm>> -> memref<80xi32, #tpu.memory_space<hbm>>
      %dma_wait3A_157 = arith.constant 0 : i32
      %dma_wait3A_158 = tpu.memref_slice %arg2[%dma_wait3A_157] : memref<320000xi32, #tpu.memory_space<hbm>> -> memref<80xi32, #tpu.memory_space<hbm>>
      tpu.wait_dma2 semaphore(%arg23 : memref<!tpu.dma_semaphore, #tpu.memory_space<semaphore_mem>>) src(%dma_wait3A_158 : memref<80xi32, #tpu.memory_space<hbm>>) dst(%arg10 : memref<80xi32, #tpu.memory_space<vmem>>)
      %dma_wait3A_159 = arith.constant 0 : i32
      %dma_wait3A_160 = tpu.memref_slice %arg3[%dma_wait3A_159] : memref<320000xi32, #tpu.memory_space<hbm>> -> memref<80xi32, #tpu.memory_space<hbm>>
      %dma_wait3A_161 = arith.constant 0 : i32
      %dma_wait3A_162 = tpu.memref_slice %arg3[%dma_wait3A_161] : memref<320000xi32, #tpu.memory_space<hbm>> -> memref<80xi32, #tpu.memory_space<hbm>>
      tpu.wait_dma2 semaphore(%arg23 : memref<!tpu.dma_semaphore, #tpu.memory_space<semaphore_mem>>) src(%dma_wait3A_162 : memref<80xi32, #tpu.memory_space<hbm>>) dst(%arg14 : memref<80xi32, #tpu.memory_space<vmem>>)
      %add3A_163 = arith.constant 2 : i32
      %add3A_164 = arith.addi %add3A_154, %add3A_163 : i32
      %dma_start3A_165 = arith.constant 0 : i32
      %dma_start3A_166 = arith.constant 0 : i32
      %dma_start3A_167 = tpu.memref_slice %arg4[%dma_start3A_165, %dma_start3A_166] : memref<10000x128xf32, #tpu.memory_space<hbm>> -> memref<10000x128xf32, #tpu.memory_space<hbm>>
      tpu.enqueue_indirect_dma source(%dma_start3A_167 : memref<10000x128xf32, #tpu.memory_space<hbm>>) target(%arg18 : memref<80x128xf32, #tpu.memory_space<vmem>>) offsets(%arg10 : memref<80xi32, #tpu.memory_space<vmem>>) semaphore(%arg27 : memref<!tpu.dma_semaphore, #tpu.memory_space<semaphore_mem>>)
      %dma_wait3A_168 = arith.constant 0 : i32
      %dma_wait3A_169 = arith.constant 0 : i32
      %dma_wait3A_170 = tpu.memref_slice %arg4[%dma_wait3A_168, %dma_wait3A_169] : memref<10000x128xf32, #tpu.memory_space<hbm>> -> memref<10000x128xf32, #tpu.memory_space<hbm>>
      tpu.wait_indirect_dma semaphore(%arg25 : memref<!tpu.dma_semaphore, #tpu.memory_space<semaphore_mem>>) src(%dma_wait3A_170 : memref<10000x128xf32, #tpu.memory_space<hbm>>) dst(%arg16 : memref<80x128xf32, #tpu.memory_space<vmem>>)
      %dma_wait3A_171 = arith.constant 0 : i32
      %dma_wait3A_172 = arith.constant 0 : i32
      %dma_wait3A_173 = tpu.memref_slice %arg19[%dma_wait3A_171, %dma_wait3A_172] : memref<10000x128xf32, #tpu.memory_space<vmem_shared>> -> memref<10000x128xf32, #tpu.memory_space<vmem_shared>>
      tpu.wait_indirect_dma semaphore(%arg28 : memref<!tpu.dma_semaphore, #tpu.memory_space<semaphore_mem>>) src(%arg15 : memref<80x128xf32, #tpu.memory_space<vmem>>) dst(%dma_wait3A_173 : memref<10000x128xf32, #tpu.memory_space<vmem_shared>>)
      %dma_start3A_174 = arith.constant 0 : i32
      %dma_start3A_175 = arith.constant 0 : i32
      %dma_start3A_176 = tpu.memref_slice %arg19[%dma_start3A_174, %dma_start3A_175] : memref<10000x128xf32, #tpu.memory_space<vmem_shared>> -> memref<10000x128xf32, #tpu.memory_space<vmem_shared>>
      tpu.enqueue_indirect_dma source(%arg16 : memref<80x128xf32, #tpu.memory_space<vmem>>) target(%dma_start3A_176 : memref<10000x128xf32, #tpu.memory_space<vmem_shared>>) offsets(%arg12 : memref<80xi32, #tpu.memory_space<vmem>>) semaphore(%arg28 : memref<!tpu.dma_semaphore, #tpu.memory_space<semaphore_mem>>) {add = true}
      %add3A_177 = arith.constant 3 : i32
      %add3A_178 = arith.addi %add3A_154, %add3A_177 : i32
      %mul3A_179 = arith.constant 80 : i32
      %mul3A_180 = arith.muli %add3A_178, %mul3A_179 : i32
      %add3A_181 = arith.addi %mul3A_2, %mul3A_180 : i32
      %dma_start3A_182 = tpu.memref_slice %arg2[%add3A_181] : memref<320000xi32, #tpu.memory_space<hbm>> -> memref<80xi32, #tpu.memory_space<hbm>>
      %dma_start3A_183 = tpu.memref_slice %arg2[%add3A_181] : memref<320000xi32, #tpu.memory_space<hbm>> -> memref<80xi32, #tpu.memory_space<hbm>>
      tpu.enqueue_dma source(%dma_start3A_183 : memref<80xi32, #tpu.memory_space<hbm>>) target(%arg7 : memref<80xi32, #tpu.memory_space<vmem>>) target_semaphore(%arg20 : memref<!tpu.dma_semaphore, #tpu.memory_space<semaphore_mem>>)
      %dma_start3A_184 = tpu.memref_slice %arg3[%add3A_181] : memref<320000xi32, #tpu.memory_space<hbm>> -> memref<80xi32, #tpu.memory_space<hbm>>
      %dma_start3A_185 = tpu.memref_slice %arg3[%add3A_181] : memref<320000xi32, #tpu.memory_space<hbm>> -> memref<80xi32, #tpu.memory_space<hbm>>
      tpu.enqueue_dma source(%dma_start3A_185 : memref<80xi32, #tpu.memory_space<hbm>>) target(%arg11 : memref<80xi32, #tpu.memory_space<vmem>>) target_semaphore(%arg20 : memref<!tpu.dma_semaphore, #tpu.memory_space<semaphore_mem>>)
      %add3A_186 = arith.constant 1 : i32
      %add3A_187 = arith.addi %add3A_154, %add3A_186 : i32
      %dma_wait3A_188 = arith.constant 0 : i32
      %dma_wait3A_189 = tpu.memref_slice %arg2[%dma_wait3A_188] : memref<320000xi32, #tpu.memory_space<hbm>> -> memref<80xi32, #tpu.memory_space<hbm>>
      %dma_wait3A_190 = arith.constant 0 : i32
      %dma_wait3A_191 = tpu.memref_slice %arg2[%dma_wait3A_190] : memref<320000xi32, #tpu.memory_space<hbm>> -> memref<80xi32, #tpu.memory_space<hbm>>
      tpu.wait_dma2 semaphore(%arg20 : memref<!tpu.dma_semaphore, #tpu.memory_space<semaphore_mem>>) src(%dma_wait3A_191 : memref<80xi32, #tpu.memory_space<hbm>>) dst(%arg7 : memref<80xi32, #tpu.memory_space<vmem>>)
      %dma_wait3A_192 = arith.constant 0 : i32
      %dma_wait3A_193 = tpu.memref_slice %arg3[%dma_wait3A_192] : memref<320000xi32, #tpu.memory_space<hbm>> -> memref<80xi32, #tpu.memory_space<hbm>>
      %dma_wait3A_194 = arith.constant 0 : i32
      %dma_wait3A_195 = tpu.memref_slice %arg3[%dma_wait3A_194] : memref<320000xi32, #tpu.memory_space<hbm>> -> memref<80xi32, #tpu.memory_space<hbm>>
      tpu.wait_dma2 semaphore(%arg20 : memref<!tpu.dma_semaphore, #tpu.memory_space<semaphore_mem>>) src(%dma_wait3A_195 : memref<80xi32, #tpu.memory_space<hbm>>) dst(%arg11 : memref<80xi32, #tpu.memory_space<vmem>>)
      %add3A_196 = arith.constant 2 : i32
      %add3A_197 = arith.addi %add3A_187, %add3A_196 : i32
      %dma_start3A_198 = arith.constant 0 : i32
      %dma_start3A_199 = arith.constant 0 : i32
      %dma_start3A_200 = tpu.memref_slice %arg4[%dma_start3A_198, %dma_start3A_199] : memref<10000x128xf32, #tpu.memory_space<hbm>> -> memref<10000x128xf32, #tpu.memory_space<hbm>>
      tpu.enqueue_indirect_dma source(%dma_start3A_200 : memref<10000x128xf32, #tpu.memory_space<hbm>>) target(%arg15 : memref<80x128xf32, #tpu.memory_space<vmem>>) offsets(%arg7 : memref<80xi32, #tpu.memory_space<vmem>>) semaphore(%arg24 : memref<!tpu.dma_semaphore, #tpu.memory_space<semaphore_mem>>)
      %dma_wait3A_201 = arith.constant 0 : i32
      %dma_wait3A_202 = arith.constant 0 : i32
      %dma_wait3A_203 = tpu.memref_slice %arg4[%dma_wait3A_201, %dma_wait3A_202] : memref<10000x128xf32, #tpu.memory_space<hbm>> -> memref<10000x128xf32, #tpu.memory_space<hbm>>
      tpu.wait_indirect_dma semaphore(%arg26 : memref<!tpu.dma_semaphore, #tpu.memory_space<semaphore_mem>>) src(%dma_wait3A_203 : memref<10000x128xf32, #tpu.memory_space<hbm>>) dst(%arg17 : memref<80x128xf32, #tpu.memory_space<vmem>>)
      %dma_wait3A_204 = arith.constant 0 : i32
      %dma_wait3A_205 = arith.constant 0 : i32
      %dma_wait3A_206 = tpu.memref_slice %arg19[%dma_wait3A_204, %dma_wait3A_205] : memref<10000x128xf32, #tpu.memory_space<vmem_shared>> -> memref<10000x128xf32, #tpu.memory_space<vmem_shared>>
      tpu.wait_indirect_dma semaphore(%arg28 : memref<!tpu.dma_semaphore, #tpu.memory_space<semaphore_mem>>) src(%arg16 : memref<80x128xf32, #tpu.memory_space<vmem>>) dst(%dma_wait3A_206 : memref<10000x128xf32, #tpu.memory_space<vmem_shared>>)
      %dma_start3A_207 = arith.constant 0 : i32
      %dma_start3A_208 = arith.constant 0 : i32
      %dma_start3A_209 = tpu.memref_slice %arg19[%dma_start3A_207, %dma_start3A_208] : memref<10000x128xf32, #tpu.memory_space<vmem_shared>> -> memref<10000x128xf32, #tpu.memory_space<vmem_shared>>
      tpu.enqueue_indirect_dma source(%arg17 : memref<80x128xf32, #tpu.memory_space<vmem>>) target(%dma_start3A_209 : memref<10000x128xf32, #tpu.memory_space<vmem_shared>>) offsets(%arg13 : memref<80xi32, #tpu.memory_space<vmem>>) semaphore(%arg28 : memref<!tpu.dma_semaphore, #tpu.memory_space<semaphore_mem>>) {add = true}
      %add3A_210 = arith.constant 3 : i32
      %add3A_211 = arith.addi %add3A_187, %add3A_210 : i32
      %mul3A_212 = arith.constant 80 : i32
      %mul3A_213 = arith.muli %add3A_211, %mul3A_212 : i32
      %add3A_214 = arith.addi %mul3A_2, %mul3A_213 : i32
      %dma_start3A_215 = tpu.memref_slice %arg2[%add3A_214] : memref<320000xi32, #tpu.memory_space<hbm>> -> memref<80xi32, #tpu.memory_space<hbm>>
      %dma_start3A_216 = tpu.memref_slice %arg2[%add3A_214] : memref<320000xi32, #tpu.memory_space<hbm>> -> memref<80xi32, #tpu.memory_space<hbm>>
      tpu.enqueue_dma source(%dma_start3A_216 : memref<80xi32, #tpu.memory_space<hbm>>) target(%arg8 : memref<80xi32, #tpu.memory_space<vmem>>) target_semaphore(%arg21 : memref<!tpu.dma_semaphore, #tpu.memory_space<semaphore_mem>>)
      %dma_start3A_217 = tpu.memref_slice %arg3[%add3A_214] : memref<320000xi32, #tpu.memory_space<hbm>> -> memref<80xi32, #tpu.memory_space<hbm>>
      %dma_start3A_218 = tpu.memref_slice %arg3[%add3A_214] : memref<320000xi32, #tpu.memory_space<hbm>> -> memref<80xi32, #tpu.memory_space<hbm>>
      tpu.enqueue_dma source(%dma_start3A_218 : memref<80xi32, #tpu.memory_space<hbm>>) target(%arg12 : memref<80xi32, #tpu.memory_space<vmem>>) target_semaphore(%arg21 : memref<!tpu.dma_semaphore, #tpu.memory_space<semaphore_mem>>)
      %add3A_219 = arith.constant 2 : i32
      %add3A_220 = arith.addi %add3A_154, %add3A_219 : i32
      %dma_wait3A_221 = arith.constant 0 : i32
      %dma_wait3A_222 = tpu.memref_slice %arg2[%dma_wait3A_221] : memref<320000xi32, #tpu.memory_space<hbm>> -> memref<80xi32, #tpu.memory_space<hbm>>
      %dma_wait3A_223 = arith.constant 0 : i32
      %dma_wait3A_224 = tpu.memref_slice %arg2[%dma_wait3A_223] : memref<320000xi32, #tpu.memory_space<hbm>> -> memref<80xi32, #tpu.memory_space<hbm>>
      tpu.wait_dma2 semaphore(%arg21 : memref<!tpu.dma_semaphore, #tpu.memory_space<semaphore_mem>>) src(%dma_wait3A_224 : memref<80xi32, #tpu.memory_space<hbm>>) dst(%arg8 : memref<80xi32, #tpu.memory_space<vmem>>)
      %dma_wait3A_225 = arith.constant 0 : i32
      %dma_wait3A_226 = tpu.memref_slice %arg3[%dma_wait3A_225] : memref<320000xi32, #tpu.memory_space<hbm>> -> memref<80xi32, #tpu.memory_space<hbm>>
      %dma_wait3A_227 = arith.constant 0 : i32
      %dma_wait3A_228 = tpu.memref_slice %arg3[%dma_wait3A_227] : memref<320000xi32, #tpu.memory_space<hbm>> -> memref<80xi32, #tpu.memory_space<hbm>>
      tpu.wait_dma2 semaphore(%arg21 : memref<!tpu.dma_semaphore, #tpu.memory_space<semaphore_mem>>) src(%dma_wait3A_228 : memref<80xi32, #tpu.memory_space<hbm>>) dst(%arg12 : memref<80xi32, #tpu.memory_space<vmem>>)
      %add3A_229 = arith.constant 2 : i32
      %add3A_230 = arith.addi %add3A_220, %add3A_229 : i32
      %dma_start3A_231 = arith.constant 0 : i32
      %dma_start3A_232 = arith.constant 0 : i32
      %dma_start3A_233 = tpu.memref_slice %arg4[%dma_start3A_231, %dma_start3A_232] : memref<10000x128xf32, #tpu.memory_space<hbm>> -> memref<10000x128xf32, #tpu.memory_space<hbm>>
      tpu.enqueue_indirect_dma source(%dma_start3A_233 : memref<10000x128xf32, #tpu.memory_space<hbm>>) target(%arg16 : memref<80x128xf32, #tpu.memory_space<vmem>>) offsets(%arg8 : memref<80xi32, #tpu.memory_space<vmem>>) semaphore(%arg25 : memref<!tpu.dma_semaphore, #tpu.memory_space<semaphore_mem>>)
      %dma_wait3A_234 = arith.constant 0 : i32
      %dma_wait3A_235 = arith.constant 0 : i32
      %dma_wait3A_236 = tpu.memref_slice %arg4[%dma_wait3A_234, %dma_wait3A_235] : memref<10000x128xf32, #tpu.memory_space<hbm>> -> memref<10000x128xf32, #tpu.memory_space<hbm>>
      tpu.wait_indirect_dma semaphore(%arg27 : memref<!tpu.dma_semaphore, #tpu.memory_space<semaphore_mem>>) src(%dma_wait3A_236 : memref<10000x128xf32, #tpu.memory_space<hbm>>) dst(%arg18 : memref<80x128xf32, #tpu.memory_space<vmem>>)
      %dma_wait3A_237 = arith.constant 0 : i32
      %dma_wait3A_238 = arith.constant 0 : i32
      %dma_wait3A_239 = tpu.memref_slice %arg19[%dma_wait3A_237, %dma_wait3A_238] : memref<10000x128xf32, #tpu.memory_space<vmem_shared>> -> memref<10000x128xf32, #tpu.memory_space<vmem_shared>>
      tpu.wait_indirect_dma semaphore(%arg28 : memref<!tpu.dma_semaphore, #tpu.memory_space<semaphore_mem>>) src(%arg17 : memref<80x128xf32, #tpu.memory_space<vmem>>) dst(%dma_wait3A_239 : memref<10000x128xf32, #tpu.memory_space<vmem_shared>>)
      %dma_start3A_240 = arith.constant 0 : i32
      %dma_start3A_241 = arith.constant 0 : i32
      %dma_start3A_242 = tpu.memref_slice %arg19[%dma_start3A_240, %dma_start3A_241] : memref<10000x128xf32, #tpu.memory_space<vmem_shared>> -> memref<10000x128xf32, #tpu.memory_space<vmem_shared>>
      tpu.enqueue_indirect_dma source(%arg18 : memref<80x128xf32, #tpu.memory_space<vmem>>) target(%dma_start3A_242 : memref<10000x128xf32, #tpu.memory_space<vmem_shared>>) offsets(%arg14 : memref<80xi32, #tpu.memory_space<vmem>>) semaphore(%arg28 : memref<!tpu.dma_semaphore, #tpu.memory_space<semaphore_mem>>) {add = true}
      %add3A_243 = arith.constant 3 : i32
      %add3A_244 = arith.addi %add3A_220, %add3A_243 : i32
      %mul3A_245 = arith.constant 80 : i32
      %mul3A_246 = arith.muli %add3A_244, %mul3A_245 : i32
      %add3A_247 = arith.addi %mul3A_2, %mul3A_246 : i32
      %dma_start3A_248 = tpu.memref_slice %arg2[%add3A_247] : memref<320000xi32, #tpu.memory_space<hbm>> -> memref<80xi32, #tpu.memory_space<hbm>>
      %dma_start3A_249 = tpu.memref_slice %arg2[%add3A_247] : memref<320000xi32, #tpu.memory_space<hbm>> -> memref<80xi32, #tpu.memory_space<hbm>>
      tpu.enqueue_dma source(%dma_start3A_249 : memref<80xi32, #tpu.memory_space<hbm>>) target(%arg9 : memref<80xi32, #tpu.memory_space<vmem>>) target_semaphore(%arg22 : memref<!tpu.dma_semaphore, #tpu.memory_space<semaphore_mem>>)
      %dma_start3A_250 = tpu.memref_slice %arg3[%add3A_247] : memref<320000xi32, #tpu.memory_space<hbm>> -> memref<80xi32, #tpu.memory_space<hbm>>
      %dma_start3A_251 = tpu.memref_slice %arg3[%add3A_247] : memref<320000xi32, #tpu.memory_space<hbm>> -> memref<80xi32, #tpu.memory_space<hbm>>
      tpu.enqueue_dma source(%dma_start3A_251 : memref<80xi32, #tpu.memory_space<hbm>>) target(%arg13 : memref<80xi32, #tpu.memory_space<vmem>>) target_semaphore(%arg22 : memref<!tpu.dma_semaphore, #tpu.memory_space<semaphore_mem>>)
      %add3A_252 = arith.constant 3 : i32
      %add3A_253 = arith.addi %add3A_154, %add3A_252 : i32
      %dma_wait3A_254 = arith.constant 0 : i32
      %dma_wait3A_255 = tpu.memref_slice %arg2[%dma_wait3A_254] : memref<320000xi32, #tpu.memory_space<hbm>> -> memref<80xi32, #tpu.memory_space<hbm>>
      %dma_wait3A_256 = arith.constant 0 : i32
      %dma_wait3A_257 = tpu.memref_slice %arg2[%dma_wait3A_256] : memref<320000xi32, #tpu.memory_space<hbm>> -> memref<80xi32, #tpu.memory_space<hbm>>
      tpu.wait_dma2 semaphore(%arg22 : memref<!tpu.dma_semaphore, #tpu.memory_space<semaphore_mem>>) src(%dma_wait3A_257 : memref<80xi32, #tpu.memory_space<hbm>>) dst(%arg9 : memref<80xi32, #tpu.memory_space<vmem>>)
      %dma_wait3A_258 = arith.constant 0 : i32
      %dma_wait3A_259 = tpu.memref_slice %arg3[%dma_wait3A_258] : memref<320000xi32, #tpu.memory_space<hbm>> -> memref<80xi32, #tpu.memory_space<hbm>>
      %dma_wait3A_260 = arith.constant 0 : i32
      %dma_wait3A_261 = tpu.memref_slice %arg3[%dma_wait3A_260] : memref<320000xi32, #tpu.memory_space<hbm>> -> memref<80xi32, #tpu.memory_space<hbm>>
      tpu.wait_dma2 semaphore(%arg22 : memref<!tpu.dma_semaphore, #tpu.memory_space<semaphore_mem>>) src(%dma_wait3A_261 : memref<80xi32, #tpu.memory_space<hbm>>) dst(%arg13 : memref<80xi32, #tpu.memory_space<vmem>>)
      %add3A_262 = arith.constant 2 : i32
      %add3A_263 = arith.addi %add3A_253, %add3A_262 : i32
      %dma_start3A_264 = arith.constant 0 : i32
      %dma_start3A_265 = arith.constant 0 : i32
      %dma_start3A_266 = tpu.memref_slice %arg4[%dma_start3A_264, %dma_start3A_265] : memref<10000x128xf32, #tpu.memory_space<hbm>> -> memref<10000x128xf32, #tpu.memory_space<hbm>>
      tpu.enqueue_indirect_dma source(%dma_start3A_266 : memref<10000x128xf32, #tpu.memory_space<hbm>>) target(%arg17 : memref<80x128xf32, #tpu.memory_space<vmem>>) offsets(%arg9 : memref<80xi32, #tpu.memory_space<vmem>>) semaphore(%arg26 : memref<!tpu.dma_semaphore, #tpu.memory_space<semaphore_mem>>)
      %dma_wait3A_267 = arith.constant 0 : i32
      %dma_wait3A_268 = arith.constant 0 : i32
      %dma_wait3A_269 = tpu.memref_slice %arg4[%dma_wait3A_267, %dma_wait3A_268] : memref<10000x128xf32, #tpu.memory_space<hbm>> -> memref<10000x128xf32, #tpu.memory_space<hbm>>
      tpu.wait_indirect_dma semaphore(%arg24 : memref<!tpu.dma_semaphore, #tpu.memory_space<semaphore_mem>>) src(%dma_wait3A_269 : memref<10000x128xf32, #tpu.memory_space<hbm>>) dst(%arg15 : memref<80x128xf32, #tpu.memory_space<vmem>>)
      %dma_wait3A_270 = arith.constant 0 : i32
      %dma_wait3A_271 = arith.constant 0 : i32
      %dma_wait3A_272 = tpu.memref_slice %arg19[%dma_wait3A_270, %dma_wait3A_271] : memref<10000x128xf32, #tpu.memory_space<vmem_shared>> -> memref<10000x128xf32, #tpu.memory_space<vmem_shared>>
      tpu.wait_indirect_dma semaphore(%arg28 : memref<!tpu.dma_semaphore, #tpu.memory_space<semaphore_mem>>) src(%arg18 : memref<80x128xf32, #tpu.memory_space<vmem>>) dst(%dma_wait3A_272 : memref<10000x128xf32, #tpu.memory_space<vmem_shared>>)
      %dma_start3A_273 = arith.constant 0 : i32
      %dma_start3A_274 = arith.constant 0 : i32
      %dma_start3A_275 = tpu.memref_slice %arg19[%dma_start3A_273, %dma_start3A_274] : memref<10000x128xf32, #tpu.memory_space<vmem_shared>> -> memref<10000x128xf32, #tpu.memory_space<vmem_shared>>
      tpu.enqueue_indirect_dma source(%arg15 : memref<80x128xf32, #tpu.memory_space<vmem>>) target(%dma_start3A_275 : memref<10000x128xf32, #tpu.memory_space<vmem_shared>>) offsets(%arg11 : memref<80xi32, #tpu.memory_space<vmem>>) semaphore(%arg28 : memref<!tpu.dma_semaphore, #tpu.memory_space<semaphore_mem>>) {add = true}
      %add3A_276 = arith.constant 3 : i32
      %add3A_277 = arith.addi %add3A_253, %add3A_276 : i32
      %mul3A_278 = arith.constant 80 : i32
      %mul3A_279 = arith.muli %add3A_277, %mul3A_278 : i32
      %add3A_280 = arith.addi %mul3A_2, %mul3A_279 : i32
      %dma_start3A_281 = tpu.memref_slice %arg2[%add3A_280] : memref<320000xi32, #tpu.memory_space<hbm>> -> memref<80xi32, #tpu.memory_space<hbm>>
      %dma_start3A_282 = tpu.memref_slice %arg2[%add3A_280] : memref<320000xi32, #tpu.memory_space<hbm>> -> memref<80xi32, #tpu.memory_space<hbm>>
      tpu.enqueue_dma source(%dma_start3A_282 : memref<80xi32, #tpu.memory_space<hbm>>) target(%arg10 : memref<80xi32, #tpu.memory_space<vmem>>) target_semaphore(%arg23 : memref<!tpu.dma_semaphore, #tpu.memory_space<semaphore_mem>>)
      %dma_start3A_283 = tpu.memref_slice %arg3[%add3A_280] : memref<320000xi32, #tpu.memory_space<hbm>> -> memref<80xi32, #tpu.memory_space<hbm>>
      %dma_start3A_284 = tpu.memref_slice %arg3[%add3A_280] : memref<320000xi32, #tpu.memory_space<hbm>> -> memref<80xi32, #tpu.memory_space<hbm>>
      tpu.enqueue_dma source(%dma_start3A_284 : memref<80xi32, #tpu.memory_space<hbm>>) target(%arg14 : memref<80xi32, #tpu.memory_space<vmem>>) target_semaphore(%arg23 : memref<!tpu.dma_semaphore, #tpu.memory_space<semaphore_mem>>)
    }
    %scan3A_72 = arith.constant 30 : i32
    %dma_wait3A_73 = arith.constant 0 : i32
    %dma_wait3A_74 = tpu.memref_slice %arg2[%dma_wait3A_73] : memref<320000xi32, #tpu.memory_space<hbm>> -> memref<80xi32, #tpu.memory_space<hbm>>
    %dma_wait3A_75 = arith.constant 0 : i32
    %dma_wait3A_76 = tpu.memref_slice %arg2[%dma_wait3A_75] : memref<320000xi32, #tpu.memory_space<hbm>> -> memref<80xi32, #tpu.memory_space<hbm>>
    tpu.wait_dma2 semaphore(%arg23 : memref<!tpu.dma_semaphore, #tpu.memory_space<semaphore_mem>>) src(%dma_wait3A_76 : memref<80xi32, #tpu.memory_space<hbm>>) dst(%arg10 : memref<80xi32, #tpu.memory_space<vmem>>)
    %dma_wait3A_77 = arith.constant 0 : i32
    %dma_wait3A_78 = tpu.memref_slice %arg3[%dma_wait3A_77] : memref<320000xi32, #tpu.memory_space<hbm>> -> memref<80xi32, #tpu.memory_space<hbm>>
    %dma_wait3A_79 = arith.constant 0 : i32
    %dma_wait3A_80 = tpu.memref_slice %arg3[%dma_wait3A_79] : memref<320000xi32, #tpu.memory_space<hbm>> -> memref<80xi32, #tpu.memory_space<hbm>>
    tpu.wait_dma2 semaphore(%arg23 : memref<!tpu.dma_semaphore, #tpu.memory_space<semaphore_mem>>) src(%dma_wait3A_80 : memref<80xi32, #tpu.memory_space<hbm>>) dst(%arg14 : memref<80xi32, #tpu.memory_space<vmem>>)
    %dma_start3A_81 = arith.constant 0 : i32
    %dma_start3A_82 = arith.constant 0 : i32
    %dma_start3A_83 = tpu.memref_slice %arg4[%dma_start3A_81, %dma_start3A_82] : memref<10000x128xf32, #tpu.memory_space<hbm>> -> memref<10000x128xf32, #tpu.memory_space<hbm>>
    tpu.enqueue_indirect_dma source(%dma_start3A_83 : memref<10000x128xf32, #tpu.memory_space<hbm>>) target(%arg18 : memref<80x128xf32, #tpu.memory_space<vmem>>) offsets(%arg10 : memref<80xi32, #tpu.memory_space<vmem>>) semaphore(%arg27 : memref<!tpu.dma_semaphore, #tpu.memory_space<semaphore_mem>>)
    %dma_wait3A_84 = arith.constant 0 : i32
    %dma_wait3A_85 = arith.constant 0 : i32
    %dma_wait3A_86 = tpu.memref_slice %arg4[%dma_wait3A_84, %dma_wait3A_85] : memref<10000x128xf32, #tpu.memory_space<hbm>> -> memref<10000x128xf32, #tpu.memory_space<hbm>>
    tpu.wait_indirect_dma semaphore(%arg25 : memref<!tpu.dma_semaphore, #tpu.memory_space<semaphore_mem>>) src(%dma_wait3A_86 : memref<10000x128xf32, #tpu.memory_space<hbm>>) dst(%arg16 : memref<80x128xf32, #tpu.memory_space<vmem>>)
    %dma_wait3A_87 = arith.constant 0 : i32
    %dma_wait3A_88 = arith.constant 0 : i32
    %dma_wait3A_89 = tpu.memref_slice %arg19[%dma_wait3A_87, %dma_wait3A_88] : memref<10000x128xf32, #tpu.memory_space<vmem_shared>> -> memref<10000x128xf32, #tpu.memory_space<vmem_shared>>
    tpu.wait_indirect_dma semaphore(%arg28 : memref<!tpu.dma_semaphore, #tpu.memory_space<semaphore_mem>>) src(%arg15 : memref<80x128xf32, #tpu.memory_space<vmem>>) dst(%dma_wait3A_89 : memref<10000x128xf32, #tpu.memory_space<vmem_shared>>)
    %dma_start3A_90 = arith.constant 0 : i32
    %dma_start3A_91 = arith.constant 0 : i32
    %dma_start3A_92 = tpu.memref_slice %arg19[%dma_start3A_90, %dma_start3A_91] : memref<10000x128xf32, #tpu.memory_space<vmem_shared>> -> memref<10000x128xf32, #tpu.memory_space<vmem_shared>>
    tpu.enqueue_indirect_dma source(%arg16 : memref<80x128xf32, #tpu.memory_space<vmem>>) target(%dma_start3A_92 : memref<10000x128xf32, #tpu.memory_space<vmem_shared>>) offsets(%arg12 : memref<80xi32, #tpu.memory_space<vmem>>) semaphore(%arg28 : memref<!tpu.dma_semaphore, #tpu.memory_space<semaphore_mem>>) {add = true}
    %add3A_93 = arith.constant 9920 : i32
    %add3A_94 = arith.addi %mul3A_2, %add3A_93 : i32
    %dma_start3A_95 = tpu.memref_slice %arg2[%add3A_94] : memref<320000xi32, #tpu.memory_space<hbm>> -> memref<80xi32, #tpu.memory_space<hbm>>
    %dma_start3A_96 = tpu.memref_slice %arg2[%add3A_94] : memref<320000xi32, #tpu.memory_space<hbm>> -> memref<80xi32, #tpu.memory_space<hbm>>
    tpu.enqueue_dma source(%dma_start3A_96 : memref<80xi32, #tpu.memory_space<hbm>>) target(%arg7 : memref<80xi32, #tpu.memory_space<vmem>>) target_semaphore(%arg20 : memref<!tpu.dma_semaphore, #tpu.memory_space<semaphore_mem>>)
    %dma_start3A_97 = tpu.memref_slice %arg3[%add3A_94] : memref<320000xi32, #tpu.memory_space<hbm>> -> memref<80xi32, #tpu.memory_space<hbm>>
    %dma_start3A_98 = tpu.memref_slice %arg3[%add3A_94] : memref<320000xi32, #tpu.memory_space<hbm>> -> memref<80xi32, #tpu.memory_space<hbm>>
    tpu.enqueue_dma source(%dma_start3A_98 : memref<80xi32, #tpu.memory_space<hbm>>) target(%arg11 : memref<80xi32, #tpu.memory_space<vmem>>) target_semaphore(%arg20 : memref<!tpu.dma_semaphore, #tpu.memory_space<semaphore_mem>>)
    %dma_wait3A_99 = arith.constant 0 : i32
    %dma_wait3A_100 = tpu.memref_slice %arg2[%dma_wait3A_99] : memref<320000xi32, #tpu.memory_space<hbm>> -> memref<80xi32, #tpu.memory_space<hbm>>
    %dma_wait3A_101 = arith.constant 0 : i32
    %dma_wait3A_102 = tpu.memref_slice %arg2[%dma_wait3A_101] : memref<320000xi32, #tpu.memory_space<hbm>> -> memref<80xi32, #tpu.memory_space<hbm>>
    tpu.wait_dma2 semaphore(%arg20 : memref<!tpu.dma_semaphore, #tpu.memory_space<semaphore_mem>>) src(%dma_wait3A_102 : memref<80xi32, #tpu.memory_space<hbm>>) dst(%arg7 : memref<80xi32, #tpu.memory_space<vmem>>)
    %dma_wait3A_103 = arith.constant 0 : i32
    %dma_wait3A_104 = tpu.memref_slice %arg3[%dma_wait3A_103] : memref<320000xi32, #tpu.memory_space<hbm>> -> memref<80xi32, #tpu.memory_space<hbm>>
    %dma_wait3A_105 = arith.constant 0 : i32
    %dma_wait3A_106 = tpu.memref_slice %arg3[%dma_wait3A_105] : memref<320000xi32, #tpu.memory_space<hbm>> -> memref<80xi32, #tpu.memory_space<hbm>>
    tpu.wait_dma2 semaphore(%arg20 : memref<!tpu.dma_semaphore, #tpu.memory_space<semaphore_mem>>) src(%dma_wait3A_106 : memref<80xi32, #tpu.memory_space<hbm>>) dst(%arg11 : memref<80xi32, #tpu.memory_space<vmem>>)
    %dma_start3A_107 = arith.constant 0 : i32
    %dma_start3A_108 = arith.constant 0 : i32
    %dma_start3A_109 = tpu.memref_slice %arg4[%dma_start3A_107, %dma_start3A_108] : memref<10000x128xf32, #tpu.memory_space<hbm>> -> memref<10000x128xf32, #tpu.memory_space<hbm>>
    tpu.enqueue_indirect_dma source(%dma_start3A_109 : memref<10000x128xf32, #tpu.memory_space<hbm>>) target(%arg15 : memref<80x128xf32, #tpu.memory_space<vmem>>) offsets(%arg7 : memref<80xi32, #tpu.memory_space<vmem>>) semaphore(%arg24 : memref<!tpu.dma_semaphore, #tpu.memory_space<semaphore_mem>>)
    %dma_wait3A_110 = arith.constant 0 : i32
    %dma_wait3A_111 = arith.constant 0 : i32
    %dma_wait3A_112 = tpu.memref_slice %arg4[%dma_wait3A_110, %dma_wait3A_111] : memref<10000x128xf32, #tpu.memory_space<hbm>> -> memref<10000x128xf32, #tpu.memory_space<hbm>>
    tpu.wait_indirect_dma semaphore(%arg26 : memref<!tpu.dma_semaphore, #tpu.memory_space<semaphore_mem>>) src(%dma_wait3A_112 : memref<10000x128xf32, #tpu.memory_space<hbm>>) dst(%arg17 : memref<80x128xf32, #tpu.memory_space<vmem>>)
    %dma_wait3A_113 = arith.constant 0 : i32
    %dma_wait3A_114 = arith.constant 0 : i32
    %dma_wait3A_115 = tpu.memref_slice %arg19[%dma_wait3A_113, %dma_wait3A_114] : memref<10000x128xf32, #tpu.memory_space<vmem_shared>> -> memref<10000x128xf32, #tpu.memory_space<vmem_shared>>
    tpu.wait_indirect_dma semaphore(%arg28 : memref<!tpu.dma_semaphore, #tpu.memory_space<semaphore_mem>>) src(%arg16 : memref<80x128xf32, #tpu.memory_space<vmem>>) dst(%dma_wait3A_115 : memref<10000x128xf32, #tpu.memory_space<vmem_shared>>)
    %dma_start3A_116 = arith.constant 0 : i32
    %dma_start3A_117 = arith.constant 0 : i32
    %dma_start3A_118 = tpu.memref_slice %arg19[%dma_start3A_116, %dma_start3A_117] : memref<10000x128xf32, #tpu.memory_space<vmem_shared>> -> memref<10000x128xf32, #tpu.memory_space<vmem_shared>>
    tpu.enqueue_indirect_dma source(%arg17 : memref<80x128xf32, #tpu.memory_space<vmem>>) target(%dma_start3A_118 : memref<10000x128xf32, #tpu.memory_space<vmem_shared>>) offsets(%arg13 : memref<80xi32, #tpu.memory_space<vmem>>) semaphore(%arg28 : memref<!tpu.dma_semaphore, #tpu.memory_space<semaphore_mem>>) {add = true}
    %dma_wait3A_119 = arith.constant 0 : i32
    %dma_wait3A_120 = arith.constant 0 : i32
    %dma_wait3A_121 = tpu.memref_slice %arg4[%dma_wait3A_119, %dma_wait3A_120] : memref<10000x128xf32, #tpu.memory_space<hbm>> -> memref<10000x128xf32, #tpu.memory_space<hbm>>
    tpu.wait_indirect_dma semaphore(%arg27 : memref<!tpu.dma_semaphore, #tpu.memory_space<semaphore_mem>>) src(%dma_wait3A_121 : memref<10000x128xf32, #tpu.memory_space<hbm>>) dst(%arg18 : memref<80x128xf32, #tpu.memory_space<vmem>>)
    %dma_wait3A_122 = arith.constant 0 : i32
    %dma_wait3A_123 = arith.constant 0 : i32
    %dma_wait3A_124 = tpu.memref_slice %arg19[%dma_wait3A_122, %dma_wait3A_123] : memref<10000x128xf32, #tpu.memory_space<vmem_shared>> -> memref<10000x128xf32, #tpu.memory_space<vmem_shared>>
    tpu.wait_indirect_dma semaphore(%arg28 : memref<!tpu.dma_semaphore, #tpu.memory_space<semaphore_mem>>) src(%arg17 : memref<80x128xf32, #tpu.memory_space<vmem>>) dst(%dma_wait3A_124 : memref<10000x128xf32, #tpu.memory_space<vmem_shared>>)
    %dma_start3A_125 = arith.constant 0 : i32
    %dma_start3A_126 = arith.constant 0 : i32
    %dma_start3A_127 = tpu.memref_slice %arg19[%dma_start3A_125, %dma_start3A_126] : memref<10000x128xf32, #tpu.memory_space<vmem_shared>> -> memref<10000x128xf32, #tpu.memory_space<vmem_shared>>
    tpu.enqueue_indirect_dma source(%arg18 : memref<80x128xf32, #tpu.memory_space<vmem>>) target(%dma_start3A_127 : memref<10000x128xf32, #tpu.memory_space<vmem_shared>>) offsets(%arg14 : memref<80xi32, #tpu.memory_space<vmem>>) semaphore(%arg28 : memref<!tpu.dma_semaphore, #tpu.memory_space<semaphore_mem>>) {add = true}
    %dma_wait3A_128 = arith.constant 0 : i32
    %dma_wait3A_129 = arith.constant 0 : i32
    %dma_wait3A_130 = tpu.memref_slice %arg4[%dma_wait3A_128, %dma_wait3A_129] : memref<10000x128xf32, #tpu.memory_space<hbm>> -> memref<10000x128xf32, #tpu.memory_space<hbm>>
    tpu.wait_indirect_dma semaphore(%arg24 : memref<!tpu.dma_semaphore, #tpu.memory_space<semaphore_mem>>) src(%dma_wait3A_130 : memref<10000x128xf32, #tpu.memory_space<hbm>>) dst(%arg15 : memref<80x128xf32, #tpu.memory_space<vmem>>)
    %dma_wait3A_131 = arith.constant 0 : i32
    %dma_wait3A_132 = arith.constant 0 : i32
    %dma_wait3A_133 = tpu.memref_slice %arg19[%dma_wait3A_131, %dma_wait3A_132] : memref<10000x128xf32, #tpu.memory_space<vmem_shared>> -> memref<10000x128xf32, #tpu.memory_space<vmem_shared>>
    tpu.wait_indirect_dma semaphore(%arg28 : memref<!tpu.dma_semaphore, #tpu.memory_space<semaphore_mem>>) src(%arg18 : memref<80x128xf32, #tpu.memory_space<vmem>>) dst(%dma_wait3A_133 : memref<10000x128xf32, #tpu.memory_space<vmem_shared>>)
    %dma_start3A_134 = arith.constant 0 : i32
    %dma_start3A_135 = arith.constant 0 : i32
    %dma_start3A_136 = tpu.memref_slice %arg19[%dma_start3A_134, %dma_start3A_135] : memref<10000x128xf32, #tpu.memory_space<vmem_shared>> -> memref<10000x128xf32, #tpu.memory_space<vmem_shared>>
    tpu.enqueue_indirect_dma source(%arg15 : memref<80x128xf32, #tpu.memory_space<vmem>>) target(%dma_start3A_136 : memref<10000x128xf32, #tpu.memory_space<vmem_shared>>) offsets(%arg11 : memref<80xi32, #tpu.memory_space<vmem>>) semaphore(%arg28 : memref<!tpu.dma_semaphore, #tpu.memory_space<semaphore_mem>>) {add = true}
    %dma_wait3A_137 = arith.constant 0 : i32
    %dma_wait3A_138 = arith.constant 0 : i32
    %dma_wait3A_139 = tpu.memref_slice %arg19[%dma_wait3A_137, %dma_wait3A_138] : memref<10000x128xf32, #tpu.memory_space<vmem_shared>> -> memref<10000x128xf32, #tpu.memory_space<vmem_shared>>
    tpu.wait_indirect_dma semaphore(%arg28 : memref<!tpu.dma_semaphore, #tpu.memory_space<semaphore_mem>>) src(%arg15 : memref<80x128xf32, #tpu.memory_space<vmem>>) dst(%dma_wait3A_139 : memref<10000x128xf32, #tpu.memory_space<vmem_shared>>)
    %barrier3A_140 = arith.constant 0 : index
    tpu.barrier barrier_id(%barrier3A_140)
    %mul3A_141 = arith.constant 624 : i32
    %mul3A_142 = arith.muli %arg1, %mul3A_141 : i32
    %mul3A_143 = arith.constant 624 : i32
    %mul3A_144 = arith.muli %arg1, %mul3A_143 : i32
    "tpu.region"() ({
      %run_scoped3A = tpu.sem_alloc : memref<!tpu.dma_semaphore, #tpu.memory_space<semaphore_mem>>
      %dma_start3A_150 = arith.constant 0 : i32
      %dma_start3A_151 = tpu.memref_slice %arg6[%arg0, %mul3A_144, %dma_start3A_150] : memref<2x10000x128xf32, #tpu.memory_space<hbm>> -> memref<1x624x128xf32, #tpu.memory_space<hbm>>
      %dma_start3A_152 = tpu.memref_squeeze %dma_start3A_151 : memref<1x624x128xf32, #tpu.memory_space<hbm>> -> memref<624x128xf32, #tpu.memory_space<hbm>>
      %dma_start3A_153 = arith.constant 0 : i32
      %dma_start3A_154 = tpu.memref_slice %arg19[%mul3A_142, %dma_start3A_153] : memref<10000x128xf32, #tpu.memory_space<vmem_shared>> -> memref<624x128xf32, #tpu.memory_space<vmem_shared>>
      tpu.enqueue_dma source(%dma_start3A_154 : memref<624x128xf32, #tpu.memory_space<vmem_shared>>) target(%dma_start3A_152 : memref<624x128xf32, #tpu.memory_space<hbm>>) target_semaphore(%run_scoped3A : memref<!tpu.dma_semaphore, #tpu.memory_space<semaphore_mem>>)
      %dma_wait3A_155 = arith.constant 0 : i32
      %dma_wait3A_156 = tpu.memref_slice %arg6[%arg0, %mul3A_144, %dma_wait3A_155] : memref<2x10000x128xf32, #tpu.memory_space<hbm>> -> memref<1x624x128xf32, #tpu.memory_space<hbm>>
      %dma_wait3A_157 = tpu.memref_squeeze %dma_wait3A_156 : memref<1x624x128xf32, #tpu.memory_space<hbm>> -> memref<624x128xf32, #tpu.memory_space<hbm>>
      %dma_wait3A_158 = arith.constant 0 : i32
      %dma_wait3A_159 = tpu.memref_slice %arg19[%mul3A_142, %dma_wait3A_158] : memref<10000x128xf32, #tpu.memory_space<vmem_shared>> -> memref<624x128xf32, #tpu.memory_space<vmem_shared>>
      tpu.wait_dma2 semaphore(%run_scoped3A : memref<!tpu.dma_semaphore, #tpu.memory_space<semaphore_mem>>) src(%dma_wait3A_159 : memref<624x128xf32, #tpu.memory_space<vmem_shared>>) dst(%dma_wait3A_157 : memref<624x128xf32, #tpu.memory_space<hbm>>)
      tpu.yield
    }) : () -> ()
    %eq3A_145 = arith.constant 0 : i32
    %eq3A_146 = arith.cmpi eq, %arg1, %eq3A_145 : i32
    %convert_element_type3A_147 = arith.extui %eq3A_146 : i1 to i32
    %cond3A_148 = arith.constant 0 : i32
    %cond3A_149 = arith.cmpi ne, %convert_element_type3A_147, %cond3A_148 : i32
    scf.if %cond3A_149 {
      "tpu.region"() ({
        %run_scoped3A = tpu.sem_alloc : memref<!tpu.dma_semaphore, #tpu.memory_space<semaphore_mem>>
        %dma_start3A_150 = arith.constant 9984 : i32
        %dma_start3A_151 = arith.constant 0 : i32
        %dma_start3A_152 = tpu.memref_slice %arg6[%arg0, %dma_start3A_150, %dma_start3A_151] : memref<2x10000x128xf32, #tpu.memory_space<hbm>> -> memref<1x16x128xf32, #tpu.memory_space<hbm>>
        %dma_start3A_153 = tpu.memref_squeeze %dma_start3A_152 : memref<1x16x128xf32, #tpu.memory_space<hbm>> -> memref<16x128xf32, #tpu.memory_space<hbm>>
        %dma_start3A_154 = arith.constant 9984 : i32
        %dma_start3A_155 = arith.constant 0 : i32
        %dma_start3A_156 = tpu.memref_slice %arg19[%dma_start3A_154, %dma_start3A_155] : memref<10000x128xf32, #tpu.memory_space<vmem_shared>> -> memref<16x128xf32, #tpu.memory_space<vmem_shared>>
        tpu.enqueue_dma source(%dma_start3A_156 : memref<16x128xf32, #tpu.memory_space<vmem_shared>>) target(%dma_start3A_153 : memref<16x128xf32, #tpu.memory_space<hbm>>) target_semaphore(%run_scoped3A : memref<!tpu.dma_semaphore, #tpu.memory_space<semaphore_mem>>)
        %dma_wait3A_157 = arith.constant 9984 : i32
        %dma_wait3A_158 = arith.constant 0 : i32
        %dma_wait3A_159 = tpu.memref_slice %arg6[%arg0, %dma_wait3A_157, %dma_wait3A_158] : memref<2x10000x128xf32, #tpu.memory_space<hbm>> -> memref<1x16x128xf32, #tpu.memory_space<hbm>>
        %dma_wait3A_160 = tpu.memref_squeeze %dma_wait3A_159 : memref<1x16x128xf32, #tpu.memory_space<hbm>> -> memref<16x128xf32, #tpu.memory_space<hbm>>
        %dma_wait3A_161 = arith.constant 9984 : i32
        %dma_wait3A_162 = arith.constant 0 : i32
        %dma_wait3A_163 = tpu.memref_slice %arg19[%dma_wait3A_161, %dma_wait3A_162] : memref<10000x128xf32, #tpu.memory_space<vmem_shared>> -> memref<16x128xf32, #tpu.memory_space<vmem_shared>>
        tpu.wait_dma2 semaphore(%run_scoped3A : memref<!tpu.dma_semaphore, #tpu.memory_space<semaphore_mem>>) src(%dma_wait3A_163 : memref<16x128xf32, #tpu.memory_space<vmem_shared>>) dst(%dma_wait3A_160 : memref<16x128xf32, #tpu.memory_space<hbm>>)
        tpu.yield
      }) : () -> ()
    } else {
    }
    return
  }
}

module attributes {stable_mosaic.version = 14 : i64} {
  func.func @body(%arg0: i32, %arg1: memref<1x1000x128xf32, #tpu.memory_space<vmem>>, %arg2: memref<1x1000x128xf32, #tpu.memory_space<vmem>>, %arg3: memref<1x1000x128xf32, #tpu.memory_space<vmem>>, %arg4: memref<1x1000x128xf32, #tpu.memory_space<vmem>>, %arg5: memref<1000x128xf32, #tpu.memory_space<vmem>>, %arg6: memref<128x128xf32, #tpu.memory_space<vmem>>, %arg7: memref<1x128xf32, #tpu.memory_space<vmem>>, %arg8: memref<128x128xf32, #tpu.memory_space<vmem>>, %arg9: memref<1000x128xf32, #tpu.memory_space<vmem>>, %arg10: memref<1000x1xf32, #tpu.memory_space<vmem>>) attributes {dimension_semantics = [#tpu.dimension_semantics<arbitrary>], iteration_bounds = array<i64: 10>, scalar_prefetch = 0 : i64, scratch_operands = 0 : i64, tpu.core_type = #tpu.core_type<tc>, window_params = [{transform_indices = @transform_0, window_bounds = array<i64: 1, 1000, 128>}, {transform_indices = @transform_1, window_bounds = array<i64: 1, 1000, 128>}, {transform_indices = @transform_2, window_bounds = array<i64: 1, 1000, 128>}, {transform_indices = @transform_3, window_bounds = array<i64: 1, 1000, 128>}, {transform_indices = @transform_4, window_bounds = array<i64: 1000, 128>}, {pipeline_mode = #tpu.pipeline_mode<synchronous>, transform_indices = @transform_5, window_bounds = array<i64: 128, 128>}, {pipeline_mode = #tpu.pipeline_mode<synchronous>, transform_indices = @transform_6, window_bounds = array<i64: 1, 128>}, {pipeline_mode = #tpu.pipeline_mode<synchronous>, transform_indices = @transform_7, window_bounds = array<i64: 128, 128>}, {transform_indices = @transform_8, window_bounds = array<i64: 1000, 128>}, {transform_indices = @transform_9, window_bounds = array<i64: 1000, 1>}]} {
    %get3A = arith.constant 0 : index
    %get3A_0 = arith.constant 0 : index
    %get3A_1 = arith.constant 0 : index
    %get3A_2 = vector.load %arg3[%get3A, %get3A_0, %get3A_1] : memref<1x1000x128xf32, #tpu.memory_space<vmem>>, vector<1x1000x128xf32>
    %get3A_3 = vector.shape_cast %get3A_2 : vector<1x1000x128xf32> to vector<1000x128xf32>
    %slice3A = vector.extract_strided_slice %get3A_3 {offsets = [0, 0], sizes = [1000, 1], strides = [1, 1]} : vector<1000x128xf32> to vector<1000x1xf32>
    %get3A_4 = arith.constant 0 : index
    %get3A_5 = arith.constant 0 : index
    %get3A_6 = arith.constant 0 : index
    %get3A_7 = vector.load %arg4[%get3A_4, %get3A_5, %get3A_6] : memref<1x1000x128xf32, #tpu.memory_space<vmem>>, vector<1x1000x128xf32>
    %get3A_8 = vector.shape_cast %get3A_7 : vector<1x1000x128xf32> to vector<1000x128xf32>
    %slice3A_9 = vector.extract_strided_slice %get3A_8 {offsets = [0, 0], sizes = [1000, 1], strides = [1, 1]} : vector<1000x128xf32> to vector<1000x1xf32>
    %add3A = arith.addf %slice3A, %slice3A_9 : vector<1000x1xf32>
    %max3A = arith.constant 1.000000e+00 : f32
    %max3A_10 = vector.broadcast %max3A : f32 to vector<1000x1xf32>
    %max3A_11 = arith.maximumf %add3A, %max3A_10 : vector<1000x1xf32>
    %div3A = arith.constant 1.000000e+00 : f32
    %div3A_12 = vector.broadcast %div3A : f32 to vector<1000x1xf32>
    %div3A_13 = arith.divf %div3A_12, %max3A_11 : vector<1000x1xf32>
    %swap3A = arith.constant 0 : index
    %swap3A_14 = arith.constant 0 : index
    %swap3A_15 = vector.load %arg10[%swap3A, %swap3A_14] : memref<1000x1xf32, #tpu.memory_space<vmem>>, vector<1000x1xf32>
    tpu.vector_store %arg10[%swap3A, %swap3A_14], %div3A_13 {strides = array<i32>} : memref<1000x1xf32, #tpu.memory_space<vmem>>, vector<1000x1xf32>,
    %get3A_16 = arith.constant 0 : index
    %get3A_17 = arith.constant 0 : index
    %get3A_18 = arith.constant 0 : index
    %get3A_19 = vector.load %arg1[%get3A_16, %get3A_17, %get3A_18] : memref<1x1000x128xf32, #tpu.memory_space<vmem>>, vector<1x1000x128xf32>
    %get3A_20 = vector.shape_cast %get3A_19 : vector<1x1000x128xf32> to vector<1000x128xf32>
    %get3A_21 = arith.constant 0 : index
    %get3A_22 = arith.constant 0 : index
    %get3A_23 = arith.constant 0 : index
    %get3A_24 = vector.load %arg2[%get3A_21, %get3A_22, %get3A_23] : memref<1x1000x128xf32, #tpu.memory_space<vmem>>, vector<1x1000x128xf32>
    %get3A_25 = vector.shape_cast %get3A_24 : vector<1x1000x128xf32> to vector<1000x128xf32>
    %add3A_26 = arith.addf %get3A_20, %get3A_25 : vector<1000x128xf32>
    %mul3A = vector.broadcast %div3A_13 : vector<1000x1xf32> to vector<1000x128xf32>
    %mul3A_27 = arith.mulf %add3A_26, %mul3A : vector<1000x128xf32>
    %get3A_28 = arith.constant 0 : index
    %get3A_29 = arith.constant 0 : index
    %get3A_30 = vector.load %arg6[%get3A_28, %get3A_29] : memref<128x128xf32, #tpu.memory_space<vmem>>, vector<128x128xf32>
    %dot_general3A = arith.constant dense<0.000000e+00> : vector<1000x128xf32>
    %dot_general3A_31 = tpu.matmul %mul3A_27, %get3A_30, %dot_general3A {dimension_numbers = #tpu.dot_dimension_numbers<[1], [0], [0], [1], [0, 0, 1, 1], [], []>, transpose_lhs_hint = false} : vector<1000x128xf32>, vector<128x128xf32>, vector<1000x128xf32> -> vector<1000x128xf32>
    %get3A_32 = arith.constant 0 : index
    %get3A_33 = arith.constant 0 : index
    %get3A_34 = vector.load %arg7[%get3A_32, %get3A_33] : memref<1x128xf32, #tpu.memory_space<vmem>>, vector<1x128xf32>
    %add3A_35 = vector.broadcast %get3A_34 : vector<1x128xf32> to vector<1000x128xf32>
    %add3A_36 = arith.addf %dot_general3A_31, %add3A_35 : vector<1000x128xf32>
    %get3A_37 = arith.constant 0 : index
    %get3A_38 = arith.constant 0 : index
    %get3A_39 = vector.load %arg5[%get3A_37, %get3A_38] : memref<1000x128xf32, #tpu.memory_space<vmem>>, vector<1000x128xf32>
    %get3A_40 = arith.constant 0 : index
    %get3A_41 = arith.constant 0 : index
    %get3A_42 = vector.load %arg8[%get3A_40, %get3A_41] : memref<128x128xf32, #tpu.memory_space<vmem>>, vector<128x128xf32>
    %dot_general3A_43 = arith.constant dense<0.000000e+00> : vector<1000x128xf32>
    %dot_general3A_44 = tpu.matmul %get3A_39, %get3A_42, %dot_general3A_43 {dimension_numbers = #tpu.dot_dimension_numbers<[1], [0], [0], [1], [0, 0, 1, 1], [], []>, transpose_lhs_hint = false} : vector<1000x128xf32>, vector<128x128xf32>, vector<1000x128xf32> -> vector<1000x128xf32>
    %add3A_45 = arith.addf %add3A_36, %dot_general3A_44 : vector<1000x128xf32>
    %max3A_46 = arith.constant 0.000000e+00 : f32
    %max3A_47 = vector.broadcast %max3A_46 : f32 to vector<1000x128xf32>
    %max3A_48 = arith.maximumf %add3A_45, %max3A_47 : vector<1000x128xf32>
    %swap3A_49 = arith.constant 0 : index
    %swap3A_50 = arith.constant 0 : index
    %swap3A_51 = vector.load %arg9[%swap3A_49, %swap3A_50] : memref<1000x128xf32, #tpu.memory_space<vmem>>, vector<1000x128xf32>
    tpu.vector_store %arg9[%swap3A_49, %swap3A_50], %max3A_48 {strides = array<i32>} : memref<1000x128xf32, #tpu.memory_space<vmem>>, vector<1000x128xf32>,
    return
  }
  func.func @transform_0(%arg0: i32) -> (i32, i32, i32) {
    %c0_i32 = arith.constant 0 : i32
    %c0_i32_0 = arith.constant 0 : i32
    %c0_i32_1 = arith.constant 0 : i32
    return %c0_i32, %arg0, %c0_i32_0 : i32, i32, i32
  }
  func.func @transform_1(%arg0: i32) -> (i32, i32, i32) {
    %c1_i32 = arith.constant 1 : i32
    %c0_i32 = arith.constant 0 : i32
    %c0_i32_0 = arith.constant 0 : i32
    return %c1_i32, %arg0, %c0_i32 : i32, i32, i32
  }
  func.func @transform_2(%arg0: i32) -> (i32, i32, i32) {
    %c0_i32 = arith.constant 0 : i32
    %c0_i32_0 = arith.constant 0 : i32
    %c0_i32_1 = arith.constant 0 : i32
    return %c0_i32, %arg0, %c0_i32_0 : i32, i32, i32
  }
  func.func @transform_3(%arg0: i32) -> (i32, i32, i32) {
    %c1_i32 = arith.constant 1 : i32
    %c0_i32 = arith.constant 0 : i32
    %c0_i32_0 = arith.constant 0 : i32
    return %c1_i32, %arg0, %c0_i32 : i32, i32, i32
  }
  func.func @transform_4(%arg0: i32) -> (i32, i32) {
    %c0_i32 = arith.constant 0 : i32
    %c0_i32_0 = arith.constant 0 : i32
    return %arg0, %c0_i32 : i32, i32
  }
  func.func @transform_5(%arg0: i32) -> (i32, i32) {
    %c0_i32 = arith.constant 0 : i32
    %c0_i32_0 = arith.constant 0 : i32
    %c0_i32_1 = arith.constant 0 : i32
    return %c0_i32, %c0_i32_0 : i32, i32
  }
  func.func @transform_6(%arg0: i32) -> (i32, i32) {
    %c0_i32 = arith.constant 0 : i32
    %c0_i32_0 = arith.constant 0 : i32
    %c0_i32_1 = arith.constant 0 : i32
    return %c0_i32, %c0_i32_0 : i32, i32
  }
  func.func @transform_7(%arg0: i32) -> (i32, i32) {
    %c0_i32 = arith.constant 0 : i32
    %c0_i32_0 = arith.constant 0 : i32
    %c0_i32_1 = arith.constant 0 : i32
    return %c0_i32, %c0_i32_0 : i32, i32
  }
  func.func @transform_8(%arg0: i32) -> (i32, i32) {
    %c0_i32 = arith.constant 0 : i32
    %c0_i32_0 = arith.constant 0 : i32
    return %arg0, %c0_i32 : i32, i32
  }
  func.func @transform_9(%arg0: i32) -> (i32, i32) {
    %c0_i32 = arith.constant 0 : i32
    %c0_i32_0 = arith.constant 0 : i32
    return %arg0, %c0_i32 : i32, i32
  }
}

module attributes {stable_mosaic.version = 14 : i64} {
  func.func @body(%arg0: i32, %arg1: memref<1x1000x128xf32, #tpu.memory_space<vmem>>, %arg2: memref<1x1000x128xf32, #tpu.memory_space<vmem>>, %arg3: memref<1000x1xf32, #tpu.memory_space<vmem>>, %arg4: memref<1000x128xf32, #tpu.memory_space<vmem>>, %arg5: memref<128x128xf32, #tpu.memory_space<vmem>>, %arg6: memref<1x128xf32, #tpu.memory_space<vmem>>, %arg7: memref<128x128xf32, #tpu.memory_space<vmem>>, %arg8: memref<1000x128xf32, #tpu.memory_space<vmem>>) attributes {dimension_semantics = [#tpu.dimension_semantics<arbitrary>], iteration_bounds = array<i64: 10>, scalar_prefetch = 0 : i64, scratch_operands = 0 : i64, tpu.core_type = #tpu.core_type<tc>, window_params = [{transform_indices = @transform_0, window_bounds = array<i64: 1, 1000, 128>}, {transform_indices = @transform_1, window_bounds = array<i64: 1, 1000, 128>}, {transform_indices = @transform_2, window_bounds = array<i64: 1000, 1>}, {transform_indices = @transform_3, window_bounds = array<i64: 1000, 128>}, {pipeline_mode = #tpu.pipeline_mode<synchronous>, transform_indices = @transform_4, window_bounds = array<i64: 128, 128>}, {pipeline_mode = #tpu.pipeline_mode<synchronous>, transform_indices = @transform_5, window_bounds = array<i64: 1, 128>}, {pipeline_mode = #tpu.pipeline_mode<synchronous>, transform_indices = @transform_6, window_bounds = array<i64: 128, 128>}, {transform_indices = @transform_7, window_bounds = array<i64: 1000, 128>}]} {
    %get3A = arith.constant 0 : index
    %get3A_0 = arith.constant 0 : index
    %get3A_1 = arith.constant 0 : index
    %get3A_2 = vector.load %arg1[%get3A, %get3A_0, %get3A_1] : memref<1x1000x128xf32, #tpu.memory_space<vmem>>, vector<1x1000x128xf32>
    %get3A_3 = vector.shape_cast %get3A_2 : vector<1x1000x128xf32> to vector<1000x128xf32>
    %get3A_4 = arith.constant 0 : index
    %get3A_5 = arith.constant 0 : index
    %get3A_6 = arith.constant 0 : index
    %get3A_7 = vector.load %arg2[%get3A_4, %get3A_5, %get3A_6] : memref<1x1000x128xf32, #tpu.memory_space<vmem>>, vector<1x1000x128xf32>
    %get3A_8 = vector.shape_cast %get3A_7 : vector<1x1000x128xf32> to vector<1000x128xf32>
    %add3A = arith.addf %get3A_3, %get3A_8 : vector<1000x128xf32>
    %get3A_9 = arith.constant 0 : index
    %get3A_10 = arith.constant 0 : index
    %get3A_11 = vector.load %arg3[%get3A_9, %get3A_10] : memref<1000x1xf32, #tpu.memory_space<vmem>>, vector<1000x1xf32>
    %mul3A = vector.broadcast %get3A_11 : vector<1000x1xf32> to vector<1000x128xf32>
    %mul3A_12 = arith.mulf %add3A, %mul3A : vector<1000x128xf32>
    %get3A_13 = arith.constant 0 : index
    %get3A_14 = arith.constant 0 : index
    %get3A_15 = vector.load %arg5[%get3A_13, %get3A_14] : memref<128x128xf32, #tpu.memory_space<vmem>>, vector<128x128xf32>
    %dot_general3A = arith.constant dense<0.000000e+00> : vector<1000x128xf32>
    %dot_general3A_16 = tpu.matmul %mul3A_12, %get3A_15, %dot_general3A {dimension_numbers = #tpu.dot_dimension_numbers<[1], [0], [0], [1], [0, 0, 1, 1], [], []>, transpose_lhs_hint = false} : vector<1000x128xf32>, vector<128x128xf32>, vector<1000x128xf32> -> vector<1000x128xf32>
    %get3A_17 = arith.constant 0 : index
    %get3A_18 = arith.constant 0 : index
    %get3A_19 = vector.load %arg6[%get3A_17, %get3A_18] : memref<1x128xf32, #tpu.memory_space<vmem>>, vector<1x128xf32>
    %add3A_20 = vector.broadcast %get3A_19 : vector<1x128xf32> to vector<1000x128xf32>
    %add3A_21 = arith.addf %dot_general3A_16, %add3A_20 : vector<1000x128xf32>
    %get3A_22 = arith.constant 0 : index
    %get3A_23 = arith.constant 0 : index
    %get3A_24 = vector.load %arg4[%get3A_22, %get3A_23] : memref<1000x128xf32, #tpu.memory_space<vmem>>, vector<1000x128xf32>
    %get3A_25 = arith.constant 0 : index
    %get3A_26 = arith.constant 0 : index
    %get3A_27 = vector.load %arg7[%get3A_25, %get3A_26] : memref<128x128xf32, #tpu.memory_space<vmem>>, vector<128x128xf32>
    %dot_general3A_28 = arith.constant dense<0.000000e+00> : vector<1000x128xf32>
    %dot_general3A_29 = tpu.matmul %get3A_24, %get3A_27, %dot_general3A_28 {dimension_numbers = #tpu.dot_dimension_numbers<[1], [0], [0], [1], [0, 0, 1, 1], [], []>, transpose_lhs_hint = false} : vector<1000x128xf32>, vector<128x128xf32>, vector<1000x128xf32> -> vector<1000x128xf32>
    %add3A_30 = arith.addf %add3A_21, %dot_general3A_29 : vector<1000x128xf32>
    %max3A = arith.constant 0.000000e+00 : f32
    %max3A_31 = vector.broadcast %max3A : f32 to vector<1000x128xf32>
    %max3A_32 = arith.maximumf %add3A_30, %max3A_31 : vector<1000x128xf32>
    %swap3A = arith.constant 0 : index
    %swap3A_33 = arith.constant 0 : index
    %swap3A_34 = vector.load %arg8[%swap3A, %swap3A_33] : memref<1000x128xf32, #tpu.memory_space<vmem>>, vector<1000x128xf32>
    tpu.vector_store %arg8[%swap3A, %swap3A_33], %max3A_32 {strides = array<i32>} : memref<1000x128xf32, #tpu.memory_space<vmem>>, vector<1000x128xf32>,
    return
  }
  func.func @transform_0(%arg0: i32) -> (i32, i32, i32) {
    %c0_i32 = arith.constant 0 : i32
    %c0_i32_0 = arith.constant 0 : i32
    %c0_i32_1 = arith.constant 0 : i32
    return %c0_i32, %arg0, %c0_i32_0 : i32, i32, i32
  }
  func.func @transform_1(%arg0: i32) -> (i32, i32, i32) {
    %c1_i32 = arith.constant 1 : i32
    %c0_i32 = arith.constant 0 : i32
    %c0_i32_0 = arith.constant 0 : i32
    return %c1_i32, %arg0, %c0_i32 : i32, i32, i32
  }
  func.func @transform_2(%arg0: i32) -> (i32, i32) {
    %c0_i32 = arith.constant 0 : i32
    %c0_i32_0 = arith.constant 0 : i32
    return %arg0, %c0_i32 : i32, i32
  }
  func.func @transform_3(%arg0: i32) -> (i32, i32) {
    %c0_i32 = arith.constant 0 : i32
    %c0_i32_0 = arith.constant 0 : i32
    return %arg0, %c0_i32 : i32, i32
  }
  func.func @transform_4(%arg0: i32) -> (i32, i32) {
    %c0_i32 = arith.constant 0 : i32
    %c0_i32_0 = arith.constant 0 : i32
    %c0_i32_1 = arith.constant 0 : i32
    return %c0_i32, %c0_i32_0 : i32, i32
  }
  func.func @transform_5(%arg0: i32) -> (i32, i32) {
    %c0_i32 = arith.constant 0 : i32
    %c0_i32_0 = arith.constant 0 : i32
    %c0_i32_1 = arith.constant 0 : i32
    return %c0_i32, %c0_i32_0 : i32, i32
  }
  func.func @transform_6(%arg0: i32) -> (i32, i32) {
    %c0_i32 = arith.constant 0 : i32
    %c0_i32_0 = arith.constant 0 : i32
    %c0_i32_1 = arith.constant 0 : i32
    return %c0_i32, %c0_i32_0 : i32, i32
  }
  func.func @transform_7(%arg0: i32) -> (i32, i32) {
    %c0_i32 = arith.constant 0 : i32
    %c0_i32_0 = arith.constant 0 : i32
    return %arg0, %c0_i32 : i32, i32
  }
}

module attributes {stable_mosaic.version = 14 : i64} {
  func.func @body(%arg0: i32, %arg1: memref<1x10000x128xf32, #tpu.memory_space<vmem>>, %arg2: memref<1x10000x128xf32, #tpu.memory_space<vmem>>, %arg3: memref<10000x1xf32, #tpu.memory_space<vmem>>, %arg4: memref<10000x128xf32, #tpu.memory_space<vmem>>, %arg5: memref<128x128xf32, #tpu.memory_space<vmem>>, %arg6: memref<1x128xf32, #tpu.memory_space<vmem>>, %arg7: memref<128x128xf32, #tpu.memory_space<vmem>>, %arg8: memref<1x10000xi32, #tpu.memory_space<vmem>>, %arg9: memref<128x1xf32, #tpu.memory_space<vmem>>, %arg10: memref<1x1xf32, #tpu.memory_space<vmem>>, %arg11: memref<128x128xf32, #tpu.memory_space<vmem>>, %arg12: memref<1x128xf32, #tpu.memory_space<vmem>>, %arg13: memref<128x10xf32, #tpu.memory_space<vmem>>, %arg14: memref<1x10xf32, #tpu.memory_space<vmem>>, %arg15: memref<64x10xf32, #tpu.memory_space<vmem>>) attributes {dimension_semantics = [#tpu.dimension_semantics<arbitrary>], iteration_bounds = array<i64: 1>, scalar_prefetch = 0 : i64, scratch_operands = 0 : i64, tpu.core_type = #tpu.core_type<tc>, window_params = [{transform_indices = @transform_0, window_bounds = array<i64: 1, 10000, 128>}, {transform_indices = @transform_1, window_bounds = array<i64: 1, 10000, 128>}, {pipeline_mode = #tpu.pipeline_mode<synchronous>, transform_indices = @transform_2, window_bounds = array<i64: 10000, 1>}, {pipeline_mode = #tpu.pipeline_mode<synchronous>, transform_indices = @transform_3, window_bounds = array<i64: 10000, 128>}, {pipeline_mode = #tpu.pipeline_mode<synchronous>, transform_indices = @transform_4, window_bounds = array<i64: 128, 128>}, {pipeline_mode = #tpu.pipeline_mode<synchronous>, transform_indices = @transform_5, window_bounds = array<i64: 1, 128>}, {pipeline_mode = #tpu.pipeline_mode<synchronous>, transform_indices = @transform_6, window_bounds = array<i64: 128, 128>}, {pipeline_mode = #tpu.pipeline_mode<synchronous>, transform_indices = @transform_7, window_bounds = array<i64: 1, 10000>}, {pipeline_mode = #tpu.pipeline_mode<synchronous>, transform_indices = @transform_8, window_bounds = array<i64: 128, 1>}, {pipeline_mode = #tpu.pipeline_mode<synchronous>, transform_indices = @transform_9, window_bounds = array<i64: 1, 1>}, {pipeline_mode = #tpu.pipeline_mode<synchronous>, transform_indices = @transform_10, window_bounds = array<i64: 128, 128>}, {pipeline_mode = #tpu.pipeline_mode<synchronous>, transform_indices = @transform_11, window_bounds = array<i64: 1, 128>}, {pipeline_mode = #tpu.pipeline_mode<synchronous>, transform_indices = @transform_12, window_bounds = array<i64: 128, 10>}, {pipeline_mode = #tpu.pipeline_mode<synchronous>, transform_indices = @transform_13, window_bounds = array<i64: 1, 10>}, {pipeline_mode = #tpu.pipeline_mode<synchronous>, transform_indices = @transform_14, window_bounds = array<i64: 64, 10>}]} {
    %get3A = arith.constant 0 : index
    %get3A_0 = arith.constant 0 : index
    %get3A_1 = arith.constant 0 : index
    %get3A_2 = vector.load %arg1[%get3A, %get3A_0, %get3A_1] : memref<1x10000x128xf32, #tpu.memory_space<vmem>>, vector<1x10000x128xf32>
    %get3A_3 = vector.shape_cast %get3A_2 : vector<1x10000x128xf32> to vector<10000x128xf32>
    %get3A_4 = arith.constant 0 : index
    %get3A_5 = arith.constant 0 : index
    %get3A_6 = arith.constant 0 : index
    %get3A_7 = vector.load %arg2[%get3A_4, %get3A_5, %get3A_6] : memref<1x10000x128xf32, #tpu.memory_space<vmem>>, vector<1x10000x128xf32>
    %get3A_8 = vector.shape_cast %get3A_7 : vector<1x10000x128xf32> to vector<10000x128xf32>
    %add3A = arith.addf %get3A_3, %get3A_8 : vector<10000x128xf32>
    %get3A_9 = arith.constant 0 : index
    %get3A_10 = arith.constant 0 : index
    %get3A_11 = vector.load %arg3[%get3A_9, %get3A_10] : memref<10000x1xf32, #tpu.memory_space<vmem>>, vector<10000x1xf32>
    %mul3A = vector.broadcast %get3A_11 : vector<10000x1xf32> to vector<10000x128xf32>
    %mul3A_12 = arith.mulf %add3A, %mul3A : vector<10000x128xf32>
    %get3A_13 = arith.constant 0 : index
    %get3A_14 = arith.constant 0 : index
    %get3A_15 = vector.load %arg5[%get3A_13, %get3A_14] : memref<128x128xf32, #tpu.memory_space<vmem>>, vector<128x128xf32>
    %dot_general3A = arith.constant dense<0.000000e+00> : vector<10000x128xf32>
    %dot_general3A_16 = tpu.matmul %mul3A_12, %get3A_15, %dot_general3A {dimension_numbers = #tpu.dot_dimension_numbers<[1], [0], [0], [1], [0, 0, 1, 1], [], []>, transpose_lhs_hint = false} : vector<10000x128xf32>, vector<128x128xf32>, vector<10000x128xf32> -> vector<10000x128xf32>
    %get3A_17 = arith.constant 0 : index
    %get3A_18 = arith.constant 0 : index
    %get3A_19 = vector.load %arg6[%get3A_17, %get3A_18] : memref<1x128xf32, #tpu.memory_space<vmem>>, vector<1x128xf32>
    %add3A_20 = vector.broadcast %get3A_19 : vector<1x128xf32> to vector<10000x128xf32>
    %add3A_21 = arith.addf %dot_general3A_16, %add3A_20 : vector<10000x128xf32>
    %get3A_22 = arith.constant 0 : index
    %get3A_23 = arith.constant 0 : index
    %get3A_24 = vector.load %arg4[%get3A_22, %get3A_23] : memref<10000x128xf32, #tpu.memory_space<vmem>>, vector<10000x128xf32>
    %get3A_25 = arith.constant 0 : index
    %get3A_26 = arith.constant 0 : index
    %get3A_27 = vector.load %arg7[%get3A_25, %get3A_26] : memref<128x128xf32, #tpu.memory_space<vmem>>, vector<128x128xf32>
    %dot_general3A_28 = arith.constant dense<0.000000e+00> : vector<10000x128xf32>
    %dot_general3A_29 = tpu.matmul %get3A_24, %get3A_27, %dot_general3A_28 {dimension_numbers = #tpu.dot_dimension_numbers<[1], [0], [0], [1], [0, 0, 1, 1], [], []>, transpose_lhs_hint = false} : vector<10000x128xf32>, vector<128x128xf32>, vector<10000x128xf32> -> vector<10000x128xf32>
    %add3A_30 = arith.addf %add3A_21, %dot_general3A_29 : vector<10000x128xf32>
    %max3A = arith.constant 0.000000e+00 : f32
    %max3A_31 = vector.broadcast %max3A : f32 to vector<10000x128xf32>
    %max3A_32 = arith.maximumf %add3A_30, %max3A_31 : vector<10000x128xf32>
    %get3A_33 = arith.constant 0 : index
    %get3A_34 = arith.constant 0 : index
    %get3A_35 = vector.load %arg9[%get3A_33, %get3A_34] : memref<128x1xf32, #tpu.memory_space<vmem>>, vector<128x1xf32>
    %dot_general3A_36 = arith.constant dense<0.000000e+00> : vector<10000x1xf32>
    %dot_general3A_37 = tpu.matmul %max3A_32, %get3A_35, %dot_general3A_36 {dimension_numbers = #tpu.dot_dimension_numbers<[1], [0], [0], [1], [0, 0, 1, 1], [], []>, transpose_lhs_hint = false} : vector<10000x128xf32>, vector<128x1xf32>, vector<10000x1xf32> -> vector<10000x1xf32>
    %get3A_38 = arith.constant 0 : index
    %get3A_39 = arith.constant 0 : index
    %get3A_40 = vector.load %arg10[%get3A_38, %get3A_39] : memref<1x1xf32, #tpu.memory_space<vmem>>, vector<1x1xf32>
    %get3A_41 = vector.extract %get3A_40[0, 0] : f32 from vector<1x1xf32>
    %add3A_42 = vector.broadcast %get3A_41 : f32 to vector<10000x1xf32>
    %add3A_43 = arith.addf %dot_general3A_37, %add3A_42 : vector<10000x1xf32>
    %reduce_max3A = vector.shape_cast %add3A_43 : vector<10000x1xf32> to vector<1x10000x1xf32>
    %reduce_max3A_44 = arith.constant dense<0xFF800000> : vector<1xf32>
    %reduce_max3A_45 = vector.multi_reduction <maximumf>, %reduce_max3A, %reduce_max3A_44 [1, 2] : vector<1x10000x1xf32> to vector<1xf32>
    %reduce_max3A_46 = vector.shape_cast %reduce_max3A_45 : vector<1xf32> to vector<1x1x1xf32>
    %reduce_max3A_47 = vector.extract %reduce_max3A_46[0, 0, 0] : f32 from vector<1x1x1xf32>
    %sub3A = vector.broadcast %reduce_max3A_47 : f32 to vector<10000x1xf32>
    %sub3A_48 = arith.subf %add3A_43, %sub3A : vector<10000x1xf32>
    %exp3A = math.exp %sub3A_48 : vector<10000x1xf32>
    %get3A_49 = arith.constant 0 : index
    %get3A_50 = arith.constant 0 : index
    %get3A_51 = vector.load %arg8[%get3A_49, %get3A_50] : memref<1x10000xi32, #tpu.memory_space<vmem>>, vector<1x10000xi32>
    %iota3A = tpu.iota {dimensions = array<i32: 0>} : vector<64x10000xi32>
    %eq3A = vector.broadcast %get3A_51 : vector<1x10000xi32> to vector<64x10000xi32>
    %eq3A_52 = arith.cmpi eq, %iota3A, %eq3A : vector<64x10000xi32>
    %convert_element_type3A = arith.extui %eq3A_52 : vector<64x10000xi1> to vector<64x10000xi32>
    %convert_element_type3A_53 = arith.sitofp %convert_element_type3A : vector<64x10000xi32> to vector<64x10000xf32>
    %dot_general3A_54 = arith.constant dense<0.000000e+00> : vector<64x1xf32>
    %dot_general3A_55 = tpu.matmul %convert_element_type3A_53, %exp3A, %dot_general3A_54 {dimension_numbers = #tpu.dot_dimension_numbers<[1], [0], [0], [1], [0, 0, 1, 1], [], []>, transpose_lhs_hint = false} : vector<64x10000xf32>, vector<10000x1xf32>, vector<64x1xf32> -> vector<64x1xf32>
    %mul3A_56 = vector.broadcast %exp3A : vector<10000x1xf32> to vector<10000x128xf32>
    %mul3A_57 = arith.mulf %mul3A_56, %max3A_32 : vector<10000x128xf32>
    %dot_general3A_58 = arith.constant dense<0.000000e+00> : vector<64x128xf32>
    %dot_general3A_59 = tpu.matmul %convert_element_type3A_53, %mul3A_57, %dot_general3A_58 {dimension_numbers = #tpu.dot_dimension_numbers<[1], [0], [0], [1], [0, 0, 1, 1], [], []>, transpose_lhs_hint = false} : vector<64x10000xf32>, vector<10000x128xf32>, vector<64x128xf32> -> vector<64x128xf32>
    %add3A_60 = arith.constant 1.000000e-16 : f32
    %add3A_61 = vector.broadcast %add3A_60 : f32 to vector<64x1xf32>
    %add3A_62 = arith.addf %dot_general3A_55, %add3A_61 : vector<64x1xf32>
    %div3A = vector.broadcast %add3A_62 : vector<64x1xf32> to vector<64x128xf32>
    %div3A_63 = arith.divf %dot_general3A_59, %div3A : vector<64x128xf32>
    %get3A_64 = arith.constant 0 : index
    %get3A_65 = arith.constant 0 : index
    %get3A_66 = vector.load %arg11[%get3A_64, %get3A_65] : memref<128x128xf32, #tpu.memory_space<vmem>>, vector<128x128xf32>
    %dot_general3A_67 = arith.constant dense<0.000000e+00> : vector<64x128xf32>
    %dot_general3A_68 = tpu.matmul %div3A_63, %get3A_66, %dot_general3A_67 {dimension_numbers = #tpu.dot_dimension_numbers<[1], [0], [0], [1], [0, 0, 1, 1], [], []>, transpose_lhs_hint = false} : vector<64x128xf32>, vector<128x128xf32>, vector<64x128xf32> -> vector<64x128xf32>
    %get3A_69 = arith.constant 0 : index
    %get3A_70 = arith.constant 0 : index
    %get3A_71 = vector.load %arg12[%get3A_69, %get3A_70] : memref<1x128xf32, #tpu.memory_space<vmem>>, vector<1x128xf32>
    %add3A_72 = vector.broadcast %get3A_71 : vector<1x128xf32> to vector<64x128xf32>
    %add3A_73 = arith.addf %dot_general3A_68, %add3A_72 : vector<64x128xf32>
    %max3A_74 = arith.constant 0.000000e+00 : f32
    %max3A_75 = vector.broadcast %max3A_74 : f32 to vector<64x128xf32>
    %max3A_76 = arith.maximumf %add3A_73, %max3A_75 : vector<64x128xf32>
    %get3A_77 = arith.constant 0 : index
    %get3A_78 = arith.constant 0 : index
    %get3A_79 = vector.load %arg13[%get3A_77, %get3A_78] : memref<128x10xf32, #tpu.memory_space<vmem>>, vector<128x10xf32>
    %dot_general3A_80 = arith.constant dense<0.000000e+00> : vector<64x10xf32>
    %dot_general3A_81 = tpu.matmul %max3A_76, %get3A_79, %dot_general3A_80 {dimension_numbers = #tpu.dot_dimension_numbers<[1], [0], [0], [1], [0, 0, 1, 1], [], []>, transpose_lhs_hint = false} : vector<64x128xf32>, vector<128x10xf32>, vector<64x10xf32> -> vector<64x10xf32>
    %get3A_82 = arith.constant 0 : index
    %get3A_83 = arith.constant 0 : index
    %get3A_84 = vector.load %arg14[%get3A_82, %get3A_83] : memref<1x10xf32, #tpu.memory_space<vmem>>, vector<1x10xf32>
    %add3A_85 = vector.broadcast %get3A_84 : vector<1x10xf32> to vector<64x10xf32>
    %add3A_86 = arith.addf %dot_general3A_81, %add3A_85 : vector<64x10xf32>
    %reduce_max3A_87 = arith.constant dense<0xFF800000> : vector<64xf32>
    %reduce_max3A_88 = vector.multi_reduction <maximumf>, %add3A_86, %reduce_max3A_87 [1] : vector<64x10xf32> to vector<64xf32>
    %broadcast_in_dim3A = vector.shape_cast %reduce_max3A_88 : vector<64xf32> to vector<64x1xf32>
    %sub3A_89 = vector.broadcast %broadcast_in_dim3A : vector<64x1xf32> to vector<64x10xf32>
    %sub3A_90 = arith.subf %add3A_86, %sub3A_89 : vector<64x10xf32>
    %exp3A_91 = math.exp %sub3A_90 : vector<64x10xf32>
    %reduce_sum3A = arith.constant dense<0.000000e+00> : vector<64xf32>
    %reduce_sum3A_92 = vector.multi_reduction <add>, %exp3A_91, %reduce_sum3A [1] : vector<64x10xf32> to vector<64xf32>
    %broadcast_in_dim3A_93 = vector.shape_cast %reduce_sum3A_92 : vector<64xf32> to vector<64x1xf32>
    %log3A = math.log %broadcast_in_dim3A_93 : vector<64x1xf32>
    %add3A_94 = arith.addf %log3A, %broadcast_in_dim3A : vector<64x1xf32>
    %sub3A_95 = vector.broadcast %add3A_94 : vector<64x1xf32> to vector<64x10xf32>
    %sub3A_96 = arith.subf %add3A_86, %sub3A_95 : vector<64x10xf32>
    %swap3A = arith.constant 0 : index
    %swap3A_97 = arith.constant 0 : index
    %swap3A_98 = vector.load %arg15[%swap3A, %swap3A_97] : memref<64x10xf32, #tpu.memory_space<vmem>>, vector<64x10xf32>
    tpu.vector_store %arg15[%swap3A, %swap3A_97], %sub3A_96 {strides = array<i32>} : memref<64x10xf32, #tpu.memory_space<vmem>>, vector<64x10xf32>,
    return
  }
  func.func @transform_0(%arg0: i32) -> (i32, i32, i32) {
    %c0_i32 = arith.constant 0 : i32
    %c0_i32_0 = arith.constant 0 : i32
    %c0_i32_1 = arith.constant 0 : i32
    %c0_i32_2 = arith.constant 0 : i32
    return %c0_i32, %c0_i32_0, %c0_i32_1 : i32, i32, i32
  }
  func.func @transform_1(%arg0: i32) -> (i32, i32, i32) {
    %c1_i32 = arith.constant 1 : i32
    %c0_i32 = arith.constant 0 : i32
    %c0_i32_0 = arith.constant 0 : i32
    %c0_i32_1 = arith.constant 0 : i32
    return %c1_i32, %c0_i32, %c0_i32_0 : i32, i32, i32
  }
  func.func @transform_2(%arg0: i32) -> (i32, i32) {
    %c0_i32 = arith.constant 0 : i32
    %c0_i32_0 = arith.constant 0 : i32
    %c0_i32_1 = arith.constant 0 : i32
    return %c0_i32, %c0_i32_0 : i32, i32
  }
  func.func @transform_3(%arg0: i32) -> (i32, i32) {
    %c0_i32 = arith.constant 0 : i32
    %c0_i32_0 = arith.constant 0 : i32
    %c0_i32_1 = arith.constant 0 : i32
    return %c0_i32, %c0_i32_0 : i32, i32
  }
  func.func @transform_4(%arg0: i32) -> (i32, i32) {
    %c0_i32 = arith.constant 0 : i32
    %c0_i32_0 = arith.constant 0 : i32
    %c0_i32_1 = arith.constant 0 : i32
    return %c0_i32, %c0_i32_0 : i32, i32
  }
  func.func @transform_5(%arg0: i32) -> (i32, i32) {
    %c0_i32 = arith.constant 0 : i32
    %c0_i32_0 = arith.constant 0 : i32
    %c0_i32_1 = arith.constant 0 : i32
    return %c0_i32, %c0_i32_0 : i32, i32
  }
  func.func @transform_6(%arg0: i32) -> (i32, i32) {
    %c0_i32 = arith.constant 0 : i32
    %c0_i32_0 = arith.constant 0 : i32
    %c0_i32_1 = arith.constant 0 : i32
    return %c0_i32, %c0_i32_0 : i32, i32
  }
  func.func @transform_7(%arg0: i32) -> (i32, i32) {
    %c0_i32 = arith.constant 0 : i32
    %c0_i32_0 = arith.constant 0 : i32
    %c0_i32_1 = arith.constant 0 : i32
    return %c0_i32, %c0_i32_0 : i32, i32
  }
  func.func @transform_8(%arg0: i32) -> (i32, i32) {
    %c0_i32 = arith.constant 0 : i32
    %c0_i32_0 = arith.constant 0 : i32
    %c0_i32_1 = arith.constant 0 : i32
    return %c0_i32, %c0_i32_0 : i32, i32
  }
  func.func @transform_9(%arg0: i32) -> (i32, i32) {
    %c0_i32 = arith.constant 0 : i32
    %c0_i32_0 = arith.constant 0 : i32
    %c0_i32_1 = arith.constant 0 : i32
    return %c0_i32, %c0_i32_0 : i32, i32
  }
  func.func @transform_10(%arg0: i32) -> (i32, i32) {
    %c0_i32 = arith.constant 0 : i32
    %c0_i32_0 = arith.constant 0 : i32
    %c0_i32_1 = arith.constant 0 : i32
    return %c0_i32, %c0_i32_0 : i32, i32
  }
  func.func @transform_11(%arg0: i32) -> (i32, i32) {
    %c0_i32 = arith.constant 0 : i32
    %c0_i32_0 = arith.constant 0 : i32
    %c0_i32_1 = arith.constant 0 : i32
    return %c0_i32, %c0_i32_0 : i32, i32
  }
  func.func @transform_12(%arg0: i32) -> (i32, i32) {
    %c0_i32 = arith.constant 0 : i32
    %c0_i32_0 = arith.constant 0 : i32
    %c0_i32_1 = arith.constant 0 : i32
    return %c0_i32, %c0_i32_0 : i32, i32
  }
  func.func @transform_13(%arg0: i32) -> (i32, i32) {
    %c0_i32 = arith.constant 0 : i32
    %c0_i32_0 = arith.constant 0 : i32
    %c0_i32_1 = arith.constant 0 : i32
    return %c0_i32, %c0_i32_0 : i32, i32
  }
  func.func @transform_14(%arg0: i32) -> (i32, i32) {
    %c0_i32 = arith.constant 0 : i32
    %c0_i32_0 = arith.constant 0 : i32
    %c0_i32_1 = arith.constant 0 : i32
    return %c0_i32, %c0_i32_0 : i32, i32
  }
}

</mosaic_0001>

<sc_bundles>
// kernel: kernel.12.cloned.1.call-start
scs
__scs_entry_jumppad:
0x0: {  	(pc) =	sbr.rel $0x88, $3  }
0x1: {  	(tag) =	ssettag $0x0;
	lr =	simm.s32 $0x1  }
0x2: {  	[smem:$0x3F8F] =	sst lr;
	_ =	strace $0xD0000000  }
0x3: {  	_ = 	snop  }
0x4: {  	_ = 	snop  }
0x5: {  	_ = 	snop  }
0x6: {  	_ = 	snop  }
0x7: {  	_ = 	snop  }
__scs_overlays_trampoline_lowered:
0x8: {  	[smem:$0x3F9E] =	sst s0  }
0x9: {  	[smem:$0x3F9F] =	sst s1  }
0xa: {  	[smem:$0x3FA0] =	sst s2  }
0xb: {  	[smem:$0x3FA1] =	sst s3  }
0xc: {  	[smem:$0x3FA2] =	sst s4  }
0xd: {  	[smem:$0x3FA3] =	sst s5  }
0xe: {  	[smem:$0x3FA4] =	sst s6  }
0xf: {  	[smem:$0x3FA5] =	sst s7  }
0x10: {  	[smem:$0x3FA6] =	sst s8  }
0x11: {  	[smem:$0x3FA7] =	sst s9;
	s0 =	simm.s32 @!p0 $0x0  }
0x12: {  	s1 =	sld [smem:$0x3F8D];
	s0 =	simm.s32 @p0 $0x1  }
0x13: {  	[smem:$0x3FA8] =	sst s0;
	s0 =	simm.s32 @!p1 $0x0  }
0x14: {  	s2 =	sld [smem:$0x3F8C];
	s0 =	simm.s32 @p1 $0x1  }
0x15: {  	[smem:$0x3FA9] =	sst s0;
	s0 =	simm.s32 @!p2 $0x0  }
0x16: {  	s3 =	sld [smem:$0x3FDB];
	s0 =	simm.s32 @p2 $0x1  }
0x17: {  	s4 =	simm.s32 $0x1BF5;
	[smem:$0x3FAB] =	sst s0  }
0x18: {  	s0 =	sld [smem:$0x3F8E];
	_ =	swait.ge [sflag:s4], $0x0  }
0x19: {  	s7 =	sld [smem:$0x3F8F]  }
0x1a: {  	s8 =	sadd.s32 $0xFFFFE003, lr  }
0x1b: {  	s9 =	sadd.s32 $0xFFFFFEF7, lr;
	s5 =	simm.s32 $0xFFFFFFFF;
	p2 =	slt.u32 s8, $0xFFFFF086  }
0x1c: {  	p1 =	slt.u32 s9, $0xF7A;
	s5 =	simm.s32 @!p2 $0x0  }
0x1d: {  	s5 =	simm.s32 @p1 $0x1;
	p0 =	seq.s32 s7, s2  }
0x1e: {  	s7 =	smul.u32 @!p0 $0xF7A, s2;
	p2 =	seq.s32 @!p0 s5, $0x0  }
0x1f: {  	s9 =	smul.u32 $0xF7A, s1;
	s8 =	simm.s32 @!p0 $0x1BF5;
	p2 =	por !p2, p0  }
0x20: {  	[sflag:s8] =	ssyncset.s32 @!p0 $0xFFFFF086;
	s6 =	sadd.s32 @!p0 s3, s7;
	s7 =	simm.s32 @!p0 $0x108  }
0x21: {  	s3 =	sadd.s32 s3, s9;
	s6 =	sadd.s32 @!p0 $0x88, s6;
	s7 =	simm.s32 @p2 $0x1082  }
0x22: {  	[simem:s7], [sflag:s8] =	dma.local @!p0 [hbm:s6], $0xF7A  }
0x23: {  	s9 =	sor.u32 $0xD0000000, s2;
	s6 =	simm.s32 $0x108;
	_ =	swait.ge @!p0 [sflag:s8], $0x0  }
0x24: {  	s3 =	sadd.s32 $0x88, s3;
	s6 =	simm.s32 @!p1 $0x1082;
	[sflag:s4] =	ssyncset.s32 $0xFFFFF086  }
0x25: {  	[simem:s6], [sflag:s4] =	dma.local [hbm:s3], $0xF7A  }
0x26: {  	[smem:$0x3F8F] =	sst s1;
	(tag) =	ssettag s2;
	_ =	strace s9  }
0x27: {  	s1 =	sld [smem:$0x3F9F]  }
0x28: {  	s2 =	sld [smem:$0x3FA0]  }
0x29: {  	s4 =	sld [smem:$0x3FA2]  }
0x2a: {  	p0 =	seq.s32 s5, $0x0;
	s5 =	sld [smem:$0x3FA3]  }
0x2b: {  	s6 =	sld [smem:$0x3FA4]  }
0x2c: {  	s7 =	sld [smem:$0x3FA5]  }
0x2d: {  	s3 =	simm.s32 $0x108;
	s8 =	sld [smem:$0x3FA6]  }
0x2e: {  	s3 =	simm.s32 @!p0 $0x1082;
	s9 =	sld [smem:$0x3FA7]  }
0x2f: {  	lr =	sadd.s32 s0, s3;
	s0 =	sld [smem:$0x3F9E]  }
0x30: {  	s3 =	sld [smem:$0x3FA1]  }
0x31: {  	[smem:$0x3FAA] =	sst s10  }
0x32: {  	s10 =	sld [smem:$0x3FA8];
	_ =	sdelay $0x3  }
0x33: {  	p0 =	seq.s32 s10, $0x1;
	s10 =	sld [smem:$0x3FAA];
	_ =	sdelay $0x3  }
0x34: {  	[smem:$0x3FAA] =	sst s10  }
0x35: {  	s10 =	sld [smem:$0x3FA9];
	_ =	sdelay $0x3  }
0x36: {  	p1 =	seq.s32 s10, $0x1;
	s10 =	sld [smem:$0x3FAA];
	_ =	sdelay $0x3  }
0x37: {  	[smem:$0x3FAA] =	sst s10  }
0x38: {  	s10 =	sld [smem:$0x3FAB]  }
0x39: {  	_ = 	snop;
	(pc) =	sbr.ind lr, $3  }
0x3a: {  	_ = 	snop  }
0x3b: {  	_ = 	snop  }
0x3c: {  	p2 =	seq.s32 s10, $0x1;
	s10 =	sld [smem:$0x3FAA]  }
0x3d: {  	_ =	shalt  }
0x3e: {  	_ =	shalt  }
0x3f: {  	_ =	shalt  }
0x40: {  	_ =	shalt  }
0x41: {  	_ =	shalt  }
0x42: {  	_ =	shalt  }
0x43: {  	_ =	shalt  }
0x44: {  	_ =	shalt  }
0x45: {  	_ =	shalt  }
0x46: {  	_ =	shalt  }
0x47: {  	_ =	shalt  }
0x48: {  	_ =	shalt  }
0x49: {  	_ =	shalt  }
0x4a: {  	_ =	shalt  }
0x4b: {  	_ =	shalt  }
0x4c: {  	_ =	shalt  }
0x4d: {  	_ =	shalt  }
0x4e: {  	_ =	shalt  }
0x4f: {  	_ =	shalt  }
0x50: {  	_ =	shalt  }
0x51: {  	_ =	shalt  }
0x52: {  	_ =	shalt  }
0x53: {  	_ =	shalt  }
0x54: {  	_ =	shalt  }
0x55: {  	_ =	shalt  }
0x56: {  	_ =	shalt  }
0x57: {  	_ =	shalt  }
0x58: {  	_ =	shalt  }
0x59: {  	_ =	shalt  }
0x5a: {  	_ =	shalt  }
0x5b: {  	_ =	shalt  }
0x5c: {  	_ =	shalt  }
0x5d: {  	_ =	shalt  }
0x5e: {  	_ =	shalt  }
0x5f: {  	_ =	shalt  }
0x60: {  	_ =	shalt  }
0x61: {  	_ =	shalt  }
0x62: {  	_ =	shalt  }
0x63: {  	_ =	shalt  }
0x64: {  	_ =	shalt  }
0x65: {  	_ =	shalt  }
0x66: {  	_ =	shalt  }
0x67: {  	_ =	shalt  }
0x68: {  	_ =	shalt  }
0x69: {  	_ =	shalt  }
0x6a: {  	_ =	shalt  }
0x6b: {  	_ =	shalt  }
0x6c: {  	_ =	shalt  }
0x6d: {  	_ =	shalt  }
0x6e: {  	_ =	shalt  }
0x6f: {  	_ =	shalt  }
0x70: {  	_ =	shalt  }
0x71: {  	_ =	shalt  }
0x72: {  	_ =	shalt  }
0x73: {  	_ =	shalt  }
0x74: {  	_ =	shalt  }
0x75: {  	_ =	shalt  }
0x76: {  	_ =	shalt  }
0x77: {  	_ =	shalt  }
0x78: {  	_ =	shalt  }
0x79: {  	_ =	shalt  }
0x7a: {  	_ =	shalt  }
0x7b: {  	_ =	shalt  }
0x7c: {  	_ =	shalt  }
0x7d: {  	_ =	shalt  }
0x7e: {  	_ =	shalt  }
0x7f: {  	_ =	shalt  }
0x80: {  	_ =	shalt  }
0x81: {  	_ =	shalt  }
0x82: {  	_ =	shalt  }
0x83: {  	_ =	shalt  }
0x84: {  	_ =	shalt  }
0x85: {  	_ =	shalt  }
0x86: {  	_ =	shalt  }
0x87: {  	_ =	shalt  }
.Lfunc_end0:
.L_simem_size_0:
called_computation.1_lowered:
.L_overlay_start_0:
0x88: {  	s2 =	sld [smem:$0x3FD9]  }
0x89: {  	s3 =	sld [smem:$0x3FFE];
	_ =	sdelay $0x1  }
0x8a: {  	s1 =	srdreg.scid  }
0x8b: {  	s0 =	sand.u32 $0x1, s1  }
0x8c: {  	s17 =	sshll.u32 s0, $0xA;
	s2 =	sadd.s32 s3, s2  }
0x8d: {  	s2 =	sadd.s32 s2, s17  }
0x8e: {  	[smem:$0x3FB6] =	sst s2  }
0x8f: {  	_ = 	snop  }
0x90: {  	s2 =	sld [smem:$0x3FC9];
	(tm) =	ssettm $0x1  }
0x91: {  	s18 =	sld [smem:$0x3FFB];
	_ =	sdelay $0x3  }
0x92: {  	_ =	strace s18  }
0x93: {  	s3 =	sld [smem:$0x3FFC];
	_ =	sdelay $0x3  }
0x94: {  	_ =	strace s3  }
0x95: {  	s3 =	sld [smem:$0x3FFD];
	_ =	sdelay $0x3  }
0x96: {  	_ =	strace s3  }
0x97: {  	_ =	strace $0x8FFFFFFF  }
0x98: {  	s19 =	sld [smem:$0x3FDB];
	_ =	sdelay $0x1  }
0x99: {  	s4 =	simm.s32 $_scs_section_size  }
0x9a: {  	s5 =	simm.s32 $_size__tile_overlayer_lowered;
	s6 =	simm.s32 $_tile_overlayer_lowered  }
0x9b: {  	s22 =	simm.s32 $0x1BFF;
	s21 =	sshll.u32 s6, $0x1;
	s3 =	sadd.s32 s4, s19  }
0x9c: {  	s7 =	simm.s32 $0x0;
	s20 =	sshll.u32 s5, $0x1;
	s5 =	sadd.s32 s21, s3  }
0x9d: {  	[timem:s7], [sflag:s22] =	dma.local [hbm:s5], s20  }
0x9e: {  	_ =	swait.ge [sflag:s22], s20  }
0x9f: {  	s4 =	ssub.s32 $0x0, s20;
	[sflag:s22] =	ssyncset.done $0x0  }
0xa0: {  	[sflag:s22] =	ssyncadd.s32 s4;
	_ =	sdelay $0x1  }
0xa1: {  	s23 =	simm.s32 $0x1B8B  }
0xa2: {  	_ =	swait.ge [sflag:s23], $0x1  }
0xa3: {  	[sflag:s23] =	ssyncset.done $0x0  }
0xa4: {  	s25 =	simm.s32 $0x1B8E;
	s24 =	sld [smem:$0x3FFE];
	[sflag:s23] =	ssyncadd.s32 $0xFFFFFFFF  }
0xa5: {  	s26 =	simm.s32 $execute0_lowered;
	[smem:$0x3FD2] =	sst s25  }
0xa6: {  	s5 =	sshll.u32 s26, $0x1;
	_ =	strace $0x80000046;
	[dreg:$0x1] =	wrdreg $0xFFFFFFFF  }
0xa7: {  	s28 =	simm.s32 $_size_execute0_lowered;
	s3 =	sadd.s32 s3, s5;
	[dreg:$0x0] =	wrdreg $0x0  }
0xa8: {  	s5 =	sshll.u32 s28, $0x1;
	[dreg:$0x2] =	wrdreg s3  }
0xa9: {  	[dreg:$0x3] =	wrdreg s5  }
0xaa: {  	[dreg:$0x4] =	wrdreg $0xC0  }
0xab: {  	_ =	task [dreg:s7], $0x5FFFF  }
0xac: {  	[dreg:$0x1] =	wrdreg $0xFFFFFFFF  }
0xad: {  	[dreg:$0x0] =	wrdreg $0x60  }
0xae: {  	[dreg:$0x2] =	wrdreg s24  }
0xaf: {  	[dreg:$0x3] =	wrdreg s2  }
0xb0: {  	[dreg:$0x4] =	wrdreg $0xA4000  }
0xb1: {  	[dreg:$0x5] =	wrdreg $0xA  }
0xb2: {  	_ =	task.clear_ibuf [dreg:s7], $0x6FFFF;
	_ =	strace $0x90000046  }
0xb3: {  	s29 =	simm.s32 $0xA;
	_ =	strace $0x80000048  }
0xb4: {  	_ =	swait.ge [sflag:s29], $0x1  }
0xb5: {  	[sflag:s29] =	ssyncadd.s32 $0xFFFFFFFF  }
0xb6: {  	_ =	strace $0x90000048  }
0xb7: {  	_ =	sfence  }
0xb8: {  	s30 =	sld [smem:$0x0];
	_ =	sdelay $0x2  }
0xb9: {  	s31 =	sshll.u32 s1, $0xD;
	s1 =	sshrl.u32 s1, $0x2  }
0xba: {  	s3 =	sand.u32 $0x4000, s31;
	s1 =	sadd.s32 s1, s30  }
0xbb: {  	s0 =	sor.u32 s3, s0;
	s1 =	sshll.u32 s1, $0x11  }
0xbc: {  	s0 =	sor.u32 s1, s0  }
0xbd: {  	s0 =	sadd.s32 $0x8F2B, s0  }
0xbe: {  	[sflag:s0] =	ssyncadd.remote.s32 $0x1  }
0xbf: {  	_ =	sfence.sel $0xFFFF  }
0xc0: {  	[dreg:$0x0] =	wrdreg $0xFFFFFFFF;
	(pc) =	sbr.abs _section_cstart, $3  }
0xc1: {  	[dreg:$0x1] =	wrdreg $0xFFFFFFFF  }
0xc2: {  	_ =	task.clear_ibuf [dreg:s7], $0x2FFFF;
	_ =	strace $0x9FFFFFFF  }
0xc3: {  	(tm) =	ssettm $0x7FFFFFFF  }
tec
execute0_lowered:
.L_overlay_start_1:
0x0: {  	(tag) =	ssettag $0x1  }
0x1: {  	s0 =	rddreg [dreg:$0x0]  }
0x2: {  	s1 =	rddreg [dreg:$0x1]  }
0x3: {  	s2 =	rddreg [dreg:$0x2]  }
0x4: {  	s3 =	srdreg.scid;
	s13 =	stileid.u32  }
0x5: {  	s28 =	simm.s32 $0x100;
	s29 =	simm.s32 $0x300;
	s30 =	simm.s32 $0x1  }
0x6: {  	s31 =	simm.s32 $0x50;
	s4 =	sand.u32 $0x1, s3;
	s10 =	smul.u32 $0x4E000, s13  }
0x7: {  	s3 =	simm.s32 $0x0;
	s6 =	sadd.s32 $0x3A00, s0;
	s12 =	smul.u32 $0x2710, s13  }
0x8: {  	s9 =	sadd.s32 $0x17600, s0;
	s24 =	sadd.s32 $0x138000, s2;
	s26 =	smul.u32 $0x13800, s13  }
0x9: {  	p0 =	sne.s32 s13, $0x0;
	s5 =	sshll.u32 s4, $0x4;
	[smem:$0x7FF] =	sst s3  }
0xa: {  	s8 =	ssub.s32 $0x2, s4;
	s22 =	smul.u32 $0x27100, s4;
	s5 =	sor.u32 s13, s5  }
0xb: {  	_ =	strace $0x80000047;
	[dreg:$0xa] =	wrdreg s9;
	s7 =	smul.u32 $0x2710, s5  }
0xc: {  	s4 =	smul.u32 $0x138800, s4;
	s10 =	sshrl.u32 s10, $0x2;
	[dreg:$0x12] =	wrdreg s24  }
0xd: {  	s5 =	sadd.s32 $0xD800, s0;
	s10 =	sadd.s32 s10, s2;
	s7 =	sshrl.u32 s7, $0x3  }
0xe: {  	s18 =	sshrl.u32 s8, $0x1;
	[dreg:$0x11] =	wrdreg s10;
	s19 =	sadd.s32 s5, s7  }
0xf: {  	s20 =	sadd.s32 s6, s7;
	s21 =	sadd.s32 $0xA, s7;
	[dreg:$0xb] =	wrdreg s19  }
0x10: {  	s13 =	simm.s32 $0x180;
	[dreg:$0xc] =	wrdreg s20;
	s11 =	sadd.s32 s5, s21  }
0x11: {  	s23 =	sadd.s32 $0x14, s7;
	s9 =	sadd.s32 s6, s21;
	[dreg:$0xd] =	wrdreg s11  }
0x12: {  	s25 =	sadd.s32 $0x1E, s7;
	s14 =	sadd.s32 s5, s23;
	[dreg:$0xe] =	wrdreg s9  }
0x13: {  	s0 =	sadd.s32 $0x19E00, s0;
	s15 =	sadd.s32 s5, s25;
	[dreg:$0xf] =	wrdreg s14  }
0x14: {  	s7 =	sadd.s32 $0x4D8, s7;
	s10 =	sadd.s32 s6, s25;
	[dreg:$0x13] =	wrdreg s15  }
0x15: {  	s8 =	ssub.s32 s8, s18;
	s21 =	sadd.s32 s5, s7;
	[dreg:$0x14] =	wrdreg s10  }
0x16: {  	s7 =	sadd.s32 s6, s7;
	s25 =	smax.u32 s8, $0x1;
	[dreg:$0x16] =	wrdreg s21  }
0x17: {  	s8 =	simm.s32 $0x2C00;
	s11 =	sadd.s32 s6, s23;
	[dreg:$0x17] =	wrdreg s7  }
0x18: {  	s9 =	sadd.s32 s12, s22;
	[dreg:$0x19] =	wrdreg s25;
	s25 =	simm.s32 $0x80  }
0x19: {  	s21 =	simm.s32 $0xA;
	s14 =	simm.s32 $0x380;
	s15 =	simm.s32 $0x4  }
0x1a: {  	[dreg:$0x10] =	wrdreg s11;
	s12 =	sadd.s32 $0x230, s9;
	s11 =	sadd.s32 s26, s4  }
0x1b: {  	s17 =	sadd.s32 $0x1E0, s9;
	s4 =	sshrl.u32 s4, $0x3;
	s20 =	sadd.s32 $0x190, s9  }
0x1c: {  	s26 =	sadd.s32 $0x140, s9;
	s16 =	sshrl.u32 s12, $0x3;
	s11 =	sshrl.u32 s11, $0x3  }
0x1d: {  	s18 =	sshrl.u32 s17, $0x3;
	[dreg:$0x1a] =	wrdreg s26;
	s26 =	simm.s32 $0x280  }
0x1e: {  	s17 =	simm.s32 $0x6;
	s12 =	sadd.s32 s16, s6;
	s11 =	sadd.s32 s0, s11  }
0x1f: {  	s10 =	sadd.s32 s16, s5;
	s19 =	sadd.s32 s18, s6;
	[dreg:$0x4] =	wrdreg s12  }
0x20: {  	s0 =	sadd.s32 s0, s4;
	s22 =	sadd.s32 s18, s5;
	[dreg:$0x15] =	wrdreg s11  }
0x21: {  	s4 =	sshrl.u32 s20, $0x3;
	s16 =	simm.s32 $0x7C00;
	[dreg:$0x5] =	wrdreg s10  }
0x22: {  	s18 =	simm.s32 $0x9;
	s20 =	simm.s32 $0x8;
	[dreg:$0x6] =	wrdreg s19  }
0x23: {  	[dreg:$0x7] =	wrdreg s22;
	s23 =	sadd.s32 s4, s6;
	s0 =	sadd.s32 $0x27000, s0  }
0x24: {  	s24 =	sadd.s32 s4, s5;
	s4 =	simm.s32 $0x2;
	s10 =	simm.s32 $0x3  }
0x25: {  	s11 =	simm.s32 $0x5400;
	s12 =	simm.s32 $0x5;
	[dreg:$0x18] =	wrdreg s0  }
0x26: {  	s19 =	simm.s32 $0x7;
	s22 =	simm.s32 $0x0;
	[dreg:$0x8] =	wrdreg s23  }
0x27: {  	[dreg:$0x9] =	wrdreg s24;
	s24 =	simm.s32 $0x200;
	s0 =	simm.s32 $0x400  }
.LBB2_1:
0x28: {  	[dreg:$0x1b] =	wrdreg s22  }
0x29: {  	s7 =	rddreg [dreg:$0xb]  }
0x2a: {  	[tilespmem:s3], [sflag:$0x1] =	stream.linear.gather [hbm4b:s7+s3], $0x50, $0x38;
	[tilespmem:$0x1DC80] =	vst v63  }
0x2b: {  	s23 =	rddreg [dreg:$0xc]  }
0x2c: {  	[tilespmem:s24], [sflag:$0x1] =	stream.linear.gather [hbm4b:s23+s3], $0x50, $0x38;
	[tilespmem:$0x1DC80] =	vst v63  }
0x2d: {  	s9 =	rddreg [dreg:$0xd]  }
0x2e: {  	[tilespmem:s25], [sflag:$0x2] =	stream.linear.gather [hbm4b:s9+s3], $0x50, $0x38;
	[tilespmem:$0x1DC80] =	vst v63  }
0x2f: {  	s22 =	rddreg [dreg:$0xe]  }
0x30: {  	[tilespmem:s26], [sflag:$0x2] =	stream.linear.gather [hbm4b:s22+s3], $0x50, $0x38;
	[tilespmem:$0x1DC80] =	vst v63  }
0x31: {  	s23 =	rddreg [dreg:$0xf]  }
0x32: {  	[tilespmem:s28], [sflag:$0x3] =	stream.linear.gather [hbm4b:s23+s3], $0x50, $0x38;
	[tilespmem:$0x1DC80] =	vst v63  }
0x33: {  	s9 =	rddreg [dreg:$0x10]  }
0x34: {  	[tilespmem:s29], [sflag:$0x3] =	stream.linear.gather [hbm4b:s9+s3], $0x50, $0x38;
	[tilespmem:$0x1DC80] =	vst v63  }
0x35: {  	_ =	swait.ge [sflag:s30], $0x50  }
0x36: {  	[sflag:s30] =	ssyncset.done $0x0  }
0x37: {  	[sflag:s30] =	ssyncadd.s32 $0xFFFFFFB0  }
0x38: {  	_ =	swait.ge [sflag:s30], $0x50  }
0x39: {  	[sflag:s30] =	ssyncset.done $0x0  }
0x3a: {  	[sflag:s30] =	ssyncadd.s32 $0xFFFFFFB0  }
0x3b: {  	[tilespmem:s0], [sflag:$0x5] =	stream.indirect.gather [hbm4b:s1+s31], $0x80, s3, s31, $0xb8;
	[tilespmem:$0x1DC80] =	vst v63  }
0x3c: {  	_ =	swait.ge [sflag:s4], $0x50  }
0x3d: {  	[sflag:s4] =	ssyncset.done $0x0  }
0x3e: {  	s22 =	stileid.u32;
	[sflag:s4] =	ssyncadd.s32 $0xFFFFFFB0  }
0x3f: {  	s7 =	sshll.u32 s22, $0x6;
	_ =	swait.ge [sflag:s4], $0x50  }
0x40: {  	s22 =	sor.u32 $0x1C0A, s7;
	[sflag:s4] =	ssyncset.done $0x0;
	s23 =	rddreg [dreg:$0x11]  }
0x41: {  	s7 =	rddreg [dreg:$0xa];
	[sflag:s4] =	ssyncadd.s32 $0xFFFFFFB0;
	s9 =	sshrl.u32 s23, $0x3  }
0x42: {  	[tilespmem:s8], [sflag:$0x6] =	stream.indirect.gather [hbm4b:s1+s31], $0x80, s25, s31, $0xb8;
	[tilespmem:$0x1DC80] =	vst v63  }
0x43: {  	[dreg:$0x1d] =	wrdreg s9  }
0x44: {  	[spmem:s9], [sflag:s22] =	dma.local [hbm:s7], $0x2700  }
0x45: {  	_ =	swait.ge [sflag:s21], $0x2700  }
0x46: {  	s9 =	rddreg [dreg:$0x12]  }
0x47: {  	[dreg:$0x1c] =	wrdreg s22;
	[sflag:s21] =	ssyncset.done $0x0;
	s9 =	sshrl.u32 @!p0 s9, $0x3  }
0x48: {  	[sflag:s21] =	ssyncadd.s32 $0xFFFFD900;
	[dreg:$0x1e] =	wrdreg s9  }
0x49: {  	[spmem:s9], [sflag:s22] =	dma.local @!p0 [hbm:s7], $0x100  }
0x4a: {  	s7 =	simm.s32 @!p0 $0xA  }
0x4b: {  	_ =	swait.ge @!p0 [sflag:s7], $0x100  }
0x4c: {  	[sflag:s7] =	ssyncset.done @!p0 $0x0  }
0x4d: {  	[sflag:s7] =	ssyncadd.s32 @!p0 $0xFFFFFF00  }
0x4e: {  	[bflag:$0x0] =	sbarrier.arrive $0xFFFF  }
0x4f: {  	_ =	swait.ge [sflag:s10], $0x50  }
0x50: {  	[sflag:s10] =	ssyncset.done $0x0  }
0x51: {  	[sflag:s10] =	ssyncadd.s32 $0xFFFFFFB0  }
0x52: {  	_ =	swait.ge [sflag:s10], $0x50  }
0x53: {  	[sflag:s10] =	ssyncset.done $0x0  }
0x54: {  	[sflag:s10] =	ssyncadd.s32 $0xFFFFFFB0  }
0x55: {  	[tilespmem:s11], [sflag:$0x7] =	stream.indirect.gather [hbm4b:s1+s31], $0x80, s28, s31, $0xb8;
	[tilespmem:$0x1DC80] =	vst v63  }
0x56: {  	_ =	swait.ge [sflag:s12], $0x2800  }
0x57: {  	[sflag:s12] =	ssyncset.done $0x0  }
0x58: {  	[sflag:s12] =	ssyncadd.s32 $0xFFFFD800  }
0x59: {  	[spmem:s2] =	stream.indirect.scatter.add.f32 [tilespmem:s0], [sflag:$0x9], $0x80, s24, s31, $0xb8;
	[tilespmem:$0x1DC80] =	vst v63  }
0x5a: {  	s9 =	rddreg [dreg:$0x13]  }
0x5b: {  	[tilespmem:s13], [sflag:$0x4] =	stream.linear.gather [hbm4b:s9+s3], $0x50, $0x38;
	[tilespmem:$0x1DC80] =	vst v63  }
0x5c: {  	s21 =	rddreg [dreg:$0x14]  }
0x5d: {  	[tilespmem:s14], [sflag:$0x4] =	stream.linear.gather [hbm4b:s21+s3], $0x50, $0x38;
	[tilespmem:$0x1DC80] =	vst v63  }
0x5e: {  	_ =	swait.ge [sflag:s15], $0x50  }
0x5f: {  	[sflag:s15] =	ssyncset.done $0x0  }
0x60: {  	[sflag:s15] =	ssyncadd.s32 $0xFFFFFFB0  }
0x61: {  	_ =	swait.ge [sflag:s15], $0x50  }
0x62: {  	[sflag:s15] =	ssyncset.done $0x0  }
0x63: {  	[sflag:s15] =	ssyncadd.s32 $0xFFFFFFB0  }
0x64: {  	[tilespmem:s16], [sflag:$0x8] =	stream.indirect.gather [hbm4b:s1+s31], $0x80, s13, s31, $0xb8;
	[tilespmem:$0x1DC80] =	vst v63  }
0x65: {  	_ =	swait.ge [sflag:s17], $0x2800  }
0x66: {  	[sflag:s17] =	ssyncset.done $0x0  }
0x67: {  	[sflag:s17] =	ssyncadd.s32 $0xFFFFD800  }
0x68: {  	_ =	swait.ge [sflag:s18], $0x2800  }
0x69: {  	[sflag:s18] =	ssyncset.done $0x0;
	s21 =	rddreg [dreg:$0x1a]  }
0x6a: {  	[sflag:s18] =	ssyncadd.s32 $0xFFFFD800;
	s22 =	sshrl.u32 s21, $0x3  }
0x6b: {  	[spmem:s2] =	stream.indirect.scatter.add.f32 [tilespmem:s8], [sflag:$0x9], $0x80, s26, s31, $0xb8;
	[tilespmem:$0x1DC80] =	vst v63  }
0x6c: {  	s23 =	sadd.s32 s5, s22  }
0x6d: {  	[tilespmem:s3], [sflag:$0x1] =	stream.linear.gather [hbm4b:s23+s3], $0x50, $0x38;
	[tilespmem:$0x1DC80] =	vst v63  }
0x6e: {  	s7 =	sadd.s32 s6, s22  }
0x6f: {  	[tilespmem:s24], [sflag:$0x1] =	stream.linear.gather [hbm4b:s7+s3], $0x50, $0x38;
	[tilespmem:$0x1DC80] =	vst v63  }
0x70: {  	_ =	swait.ge [sflag:s30], $0x50  }
0x71: {  	[sflag:s30] =	ssyncset.done $0x0  }
0x72: {  	[sflag:s30] =	ssyncadd.s32 $0xFFFFFFB0  }
0x73: {  	_ =	swait.ge [sflag:s30], $0x50  }
0x74: {  	[sflag:s30] =	ssyncset.done $0x0  }
0x75: {  	[sflag:s30] =	ssyncadd.s32 $0xFFFFFFB0  }
0x76: {  	[tilespmem:s0], [sflag:$0x5] =	stream.indirect.gather [hbm4b:s1+s31], $0x80, s3, s31, $0xb8;
	[tilespmem:$0x1DC80] =	vst v63  }
0x77: {  	_ =	swait.ge [sflag:s19], $0x2800  }
0x78: {  	[sflag:s19] =	ssyncset.done $0x0  }
0x79: {  	[sflag:s19] =	ssyncadd.s32 $0xFFFFD800  }
0x7a: {  	_ =	swait.ge [sflag:s18], $0x2800  }
0x7b: {  	[sflag:s18] =	ssyncset.done $0x0  }
0x7c: {  	s22 =	rddreg [dreg:$0x9];
	[sflag:s18] =	ssyncadd.s32 $0xFFFFD800  }
0x7d: {  	[spmem:s2] =	stream.indirect.scatter.add.f32 [tilespmem:s11], [sflag:$0x9], $0x80, s29, s31, $0xb8;
	[tilespmem:$0x1DC80] =	vst v63  }
0x7e: {  	s23 =	rddreg [dreg:$0x8];
	s7 =	sadd.s32 $0x0, s22  }
0x7f: {  	[tilespmem:s25], [sflag:$0x2] =	stream.linear.gather [hbm4b:s7+s3], $0x50, $0x38;
	[tilespmem:$0x1DC80] =	vst v63  }
0x80: {  	s9 =	sadd.s32 $0x0, s23  }
0x81: {  	[tilespmem:s26], [sflag:$0x2] =	stream.linear.gather [hbm4b:s9+s3], $0x50, $0x38;
	[tilespmem:$0x1DC80] =	vst v63  }
0x82: {  	_ =	swait.ge [sflag:s4], $0x50  }
0x83: {  	[sflag:s4] =	ssyncset.done $0x0  }
0x84: {  	[sflag:s4] =	ssyncadd.s32 $0xFFFFFFB0  }
0x85: {  	_ =	swait.ge [sflag:s4], $0x50  }
0x86: {  	[sflag:s4] =	ssyncset.done $0x0  }
0x87: {  	[sflag:s4] =	ssyncadd.s32 $0xFFFFFFB0  }
0x88: {  	[tilespmem:s8], [sflag:$0x6] =	stream.indirect.gather [hbm4b:s1+s31], $0x80, s25, s31, $0xb8;
	[tilespmem:$0x1DC80] =	vst v63  }
0x89: {  	_ =	swait.ge [sflag:s20], $0x2800  }
0x8a: {  	[sflag:s20] =	ssyncset.done $0x0  }
0x8b: {  	[sflag:s20] =	ssyncadd.s32 $0xFFFFD800  }
0x8c: {  	_ =	swait.ge [sflag:s18], $0x2800  }
0x8d: {  	[sflag:s18] =	ssyncset.done $0x0  }
0x8e: {  	s22 =	rddreg [dreg:$0x7];
	[sflag:s18] =	ssyncadd.s32 $0xFFFFD800  }
0x8f: {  	[spmem:s2] =	stream.indirect.scatter.add.f32 [tilespmem:s16], [sflag:$0x9], $0x80, s14, s31, $0xb8;
	[tilespmem:$0x1DC80] =	vst v63  }
0x90: {  	s23 =	rddreg [dreg:$0x6];
	s7 =	sadd.s32 $0x0, s22  }
0x91: {  	[tilespmem:s28], [sflag:$0x3] =	stream.linear.gather [hbm4b:s7+s3], $0x50, $0x38;
	[tilespmem:$0x1DC80] =	vst v63  }
0x92: {  	s9 =	sadd.s32 $0x0, s23  }
0x93: {  	[tilespmem:s29], [sflag:$0x3] =	stream.linear.gather [hbm4b:s9+s3], $0x50, $0x38;
	[tilespmem:$0x1DC80] =	vst v63  }
0x94: {  	_ =	swait.ge [sflag:s10], $0x50  }
0x95: {  	[sflag:s10] =	ssyncset.done $0x0  }
0x96: {  	[sflag:s10] =	ssyncadd.s32 $0xFFFFFFB0  }
0x97: {  	_ =	swait.ge [sflag:s10], $0x50  }
0x98: {  	[sflag:s10] =	ssyncset.done $0x0  }
0x99: {  	[sflag:s10] =	ssyncadd.s32 $0xFFFFFFB0  }
0x9a: {  	[tilespmem:s11], [sflag:$0x7] =	stream.indirect.gather [hbm4b:s1+s31], $0x80, s28, s31, $0xb8;
	[tilespmem:$0x1DC80] =	vst v63  }
0x9b: {  	_ =	swait.ge [sflag:s12], $0x2800  }
0x9c: {  	[sflag:s12] =	ssyncset.done $0x0  }
0x9d: {  	[sflag:s12] =	ssyncadd.s32 $0xFFFFD800  }
0x9e: {  	_ =	swait.ge [sflag:s18], $0x2800  }
0x9f: {  	[sflag:s18] =	ssyncset.done $0x0  }
0xa0: {  	s22 =	rddreg [dreg:$0x5];
	[sflag:s18] =	ssyncadd.s32 $0xFFFFD800  }
0xa1: {  	[spmem:s2] =	stream.indirect.scatter.add.f32 [tilespmem:s0], [sflag:$0x9], $0x80, s24, s31, $0xb8;
	[tilespmem:$0x1DC80] =	vst v63  }
0xa2: {  	s23 =	rddreg [dreg:$0x4];
	s7 =	sadd.s32 $0x0, s22  }
0xa3: {  	[tilespmem:s13], [sflag:$0x4] =	stream.linear.gather [hbm4b:s7+s3], $0x50, $0x38;
	[tilespmem:$0x1DC80] =	vst v63  }
0xa4: {  	s9 =	simm.s32 $0x28;
	s23 =	sadd.s32 $0x0, s23;
	s7 =	sadd.s32 $0x140, s21  }
.LBB2_2:
0xa5: {  	[tilespmem:s14], [sflag:$0x4] =	stream.linear.gather [hbm4b:s23+s3], $0x50, $0x38;
	[tilespmem:$0x1DC80] =	vst v63  }
0xa6: {  	_ =	swait.ge [sflag:s15], $0x50  }
0xa7: {  	[sflag:s15] =	ssyncset.done $0x0  }
0xa8: {  	[sflag:s15] =	ssyncadd.s32 $0xFFFFFFB0  }
0xa9: {  	_ =	swait.ge [sflag:s15], $0x50  }
0xaa: {  	[sflag:s15] =	ssyncset.done $0x0  }
0xab: {  	[sflag:s15] =	ssyncadd.s32 $0xFFFFFFB0  }
0xac: {  	[tilespmem:s16], [sflag:$0x8] =	stream.indirect.gather [hbm4b:s1+s31], $0x80, s13, s31, $0xb8;
	[tilespmem:$0x1DC80] =	vst v63  }
0xad: {  	_ =	swait.ge [sflag:s17], $0x2800  }
0xae: {  	[sflag:s17] =	ssyncset.done $0x0  }
0xaf: {  	[sflag:s17] =	ssyncadd.s32 $0xFFFFD800  }
0xb0: {  	_ =	swait.ge [sflag:s18], $0x2800  }
0xb1: {  	[sflag:s18] =	ssyncset.done $0x0  }
0xb2: {  	s22 =	sshrl.u32 s7, $0x3;
	[sflag:s18] =	ssyncadd.s32 $0xFFFFD800  }
0xb3: {  	[spmem:s2] =	stream.indirect.scatter.add.f32 [tilespmem:s8], [sflag:$0x9], $0x80, s26, s31, $0xb8;
	[tilespmem:$0x1DC80] =	vst v63  }
0xb4: {  	s21 =	sadd.s32 s5, s22  }
0xb5: {  	[tilespmem:s3], [sflag:$0x1] =	stream.linear.gather [hbm4b:s21+s3], $0x50, $0x38;
	[tilespmem:$0x1DC80] =	vst v63  }
0xb6: {  	s22 =	sadd.s32 s6, s22  }
0xb7: {  	[tilespmem:s24], [sflag:$0x1] =	stream.linear.gather [hbm4b:s22+s3], $0x50, $0x38;
	[tilespmem:$0x1DC80] =	vst v63  }
0xb8: {  	_ =	swait.ge [sflag:s30], $0x50  }
0xb9: {  	[sflag:s30] =	ssyncset.done $0x0  }
0xba: {  	[sflag:s30] =	ssyncadd.s32 $0xFFFFFFB0  }
0xbb: {  	_ =	swait.ge [sflag:s30], $0x50  }
0xbc: {  	[sflag:s30] =	ssyncset.done $0x0  }
0xbd: {  	[sflag:s30] =	ssyncadd.s32 $0xFFFFFFB0  }
0xbe: {  	[tilespmem:s0], [sflag:$0x5] =	stream.indirect.gather [hbm4b:s1+s31], $0x80, s3, s31, $0xb8;
	[tilespmem:$0x1DC80] =	vst v63  }
0xbf: {  	_ =	swait.ge [sflag:s19], $0x2800  }
0xc0: {  	[sflag:s19] =	ssyncset.done $0x0  }
0xc1: {  	[sflag:s19] =	ssyncadd.s32 $0xFFFFD800  }
0xc2: {  	_ =	swait.ge [sflag:s18], $0x2800  }
0xc3: {  	[sflag:s18] =	ssyncset.done $0x0  }
0xc4: {  	s23 =	smov.u32 s9;
	s21 =	rddreg [dreg:$0x9];
	[sflag:s18] =	ssyncadd.s32 $0xFFFFD800  }
0xc5: {  	[spmem:s2] =	stream.indirect.scatter.add.f32 [tilespmem:s11], [sflag:$0x9], $0x80, s29, s31, $0xb8;
	[tilespmem:$0x1DC80] =	vst v63  }
0xc6: {  	s22 =	rddreg [dreg:$0x8];
	s21 =	sadd.s32 s23, s21  }
0xc7: {  	[tilespmem:s25], [sflag:$0x2] =	stream.linear.gather [hbm4b:s21+s3], $0x50, $0x38;
	[tilespmem:$0x1DC80] =	vst v63  }
0xc8: {  	s22 =	sadd.s32 s23, s22  }
0xc9: {  	[tilespmem:s26], [sflag:$0x2] =	stream.linear.gather [hbm4b:s22+s3], $0x50, $0x38;
	[tilespmem:$0x1DC80] =	vst v63  }
0xca: {  	_ =	swait.ge [sflag:s4], $0x50  }
0xcb: {  	[sflag:s4] =	ssyncset.done $0x0  }
0xcc: {  	[sflag:s4] =	ssyncadd.s32 $0xFFFFFFB0  }
0xcd: {  	_ =	swait.ge [sflag:s4], $0x50  }
0xce: {  	[sflag:s4] =	ssyncset.done $0x0  }
0xcf: {  	[sflag:s4] =	ssyncadd.s32 $0xFFFFFFB0  }
0xd0: {  	[tilespmem:s8], [sflag:$0x6] =	stream.indirect.gather [hbm4b:s1+s31], $0x80, s25, s31, $0xb8;
	[tilespmem:$0x1DC80] =	vst v63  }
0xd1: {  	_ =	swait.ge [sflag:s20], $0x2800  }
0xd2: {  	[sflag:s20] =	ssyncset.done $0x0  }
0xd3: {  	[sflag:s20] =	ssyncadd.s32 $0xFFFFD800  }
0xd4: {  	_ =	swait.ge [sflag:s18], $0x2800  }
0xd5: {  	[sflag:s18] =	ssyncset.done $0x0  }
0xd6: {  	s21 =	rddreg [dreg:$0x7];
	[sflag:s18] =	ssyncadd.s32 $0xFFFFD800  }
0xd7: {  	[spmem:s2] =	stream.indirect.scatter.add.f32 [tilespmem:s16], [sflag:$0x9], $0x80, s14, s31, $0xb8;
	[tilespmem:$0x1DC80] =	vst v63  }
0xd8: {  	s22 =	rddreg [dreg:$0x6];
	s21 =	sadd.s32 s23, s21  }
0xd9: {  	[tilespmem:s28], [sflag:$0x3] =	stream.linear.gather [hbm4b:s21+s3], $0x50, $0x38;
	[tilespmem:$0x1DC80] =	vst v63  }
0xda: {  	s22 =	sadd.s32 s23, s22  }
0xdb: {  	[tilespmem:s29], [sflag:$0x3] =	stream.linear.gather [hbm4b:s22+s3], $0x50, $0x38;
	[tilespmem:$0x1DC80] =	vst v63  }
0xdc: {  	_ =	swait.ge [sflag:s10], $0x50  }
0xdd: {  	[sflag:s10] =	ssyncset.done $0x0  }
0xde: {  	[sflag:s10] =	ssyncadd.s32 $0xFFFFFFB0  }
0xdf: {  	_ =	swait.ge [sflag:s10], $0x50  }
0xe0: {  	[sflag:s10] =	ssyncset.done $0x0  }
0xe1: {  	[sflag:s10] =	ssyncadd.s32 $0xFFFFFFB0  }
0xe2: {  	[tilespmem:s11], [sflag:$0x7] =	stream.indirect.gather [hbm4b:s1+s31], $0x80, s28, s31, $0xb8;
	[tilespmem:$0x1DC80] =	vst v63  }
0xe3: {  	_ =	swait.ge [sflag:s12], $0x2800  }
0xe4: {  	[sflag:s12] =	ssyncset.done $0x0  }
0xe5: {  	[sflag:s12] =	ssyncadd.s32 $0xFFFFD800  }
0xe6: {  	p1 =	sne.s32 s9, $0x488;
	_ =	swait.ge [sflag:s18], $0x2800  }
.Ltmp0:
0xe7: {  	[sflag:s18] =	ssyncset.done $0x0;
	s21 =	rddreg [dreg:$0x5];
	(pc) =	sbr.rel @p1 .LBB2_2-.Ltmp0, $4  }
0xe8: {  	s9 =	sadd.s32 $0x28, s9;
	s22 =	rddreg [dreg:$0x4];
	[sflag:s18] =	ssyncadd.s32 $0xFFFFD800  }
0xe9: {  	[spmem:s2] =	stream.indirect.scatter.add.f32 [tilespmem:s0], [sflag:$0x9], $0x80, s24, s31, $0xb8;
	[tilespmem:$0x1DC80] =	vst v63  }
0xea: {  	s7 =	sadd.s32 $0x140, s7;
	s21 =	sadd.s32 s23, s21;
	s23 =	sadd.s32 s23, s22  }
0xeb: {  	[tilespmem:s13], [sflag:$0x4] =	stream.linear.gather [hbm4b:s21+s3], $0x50, $0x38;
	[tilespmem:$0x1DC80] =	vst v63  }
0xec: {  	[tilespmem:s14], [sflag:$0x4] =	stream.linear.gather [hbm4b:s23+s3], $0x50, $0x38;
	[tilespmem:$0x1DC80] =	vst v63  }
0xed: {  	_ =	swait.ge [sflag:s15], $0x50  }
0xee: {  	[sflag:s15] =	ssyncset.done $0x0  }
0xef: {  	[sflag:s15] =	ssyncadd.s32 $0xFFFFFFB0  }
0xf0: {  	_ =	swait.ge [sflag:s15], $0x50  }
0xf1: {  	[sflag:s15] =	ssyncset.done $0x0  }
0xf2: {  	[sflag:s15] =	ssyncadd.s32 $0xFFFFFFB0  }
0xf3: {  	[tilespmem:s16], [sflag:$0x8] =	stream.indirect.gather [hbm4b:s1+s31], $0x80, s13, s31, $0xb8;
	[tilespmem:$0x1DC80] =	vst v63  }
0xf4: {  	_ =	swait.ge [sflag:s17], $0x2800  }
0xf5: {  	[sflag:s17] =	ssyncset.done $0x0  }
0xf6: {  	[sflag:s17] =	ssyncadd.s32 $0xFFFFD800  }
0xf7: {  	_ =	swait.ge [sflag:s18], $0x2800  }
0xf8: {  	[sflag:s18] =	ssyncset.done $0x0  }
0xf9: {  	[sflag:s18] =	ssyncadd.s32 $0xFFFFD800  }
0xfa: {  	[spmem:s2] =	stream.indirect.scatter.add.f32 [tilespmem:s8], [sflag:$0x9], $0x80, s26, s31, $0xb8;
	[tilespmem:$0x1DC80] =	vst v63  }
0xfb: {  	s7 =	rddreg [dreg:$0x16]  }
0xfc: {  	[tilespmem:s3], [sflag:$0x1] =	stream.linear.gather [hbm4b:s7+s3], $0x50, $0x38;
	[tilespmem:$0x1DC80] =	vst v63  }
0xfd: {  	s22 =	rddreg [dreg:$0x17]  }
0xfe: {  	[tilespmem:s24], [sflag:$0x1] =	stream.linear.gather [hbm4b:s22+s3], $0x50, $0x38;
	[tilespmem:$0x1DC80] =	vst v63  }
0xff: {  	_ =	swait.ge [sflag:s30], $0x50  }
0x100: {  	[sflag:s30] =	ssyncset.done $0x0  }
0x101: {  	[sflag:s30] =	ssyncadd.s32 $0xFFFFFFB0  }
0x102: {  	_ =	swait.ge [sflag:s30], $0x50  }
0x103: {  	[sflag:s30] =	ssyncset.done $0x0  }
0x104: {  	[sflag:s30] =	ssyncadd.s32 $0xFFFFFFB0  }
0x105: {  	[tilespmem:s0], [sflag:$0x5] =	stream.indirect.gather [hbm4b:s1+s31], $0x80, s3, s31, $0xb8;
	[tilespmem:$0x1DC80] =	vst v63  }
0x106: {  	_ =	swait.ge [sflag:s19], $0x2800  }
0x107: {  	[sflag:s19] =	ssyncset.done $0x0  }
0x108: {  	[sflag:s19] =	ssyncadd.s32 $0xFFFFD800  }
0x109: {  	_ =	swait.ge [sflag:s18], $0x2800  }
0x10a: {  	[sflag:s18] =	ssyncset.done $0x0  }
0x10b: {  	[sflag:s18] =	ssyncadd.s32 $0xFFFFD800  }
0x10c: {  	[spmem:s2] =	stream.indirect.scatter.add.f32 [tilespmem:s11], [sflag:$0x9], $0x80, s29, s31, $0xb8;
	[tilespmem:$0x1DC80] =	vst v63  }
0x10d: {  	_ =	swait.ge [sflag:s20], $0x2800  }
0x10e: {  	[sflag:s20] =	ssyncset.done $0x0  }
0x10f: {  	[sflag:s20] =	ssyncadd.s32 $0xFFFFD800  }
0x110: {  	_ =	swait.ge [sflag:s18], $0x2800  }
0x111: {  	[sflag:s18] =	ssyncset.done $0x0  }
0x112: {  	[sflag:s18] =	ssyncadd.s32 $0xFFFFD800  }
0x113: {  	[spmem:s2] =	stream.indirect.scatter.add.f32 [tilespmem:s16], [sflag:$0x9], $0x80, s14, s31, $0xb8;
	[tilespmem:$0x1DC80] =	vst v63  }
0x114: {  	_ =	swait.ge [sflag:s12], $0x2800  }
0x115: {  	[sflag:s12] =	ssyncset.done $0x0  }
0x116: {  	[sflag:s12] =	ssyncadd.s32 $0xFFFFD800  }
0x117: {  	_ =	swait.ge [sflag:s18], $0x2800  }
0x118: {  	[sflag:s18] =	ssyncset.done $0x0  }
0x119: {  	[sflag:s18] =	ssyncadd.s32 $0xFFFFD800  }
0x11a: {  	[spmem:s2] =	stream.indirect.scatter.add.f32 [tilespmem:s0], [sflag:$0x9], $0x80, s24, s31, $0xb8;
	[tilespmem:$0x1DC80] =	vst v63  }
0x11b: {  	_ =	swait.ge [sflag:s18], $0x2800  }
0x11c: {  	[sflag:s18] =	ssyncset.done $0x0  }
0x11d: {  	[sflag:s18] =	ssyncadd.s32 $0xFFFFD800  }
0x11e: {  	[bflag:$0x0] =	sbarrier.arrive $0xFFFF  }
0x11f: {  	s23 =	rddreg [dreg:$0x15]  }
0x120: {  	s9 =	rddreg [dreg:$0x1c]  }
0x121: {  	s21 =	rddreg [dreg:$0x1d]  }
0x122: {  	[hbm:s23], [sflag:s9] =	dma.local [spmem:s21], $0x2700  }
0x123: {  	s21 =	simm.s32 $0xA  }
0x124: {  	_ =	swait.ge [sflag:s21], $0x2700  }
0x125: {  	[sflag:s21] =	ssyncset.done $0x0;
	s7 =	rddreg [dreg:$0x18]  }
0x126: {  	s22 =	rddreg [dreg:$0x1e];
	[sflag:s21] =	ssyncadd.s32 $0xFFFFD900  }
0x127: {  	[hbm:s7], [sflag:s9] =	dma.local @!p0 [spmem:s22], $0x100  }
0x128: {  	s7 =	simm.s32 @!p0 $0xA  }
0x129: {  	_ =	swait.ge @!p0 [sflag:s7], $0x100  }
0x12a: {  	s9 =	rddreg [dreg:$0x1b]  }
0x12b: {  	s23 =	rddreg [dreg:$0x19];
	s22 =	sadd.s32 $0x1, s9  }
0x12c: {  	p1 =	sne.s32 s22, s23  }
.Ltmp1:
0x12d: {  	_ = 	snop;
	(pc) =	sbr.rel @p1 .LBB2_1-.Ltmp1, $3  }
0x12e: {  	_ =	sdelay $0x1  }
0x12f: {  	[sflag:s7] =	ssyncset.done @!p0 $0x0  }
0x130: {  	[sflag:s7] =	ssyncadd.s32 @!p0 $0xFFFFFF00  }
0x131: {  	_ =	sfence.sel $0x180000  }
0x132: {  	[bflag:$0x0] =	sbarrier.arrive $0xFFFF  }
0x133: {  	_ =	strace $0x90000047  }
0x134: {  	[bflag:$0x2] =	sbarrier.arrive $0xFFFF  }
0x135: {  	s0 =	rddreg [dreg:$0x3]  }
0x136: {  	s0 =	sadd.s32 @!p0 $0x100000, s0  }
0x137: {  	[sflag:s0] =	ssyncadd.tile.s32 @!p0 $0x1;
	_ =	shalt  }
.Lfunc_end2:
_tile_overlayer_lowered:
.L_overlay_start_2:
0x138: {  	(tag) =	ssettag $0x2  }
0x139: {  	s0 =	rddreg [dreg:$0x0];
	s2 =	stileid.u32  }
0x13a: {  	s1 =	rddreg [dreg:$0x1];
	p0 =	sne.s32 s2, $0x0  }
0x13b: {  	s3 =	rddreg [dreg:$0x2];
	[bflag:$0x3] =	sbarrier.arrive $0xFFFF;
	s2 =	simm.s32 @!p0 $0x1C0A  }
0x13c: {  	[timem:s3], [sflag:s2] =	dma.local @!p0 [hbm:s0], s1  }
0x13d: {  	s0 =	simm.s32 @!p0 $0xA  }
0x13e: {  	_ =	swait.ge @!p0 [sflag:s0], s1  }
0x13f: {  	s1 =	ssub.s32 @!p0 $0x0, s1;
	[sflag:s0] =	ssyncset.done @!p0 $0x0  }
0x140: {  	[sflag:s0] =	ssyncadd.s32 @!p0 s1  }
0x141: {  	[bflag:$0x3] =	sbarrier.arrive $0xFFFF  }
0x142: {  	_ =	shalt  }

// kernel: kernel.15.cloned.1.call-start
scs
__scs_entry_jumppad:
0x0: {  	(pc) =	sbr.rel $0x88, $3  }
0x1: {  	(tag) =	ssettag $0x0;
	lr =	simm.s32 $0x1  }
0x2: {  	[smem:$0x3F8F] =	sst lr;
	_ =	strace $0xD0000000  }
0x3: {  	_ = 	snop  }
0x4: {  	_ = 	snop  }
0x5: {  	_ = 	snop  }
0x6: {  	_ = 	snop  }
0x7: {  	_ = 	snop  }
__scs_overlays_trampoline_lowered:
0x8: {  	[smem:$0x3F9E] =	sst s0  }
0x9: {  	[smem:$0x3F9F] =	sst s1  }
0xa: {  	[smem:$0x3FA0] =	sst s2  }
0xb: {  	[smem:$0x3FA1] =	sst s3  }
0xc: {  	[smem:$0x3FA2] =	sst s4  }
0xd: {  	[smem:$0x3FA3] =	sst s5  }
0xe: {  	[smem:$0x3FA4] =	sst s6  }
0xf: {  	[smem:$0x3FA5] =	sst s7  }
0x10: {  	[smem:$0x3FA6] =	sst s8  }
0x11: {  	[smem:$0x3FA7] =	sst s9;
	s0 =	simm.s32 @!p0 $0x0  }
0x12: {  	s1 =	sld [smem:$0x3F8D];
	s0 =	simm.s32 @p0 $0x1  }
0x13: {  	[smem:$0x3FA8] =	sst s0;
	s0 =	simm.s32 @!p1 $0x0  }
0x14: {  	s2 =	sld [smem:$0x3F8C];
	s0 =	simm.s32 @p1 $0x1  }
0x15: {  	[smem:$0x3FA9] =	sst s0;
	s0 =	simm.s32 @!p2 $0x0  }
0x16: {  	s3 =	sld [smem:$0x3FDB];
	s0 =	simm.s32 @p2 $0x1  }
0x17: {  	s4 =	simm.s32 $0x1BF5;
	[smem:$0x3FAB] =	sst s0  }
0x18: {  	s0 =	sld [smem:$0x3F8E];
	_ =	swait.ge [sflag:s4], $0x0  }
0x19: {  	s7 =	sld [smem:$0x3F8F]  }
0x1a: {  	s8 =	sadd.s32 $0xFFFFE003, lr  }
0x1b: {  	s9 =	sadd.s32 $0xFFFFFEF7, lr;
	s5 =	simm.s32 $0xFFFFFFFF;
	p2 =	slt.u32 s8, $0xFFFFF086  }
0x1c: {  	p1 =	slt.u32 s9, $0xF7A;
	s5 =	simm.s32 @!p2 $0x0  }
0x1d: {  	s5 =	simm.s32 @p1 $0x1;
	p0 =	seq.s32 s7, s2  }
0x1e: {  	s7 =	smul.u32 @!p0 $0xF7A, s2;
	p2 =	seq.s32 @!p0 s5, $0x0  }
0x1f: {  	s9 =	smul.u32 $0xF7A, s1;
	s8 =	simm.s32 @!p0 $0x1BF5;
	p2 =	por !p2, p0  }
0x20: {  	[sflag:s8] =	ssyncset.s32 @!p0 $0xFFFFF086;
	s6 =	sadd.s32 @!p0 s3, s7;
	s7 =	simm.s32 @!p0 $0x108  }
0x21: {  	s3 =	sadd.s32 s3, s9;
	s6 =	sadd.s32 @!p0 $0x88, s6;
	s7 =	simm.s32 @p2 $0x1082  }
0x22: {  	[simem:s7], [sflag:s8] =	dma.local @!p0 [hbm:s6], $0xF7A  }
0x23: {  	s9 =	sor.u32 $0xD0000000, s2;
	s6 =	simm.s32 $0x108;
	_ =	swait.ge @!p0 [sflag:s8], $0x0  }
0x24: {  	s3 =	sadd.s32 $0x88, s3;
	s6 =	simm.s32 @!p1 $0x1082;
	[sflag:s4] =	ssyncset.s32 $0xFFFFF086  }
0x25: {  	[simem:s6], [sflag:s4] =	dma.local [hbm:s3], $0xF7A  }
0x26: {  	[smem:$0x3F8F] =	sst s1;
	(tag) =	ssettag s2;
	_ =	strace s9  }
0x27: {  	s1 =	sld [smem:$0x3F9F]  }
0x28: {  	s2 =	sld [smem:$0x3FA0]  }
0x29: {  	s4 =	sld [smem:$0x3FA2]  }
0x2a: {  	p0 =	seq.s32 s5, $0x0;
	s5 =	sld [smem:$0x3FA3]  }
0x2b: {  	s6 =	sld [smem:$0x3FA4]  }
0x2c: {  	s7 =	sld [smem:$0x3FA5]  }
0x2d: {  	s3 =	simm.s32 $0x108;
	s8 =	sld [smem:$0x3FA6]  }
0x2e: {  	s3 =	simm.s32 @!p0 $0x1082;
	s9 =	sld [smem:$0x3FA7]  }
0x2f: {  	lr =	sadd.s32 s0, s3;
	s0 =	sld [smem:$0x3F9E]  }
0x30: {  	s3 =	sld [smem:$0x3FA1]  }
0x31: {  	[smem:$0x3FAA] =	sst s10  }
0x32: {  	s10 =	sld [smem:$0x3FA8];
	_ =	sdelay $0x3  }
0x33: {  	p0 =	seq.s32 s10, $0x1;
	s10 =	sld [smem:$0x3FAA];
	_ =	sdelay $0x3  }
0x34: {  	[smem:$0x3FAA] =	sst s10  }
0x35: {  	s10 =	sld [smem:$0x3FA9];
	_ =	sdelay $0x3  }
0x36: {  	p1 =	seq.s32 s10, $0x1;
	s10 =	sld [smem:$0x3FAA];
	_ =	sdelay $0x3  }
0x37: {  	[smem:$0x3FAA] =	sst s10  }
0x38: {  	s10 =	sld [smem:$0x3FAB]  }
0x39: {  	_ = 	snop;
	(pc) =	sbr.ind lr, $3  }
0x3a: {  	_ = 	snop  }
0x3b: {  	_ = 	snop  }
0x3c: {  	p2 =	seq.s32 s10, $0x1;
	s10 =	sld [smem:$0x3FAA]  }
0x3d: {  	_ =	shalt  }
0x3e: {  	_ =	shalt  }
0x3f: {  	_ =	shalt  }
0x40: {  	_ =	shalt  }
0x41: {  	_ =	shalt  }
0x42: {  	_ =	shalt  }
0x43: {  	_ =	shalt  }
0x44: {  	_ =	shalt  }
0x45: {  	_ =	shalt  }
0x46: {  	_ =	shalt  }
0x47: {  	_ =	shalt  }
0x48: {  	_ =	shalt  }
0x49: {  	_ =	shalt  }
0x4a: {  	_ =	shalt  }
0x4b: {  	_ =	shalt  }
0x4c: {  	_ =	shalt  }
0x4d: {  	_ =	shalt  }
0x4e: {  	_ =	shalt  }
0x4f: {  	_ =	shalt  }
0x50: {  	_ =	shalt  }
0x51: {  	_ =	shalt  }
0x52: {  	_ =	shalt  }
0x53: {  	_ =	shalt  }
0x54: {  	_ =	shalt  }
0x55: {  	_ =	shalt  }
0x56: {  	_ =	shalt  }
0x57: {  	_ =	shalt  }
0x58: {  	_ =	shalt  }
0x59: {  	_ =	shalt  }
0x5a: {  	_ =	shalt  }
0x5b: {  	_ =	shalt  }
0x5c: {  	_ =	shalt  }
0x5d: {  	_ =	shalt  }
0x5e: {  	_ =	shalt  }
0x5f: {  	_ =	shalt  }
0x60: {  	_ =	shalt  }
0x61: {  	_ =	shalt  }
0x62: {  	_ =	shalt  }
0x63: {  	_ =	shalt  }
0x64: {  	_ =	shalt  }
0x65: {  	_ =	shalt  }
0x66: {  	_ =	shalt  }
0x67: {  	_ =	shalt  }
0x68: {  	_ =	shalt  }
0x69: {  	_ =	shalt  }
0x6a: {  	_ =	shalt  }
0x6b: {  	_ =	shalt  }
0x6c: {  	_ =	shalt  }
0x6d: {  	_ =	shalt  }
0x6e: {  	_ =	shalt  }
0x6f: {  	_ =	shalt  }
0x70: {  	_ =	shalt  }
0x71: {  	_ =	shalt  }
0x72: {  	_ =	shalt  }
0x73: {  	_ =	shalt  }
0x74: {  	_ =	shalt  }
0x75: {  	_ =	shalt  }
0x76: {  	_ =	shalt  }
0x77: {  	_ =	shalt  }
0x78: {  	_ =	shalt  }
0x79: {  	_ =	shalt  }
0x7a: {  	_ =	shalt  }
0x7b: {  	_ =	shalt  }
0x7c: {  	_ =	shalt  }
0x7d: {  	_ =	shalt  }
0x7e: {  	_ =	shalt  }
0x7f: {  	_ =	shalt  }
0x80: {  	_ =	shalt  }
0x81: {  	_ =	shalt  }
0x82: {  	_ =	shalt  }
0x83: {  	_ =	shalt  }
0x84: {  	_ =	shalt  }
0x85: {  	_ =	shalt  }
0x86: {  	_ =	shalt  }
0x87: {  	_ =	shalt  }
.Lfunc_end0:
.L_simem_size_0:
called_computation.2_lowered:
.L_overlay_start_0:
0x88: {  	s2 =	sld [smem:$0x3FD9]  }
0x89: {  	s3 =	sld [smem:$0x3FFE];
	_ =	sdelay $0x1  }
0x8a: {  	s1 =	srdreg.scid  }
0x8b: {  	s0 =	sand.u32 $0x1, s1  }
0x8c: {  	s16 =	sshll.u32 s0, $0xA;
	s2 =	sadd.s32 s3, s2  }
0x8d: {  	s2 =	sadd.s32 s2, s16  }
0x8e: {  	[smem:$0x3FB6] =	sst s2  }
0x8f: {  	_ = 	snop  }
0x90: {  	(tm) =	ssettm $0x1  }
0x91: {  	s17 =	sld [smem:$0x3FFB];
	_ =	sdelay $0x3  }
0x92: {  	_ =	strace s17  }
0x93: {  	s2 =	sld [smem:$0x3FFC];
	_ =	sdelay $0x3  }
0x94: {  	_ =	strace s2  }
0x95: {  	s2 =	sld [smem:$0x3FFD];
	_ =	sdelay $0x3  }
0x96: {  	_ =	strace s2  }
0x97: {  	_ =	strace $0x8FFFFFFF  }
0x98: {  	s18 =	sld [smem:$0x3FDB];
	_ =	sdelay $0x1  }
0x99: {  	s19 =	simm.s32 $_scs_section_size  }
0x9a: {  	s4 =	simm.s32 $_size__tile_overlayer_lowered;
	s5 =	simm.s32 $_tile_overlayer_lowered  }
0x9b: {  	s22 =	simm.s32 $0x1BFF;
	s21 =	sshll.u32 s5, $0x1;
	s2 =	sadd.s32 s19, s18  }
0x9c: {  	s6 =	simm.s32 $0x0;
	s20 =	sshll.u32 s4, $0x1;
	s4 =	sadd.s32 s21, s2  }
0x9d: {  	[timem:s6], [sflag:s22] =	dma.local [hbm:s4], s20  }
0x9e: {  	_ =	swait.ge [sflag:s22], s20  }
0x9f: {  	s3 =	ssub.s32 $0x0, s20;
	[sflag:s22] =	ssyncset.done $0x0  }
0xa0: {  	[sflag:s22] =	ssyncadd.s32 s3;
	_ =	sdelay $0x1  }
0xa1: {  	s23 =	simm.s32 $0x1B8B  }
0xa2: {  	_ =	swait.ge [sflag:s23], $0x1  }
0xa3: {  	[sflag:s23] =	ssyncset.done $0x0  }
0xa4: {  	s25 =	simm.s32 $0x1B8E;
	s24 =	sld [smem:$0x3FFE];
	[sflag:s23] =	ssyncadd.s32 $0xFFFFFFFF  }
0xa5: {  	s26 =	simm.s32 $execute0_lowered;
	[smem:$0x3FD2] =	sst s25  }
0xa6: {  	s4 =	sshll.u32 s26, $0x1;
	_ =	strace $0x8000004C;
	[dreg:$0x1] =	wrdreg $0xFFFFFFFF  }
0xa7: {  	s28 =	simm.s32 $_size_execute0_lowered;
	s2 =	sadd.s32 s2, s4;
	[dreg:$0x0] =	wrdreg $0x0  }
0xa8: {  	s4 =	sshll.u32 s28, $0x1;
	[dreg:$0x2] =	wrdreg s2  }
0xa9: {  	[dreg:$0x3] =	wrdreg s4  }
0xaa: {  	[dreg:$0x4] =	wrdreg $0xC0  }
0xab: {  	_ =	task [dreg:s6], $0x5FFFF  }
0xac: {  	[dreg:$0x1] =	wrdreg $0xFFFFFFFF  }
0xad: {  	[dreg:$0x0] =	wrdreg $0x60  }
0xae: {  	[dreg:$0x2] =	wrdreg s24  }
0xaf: {  	[dreg:$0x3] =	wrdreg $0xA4000  }
0xb0: {  	[dreg:$0x4] =	wrdreg $0x9  }
0xb1: {  	_ =	task.clear_ibuf [dreg:s6], $0x5FFFF;
	_ =	strace $0x9000004C  }
0xb2: {  	s29 =	simm.s32 $0x9;
	_ =	strace $0x8000004E  }
0xb3: {  	_ =	swait.ge [sflag:s29], $0x1  }
0xb4: {  	[sflag:s29] =	ssyncadd.s32 $0xFFFFFFFF  }
0xb5: {  	_ =	strace $0x9000004E  }
0xb6: {  	_ =	sfence  }
0xb7: {  	s30 =	sld [smem:$0x0];
	_ =	sdelay $0x2  }
0xb8: {  	s31 =	sshll.u32 s1, $0xD;
	s1 =	sshrl.u32 s1, $0x2  }
0xb9: {  	s3 =	sand.u32 $0x4000, s31;
	s1 =	sadd.s32 s1, s30  }
0xba: {  	s0 =	sor.u32 s3, s0;
	s1 =	sshll.u32 s1, $0x11  }
0xbb: {  	s0 =	sor.u32 s1, s0  }
0xbc: {  	s0 =	sadd.s32 $0x8F2B, s0  }
0xbd: {  	[sflag:s0] =	ssyncadd.remote.s32 $0x1  }
0xbe: {  	_ =	sfence.sel $0xFFFF  }
0xbf: {  	[dreg:$0x0] =	wrdreg $0xFFFFFFFF;
	(pc) =	sbr.abs _section_cstart, $3  }
0xc0: {  	[dreg:$0x1] =	wrdreg $0xFFFFFFFF  }
0xc1: {  	_ =	task.clear_ibuf [dreg:s6], $0x2FFFF;
	_ =	strace $0x9FFFFFFF  }
0xc2: {  	(tm) =	ssettm $0x7FFFFFFF  }
0xc3: {  	_ =	shalt  }
tec
execute0_lowered:
.L_overlay_start_1:
0x0: {  	(tag) =	ssettag $0x1  }
0x1: {  	s0 =	rddreg [dreg:$0x0]  }
0x2: {  	s1 =	rddreg [dreg:$0x1]  }
0x3: {  	s2 =	srdreg.scid;
	s13 =	stileid.u32;
	s28 =	simm.s32 $0x100  }
0x4: {  	s29 =	simm.s32 $0x300;
	s30 =	simm.s32 $0x1;
	s31 =	simm.s32 $0x50  }
0x5: {  	s3 =	sand.u32 $0x1, s2;
	s2 =	simm.s32 $0x0;
	s10 =	smul.u32 $0x4E000, s13  }
0x6: {  	s6 =	sadd.s32 $0x19E00, s0;
	s9 =	sadd.s32 $0x17600, s0;
	s12 =	smul.u32 $0x2710, s13  }
0x7: {  	s24 =	sadd.s32 $0x138000, s1;
	s26 =	smul.u32 $0x13800, s13;
	p0 =	sne.s32 s13, $0x0  }
0x8: {  	s4 =	sshll.u32 s3, $0x4;
	[smem:$0x7FF] =	sst s2;
	s22 =	smul.u32 $0x27100, s3  }
0x9: {  	s8 =	ssub.s32 $0x2, s3;
	s3 =	smul.u32 $0x138800, s3;
	s5 =	sor.u32 s13, s4  }
0xa: {  	_ =	strace $0x8000004D;
	s4 =	sadd.s32 $0xD800, s0;
	s7 =	smul.u32 $0x2710, s5  }
0xb: {  	[dreg:$0x9] =	wrdreg s9;
	s18 =	sshrl.u32 s8, $0x1;
	s10 =	sshrl.u32 s10, $0x2  }
0xc: {  	[dreg:$0x11] =	wrdreg s24;
	s10 =	sadd.s32 s10, s1;
	s7 =	sshrl.u32 s7, $0x3  }
0xd: {  	s5 =	sadd.s32 $0x3A00, s0;
	[dreg:$0x10] =	wrdreg s10;
	s19 =	sadd.s32 s4, s7  }
0xe: {  	s20 =	sadd.s32 s5, s7;
	s21 =	sadd.s32 $0xA, s7;
	[dreg:$0xa] =	wrdreg s19  }
0xf: {  	s13 =	simm.s32 $0x180;
	[dreg:$0xb] =	wrdreg s20;
	s11 =	sadd.s32 s4, s21  }
0x10: {  	s23 =	sadd.s32 $0x14, s7;
	s9 =	sadd.s32 s5, s21;
	[dreg:$0xc] =	wrdreg s11  }
0x11: {  	s25 =	sadd.s32 $0x1E, s7;
	s14 =	sadd.s32 s4, s23;
	[dreg:$0xd] =	wrdreg s9  }
0x12: {  	s0 =	sadd.s32 $0x41000, s0;
	s15 =	sadd.s32 s4, s25;
	[dreg:$0xe] =	wrdreg s14  }
0x13: {  	s7 =	sadd.s32 $0x4D8, s7;
	s10 =	sadd.s32 s5, s25;
	[dreg:$0x12] =	wrdreg s15  }
0x14: {  	s8 =	ssub.s32 s8, s18;
	s21 =	sadd.s32 s4, s7;
	[dreg:$0x13] =	wrdreg s10  }
0x15: {  	s7 =	sadd.s32 s5, s7;
	s25 =	smax.u32 s8, $0x1;
	[dreg:$0x15] =	wrdreg s21  }
0x16: {  	s8 =	simm.s32 $0x2C00;
	s11 =	sadd.s32 s5, s23;
	[dreg:$0x16] =	wrdreg s7  }
0x17: {  	s9 =	sadd.s32 s12, s22;
	[dreg:$0x18] =	wrdreg s25;
	s25 =	simm.s32 $0x80  }
0x18: {  	s21 =	simm.s32 $0xA;
	s14 =	simm.s32 $0x380;
	s15 =	simm.s32 $0x4  }
0x19: {  	[dreg:$0xf] =	wrdreg s11;
	s12 =	sadd.s32 $0x230, s9;
	s11 =	sadd.s32 s26, s3  }
0x1a: {  	s17 =	sadd.s32 $0x1E0, s9;
	s3 =	sshrl.u32 s3, $0x3;
	s20 =	sadd.s32 $0x190, s9  }
0x1b: {  	s26 =	sadd.s32 $0x140, s9;
	s16 =	sshrl.u32 s12, $0x3;
	s11 =	sshrl.u32 s11, $0x3  }
0x1c: {  	s18 =	sshrl.u32 s17, $0x3;
	[dreg:$0x19] =	wrdreg s26;
	s26 =	simm.s32 $0x280  }
0x1d: {  	s17 =	simm.s32 $0x6;
	s12 =	sadd.s32 s16, s5;
	s11 =	sadd.s32 s0, s11  }
0x1e: {  	s10 =	sadd.s32 s16, s4;
	s19 =	sadd.s32 s18, s5;
	[dreg:$0x3] =	wrdreg s12  }
0x1f: {  	s0 =	sadd.s32 s0, s3;
	s22 =	sadd.s32 s18, s4;
	[dreg:$0x14] =	wrdreg s11  }
0x20: {  	s3 =	sshrl.u32 s20, $0x3;
	s16 =	simm.s32 $0x7C00;
	[dreg:$0x4] =	wrdreg s10  }
0x21: {  	s18 =	simm.s32 $0x9;
	s20 =	simm.s32 $0x8;
	[dreg:$0x5] =	wrdreg s19  }
0x22: {  	[dreg:$0x6] =	wrdreg s22;
	s23 =	sadd.s32 s3, s5;
	s0 =	sadd.s32 $0x27000, s0  }
0x23: {  	s24 =	sadd.s32 s3, s4;
	s3 =	simm.s32 $0x2;
	s10 =	simm.s32 $0x3  }
0x24: {  	s11 =	simm.s32 $0x5400;
	s12 =	simm.s32 $0x5;
	[dreg:$0x17] =	wrdreg s0  }
0x25: {  	s19 =	simm.s32 $0x7;
	s22 =	simm.s32 $0x0;
	[dreg:$0x7] =	wrdreg s23  }
0x26: {  	[dreg:$0x8] =	wrdreg s24;
	s24 =	simm.s32 $0x200;
	s0 =	simm.s32 $0x400  }
.LBB2_1:
0x27: {  	[dreg:$0x1a] =	wrdreg s22  }
0x28: {  	s7 =	rddreg [dreg:$0xa]  }
0x29: {  	[tilespmem:s2], [sflag:$0x1] =	stream.linear.gather [hbm4b:s7+s2], $0x50, $0x38;
	[tilespmem:$0x1DC80] =	vst v63  }
0x2a: {  	s23 =	rddreg [dreg:$0xb]  }
0x2b: {  	[tilespmem:s24], [sflag:$0x1] =	stream.linear.gather [hbm4b:s23+s2], $0x50, $0x38;
	[tilespmem:$0x1DC80] =	vst v63  }
0x2c: {  	s9 =	rddreg [dreg:$0xc]  }
0x2d: {  	[tilespmem:s25], [sflag:$0x2] =	stream.linear.gather [hbm4b:s9+s2], $0x50, $0x38;
	[tilespmem:$0x1DC80] =	vst v63  }
0x2e: {  	s22 =	rddreg [dreg:$0xd]  }
0x2f: {  	[tilespmem:s26], [sflag:$0x2] =	stream.linear.gather [hbm4b:s22+s2], $0x50, $0x38;
	[tilespmem:$0x1DC80] =	vst v63  }
0x30: {  	s23 =	rddreg [dreg:$0xe]  }
0x31: {  	[tilespmem:s28], [sflag:$0x3] =	stream.linear.gather [hbm4b:s23+s2], $0x50, $0x38;
	[tilespmem:$0x1DC80] =	vst v63  }
0x32: {  	s9 =	rddreg [dreg:$0xf]  }
0x33: {  	[tilespmem:s29], [sflag:$0x3] =	stream.linear.gather [hbm4b:s9+s2], $0x50, $0x38;
	[tilespmem:$0x1DC80] =	vst v63  }
0x34: {  	_ =	swait.ge [sflag:s30], $0x50  }
0x35: {  	[sflag:s30] =	ssyncset.done $0x0  }
0x36: {  	[sflag:s30] =	ssyncadd.s32 $0xFFFFFFB0  }
0x37: {  	_ =	swait.ge [sflag:s30], $0x50  }
0x38: {  	[sflag:s30] =	ssyncset.done $0x0  }
0x39: {  	[sflag:s30] =	ssyncadd.s32 $0xFFFFFFB0  }
0x3a: {  	[tilespmem:s0], [sflag:$0x5] =	stream.indirect.gather [hbm4b:s6+s31], $0x80, s2, s31, $0xb8;
	[tilespmem:$0x1DC80] =	vst v63  }
0x3b: {  	_ =	swait.ge [sflag:s3], $0x50  }
0x3c: {  	[sflag:s3] =	ssyncset.done $0x0  }
0x3d: {  	s22 =	stileid.u32;
	[sflag:s3] =	ssyncadd.s32 $0xFFFFFFB0  }
0x3e: {  	s7 =	sshll.u32 s22, $0x6;
	_ =	swait.ge [sflag:s3], $0x50  }
0x3f: {  	s22 =	sor.u32 $0x1C0A, s7;
	[sflag:s3] =	ssyncset.done $0x0;
	s23 =	rddreg [dreg:$0x10]  }
0x40: {  	s7 =	rddreg [dreg:$0x9];
	[sflag:s3] =	ssyncadd.s32 $0xFFFFFFB0;
	s9 =	sshrl.u32 s23, $0x3  }
0x41: {  	[tilespmem:s8], [sflag:$0x6] =	stream.indirect.gather [hbm4b:s6+s31], $0x80, s25, s31, $0xb8;
	[tilespmem:$0x1DC80] =	vst v63  }
0x42: {  	[dreg:$0x1c] =	wrdreg s9  }
0x43: {  	[spmem:s9], [sflag:s22] =	dma.local [hbm:s7], $0x2700  }
0x44: {  	_ =	swait.ge [sflag:s21], $0x2700  }
0x45: {  	s9 =	rddreg [dreg:$0x11]  }
0x46: {  	[dreg:$0x1b] =	wrdreg s22;
	[sflag:s21] =	ssyncset.done $0x0;
	s9 =	sshrl.u32 @!p0 s9, $0x3  }
0x47: {  	[sflag:s21] =	ssyncadd.s32 $0xFFFFD900;
	[dreg:$0x1d] =	wrdreg s9  }
0x48: {  	[spmem:s9], [sflag:s22] =	dma.local @!p0 [hbm:s7], $0x100  }
0x49: {  	s7 =	simm.s32 @!p0 $0xA  }
0x4a: {  	_ =	swait.ge @!p0 [sflag:s7], $0x100  }
0x4b: {  	[sflag:s7] =	ssyncset.done @!p0 $0x0  }
0x4c: {  	[sflag:s7] =	ssyncadd.s32 @!p0 $0xFFFFFF00  }
0x4d: {  	[bflag:$0x0] =	sbarrier.arrive $0xFFFF  }
0x4e: {  	_ =	swait.ge [sflag:s10], $0x50  }
0x4f: {  	[sflag:s10] =	ssyncset.done $0x0  }
0x50: {  	[sflag:s10] =	ssyncadd.s32 $0xFFFFFFB0  }
0x51: {  	_ =	swait.ge [sflag:s10], $0x50  }
0x52: {  	[sflag:s10] =	ssyncset.done $0x0  }
0x53: {  	[sflag:s10] =	ssyncadd.s32 $0xFFFFFFB0  }
0x54: {  	[tilespmem:s11], [sflag:$0x7] =	stream.indirect.gather [hbm4b:s6+s31], $0x80, s28, s31, $0xb8;
	[tilespmem:$0x1DC80] =	vst v63  }
0x55: {  	_ =	swait.ge [sflag:s12], $0x2800  }
0x56: {  	[sflag:s12] =	ssyncset.done $0x0  }
0x57: {  	[sflag:s12] =	ssyncadd.s32 $0xFFFFD800  }
0x58: {  	[spmem:s1] =	stream.indirect.scatter.add.f32 [tilespmem:s0], [sflag:$0x9], $0x80, s24, s31, $0xb8;
	[tilespmem:$0x1DC80] =	vst v63  }
0x59: {  	s9 =	rddreg [dreg:$0x12]  }
0x5a: {  	[tilespmem:s13], [sflag:$0x4] =	stream.linear.gather [hbm4b:s9+s2], $0x50, $0x38;
	[tilespmem:$0x1DC80] =	vst v63  }
0x5b: {  	s21 =	rddreg [dreg:$0x13]  }
0x5c: {  	[tilespmem:s14], [sflag:$0x4] =	stream.linear.gather [hbm4b:s21+s2], $0x50, $0x38;
	[tilespmem:$0x1DC80] =	vst v63  }
0x5d: {  	_ =	swait.ge [sflag:s15], $0x50  }
0x5e: {  	[sflag:s15] =	ssyncset.done $0x0  }
0x5f: {  	[sflag:s15] =	ssyncadd.s32 $0xFFFFFFB0  }
0x60: {  	_ =	swait.ge [sflag:s15], $0x50  }
0x61: {  	[sflag:s15] =	ssyncset.done $0x0  }
0x62: {  	[sflag:s15] =	ssyncadd.s32 $0xFFFFFFB0  }
0x63: {  	[tilespmem:s16], [sflag:$0x8] =	stream.indirect.gather [hbm4b:s6+s31], $0x80, s13, s31, $0xb8;
	[tilespmem:$0x1DC80] =	vst v63  }
0x64: {  	_ =	swait.ge [sflag:s17], $0x2800  }
0x65: {  	[sflag:s17] =	ssyncset.done $0x0  }
0x66: {  	[sflag:s17] =	ssyncadd.s32 $0xFFFFD800  }
0x67: {  	_ =	swait.ge [sflag:s18], $0x2800  }
0x68: {  	[sflag:s18] =	ssyncset.done $0x0;
	s21 =	rddreg [dreg:$0x19]  }
0x69: {  	[sflag:s18] =	ssyncadd.s32 $0xFFFFD800;
	s22 =	sshrl.u32 s21, $0x3  }
0x6a: {  	[spmem:s1] =	stream.indirect.scatter.add.f32 [tilespmem:s8], [sflag:$0x9], $0x80, s26, s31, $0xb8;
	[tilespmem:$0x1DC80] =	vst v63  }
0x6b: {  	s23 =	sadd.s32 s4, s22  }
0x6c: {  	[tilespmem:s2], [sflag:$0x1] =	stream.linear.gather [hbm4b:s23+s2], $0x50, $0x38;
	[tilespmem:$0x1DC80] =	vst v63  }
0x6d: {  	s7 =	sadd.s32 s5, s22  }
0x6e: {  	[tilespmem:s24], [sflag:$0x1] =	stream.linear.gather [hbm4b:s7+s2], $0x50, $0x38;
	[tilespmem:$0x1DC80] =	vst v63  }
0x6f: {  	_ =	swait.ge [sflag:s30], $0x50  }
0x70: {  	[sflag:s30] =	ssyncset.done $0x0  }
0x71: {  	[sflag:s30] =	ssyncadd.s32 $0xFFFFFFB0  }
0x72: {  	_ =	swait.ge [sflag:s30], $0x50  }
0x73: {  	[sflag:s30] =	ssyncset.done $0x0  }
0x74: {  	[sflag:s30] =	ssyncadd.s32 $0xFFFFFFB0  }
0x75: {  	[tilespmem:s0], [sflag:$0x5] =	stream.indirect.gather [hbm4b:s6+s31], $0x80, s2, s31, $0xb8;
	[tilespmem:$0x1DC80] =	vst v63  }
0x76: {  	_ =	swait.ge [sflag:s19], $0x2800  }
0x77: {  	[sflag:s19] =	ssyncset.done $0x0  }
0x78: {  	[sflag:s19] =	ssyncadd.s32 $0xFFFFD800  }
0x79: {  	_ =	swait.ge [sflag:s18], $0x2800  }
0x7a: {  	[sflag:s18] =	ssyncset.done $0x0  }
0x7b: {  	s22 =	rddreg [dreg:$0x8];
	[sflag:s18] =	ssyncadd.s32 $0xFFFFD800  }
0x7c: {  	[spmem:s1] =	stream.indirect.scatter.add.f32 [tilespmem:s11], [sflag:$0x9], $0x80, s29, s31, $0xb8;
	[tilespmem:$0x1DC80] =	vst v63  }
0x7d: {  	s23 =	rddreg [dreg:$0x7];
	s7 =	sadd.s32 $0x0, s22  }
0x7e: {  	[tilespmem:s25], [sflag:$0x2] =	stream.linear.gather [hbm4b:s7+s2], $0x50, $0x38;
	[tilespmem:$0x1DC80] =	vst v63  }
0x7f: {  	s9 =	sadd.s32 $0x0, s23  }
0x80: {  	[tilespmem:s26], [sflag:$0x2] =	stream.linear.gather [hbm4b:s9+s2], $0x50, $0x38;
	[tilespmem:$0x1DC80] =	vst v63  }
0x81: {  	_ =	swait.ge [sflag:s3], $0x50  }
0x82: {  	[sflag:s3] =	ssyncset.done $0x0  }
0x83: {  	[sflag:s3] =	ssyncadd.s32 $0xFFFFFFB0  }
0x84: {  	_ =	swait.ge [sflag:s3], $0x50  }
0x85: {  	[sflag:s3] =	ssyncset.done $0x0  }
0x86: {  	[sflag:s3] =	ssyncadd.s32 $0xFFFFFFB0  }
0x87: {  	[tilespmem:s8], [sflag:$0x6] =	stream.indirect.gather [hbm4b:s6+s31], $0x80, s25, s31, $0xb8;
	[tilespmem:$0x1DC80] =	vst v63  }
0x88: {  	_ =	swait.ge [sflag:s20], $0x2800  }
0x89: {  	[sflag:s20] =	ssyncset.done $0x0  }
0x8a: {  	[sflag:s20] =	ssyncadd.s32 $0xFFFFD800  }
0x8b: {  	_ =	swait.ge [sflag:s18], $0x2800  }
0x8c: {  	[sflag:s18] =	ssyncset.done $0x0  }
0x8d: {  	s22 =	rddreg [dreg:$0x6];
	[sflag:s18] =	ssyncadd.s32 $0xFFFFD800  }
0x8e: {  	[spmem:s1] =	stream.indirect.scatter.add.f32 [tilespmem:s16], [sflag:$0x9], $0x80, s14, s31, $0xb8;
	[tilespmem:$0x1DC80] =	vst v63  }
0x8f: {  	s23 =	rddreg [dreg:$0x5];
	s7 =	sadd.s32 $0x0, s22  }
0x90: {  	[tilespmem:s28], [sflag:$0x3] =	stream.linear.gather [hbm4b:s7+s2], $0x50, $0x38;
	[tilespmem:$0x1DC80] =	vst v63  }
0x91: {  	s9 =	sadd.s32 $0x0, s23  }
0x92: {  	[tilespmem:s29], [sflag:$0x3] =	stream.linear.gather [hbm4b:s9+s2], $0x50, $0x38;
	[tilespmem:$0x1DC80] =	vst v63  }
0x93: {  	_ =	swait.ge [sflag:s10], $0x50  }
0x94: {  	[sflag:s10] =	ssyncset.done $0x0  }
0x95: {  	[sflag:s10] =	ssyncadd.s32 $0xFFFFFFB0  }
0x96: {  	_ =	swait.ge [sflag:s10], $0x50  }
0x97: {  	[sflag:s10] =	ssyncset.done $0x0  }
0x98: {  	[sflag:s10] =	ssyncadd.s32 $0xFFFFFFB0  }
0x99: {  	[tilespmem:s11], [sflag:$0x7] =	stream.indirect.gather [hbm4b:s6+s31], $0x80, s28, s31, $0xb8;
	[tilespmem:$0x1DC80] =	vst v63  }
0x9a: {  	_ =	swait.ge [sflag:s12], $0x2800  }
0x9b: {  	[sflag:s12] =	ssyncset.done $0x0  }
0x9c: {  	[sflag:s12] =	ssyncadd.s32 $0xFFFFD800  }
0x9d: {  	_ =	swait.ge [sflag:s18], $0x2800  }
0x9e: {  	[sflag:s18] =	ssyncset.done $0x0  }
0x9f: {  	s22 =	rddreg [dreg:$0x4];
	[sflag:s18] =	ssyncadd.s32 $0xFFFFD800  }
0xa0: {  	[spmem:s1] =	stream.indirect.scatter.add.f32 [tilespmem:s0], [sflag:$0x9], $0x80, s24, s31, $0xb8;
	[tilespmem:$0x1DC80] =	vst v63  }
0xa1: {  	s23 =	rddreg [dreg:$0x3];
	s7 =	sadd.s32 $0x0, s22  }
0xa2: {  	[tilespmem:s13], [sflag:$0x4] =	stream.linear.gather [hbm4b:s7+s2], $0x50, $0x38;
	[tilespmem:$0x1DC80] =	vst v63  }
0xa3: {  	s9 =	simm.s32 $0x28;
	s23 =	sadd.s32 $0x0, s23;
	s7 =	sadd.s32 $0x140, s21  }
.LBB2_2:
0xa4: {  	[tilespmem:s14], [sflag:$0x4] =	stream.linear.gather [hbm4b:s23+s2], $0x50, $0x38;
	[tilespmem:$0x1DC80] =	vst v63  }
0xa5: {  	_ =	swait.ge [sflag:s15], $0x50  }
0xa6: {  	[sflag:s15] =	ssyncset.done $0x0  }
0xa7: {  	[sflag:s15] =	ssyncadd.s32 $0xFFFFFFB0  }
0xa8: {  	_ =	swait.ge [sflag:s15], $0x50  }
0xa9: {  	[sflag:s15] =	ssyncset.done $0x0  }
0xaa: {  	[sflag:s15] =	ssyncadd.s32 $0xFFFFFFB0  }
0xab: {  	[tilespmem:s16], [sflag:$0x8] =	stream.indirect.gather [hbm4b:s6+s31], $0x80, s13, s31, $0xb8;
	[tilespmem:$0x1DC80] =	vst v63  }
0xac: {  	_ =	swait.ge [sflag:s17], $0x2800  }
0xad: {  	[sflag:s17] =	ssyncset.done $0x0  }
0xae: {  	[sflag:s17] =	ssyncadd.s32 $0xFFFFD800  }
0xaf: {  	_ =	swait.ge [sflag:s18], $0x2800  }
0xb0: {  	[sflag:s18] =	ssyncset.done $0x0  }
0xb1: {  	s22 =	sshrl.u32 s7, $0x3;
	[sflag:s18] =	ssyncadd.s32 $0xFFFFD800  }
0xb2: {  	[spmem:s1] =	stream.indirect.scatter.add.f32 [tilespmem:s8], [sflag:$0x9], $0x80, s26, s31, $0xb8;
	[tilespmem:$0x1DC80] =	vst v63  }
0xb3: {  	s21 =	sadd.s32 s4, s22  }
0xb4: {  	[tilespmem:s2], [sflag:$0x1] =	stream.linear.gather [hbm4b:s21+s2], $0x50, $0x38;
	[tilespmem:$0x1DC80] =	vst v63  }
0xb5: {  	s22 =	sadd.s32 s5, s22  }
0xb6: {  	[tilespmem:s24], [sflag:$0x1] =	stream.linear.gather [hbm4b:s22+s2], $0x50, $0x38;
	[tilespmem:$0x1DC80] =	vst v63  }
0xb7: {  	_ =	swait.ge [sflag:s30], $0x50  }
0xb8: {  	[sflag:s30] =	ssyncset.done $0x0  }
0xb9: {  	[sflag:s30] =	ssyncadd.s32 $0xFFFFFFB0  }
0xba: {  	_ =	swait.ge [sflag:s30], $0x50  }
0xbb: {  	[sflag:s30] =	ssyncset.done $0x0  }
0xbc: {  	[sflag:s30] =	ssyncadd.s32 $0xFFFFFFB0  }
0xbd: {  	[tilespmem:s0], [sflag:$0x5] =	stream.indirect.gather [hbm4b:s6+s31], $0x80, s2, s31, $0xb8;
	[tilespmem:$0x1DC80] =	vst v63  }
0xbe: {  	_ =	swait.ge [sflag:s19], $0x2800  }
0xbf: {  	[sflag:s19] =	ssyncset.done $0x0  }
0xc0: {  	[sflag:s19] =	ssyncadd.s32 $0xFFFFD800  }
0xc1: {  	_ =	swait.ge [sflag:s18], $0x2800  }
0xc2: {  	[sflag:s18] =	ssyncset.done $0x0  }
0xc3: {  	s23 =	smov.u32 s9;
	s21 =	rddreg [dreg:$0x8];
	[sflag:s18] =	ssyncadd.s32 $0xFFFFD800  }
0xc4: {  	[spmem:s1] =	stream.indirect.scatter.add.f32 [tilespmem:s11], [sflag:$0x9], $0x80, s29, s31, $0xb8;
	[tilespmem:$0x1DC80] =	vst v63  }
0xc5: {  	s22 =	rddreg [dreg:$0x7];
	s21 =	sadd.s32 s23, s21  }
0xc6: {  	[tilespmem:s25], [sflag:$0x2] =	stream.linear.gather [hbm4b:s21+s2], $0x50, $0x38;
	[tilespmem:$0x1DC80] =	vst v63  }
0xc7: {  	s22 =	sadd.s32 s23, s22  }
0xc8: {  	[tilespmem:s26], [sflag:$0x2] =	stream.linear.gather [hbm4b:s22+s2], $0x50, $0x38;
	[tilespmem:$0x1DC80] =	vst v63  }
0xc9: {  	_ =	swait.ge [sflag:s3], $0x50  }
0xca: {  	[sflag:s3] =	ssyncset.done $0x0  }
0xcb: {  	[sflag:s3] =	ssyncadd.s32 $0xFFFFFFB0  }
0xcc: {  	_ =	swait.ge [sflag:s3], $0x50  }
0xcd: {  	[sflag:s3] =	ssyncset.done $0x0  }
0xce: {  	[sflag:s3] =	ssyncadd.s32 $0xFFFFFFB0  }
0xcf: {  	[tilespmem:s8], [sflag:$0x6] =	stream.indirect.gather [hbm4b:s6+s31], $0x80, s25, s31, $0xb8;
	[tilespmem:$0x1DC80] =	vst v63  }
0xd0: {  	_ =	swait.ge [sflag:s20], $0x2800  }
0xd1: {  	[sflag:s20] =	ssyncset.done $0x0  }
0xd2: {  	[sflag:s20] =	ssyncadd.s32 $0xFFFFD800  }
0xd3: {  	_ =	swait.ge [sflag:s18], $0x2800  }
0xd4: {  	[sflag:s18] =	ssyncset.done $0x0  }
0xd5: {  	s21 =	rddreg [dreg:$0x6];
	[sflag:s18] =	ssyncadd.s32 $0xFFFFD800  }
0xd6: {  	[spmem:s1] =	stream.indirect.scatter.add.f32 [tilespmem:s16], [sflag:$0x9], $0x80, s14, s31, $0xb8;
	[tilespmem:$0x1DC80] =	vst v63  }
0xd7: {  	s22 =	rddreg [dreg:$0x5];
	s21 =	sadd.s32 s23, s21  }
0xd8: {  	[tilespmem:s28], [sflag:$0x3] =	stream.linear.gather [hbm4b:s21+s2], $0x50, $0x38;
	[tilespmem:$0x1DC80] =	vst v63  }
0xd9: {  	s22 =	sadd.s32 s23, s22  }
0xda: {  	[tilespmem:s29], [sflag:$0x3] =	stream.linear.gather [hbm4b:s22+s2], $0x50, $0x38;
	[tilespmem:$0x1DC80] =	vst v63  }
0xdb: {  	_ =	swait.ge [sflag:s10], $0x50  }
0xdc: {  	[sflag:s10] =	ssyncset.done $0x0  }
0xdd: {  	[sflag:s10] =	ssyncadd.s32 $0xFFFFFFB0  }
0xde: {  	_ =	swait.ge [sflag:s10], $0x50  }
0xdf: {  	[sflag:s10] =	ssyncset.done $0x0  }
0xe0: {  	[sflag:s10] =	ssyncadd.s32 $0xFFFFFFB0  }
0xe1: {  	[tilespmem:s11], [sflag:$0x7] =	stream.indirect.gather [hbm4b:s6+s31], $0x80, s28, s31, $0xb8;
	[tilespmem:$0x1DC80] =	vst v63  }
0xe2: {  	_ =	swait.ge [sflag:s12], $0x2800  }
0xe3: {  	[sflag:s12] =	ssyncset.done $0x0  }
0xe4: {  	[sflag:s12] =	ssyncadd.s32 $0xFFFFD800  }
0xe5: {  	p1 =	sne.s32 s9, $0x488;
	_ =	swait.ge [sflag:s18], $0x2800  }
.Ltmp0:
0xe6: {  	[sflag:s18] =	ssyncset.done $0x0;
	s21 =	rddreg [dreg:$0x4];
	(pc) =	sbr.rel @p1 .LBB2_2-.Ltmp0, $4  }
0xe7: {  	s9 =	sadd.s32 $0x28, s9;
	s22 =	rddreg [dreg:$0x3];
	[sflag:s18] =	ssyncadd.s32 $0xFFFFD800  }
0xe8: {  	[spmem:s1] =	stream.indirect.scatter.add.f32 [tilespmem:s0], [sflag:$0x9], $0x80, s24, s31, $0xb8;
	[tilespmem:$0x1DC80] =	vst v63  }
0xe9: {  	s7 =	sadd.s32 $0x140, s7;
	s21 =	sadd.s32 s23, s21;
	s23 =	sadd.s32 s23, s22  }
0xea: {  	[tilespmem:s13], [sflag:$0x4] =	stream.linear.gather [hbm4b:s21+s2], $0x50, $0x38;
	[tilespmem:$0x1DC80] =	vst v63  }
0xeb: {  	[tilespmem:s14], [sflag:$0x4] =	stream.linear.gather [hbm4b:s23+s2], $0x50, $0x38;
	[tilespmem:$0x1DC80] =	vst v63  }
0xec: {  	_ =	swait.ge [sflag:s15], $0x50  }
0xed: {  	[sflag:s15] =	ssyncset.done $0x0  }
0xee: {  	[sflag:s15] =	ssyncadd.s32 $0xFFFFFFB0  }
0xef: {  	_ =	swait.ge [sflag:s15], $0x50  }
0xf0: {  	[sflag:s15] =	ssyncset.done $0x0  }
0xf1: {  	[sflag:s15] =	ssyncadd.s32 $0xFFFFFFB0  }
0xf2: {  	[tilespmem:s16], [sflag:$0x8] =	stream.indirect.gather [hbm4b:s6+s31], $0x80, s13, s31, $0xb8;
	[tilespmem:$0x1DC80] =	vst v63  }
0xf3: {  	_ =	swait.ge [sflag:s17], $0x2800  }
0xf4: {  	[sflag:s17] =	ssyncset.done $0x0  }
0xf5: {  	[sflag:s17] =	ssyncadd.s32 $0xFFFFD800  }
0xf6: {  	_ =	swait.ge [sflag:s18], $0x2800  }
0xf7: {  	[sflag:s18] =	ssyncset.done $0x0  }
0xf8: {  	[sflag:s18] =	ssyncadd.s32 $0xFFFFD800  }
0xf9: {  	[spmem:s1] =	stream.indirect.scatter.add.f32 [tilespmem:s8], [sflag:$0x9], $0x80, s26, s31, $0xb8;
	[tilespmem:$0x1DC80] =	vst v63  }
0xfa: {  	s7 =	rddreg [dreg:$0x15]  }
0xfb: {  	[tilespmem:s2], [sflag:$0x1] =	stream.linear.gather [hbm4b:s7+s2], $0x50, $0x38;
	[tilespmem:$0x1DC80] =	vst v63  }
0xfc: {  	s22 =	rddreg [dreg:$0x16]  }
0xfd: {  	[tilespmem:s24], [sflag:$0x1] =	stream.linear.gather [hbm4b:s22+s2], $0x50, $0x38;
	[tilespmem:$0x1DC80] =	vst v63  }
0xfe: {  	_ =	swait.ge [sflag:s30], $0x50  }
0xff: {  	[sflag:s30] =	ssyncset.done $0x0  }
0x100: {  	[sflag:s30] =	ssyncadd.s32 $0xFFFFFFB0  }
0x101: {  	_ =	swait.ge [sflag:s30], $0x50  }
0x102: {  	[sflag:s30] =	ssyncset.done $0x0  }
0x103: {  	[sflag:s30] =	ssyncadd.s32 $0xFFFFFFB0  }
0x104: {  	[tilespmem:s0], [sflag:$0x5] =	stream.indirect.gather [hbm4b:s6+s31], $0x80, s2, s31, $0xb8;
	[tilespmem:$0x1DC80] =	vst v63  }
0x105: {  	_ =	swait.ge [sflag:s19], $0x2800  }
0x106: {  	[sflag:s19] =	ssyncset.done $0x0  }
0x107: {  	[sflag:s19] =	ssyncadd.s32 $0xFFFFD800  }
0x108: {  	_ =	swait.ge [sflag:s18], $0x2800  }
0x109: {  	[sflag:s18] =	ssyncset.done $0x0  }
0x10a: {  	[sflag:s18] =	ssyncadd.s32 $0xFFFFD800  }
0x10b: {  	[spmem:s1] =	stream.indirect.scatter.add.f32 [tilespmem:s11], [sflag:$0x9], $0x80, s29, s31, $0xb8;
	[tilespmem:$0x1DC80] =	vst v63  }
0x10c: {  	_ =	swait.ge [sflag:s20], $0x2800  }
0x10d: {  	[sflag:s20] =	ssyncset.done $0x0  }
0x10e: {  	[sflag:s20] =	ssyncadd.s32 $0xFFFFD800  }
0x10f: {  	_ =	swait.ge [sflag:s18], $0x2800  }
0x110: {  	[sflag:s18] =	ssyncset.done $0x0  }
0x111: {  	[sflag:s18] =	ssyncadd.s32 $0xFFFFD800  }
0x112: {  	[spmem:s1] =	stream.indirect.scatter.add.f32 [tilespmem:s16], [sflag:$0x9], $0x80, s14, s31, $0xb8;
	[tilespmem:$0x1DC80] =	vst v63  }
0x113: {  	_ =	swait.ge [sflag:s12], $0x2800  }
0x114: {  	[sflag:s12] =	ssyncset.done $0x0  }
0x115: {  	[sflag:s12] =	ssyncadd.s32 $0xFFFFD800  }
0x116: {  	_ =	swait.ge [sflag:s18], $0x2800  }
0x117: {  	[sflag:s18] =	ssyncset.done $0x0  }
0x118: {  	[sflag:s18] =	ssyncadd.s32 $0xFFFFD800  }
0x119: {  	[spmem:s1] =	stream.indirect.scatter.add.f32 [tilespmem:s0], [sflag:$0x9], $0x80, s24, s31, $0xb8;
	[tilespmem:$0x1DC80] =	vst v63  }
0x11a: {  	_ =	swait.ge [sflag:s18], $0x2800  }
0x11b: {  	[sflag:s18] =	ssyncset.done $0x0  }
0x11c: {  	[sflag:s18] =	ssyncadd.s32 $0xFFFFD800  }
0x11d: {  	[bflag:$0x0] =	sbarrier.arrive $0xFFFF  }
0x11e: {  	s23 =	rddreg [dreg:$0x14]  }
0x11f: {  	s9 =	rddreg [dreg:$0x1b]  }
0x120: {  	s21 =	rddreg [dreg:$0x1c]  }
0x121: {  	[hbm:s23], [sflag:s9] =	dma.local [spmem:s21], $0x2700  }
0x122: {  	s21 =	simm.s32 $0xA  }
0x123: {  	_ =	swait.ge [sflag:s21], $0x2700  }
0x124: {  	[sflag:s21] =	ssyncset.done $0x0;
	s7 =	rddreg [dreg:$0x17]  }
0x125: {  	s22 =	rddreg [dreg:$0x1d];
	[sflag:s21] =	ssyncadd.s32 $0xFFFFD900  }
0x126: {  	[hbm:s7], [sflag:s9] =	dma.local @!p0 [spmem:s22], $0x100  }
0x127: {  	s7 =	simm.s32 @!p0 $0xA  }
0x128: {  	_ =	swait.ge @!p0 [sflag:s7], $0x100  }
0x129: {  	s9 =	rddreg [dreg:$0x1a]  }
0x12a: {  	s23 =	rddreg [dreg:$0x18];
	s22 =	sadd.s32 $0x1, s9  }
0x12b: {  	p1 =	sne.s32 s22, s23  }
.Ltmp1:
0x12c: {  	_ = 	snop;
	(pc) =	sbr.rel @p1 .LBB2_1-.Ltmp1, $3  }
0x12d: {  	_ =	sdelay $0x1  }
0x12e: {  	[sflag:s7] =	ssyncset.done @!p0 $0x0  }
0x12f: {  	[sflag:s7] =	ssyncadd.s32 @!p0 $0xFFFFFF00  }
0x130: {  	_ =	sfence.sel $0x180000  }
0x131: {  	[bflag:$0x0] =	sbarrier.arrive $0xFFFF  }
0x132: {  	_ =	strace $0x9000004D  }
0x133: {  	[bflag:$0x2] =	sbarrier.arrive $0xFFFF  }
0x134: {  	s0 =	rddreg [dreg:$0x2]  }
0x135: {  	s0 =	sadd.s32 @!p0 $0x100000, s0  }
0x136: {  	[sflag:s0] =	ssyncadd.tile.s32 @!p0 $0x1;
	_ =	shalt  }
.Lfunc_end2:
_tile_overlayer_lowered:
.L_overlay_start_2:
0x137: {  	(tag) =	ssettag $0x2  }
0x138: {  	s0 =	rddreg [dreg:$0x0];
	s2 =	stileid.u32  }
0x139: {  	s1 =	rddreg [dreg:$0x1];
	p0 =	sne.s32 s2, $0x0  }
0x13a: {  	s3 =	rddreg [dreg:$0x2];
	[bflag:$0x3] =	sbarrier.arrive $0xFFFF;
	s2 =	simm.s32 @!p0 $0x1C0A  }
0x13b: {  	[timem:s3], [sflag:s2] =	dma.local @!p0 [hbm:s0], s1  }
0x13c: {  	s0 =	simm.s32 @!p0 $0xA  }
0x13d: {  	_ =	swait.ge @!p0 [sflag:s0], s1  }
0x13e: {  	s1 =	ssub.s32 @!p0 $0x0, s1;
	[sflag:s0] =	ssyncset.done @!p0 $0x0  }
0x13f: {  	[sflag:s0] =	ssyncadd.s32 @!p0 s1  }
0x140: {  	[bflag:$0x3] =	sbarrier.arrive $0xFFFF  }
0x141: {  	_ =	shalt  }

// kernel: kernel.18.cloned.1.call-start
scs
__scs_entry_jumppad:
0x0: {  	(pc) =	sbr.rel $0x88, $3  }
0x1: {  	(tag) =	ssettag $0x0;
	lr =	simm.s32 $0x1  }
0x2: {  	[smem:$0x3F8F] =	sst lr;
	_ =	strace $0xD0000000  }
0x3: {  	_ = 	snop  }
0x4: {  	_ = 	snop  }
0x5: {  	_ = 	snop  }
0x6: {  	_ = 	snop  }
0x7: {  	_ = 	snop  }
__scs_overlays_trampoline_lowered:
0x8: {  	[smem:$0x3F9E] =	sst s0  }
0x9: {  	[smem:$0x3F9F] =	sst s1  }
0xa: {  	[smem:$0x3FA0] =	sst s2  }
0xb: {  	[smem:$0x3FA1] =	sst s3  }
0xc: {  	[smem:$0x3FA2] =	sst s4  }
0xd: {  	[smem:$0x3FA3] =	sst s5  }
0xe: {  	[smem:$0x3FA4] =	sst s6  }
0xf: {  	[smem:$0x3FA5] =	sst s7  }
0x10: {  	[smem:$0x3FA6] =	sst s8  }
0x11: {  	[smem:$0x3FA7] =	sst s9;
	s0 =	simm.s32 @!p0 $0x0  }
0x12: {  	s1 =	sld [smem:$0x3F8D];
	s0 =	simm.s32 @p0 $0x1  }
0x13: {  	[smem:$0x3FA8] =	sst s0;
	s0 =	simm.s32 @!p1 $0x0  }
0x14: {  	s2 =	sld [smem:$0x3F8C];
	s0 =	simm.s32 @p1 $0x1  }
0x15: {  	[smem:$0x3FA9] =	sst s0;
	s0 =	simm.s32 @!p2 $0x0  }
0x16: {  	s3 =	sld [smem:$0x3FDB];
	s0 =	simm.s32 @p2 $0x1  }
0x17: {  	s4 =	simm.s32 $0x1BF5;
	[smem:$0x3FAB] =	sst s0  }
0x18: {  	s0 =	sld [smem:$0x3F8E];
	_ =	swait.ge [sflag:s4], $0x0  }
0x19: {  	s7 =	sld [smem:$0x3F8F]  }
0x1a: {  	s8 =	sadd.s32 $0xFFFFE003, lr  }
0x1b: {  	s9 =	sadd.s32 $0xFFFFFEF7, lr;
	s5 =	simm.s32 $0xFFFFFFFF;
	p2 =	slt.u32 s8, $0xFFFFF086  }
0x1c: {  	p1 =	slt.u32 s9, $0xF7A;
	s5 =	simm.s32 @!p2 $0x0  }
0x1d: {  	s5 =	simm.s32 @p1 $0x1;
	p0 =	seq.s32 s7, s2  }
0x1e: {  	s7 =	smul.u32 @!p0 $0xF7A, s2;
	p2 =	seq.s32 @!p0 s5, $0x0  }
0x1f: {  	s9 =	smul.u32 $0xF7A, s1;
	s8 =	simm.s32 @!p0 $0x1BF5;
	p2 =	por !p2, p0  }
0x20: {  	[sflag:s8] =	ssyncset.s32 @!p0 $0xFFFFF086;
	s6 =	sadd.s32 @!p0 s3, s7;
	s7 =	simm.s32 @!p0 $0x108  }
0x21: {  	s3 =	sadd.s32 s3, s9;
	s6 =	sadd.s32 @!p0 $0x88, s6;
	s7 =	simm.s32 @p2 $0x1082  }
0x22: {  	[simem:s7], [sflag:s8] =	dma.local @!p0 [hbm:s6], $0xF7A  }
0x23: {  	s9 =	sor.u32 $0xD0000000, s2;
	s6 =	simm.s32 $0x108;
	_ =	swait.ge @!p0 [sflag:s8], $0x0  }
0x24: {  	s3 =	sadd.s32 $0x88, s3;
	s6 =	simm.s32 @!p1 $0x1082;
	[sflag:s4] =	ssyncset.s32 $0xFFFFF086  }
0x25: {  	[simem:s6], [sflag:s4] =	dma.local [hbm:s3], $0xF7A  }
0x26: {  	[smem:$0x3F8F] =	sst s1;
	(tag) =	ssettag s2;
	_ =	strace s9  }
0x27: {  	s1 =	sld [smem:$0x3F9F]  }
0x28: {  	s2 =	sld [smem:$0x3FA0]  }
0x29: {  	s4 =	sld [smem:$0x3FA2]  }
0x2a: {  	p0 =	seq.s32 s5, $0x0;
	s5 =	sld [smem:$0x3FA3]  }
0x2b: {  	s6 =	sld [smem:$0x3FA4]  }
0x2c: {  	s7 =	sld [smem:$0x3FA5]  }
0x2d: {  	s3 =	simm.s32 $0x108;
	s8 =	sld [smem:$0x3FA6]  }
0x2e: {  	s3 =	simm.s32 @!p0 $0x1082;
	s9 =	sld [smem:$0x3FA7]  }
0x2f: {  	lr =	sadd.s32 s0, s3;
	s0 =	sld [smem:$0x3F9E]  }
0x30: {  	s3 =	sld [smem:$0x3FA1]  }
0x31: {  	[smem:$0x3FAA] =	sst s10  }
0x32: {  	s10 =	sld [smem:$0x3FA8];
	_ =	sdelay $0x3  }
0x33: {  	p0 =	seq.s32 s10, $0x1;
	s10 =	sld [smem:$0x3FAA];
	_ =	sdelay $0x3  }
0x34: {  	[smem:$0x3FAA] =	sst s10  }
0x35: {  	s10 =	sld [smem:$0x3FA9];
	_ =	sdelay $0x3  }
0x36: {  	p1 =	seq.s32 s10, $0x1;
	s10 =	sld [smem:$0x3FAA];
	_ =	sdelay $0x3  }
0x37: {  	[smem:$0x3FAA] =	sst s10  }
0x38: {  	s10 =	sld [smem:$0x3FAB]  }
0x39: {  	_ = 	snop;
	(pc) =	sbr.ind lr, $3  }
0x3a: {  	_ = 	snop  }
0x3b: {  	_ = 	snop  }
0x3c: {  	p2 =	seq.s32 s10, $0x1;
	s10 =	sld [smem:$0x3FAA]  }
0x3d: {  	_ =	shalt  }
0x3e: {  	_ =	shalt  }
0x3f: {  	_ =	shalt  }
0x40: {  	_ =	shalt  }
0x41: {  	_ =	shalt  }
0x42: {  	_ =	shalt  }
0x43: {  	_ =	shalt  }
0x44: {  	_ =	shalt  }
0x45: {  	_ =	shalt  }
0x46: {  	_ =	shalt  }
0x47: {  	_ =	shalt  }
0x48: {  	_ =	shalt  }
0x49: {  	_ =	shalt  }
0x4a: {  	_ =	shalt  }
0x4b: {  	_ =	shalt  }
0x4c: {  	_ =	shalt  }
0x4d: {  	_ =	shalt  }
0x4e: {  	_ =	shalt  }
0x4f: {  	_ =	shalt  }
0x50: {  	_ =	shalt  }
0x51: {  	_ =	shalt  }
0x52: {  	_ =	shalt  }
0x53: {  	_ =	shalt  }
0x54: {  	_ =	shalt  }
0x55: {  	_ =	shalt  }
0x56: {  	_ =	shalt  }
0x57: {  	_ =	shalt  }
0x58: {  	_ =	shalt  }
0x59: {  	_ =	shalt  }
0x5a: {  	_ =	shalt  }
0x5b: {  	_ =	shalt  }
0x5c: {  	_ =	shalt  }
0x5d: {  	_ =	shalt  }
0x5e: {  	_ =	shalt  }
0x5f: {  	_ =	shalt  }
0x60: {  	_ =	shalt  }
0x61: {  	_ =	shalt  }
0x62: {  	_ =	shalt  }
0x63: {  	_ =	shalt  }
0x64: {  	_ =	shalt  }
0x65: {  	_ =	shalt  }
0x66: {  	_ =	shalt  }
0x67: {  	_ =	shalt  }
0x68: {  	_ =	shalt  }
0x69: {  	_ =	shalt  }
0x6a: {  	_ =	shalt  }
0x6b: {  	_ =	shalt  }
0x6c: {  	_ =	shalt  }
0x6d: {  	_ =	shalt  }
0x6e: {  	_ =	shalt  }
0x6f: {  	_ =	shalt  }
0x70: {  	_ =	shalt  }
0x71: {  	_ =	shalt  }
0x72: {  	_ =	shalt  }
0x73: {  	_ =	shalt  }
0x74: {  	_ =	shalt  }
0x75: {  	_ =	shalt  }
0x76: {  	_ =	shalt  }
0x77: {  	_ =	shalt  }
0x78: {  	_ =	shalt  }
0x79: {  	_ =	shalt  }
0x7a: {  	_ =	shalt  }
0x7b: {  	_ =	shalt  }
0x7c: {  	_ =	shalt  }
0x7d: {  	_ =	shalt  }
0x7e: {  	_ =	shalt  }
0x7f: {  	_ =	shalt  }
0x80: {  	_ =	shalt  }
0x81: {  	_ =	shalt  }
0x82: {  	_ =	shalt  }
0x83: {  	_ =	shalt  }
0x84: {  	_ =	shalt  }
0x85: {  	_ =	shalt  }
0x86: {  	_ =	shalt  }
0x87: {  	_ =	shalt  }
.Lfunc_end0:
.L_simem_size_0:
called_computation.3_lowered:
.L_overlay_start_0:
0x88: {  	s2 =	sld [smem:$0x3FD9]  }
0x89: {  	s3 =	sld [smem:$0x3FFE];
	_ =	sdelay $0x1  }
0x8a: {  	s1 =	srdreg.scid  }
0x8b: {  	s0 =	sand.u32 $0x1, s1  }
0x8c: {  	s16 =	sshll.u32 s0, $0xA;
	s2 =	sadd.s32 s3, s2  }
0x8d: {  	s2 =	sadd.s32 s2, s16  }
0x8e: {  	[smem:$0x3FB6] =	sst s2  }
0x8f: {  	_ = 	snop  }
0x90: {  	(tm) =	ssettm $0x1  }
0x91: {  	s17 =	sld [smem:$0x3FFB];
	_ =	sdelay $0x3  }
0x92: {  	_ =	strace s17  }
0x93: {  	s2 =	sld [smem:$0x3FFC];
	_ =	sdelay $0x3  }
0x94: {  	_ =	strace s2  }
0x95: {  	s2 =	sld [smem:$0x3FFD];
	_ =	sdelay $0x3  }
0x96: {  	_ =	strace s2  }
0x97: {  	_ =	strace $0x8FFFFFFF  }
0x98: {  	s18 =	sld [smem:$0x3FDB];
	_ =	sdelay $0x1  }
0x99: {  	s19 =	simm.s32 $_scs_section_size  }
0x9a: {  	s4 =	simm.s32 $_size__tile_overlayer_lowered;
	s5 =	simm.s32 $_tile_overlayer_lowered  }
0x9b: {  	s22 =	simm.s32 $0x1BFF;
	s21 =	sshll.u32 s5, $0x1;
	s2 =	sadd.s32 s19, s18  }
0x9c: {  	s6 =	simm.s32 $0x0;
	s20 =	sshll.u32 s4, $0x1;
	s4 =	sadd.s32 s21, s2  }
0x9d: {  	[timem:s6], [sflag:s22] =	dma.local [hbm:s4], s20  }
0x9e: {  	_ =	swait.ge [sflag:s22], s20  }
0x9f: {  	s3 =	ssub.s32 $0x0, s20;
	[sflag:s22] =	ssyncset.done $0x0  }
0xa0: {  	[sflag:s22] =	ssyncadd.s32 s3;
	_ =	sdelay $0x1  }
0xa1: {  	s23 =	simm.s32 $0x1B8B  }
0xa2: {  	_ =	swait.ge [sflag:s23], $0x1  }
0xa3: {  	[sflag:s23] =	ssyncset.done $0x0  }
0xa4: {  	s25 =	simm.s32 $0x1B8E;
	s24 =	sld [smem:$0x3FFE];
	[sflag:s23] =	ssyncadd.s32 $0xFFFFFFFF  }
0xa5: {  	s26 =	simm.s32 $execute0_lowered;
	[smem:$0x3FD2] =	sst s25  }
0xa6: {  	s4 =	sshll.u32 s26, $0x1;
	_ =	strace $0x8000004F;
	[dreg:$0x1] =	wrdreg $0xFFFFFFFF  }
0xa7: {  	s28 =	simm.s32 $_size_execute0_lowered;
	s2 =	sadd.s32 s2, s4;
	[dreg:$0x0] =	wrdreg $0x0  }
0xa8: {  	s4 =	sshll.u32 s28, $0x1;
	[dreg:$0x2] =	wrdreg s2  }
0xa9: {  	[dreg:$0x3] =	wrdreg s4  }
0xaa: {  	[dreg:$0x4] =	wrdreg $0xC0  }
0xab: {  	_ =	task [dreg:s6], $0x5FFFF  }
0xac: {  	[dreg:$0x1] =	wrdreg $0xFFFFFFFF  }
0xad: {  	[dreg:$0x0] =	wrdreg $0x60  }
0xae: {  	[dreg:$0x2] =	wrdreg s24  }
0xaf: {  	[dreg:$0x3] =	wrdreg $0xA4000  }
0xb0: {  	[dreg:$0x4] =	wrdreg $0x9  }
0xb1: {  	_ =	task.clear_ibuf [dreg:s6], $0x5FFFF;
	_ =	strace $0x9000004F  }
0xb2: {  	s29 =	simm.s32 $0x9;
	_ =	strace $0x80000051  }
0xb3: {  	_ =	swait.ge [sflag:s29], $0x1  }
0xb4: {  	[sflag:s29] =	ssyncadd.s32 $0xFFFFFFFF  }
0xb5: {  	_ =	strace $0x90000051  }
0xb6: {  	_ =	sfence  }
0xb7: {  	s30 =	sld [smem:$0x0];
	_ =	sdelay $0x2  }
0xb8: {  	s31 =	sshll.u32 s1, $0xD;
	s1 =	sshrl.u32 s1, $0x2  }
0xb9: {  	s3 =	sand.u32 $0x4000, s31;
	s1 =	sadd.s32 s1, s30  }
0xba: {  	s0 =	sor.u32 s3, s0;
	s1 =	sshll.u32 s1, $0x11  }
0xbb: {  	s0 =	sor.u32 s1, s0  }
0xbc: {  	s0 =	sadd.s32 $0x8F2B, s0  }
0xbd: {  	[sflag:s0] =	ssyncadd.remote.s32 $0x1  }
0xbe: {  	_ =	sfence.sel $0xFFFF  }
0xbf: {  	[dreg:$0x0] =	wrdreg $0xFFFFFFFF;
	(pc) =	sbr.abs _section_cstart, $3  }
0xc0: {  	[dreg:$0x1] =	wrdreg $0xFFFFFFFF  }
0xc1: {  	_ =	task.clear_ibuf [dreg:s6], $0x2FFFF;
	_ =	strace $0x9FFFFFFF  }
0xc2: {  	(tm) =	ssettm $0x7FFFFFFF  }
0xc3: {  	_ =	shalt  }
tec
execute0_lowered:
.L_overlay_start_1:
0x0: {  	(tag) =	ssettag $0x1  }
0x1: {  	s0 =	rddreg [dreg:$0x0]  }
0x2: {  	s1 =	rddreg [dreg:$0x1]  }
0x3: {  	s2 =	srdreg.scid;
	s13 =	stileid.u32;
	s28 =	simm.s32 $0x100  }
0x4: {  	s29 =	simm.s32 $0x300;
	s30 =	simm.s32 $0x1;
	s31 =	simm.s32 $0x50  }
0x5: {  	s3 =	sand.u32 $0x1, s2;
	s2 =	simm.s32 $0x0;
	s10 =	smul.u32 $0x4E000, s13  }
0x6: {  	s6 =	sadd.s32 $0x19E00, s0;
	s9 =	sadd.s32 $0x17600, s0;
	s12 =	smul.u32 $0x2710, s13  }
0x7: {  	s24 =	sadd.s32 $0x138000, s1;
	s26 =	smul.u32 $0x13800, s13;
	p0 =	sne.s32 s13, $0x0  }
0x8: {  	s4 =	sshll.u32 s3, $0x4;
	[smem:$0x7FF] =	sst s2;
	s22 =	smul.u32 $0x27100, s3  }
0x9: {  	s8 =	ssub.s32 $0x2, s3;
	s3 =	smul.u32 $0x138800, s3;
	s5 =	sor.u32 s13, s4  }
0xa: {  	_ =	strace $0x80000050;
	s4 =	sadd.s32 $0xD800, s0;
	s7 =	smul.u32 $0x2710, s5  }
0xb: {  	[dreg:$0x9] =	wrdreg s9;
	s18 =	sshrl.u32 s8, $0x1;
	s10 =	sshrl.u32 s10, $0x2  }
0xc: {  	[dreg:$0x11] =	wrdreg s24;
	s10 =	sadd.s32 s10, s1;
	s7 =	sshrl.u32 s7, $0x3  }
0xd: {  	s5 =	sadd.s32 $0x3A00, s0;
	[dreg:$0x10] =	wrdreg s10;
	s19 =	sadd.s32 s4, s7  }
0xe: {  	s20 =	sadd.s32 s5, s7;
	s21 =	sadd.s32 $0xA, s7;
	[dreg:$0xa] =	wrdreg s19  }
0xf: {  	s13 =	simm.s32 $0x180;
	[dreg:$0xb] =	wrdreg s20;
	s11 =	sadd.s32 s4, s21  }
0x10: {  	s23 =	sadd.s32 $0x14, s7;
	s9 =	sadd.s32 s5, s21;
	[dreg:$0xc] =	wrdreg s11  }
0x11: {  	s25 =	sadd.s32 $0x1E, s7;
	s14 =	sadd.s32 s4, s23;
	[dreg:$0xd] =	wrdreg s9  }
0x12: {  	s0 =	sadd.s32 $0x41000, s0;
	s15 =	sadd.s32 s4, s25;
	[dreg:$0xe] =	wrdreg s14  }
0x13: {  	s7 =	sadd.s32 $0x4D8, s7;
	s10 =	sadd.s32 s5, s25;
	[dreg:$0x12] =	wrdreg s15  }
0x14: {  	s8 =	ssub.s32 s8, s18;
	s21 =	sadd.s32 s4, s7;
	[dreg:$0x13] =	wrdreg s10  }
0x15: {  	s7 =	sadd.s32 s5, s7;
	s25 =	smax.u32 s8, $0x1;
	[dreg:$0x15] =	wrdreg s21  }
0x16: {  	s8 =	simm.s32 $0x2C00;
	s11 =	sadd.s32 s5, s23;
	[dreg:$0x16] =	wrdreg s7  }
0x17: {  	s9 =	sadd.s32 s12, s22;
	[dreg:$0x18] =	wrdreg s25;
	s25 =	simm.s32 $0x80  }
0x18: {  	s21 =	simm.s32 $0xA;
	s14 =	simm.s32 $0x380;
	s15 =	simm.s32 $0x4  }
0x19: {  	[dreg:$0xf] =	wrdreg s11;
	s12 =	sadd.s32 $0x230, s9;
	s11 =	sadd.s32 s26, s3  }
0x1a: {  	s17 =	sadd.s32 $0x1E0, s9;
	s3 =	sshrl.u32 s3, $0x3;
	s20 =	sadd.s32 $0x190, s9  }
0x1b: {  	s26 =	sadd.s32 $0x140, s9;
	s16 =	sshrl.u32 s12, $0x3;
	s11 =	sshrl.u32 s11, $0x3  }
0x1c: {  	s18 =	sshrl.u32 s17, $0x3;
	[dreg:$0x19] =	wrdreg s26;
	s26 =	simm.s32 $0x280  }
0x1d: {  	s17 =	simm.s32 $0x6;
	s12 =	sadd.s32 s16, s5;
	s11 =	sadd.s32 s0, s11  }
0x1e: {  	s10 =	sadd.s32 s16, s4;
	s19 =	sadd.s32 s18, s5;
	[dreg:$0x3] =	wrdreg s12  }
0x1f: {  	s0 =	sadd.s32 s0, s3;
	s22 =	sadd.s32 s18, s4;
	[dreg:$0x14] =	wrdreg s11  }
0x20: {  	s3 =	sshrl.u32 s20, $0x3;
	s16 =	simm.s32 $0x7C00;
	[dreg:$0x4] =	wrdreg s10  }
0x21: {  	s18 =	simm.s32 $0x9;
	s20 =	simm.s32 $0x8;
	[dreg:$0x5] =	wrdreg s19  }
0x22: {  	[dreg:$0x6] =	wrdreg s22;
	s23 =	sadd.s32 s3, s5;
	s0 =	sadd.s32 $0x27000, s0  }
0x23: {  	s24 =	sadd.s32 s3, s4;
	s3 =	simm.s32 $0x2;
	s10 =	simm.s32 $0x3  }
0x24: {  	s11 =	simm.s32 $0x5400;
	s12 =	simm.s32 $0x5;
	[dreg:$0x17] =	wrdreg s0  }
0x25: {  	s19 =	simm.s32 $0x7;
	s22 =	simm.s32 $0x0;
	[dreg:$0x7] =	wrdreg s23  }
0x26: {  	[dreg:$0x8] =	wrdreg s24;
	s24 =	simm.s32 $0x200;
	s0 =	simm.s32 $0x400  }
.LBB2_1:
0x27: {  	[dreg:$0x1a] =	wrdreg s22  }
0x28: {  	s7 =	rddreg [dreg:$0xa]  }
0x29: {  	[tilespmem:s2], [sflag:$0x1] =	stream.linear.gather [hbm4b:s7+s2], $0x50, $0x38;
	[tilespmem:$0x1DC80] =	vst v63  }
0x2a: {  	s23 =	rddreg [dreg:$0xb]  }
0x2b: {  	[tilespmem:s24], [sflag:$0x1] =	stream.linear.gather [hbm4b:s23+s2], $0x50, $0x38;
	[tilespmem:$0x1DC80] =	vst v63  }
0x2c: {  	s9 =	rddreg [dreg:$0xc]  }
0x2d: {  	[tilespmem:s25], [sflag:$0x2] =	stream.linear.gather [hbm4b:s9+s2], $0x50, $0x38;
	[tilespmem:$0x1DC80] =	vst v63  }
0x2e: {  	s22 =	rddreg [dreg:$0xd]  }
0x2f: {  	[tilespmem:s26], [sflag:$0x2] =	stream.linear.gather [hbm4b:s22+s2], $0x50, $0x38;
	[tilespmem:$0x1DC80] =	vst v63  }
0x30: {  	s23 =	rddreg [dreg:$0xe]  }
0x31: {  	[tilespmem:s28], [sflag:$0x3] =	stream.linear.gather [hbm4b:s23+s2], $0x50, $0x38;
	[tilespmem:$0x1DC80] =	vst v63  }
0x32: {  	s9 =	rddreg [dreg:$0xf]  }
0x33: {  	[tilespmem:s29], [sflag:$0x3] =	stream.linear.gather [hbm4b:s9+s2], $0x50, $0x38;
	[tilespmem:$0x1DC80] =	vst v63  }
0x34: {  	_ =	swait.ge [sflag:s30], $0x50  }
0x35: {  	[sflag:s30] =	ssyncset.done $0x0  }
0x36: {  	[sflag:s30] =	ssyncadd.s32 $0xFFFFFFB0  }
0x37: {  	_ =	swait.ge [sflag:s30], $0x50  }
0x38: {  	[sflag:s30] =	ssyncset.done $0x0  }
0x39: {  	[sflag:s30] =	ssyncadd.s32 $0xFFFFFFB0  }
0x3a: {  	[tilespmem:s0], [sflag:$0x5] =	stream.indirect.gather [hbm4b:s6+s31], $0x80, s2, s31, $0xb8;
	[tilespmem:$0x1DC80] =	vst v63  }
0x3b: {  	_ =	swait.ge [sflag:s3], $0x50  }
0x3c: {  	[sflag:s3] =	ssyncset.done $0x0  }
0x3d: {  	s22 =	stileid.u32;
	[sflag:s3] =	ssyncadd.s32 $0xFFFFFFB0  }
0x3e: {  	s7 =	sshll.u32 s22, $0x6;
	_ =	swait.ge [sflag:s3], $0x50  }
0x3f: {  	s22 =	sor.u32 $0x1C0A, s7;
	[sflag:s3] =	ssyncset.done $0x0;
	s23 =	rddreg [dreg:$0x10]  }
0x40: {  	s7 =	rddreg [dreg:$0x9];
	[sflag:s3] =	ssyncadd.s32 $0xFFFFFFB0;
	s9 =	sshrl.u32 s23, $0x3  }
0x41: {  	[tilespmem:s8], [sflag:$0x6] =	stream.indirect.gather [hbm4b:s6+s31], $0x80, s25, s31, $0xb8;
	[tilespmem:$0x1DC80] =	vst v63  }
0x42: {  	[dreg:$0x1c] =	wrdreg s9  }
0x43: {  	[spmem:s9], [sflag:s22] =	dma.local [hbm:s7], $0x2700  }
0x44: {  	_ =	swait.ge [sflag:s21], $0x2700  }
0x45: {  	s9 =	rddreg [dreg:$0x11]  }
0x46: {  	[dreg:$0x1b] =	wrdreg s22;
	[sflag:s21] =	ssyncset.done $0x0;
	s9 =	sshrl.u32 @!p0 s9, $0x3  }
0x47: {  	[sflag:s21] =	ssyncadd.s32 $0xFFFFD900;
	[dreg:$0x1d] =	wrdreg s9  }
0x48: {  	[spmem:s9], [sflag:s22] =	dma.local @!p0 [hbm:s7], $0x100  }
0x49: {  	s7 =	simm.s32 @!p0 $0xA  }
0x4a: {  	_ =	swait.ge @!p0 [sflag:s7], $0x100  }
0x4b: {  	[sflag:s7] =	ssyncset.done @!p0 $0x0  }
0x4c: {  	[sflag:s7] =	ssyncadd.s32 @!p0 $0xFFFFFF00  }
0x4d: {  	[bflag:$0x0] =	sbarrier.arrive $0xFFFF  }
0x4e: {  	_ =	swait.ge [sflag:s10], $0x50  }
0x4f: {  	[sflag:s10] =	ssyncset.done $0x0  }
0x50: {  	[sflag:s10] =	ssyncadd.s32 $0xFFFFFFB0  }
0x51: {  	_ =	swait.ge [sflag:s10], $0x50  }
0x52: {  	[sflag:s10] =	ssyncset.done $0x0  }
0x53: {  	[sflag:s10] =	ssyncadd.s32 $0xFFFFFFB0  }
0x54: {  	[tilespmem:s11], [sflag:$0x7] =	stream.indirect.gather [hbm4b:s6+s31], $0x80, s28, s31, $0xb8;
	[tilespmem:$0x1DC80] =	vst v63  }
0x55: {  	_ =	swait.ge [sflag:s12], $0x2800  }
0x56: {  	[sflag:s12] =	ssyncset.done $0x0  }
0x57: {  	[sflag:s12] =	ssyncadd.s32 $0xFFFFD800  }
0x58: {  	[spmem:s1] =	stream.indirect.scatter.add.f32 [tilespmem:s0], [sflag:$0x9], $0x80, s24, s31, $0xb8;
	[tilespmem:$0x1DC80] =	vst v63  }
0x59: {  	s9 =	rddreg [dreg:$0x12]  }
0x5a: {  	[tilespmem:s13], [sflag:$0x4] =	stream.linear.gather [hbm4b:s9+s2], $0x50, $0x38;
	[tilespmem:$0x1DC80] =	vst v63  }
0x5b: {  	s21 =	rddreg [dreg:$0x13]  }
0x5c: {  	[tilespmem:s14], [sflag:$0x4] =	stream.linear.gather [hbm4b:s21+s2], $0x50, $0x38;
	[tilespmem:$0x1DC80] =	vst v63  }
0x5d: {  	_ =	swait.ge [sflag:s15], $0x50  }
0x5e: {  	[sflag:s15] =	ssyncset.done $0x0  }
0x5f: {  	[sflag:s15] =	ssyncadd.s32 $0xFFFFFFB0  }
0x60: {  	_ =	swait.ge [sflag:s15], $0x50  }
0x61: {  	[sflag:s15] =	ssyncset.done $0x0  }
0x62: {  	[sflag:s15] =	ssyncadd.s32 $0xFFFFFFB0  }
0x63: {  	[tilespmem:s16], [sflag:$0x8] =	stream.indirect.gather [hbm4b:s6+s31], $0x80, s13, s31, $0xb8;
	[tilespmem:$0x1DC80] =	vst v63  }
0x64: {  	_ =	swait.ge [sflag:s17], $0x2800  }
0x65: {  	[sflag:s17] =	ssyncset.done $0x0  }
0x66: {  	[sflag:s17] =	ssyncadd.s32 $0xFFFFD800  }
0x67: {  	_ =	swait.ge [sflag:s18], $0x2800  }
0x68: {  	[sflag:s18] =	ssyncset.done $0x0;
	s21 =	rddreg [dreg:$0x19]  }
0x69: {  	[sflag:s18] =	ssyncadd.s32 $0xFFFFD800;
	s22 =	sshrl.u32 s21, $0x3  }
0x6a: {  	[spmem:s1] =	stream.indirect.scatter.add.f32 [tilespmem:s8], [sflag:$0x9], $0x80, s26, s31, $0xb8;
	[tilespmem:$0x1DC80] =	vst v63  }
0x6b: {  	s23 =	sadd.s32 s4, s22  }
0x6c: {  	[tilespmem:s2], [sflag:$0x1] =	stream.linear.gather [hbm4b:s23+s2], $0x50, $0x38;
	[tilespmem:$0x1DC80] =	vst v63  }
0x6d: {  	s7 =	sadd.s32 s5, s22  }
0x6e: {  	[tilespmem:s24], [sflag:$0x1] =	stream.linear.gather [hbm4b:s7+s2], $0x50, $0x38;
	[tilespmem:$0x1DC80] =	vst v63  }
0x6f: {  	_ =	swait.ge [sflag:s30], $0x50  }
0x70: {  	[sflag:s30] =	ssyncset.done $0x0  }
0x71: {  	[sflag:s30] =	ssyncadd.s32 $0xFFFFFFB0  }
0x72: {  	_ =	swait.ge [sflag:s30], $0x50  }
0x73: {  	[sflag:s30] =	ssyncset.done $0x0  }
0x74: {  	[sflag:s30] =	ssyncadd.s32 $0xFFFFFFB0  }
0x75: {  	[tilespmem:s0], [sflag:$0x5] =	stream.indirect.gather [hbm4b:s6+s31], $0x80, s2, s31, $0xb8;
	[tilespmem:$0x1DC80] =	vst v63  }
0x76: {  	_ =	swait.ge [sflag:s19], $0x2800  }
0x77: {  	[sflag:s19] =	ssyncset.done $0x0  }
0x78: {  	[sflag:s19] =	ssyncadd.s32 $0xFFFFD800  }
0x79: {  	_ =	swait.ge [sflag:s18], $0x2800  }
0x7a: {  	[sflag:s18] =	ssyncset.done $0x0  }
0x7b: {  	s22 =	rddreg [dreg:$0x8];
	[sflag:s18] =	ssyncadd.s32 $0xFFFFD800  }
0x7c: {  	[spmem:s1] =	stream.indirect.scatter.add.f32 [tilespmem:s11], [sflag:$0x9], $0x80, s29, s31, $0xb8;
	[tilespmem:$0x1DC80] =	vst v63  }
0x7d: {  	s23 =	rddreg [dreg:$0x7];
	s7 =	sadd.s32 $0x0, s22  }
0x7e: {  	[tilespmem:s25], [sflag:$0x2] =	stream.linear.gather [hbm4b:s7+s2], $0x50, $0x38;
	[tilespmem:$0x1DC80] =	vst v63  }
0x7f: {  	s9 =	sadd.s32 $0x0, s23  }
0x80: {  	[tilespmem:s26], [sflag:$0x2] =	stream.linear.gather [hbm4b:s9+s2], $0x50, $0x38;
	[tilespmem:$0x1DC80] =	vst v63  }
0x81: {  	_ =	swait.ge [sflag:s3], $0x50  }
0x82: {  	[sflag:s3] =	ssyncset.done $0x0  }
0x83: {  	[sflag:s3] =	ssyncadd.s32 $0xFFFFFFB0  }
0x84: {  	_ =	swait.ge [sflag:s3], $0x50  }
0x85: {  	[sflag:s3] =	ssyncset.done $0x0  }
0x86: {  	[sflag:s3] =	ssyncadd.s32 $0xFFFFFFB0  }
0x87: {  	[tilespmem:s8], [sflag:$0x6] =	stream.indirect.gather [hbm4b:s6+s31], $0x80, s25, s31, $0xb8;
	[tilespmem:$0x1DC80] =	vst v63  }
0x88: {  	_ =	swait.ge [sflag:s20], $0x2800  }
0x89: {  	[sflag:s20] =	ssyncset.done $0x0  }
0x8a: {  	[sflag:s20] =	ssyncadd.s32 $0xFFFFD800  }
0x8b: {  	_ =	swait.ge [sflag:s18], $0x2800  }
0x8c: {  	[sflag:s18] =	ssyncset.done $0x0  }
0x8d: {  	s22 =	rddreg [dreg:$0x6];
	[sflag:s18] =	ssyncadd.s32 $0xFFFFD800  }
0x8e: {  	[spmem:s1] =	stream.indirect.scatter.add.f32 [tilespmem:s16], [sflag:$0x9], $0x80, s14, s31, $0xb8;
	[tilespmem:$0x1DC80] =	vst v63  }
0x8f: {  	s23 =	rddreg [dreg:$0x5];
	s7 =	sadd.s32 $0x0, s22  }
0x90: {  	[tilespmem:s28], [sflag:$0x3] =	stream.linear.gather [hbm4b:s7+s2], $0x50, $0x38;
	[tilespmem:$0x1DC80] =	vst v63  }
0x91: {  	s9 =	sadd.s32 $0x0, s23  }
0x92: {  	[tilespmem:s29], [sflag:$0x3] =	stream.linear.gather [hbm4b:s9+s2], $0x50, $0x38;
	[tilespmem:$0x1DC80] =	vst v63  }
0x93: {  	_ =	swait.ge [sflag:s10], $0x50  }
0x94: {  	[sflag:s10] =	ssyncset.done $0x0  }
0x95: {  	[sflag:s10] =	ssyncadd.s32 $0xFFFFFFB0  }
0x96: {  	_ =	swait.ge [sflag:s10], $0x50  }
0x97: {  	[sflag:s10] =	ssyncset.done $0x0  }
0x98: {  	[sflag:s10] =	ssyncadd.s32 $0xFFFFFFB0  }
0x99: {  	[tilespmem:s11], [sflag:$0x7] =	stream.indirect.gather [hbm4b:s6+s31], $0x80, s28, s31, $0xb8;
	[tilespmem:$0x1DC80] =	vst v63  }
0x9a: {  	_ =	swait.ge [sflag:s12], $0x2800  }
0x9b: {  	[sflag:s12] =	ssyncset.done $0x0  }
0x9c: {  	[sflag:s12] =	ssyncadd.s32 $0xFFFFD800  }
0x9d: {  	_ =	swait.ge [sflag:s18], $0x2800  }
0x9e: {  	[sflag:s18] =	ssyncset.done $0x0  }
0x9f: {  	s22 =	rddreg [dreg:$0x4];
	[sflag:s18] =	ssyncadd.s32 $0xFFFFD800  }
0xa0: {  	[spmem:s1] =	stream.indirect.scatter.add.f32 [tilespmem:s0], [sflag:$0x9], $0x80, s24, s31, $0xb8;
	[tilespmem:$0x1DC80] =	vst v63  }
0xa1: {  	s23 =	rddreg [dreg:$0x3];
	s7 =	sadd.s32 $0x0, s22  }
0xa2: {  	[tilespmem:s13], [sflag:$0x4] =	stream.linear.gather [hbm4b:s7+s2], $0x50, $0x38;
	[tilespmem:$0x1DC80] =	vst v63  }
0xa3: {  	s9 =	simm.s32 $0x28;
	s23 =	sadd.s32 $0x0, s23;
	s7 =	sadd.s32 $0x140, s21  }
.LBB2_2:
0xa4: {  	[tilespmem:s14], [sflag:$0x4] =	stream.linear.gather [hbm4b:s23+s2], $0x50, $0x38;
	[tilespmem:$0x1DC80] =	vst v63  }
0xa5: {  	_ =	swait.ge [sflag:s15], $0x50  }
0xa6: {  	[sflag:s15] =	ssyncset.done $0x0  }
0xa7: {  	[sflag:s15] =	ssyncadd.s32 $0xFFFFFFB0  }
0xa8: {  	_ =	swait.ge [sflag:s15], $0x50  }
0xa9: {  	[sflag:s15] =	ssyncset.done $0x0  }
0xaa: {  	[sflag:s15] =	ssyncadd.s32 $0xFFFFFFB0  }
0xab: {  	[tilespmem:s16], [sflag:$0x8] =	stream.indirect.gather [hbm4b:s6+s31], $0x80, s13, s31, $0xb8;
	[tilespmem:$0x1DC80] =	vst v63  }
0xac: {  	_ =	swait.ge [sflag:s17], $0x2800  }
0xad: {  	[sflag:s17] =	ssyncset.done $0x0  }
0xae: {  	[sflag:s17] =	ssyncadd.s32 $0xFFFFD800  }
0xaf: {  	_ =	swait.ge [sflag:s18], $0x2800  }
0xb0: {  	[sflag:s18] =	ssyncset.done $0x0  }
0xb1: {  	s22 =	sshrl.u32 s7, $0x3;
	[sflag:s18] =	ssyncadd.s32 $0xFFFFD800  }
0xb2: {  	[spmem:s1] =	stream.indirect.scatter.add.f32 [tilespmem:s8], [sflag:$0x9], $0x80, s26, s31, $0xb8;
	[tilespmem:$0x1DC80] =	vst v63  }
0xb3: {  	s21 =	sadd.s32 s4, s22  }
0xb4: {  	[tilespmem:s2], [sflag:$0x1] =	stream.linear.gather [hbm4b:s21+s2], $0x50, $0x38;
	[tilespmem:$0x1DC80] =	vst v63  }
0xb5: {  	s22 =	sadd.s32 s5, s22  }
0xb6: {  	[tilespmem:s24], [sflag:$0x1] =	stream.linear.gather [hbm4b:s22+s2], $0x50, $0x38;
	[tilespmem:$0x1DC80] =	vst v63  }
0xb7: {  	_ =	swait.ge [sflag:s30], $0x50  }
0xb8: {  	[sflag:s30] =	ssyncset.done $0x0  }
0xb9: {  	[sflag:s30] =	ssyncadd.s32 $0xFFFFFFB0  }
0xba: {  	_ =	swait.ge [sflag:s30], $0x50  }
0xbb: {  	[sflag:s30] =	ssyncset.done $0x0  }
0xbc: {  	[sflag:s30] =	ssyncadd.s32 $0xFFFFFFB0  }
0xbd: {  	[tilespmem:s0], [sflag:$0x5] =	stream.indirect.gather [hbm4b:s6+s31], $0x80, s2, s31, $0xb8;
	[tilespmem:$0x1DC80] =	vst v63  }
0xbe: {  	_ =	swait.ge [sflag:s19], $0x2800  }
0xbf: {  	[sflag:s19] =	ssyncset.done $0x0  }
0xc0: {  	[sflag:s19] =	ssyncadd.s32 $0xFFFFD800  }
0xc1: {  	_ =	swait.ge [sflag:s18], $0x2800  }
0xc2: {  	[sflag:s18] =	ssyncset.done $0x0  }
0xc3: {  	s23 =	smov.u32 s9;
	s21 =	rddreg [dreg:$0x8];
	[sflag:s18] =	ssyncadd.s32 $0xFFFFD800  }
0xc4: {  	[spmem:s1] =	stream.indirect.scatter.add.f32 [tilespmem:s11], [sflag:$0x9], $0x80, s29, s31, $0xb8;
	[tilespmem:$0x1DC80] =	vst v63  }
0xc5: {  	s22 =	rddreg [dreg:$0x7];
	s21 =	sadd.s32 s23, s21  }
0xc6: {  	[tilespmem:s25], [sflag:$0x2] =	stream.linear.gather [hbm4b:s21+s2], $0x50, $0x38;
	[tilespmem:$0x1DC80] =	vst v63  }
0xc7: {  	s22 =	sadd.s32 s23, s22  }
0xc8: {  	[tilespmem:s26], [sflag:$0x2] =	stream.linear.gather [hbm4b:s22+s2], $0x50, $0x38;
	[tilespmem:$0x1DC80] =	vst v63  }
0xc9: {  	_ =	swait.ge [sflag:s3], $0x50  }
0xca: {  	[sflag:s3] =	ssyncset.done $0x0  }
0xcb: {  	[sflag:s3] =	ssyncadd.s32 $0xFFFFFFB0  }
0xcc: {  	_ =	swait.ge [sflag:s3], $0x50  }
0xcd: {  	[sflag:s3] =	ssyncset.done $0x0  }
0xce: {  	[sflag:s3] =	ssyncadd.s32 $0xFFFFFFB0  }
0xcf: {  	[tilespmem:s8], [sflag:$0x6] =	stream.indirect.gather [hbm4b:s6+s31], $0x80, s25, s31, $0xb8;
	[tilespmem:$0x1DC80] =	vst v63  }
0xd0: {  	_ =	swait.ge [sflag:s20], $0x2800  }
0xd1: {  	[sflag:s20] =	ssyncset.done $0x0  }
0xd2: {  	[sflag:s20] =	ssyncadd.s32 $0xFFFFD800  }
0xd3: {  	_ =	swait.ge [sflag:s18], $0x2800  }
0xd4: {  	[sflag:s18] =	ssyncset.done $0x0  }
0xd5: {  	s21 =	rddreg [dreg:$0x6];
	[sflag:s18] =	ssyncadd.s32 $0xFFFFD800  }
0xd6: {  	[spmem:s1] =	stream.indirect.scatter.add.f32 [tilespmem:s16], [sflag:$0x9], $0x80, s14, s31, $0xb8;
	[tilespmem:$0x1DC80] =	vst v63  }
0xd7: {  	s22 =	rddreg [dreg:$0x5];
	s21 =	sadd.s32 s23, s21  }
0xd8: {  	[tilespmem:s28], [sflag:$0x3] =	stream.linear.gather [hbm4b:s21+s2], $0x50, $0x38;
	[tilespmem:$0x1DC80] =	vst v63  }
0xd9: {  	s22 =	sadd.s32 s23, s22  }
0xda: {  	[tilespmem:s29], [sflag:$0x3] =	stream.linear.gather [hbm4b:s22+s2], $0x50, $0x38;
	[tilespmem:$0x1DC80] =	vst v63  }
0xdb: {  	_ =	swait.ge [sflag:s10], $0x50  }
0xdc: {  	[sflag:s10] =	ssyncset.done $0x0  }
0xdd: {  	[sflag:s10] =	ssyncadd.s32 $0xFFFFFFB0  }
0xde: {  	_ =	swait.ge [sflag:s10], $0x50  }
0xdf: {  	[sflag:s10] =	ssyncset.done $0x0  }
0xe0: {  	[sflag:s10] =	ssyncadd.s32 $0xFFFFFFB0  }
0xe1: {  	[tilespmem:s11], [sflag:$0x7] =	stream.indirect.gather [hbm4b:s6+s31], $0x80, s28, s31, $0xb8;
	[tilespmem:$0x1DC80] =	vst v63  }
0xe2: {  	_ =	swait.ge [sflag:s12], $0x2800  }
0xe3: {  	[sflag:s12] =	ssyncset.done $0x0  }
0xe4: {  	[sflag:s12] =	ssyncadd.s32 $0xFFFFD800  }
0xe5: {  	p1 =	sne.s32 s9, $0x488;
	_ =	swait.ge [sflag:s18], $0x2800  }
.Ltmp0:
0xe6: {  	[sflag:s18] =	ssyncset.done $0x0;
	s21 =	rddreg [dreg:$0x4];
	(pc) =	sbr.rel @p1 .LBB2_2-.Ltmp0, $4  }
0xe7: {  	s9 =	sadd.s32 $0x28, s9;
	s22 =	rddreg [dreg:$0x3];
	[sflag:s18] =	ssyncadd.s32 $0xFFFFD800  }
0xe8: {  	[spmem:s1] =	stream.indirect.scatter.add.f32 [tilespmem:s0], [sflag:$0x9], $0x80, s24, s31, $0xb8;
	[tilespmem:$0x1DC80] =	vst v63  }
0xe9: {  	s7 =	sadd.s32 $0x140, s7;
	s21 =	sadd.s32 s23, s21;
	s23 =	sadd.s32 s23, s22  }
0xea: {  	[tilespmem:s13], [sflag:$0x4] =	stream.linear.gather [hbm4b:s21+s2], $0x50, $0x38;
	[tilespmem:$0x1DC80] =	vst v63  }
0xeb: {  	[tilespmem:s14], [sflag:$0x4] =	stream.linear.gather [hbm4b:s23+s2], $0x50, $0x38;
	[tilespmem:$0x1DC80] =	vst v63  }
0xec: {  	_ =	swait.ge [sflag:s15], $0x50  }
0xed: {  	[sflag:s15] =	ssyncset.done $0x0  }
0xee: {  	[sflag:s15] =	ssyncadd.s32 $0xFFFFFFB0  }
0xef: {  	_ =	swait.ge [sflag:s15], $0x50  }
0xf0: {  	[sflag:s15] =	ssyncset.done $0x0  }
0xf1: {  	[sflag:s15] =	ssyncadd.s32 $0xFFFFFFB0  }
0xf2: {  	[tilespmem:s16], [sflag:$0x8] =	stream.indirect.gather [hbm4b:s6+s31], $0x80, s13, s31, $0xb8;
	[tilespmem:$0x1DC80] =	vst v63  }
0xf3: {  	_ =	swait.ge [sflag:s17], $0x2800  }
0xf4: {  	[sflag:s17] =	ssyncset.done $0x0  }
0xf5: {  	[sflag:s17] =	ssyncadd.s32 $0xFFFFD800  }
0xf6: {  	_ =	swait.ge [sflag:s18], $0x2800  }
0xf7: {  	[sflag:s18] =	ssyncset.done $0x0  }
0xf8: {  	[sflag:s18] =	ssyncadd.s32 $0xFFFFD800  }
0xf9: {  	[spmem:s1] =	stream.indirect.scatter.add.f32 [tilespmem:s8], [sflag:$0x9], $0x80, s26, s31, $0xb8;
	[tilespmem:$0x1DC80] =	vst v63  }
0xfa: {  	s7 =	rddreg [dreg:$0x15]  }
0xfb: {  	[tilespmem:s2], [sflag:$0x1] =	stream.linear.gather [hbm4b:s7+s2], $0x50, $0x38;
	[tilespmem:$0x1DC80] =	vst v63  }
0xfc: {  	s22 =	rddreg [dreg:$0x16]  }
0xfd: {  	[tilespmem:s24], [sflag:$0x1] =	stream.linear.gather [hbm4b:s22+s2], $0x50, $0x38;
	[tilespmem:$0x1DC80] =	vst v63  }
0xfe: {  	_ =	swait.ge [sflag:s30], $0x50  }
0xff: {  	[sflag:s30] =	ssyncset.done $0x0  }
0x100: {  	[sflag:s30] =	ssyncadd.s32 $0xFFFFFFB0  }
0x101: {  	_ =	swait.ge [sflag:s30], $0x50  }
0x102: {  	[sflag:s30] =	ssyncset.done $0x0  }
0x103: {  	[sflag:s30] =	ssyncadd.s32 $0xFFFFFFB0  }
0x104: {  	[tilespmem:s0], [sflag:$0x5] =	stream.indirect.gather [hbm4b:s6+s31], $0x80, s2, s31, $0xb8;
	[tilespmem:$0x1DC80] =	vst v63  }
0x105: {  	_ =	swait.ge [sflag:s19], $0x2800  }
0x106: {  	[sflag:s19] =	ssyncset.done $0x0  }
0x107: {  	[sflag:s19] =	ssyncadd.s32 $0xFFFFD800  }
0x108: {  	_ =	swait.ge [sflag:s18], $0x2800  }
0x109: {  	[sflag:s18] =	ssyncset.done $0x0  }
0x10a: {  	[sflag:s18] =	ssyncadd.s32 $0xFFFFD800  }
0x10b: {  	[spmem:s1] =	stream.indirect.scatter.add.f32 [tilespmem:s11], [sflag:$0x9], $0x80, s29, s31, $0xb8;
	[tilespmem:$0x1DC80] =	vst v63  }
0x10c: {  	_ =	swait.ge [sflag:s20], $0x2800  }
0x10d: {  	[sflag:s20] =	ssyncset.done $0x0  }
0x10e: {  	[sflag:s20] =	ssyncadd.s32 $0xFFFFD800  }
0x10f: {  	_ =	swait.ge [sflag:s18], $0x2800  }
0x110: {  	[sflag:s18] =	ssyncset.done $0x0  }
0x111: {  	[sflag:s18] =	ssyncadd.s32 $0xFFFFD800  }
0x112: {  	[spmem:s1] =	stream.indirect.scatter.add.f32 [tilespmem:s16], [sflag:$0x9], $0x80, s14, s31, $0xb8;
	[tilespmem:$0x1DC80] =	vst v63  }
0x113: {  	_ =	swait.ge [sflag:s12], $0x2800  }
0x114: {  	[sflag:s12] =	ssyncset.done $0x0  }
0x115: {  	[sflag:s12] =	ssyncadd.s32 $0xFFFFD800  }
0x116: {  	_ =	swait.ge [sflag:s18], $0x2800  }
0x117: {  	[sflag:s18] =	ssyncset.done $0x0  }
0x118: {  	[sflag:s18] =	ssyncadd.s32 $0xFFFFD800  }
0x119: {  	[spmem:s1] =	stream.indirect.scatter.add.f32 [tilespmem:s0], [sflag:$0x9], $0x80, s24, s31, $0xb8;
	[tilespmem:$0x1DC80] =	vst v63  }
0x11a: {  	_ =	swait.ge [sflag:s18], $0x2800  }
0x11b: {  	[sflag:s18] =	ssyncset.done $0x0  }
0x11c: {  	[sflag:s18] =	ssyncadd.s32 $0xFFFFD800  }
0x11d: {  	[bflag:$0x0] =	sbarrier.arrive $0xFFFF  }
0x11e: {  	s23 =	rddreg [dreg:$0x14]  }
0x11f: {  	s9 =	rddreg [dreg:$0x1b]  }
0x120: {  	s21 =	rddreg [dreg:$0x1c]  }
0x121: {  	[hbm:s23], [sflag:s9] =	dma.local [spmem:s21], $0x2700  }
0x122: {  	s21 =	simm.s32 $0xA  }
0x123: {  	_ =	swait.ge [sflag:s21], $0x2700  }
0x124: {  	[sflag:s21] =	ssyncset.done $0x0;
	s7 =	rddreg [dreg:$0x17]  }
0x125: {  	s22 =	rddreg [dreg:$0x1d];
	[sflag:s21] =	ssyncadd.s32 $0xFFFFD900  }
0x126: {  	[hbm:s7], [sflag:s9] =	dma.local @!p0 [spmem:s22], $0x100  }
0x127: {  	s7 =	simm.s32 @!p0 $0xA  }
0x128: {  	_ =	swait.ge @!p0 [sflag:s7], $0x100  }
0x129: {  	s9 =	rddreg [dreg:$0x1a]  }
0x12a: {  	s23 =	rddreg [dreg:$0x18];
	s22 =	sadd.s32 $0x1, s9  }
0x12b: {  	p1 =	sne.s32 s22, s23  }
.Ltmp1:
0x12c: {  	_ = 	snop;
	(pc) =	sbr.rel @p1 .LBB2_1-.Ltmp1, $3  }
0x12d: {  	_ =	sdelay $0x1  }
0x12e: {  	[sflag:s7] =	ssyncset.done @!p0 $0x0  }
0x12f: {  	[sflag:s7] =	ssyncadd.s32 @!p0 $0xFFFFFF00  }
0x130: {  	_ =	sfence.sel $0x180000  }
0x131: {  	[bflag:$0x0] =	sbarrier.arrive $0xFFFF  }
0x132: {  	_ =	strace $0x90000050  }
0x133: {  	[bflag:$0x2] =	sbarrier.arrive $0xFFFF  }
0x134: {  	s0 =	rddreg [dreg:$0x2]  }
0x135: {  	s0 =	sadd.s32 @!p0 $0x100000, s0  }
0x136: {  	[sflag:s0] =	ssyncadd.tile.s32 @!p0 $0x1;
	_ =	shalt  }
.Lfunc_end2:
_tile_overlayer_lowered:
.L_overlay_start_2:
0x137: {  	(tag) =	ssettag $0x2  }
0x138: {  	s0 =	rddreg [dreg:$0x0];
	s2 =	stileid.u32  }
0x139: {  	s1 =	rddreg [dreg:$0x1];
	p0 =	sne.s32 s2, $0x0  }
0x13a: {  	s3 =	rddreg [dreg:$0x2];
	[bflag:$0x3] =	sbarrier.arrive $0xFFFF;
	s2 =	simm.s32 @!p0 $0x1C0A  }
0x13b: {  	[timem:s3], [sflag:s2] =	dma.local @!p0 [hbm:s0], s1  }
0x13c: {  	s0 =	simm.s32 @!p0 $0xA  }
0x13d: {  	_ =	swait.ge @!p0 [sflag:s0], s1  }
0x13e: {  	s1 =	ssub.s32 @!p0 $0x0, s1;
	[sflag:s0] =	ssyncset.done @!p0 $0x0  }
0x13f: {  	[sflag:s0] =	ssyncadd.s32 @!p0 s1  }
0x140: {  	[bflag:$0x3] =	sbarrier.arrive $0xFFFF  }
0x141: {  	_ =	shalt  }

// kernel: kernel.9.cloned.1.call-start
scs
__scs_entry_jumppad:
0x0: {  	(pc) =	sbr.rel $0x88, $3  }
0x1: {  	(tag) =	ssettag $0x0;
	lr =	simm.s32 $0x1  }
0x2: {  	[smem:$0x3F8F] =	sst lr;
	_ =	strace $0xD0000000  }
0x3: {  	_ = 	snop  }
0x4: {  	_ = 	snop  }
0x5: {  	_ = 	snop  }
0x6: {  	_ = 	snop  }
0x7: {  	_ = 	snop  }
__scs_overlays_trampoline_lowered:
0x8: {  	[smem:$0x3F9E] =	sst s0  }
0x9: {  	[smem:$0x3F9F] =	sst s1  }
0xa: {  	[smem:$0x3FA0] =	sst s2  }
0xb: {  	[smem:$0x3FA1] =	sst s3  }
0xc: {  	[smem:$0x3FA2] =	sst s4  }
0xd: {  	[smem:$0x3FA3] =	sst s5  }
0xe: {  	[smem:$0x3FA4] =	sst s6  }
0xf: {  	[smem:$0x3FA5] =	sst s7  }
0x10: {  	[smem:$0x3FA6] =	sst s8  }
0x11: {  	[smem:$0x3FA7] =	sst s9;
	s0 =	simm.s32 @!p0 $0x0  }
0x12: {  	s1 =	sld [smem:$0x3F8D];
	s0 =	simm.s32 @p0 $0x1  }
0x13: {  	[smem:$0x3FA8] =	sst s0;
	s0 =	simm.s32 @!p1 $0x0  }
0x14: {  	s2 =	sld [smem:$0x3F8C];
	s0 =	simm.s32 @p1 $0x1  }
0x15: {  	[smem:$0x3FA9] =	sst s0;
	s0 =	simm.s32 @!p2 $0x0  }
0x16: {  	s3 =	sld [smem:$0x3FDB];
	s0 =	simm.s32 @p2 $0x1  }
0x17: {  	s4 =	simm.s32 $0x1BF5;
	[smem:$0x3FAB] =	sst s0  }
0x18: {  	s0 =	sld [smem:$0x3F8E];
	_ =	swait.ge [sflag:s4], $0x0  }
0x19: {  	s7 =	sld [smem:$0x3F8F]  }
0x1a: {  	s8 =	sadd.s32 $0xFFFFE003, lr  }
0x1b: {  	s9 =	sadd.s32 $0xFFFFFEF7, lr;
	s5 =	simm.s32 $0xFFFFFFFF;
	p2 =	slt.u32 s8, $0xFFFFF086  }
0x1c: {  	p1 =	slt.u32 s9, $0xF7A;
	s5 =	simm.s32 @!p2 $0x0  }
0x1d: {  	s5 =	simm.s32 @p1 $0x1;
	p0 =	seq.s32 s7, s2  }
0x1e: {  	s7 =	smul.u32 @!p0 $0xF7A, s2;
	p2 =	seq.s32 @!p0 s5, $0x0  }
0x1f: {  	s9 =	smul.u32 $0xF7A, s1;
	s8 =	simm.s32 @!p0 $0x1BF5;
	p2 =	por !p2, p0  }
0x20: {  	[sflag:s8] =	ssyncset.s32 @!p0 $0xFFFFF086;
	s6 =	sadd.s32 @!p0 s3, s7;
	s7 =	simm.s32 @!p0 $0x108  }
0x21: {  	s3 =	sadd.s32 s3, s9;
	s6 =	sadd.s32 @!p0 $0x88, s6;
	s7 =	simm.s32 @p2 $0x1082  }
0x22: {  	[simem:s7], [sflag:s8] =	dma.local @!p0 [hbm:s6], $0xF7A  }
0x23: {  	s9 =	sor.u32 $0xD0000000, s2;
	s6 =	simm.s32 $0x108;
	_ =	swait.ge @!p0 [sflag:s8], $0x0  }
0x24: {  	s3 =	sadd.s32 $0x88, s3;
	s6 =	simm.s32 @!p1 $0x1082;
	[sflag:s4] =	ssyncset.s32 $0xFFFFF086  }
0x25: {  	[simem:s6], [sflag:s4] =	dma.local [hbm:s3], $0xF7A  }
0x26: {  	[smem:$0x3F8F] =	sst s1;
	(tag) =	ssettag s2;
	_ =	strace s9  }
0x27: {  	s1 =	sld [smem:$0x3F9F]  }
0x28: {  	s2 =	sld [smem:$0x3FA0]  }
0x29: {  	s4 =	sld [smem:$0x3FA2]  }
0x2a: {  	p0 =	seq.s32 s5, $0x0;
	s5 =	sld [smem:$0x3FA3]  }
0x2b: {  	s6 =	sld [smem:$0x3FA4]  }
0x2c: {  	s7 =	sld [smem:$0x3FA5]  }
0x2d: {  	s3 =	simm.s32 $0x108;
	s8 =	sld [smem:$0x3FA6]  }
0x2e: {  	s3 =	simm.s32 @!p0 $0x1082;
	s9 =	sld [smem:$0x3FA7]  }
0x2f: {  	lr =	sadd.s32 s0, s3;
	s0 =	sld [smem:$0x3F9E]  }
0x30: {  	s3 =	sld [smem:$0x3FA1]  }
0x31: {  	[smem:$0x3FAA] =	sst s10  }
0x32: {  	s10 =	sld [smem:$0x3FA8];
	_ =	sdelay $0x3  }
0x33: {  	p0 =	seq.s32 s10, $0x1;
	s10 =	sld [smem:$0x3FAA];
	_ =	sdelay $0x3  }
0x34: {  	[smem:$0x3FAA] =	sst s10  }
0x35: {  	s10 =	sld [smem:$0x3FA9];
	_ =	sdelay $0x3  }
0x36: {  	p1 =	seq.s32 s10, $0x1;
	s10 =	sld [smem:$0x3FAA];
	_ =	sdelay $0x3  }
0x37: {  	[smem:$0x3FAA] =	sst s10  }
0x38: {  	s10 =	sld [smem:$0x3FAB]  }
0x39: {  	_ = 	snop;
	(pc) =	sbr.ind lr, $3  }
0x3a: {  	_ = 	snop  }
0x3b: {  	_ = 	snop  }
0x3c: {  	p2 =	seq.s32 s10, $0x1;
	s10 =	sld [smem:$0x3FAA]  }
0x3d: {  	_ =	shalt  }
0x3e: {  	_ =	shalt  }
0x3f: {  	_ =	shalt  }
0x40: {  	_ =	shalt  }
0x41: {  	_ =	shalt  }
0x42: {  	_ =	shalt  }
0x43: {  	_ =	shalt  }
0x44: {  	_ =	shalt  }
0x45: {  	_ =	shalt  }
0x46: {  	_ =	shalt  }
0x47: {  	_ =	shalt  }
0x48: {  	_ =	shalt  }
0x49: {  	_ =	shalt  }
0x4a: {  	_ =	shalt  }
0x4b: {  	_ =	shalt  }
0x4c: {  	_ =	shalt  }
0x4d: {  	_ =	shalt  }
0x4e: {  	_ =	shalt  }
0x4f: {  	_ =	shalt  }
0x50: {  	_ =	shalt  }
0x51: {  	_ =	shalt  }
0x52: {  	_ =	shalt  }
0x53: {  	_ =	shalt  }
0x54: {  	_ =	shalt  }
0x55: {  	_ =	shalt  }
0x56: {  	_ =	shalt  }
0x57: {  	_ =	shalt  }
0x58: {  	_ =	shalt  }
0x59: {  	_ =	shalt  }
0x5a: {  	_ =	shalt  }
0x5b: {  	_ =	shalt  }
0x5c: {  	_ =	shalt  }
0x5d: {  	_ =	shalt  }
0x5e: {  	_ =	shalt  }
0x5f: {  	_ =	shalt  }
0x60: {  	_ =	shalt  }
0x61: {  	_ =	shalt  }
0x62: {  	_ =	shalt  }
0x63: {  	_ =	shalt  }
0x64: {  	_ =	shalt  }
0x65: {  	_ =	shalt  }
0x66: {  	_ =	shalt  }
0x67: {  	_ =	shalt  }
0x68: {  	_ =	shalt  }
0x69: {  	_ =	shalt  }
0x6a: {  	_ =	shalt  }
0x6b: {  	_ =	shalt  }
0x6c: {  	_ =	shalt  }
0x6d: {  	_ =	shalt  }
0x6e: {  	_ =	shalt  }
0x6f: {  	_ =	shalt  }
0x70: {  	_ =	shalt  }
0x71: {  	_ =	shalt  }
0x72: {  	_ =	shalt  }
0x73: {  	_ =	shalt  }
0x74: {  	_ =	shalt  }
0x75: {  	_ =	shalt  }
0x76: {  	_ =	shalt  }
0x77: {  	_ =	shalt  }
0x78: {  	_ =	shalt  }
0x79: {  	_ =	shalt  }
0x7a: {  	_ =	shalt  }
0x7b: {  	_ =	shalt  }
0x7c: {  	_ =	shalt  }
0x7d: {  	_ =	shalt  }
0x7e: {  	_ =	shalt  }
0x7f: {  	_ =	shalt  }
0x80: {  	_ =	shalt  }
0x81: {  	_ =	shalt  }
0x82: {  	_ =	shalt  }
0x83: {  	_ =	shalt  }
0x84: {  	_ =	shalt  }
0x85: {  	_ =	shalt  }
0x86: {  	_ =	shalt  }
0x87: {  	_ =	shalt  }
.Lfunc_end0:
.L_simem_size_0:
called_computation_lowered:
.L_overlay_start_0:
0x88: {  	s2 =	sld [smem:$0x3FD9]  }
0x89: {  	s3 =	sld [smem:$0x3FFE];
	_ =	sdelay $0x1  }
0x8a: {  	s1 =	srdreg.scid  }
0x8b: {  	s0 =	sand.u32 $0x1, s1  }
0x8c: {  	s17 =	sshll.u32 s0, $0xA;
	s2 =	sadd.s32 s3, s2  }
0x8d: {  	s2 =	sadd.s32 s2, s17  }
0x8e: {  	[smem:$0x3FB6] =	sst s2  }
0x8f: {  	_ = 	snop  }
0x90: {  	(tm) =	ssettm $0x1  }
0x91: {  	s18 =	sld [smem:$0x3FFB];
	_ =	sdelay $0x3  }
0x92: {  	_ =	strace s18  }
0x93: {  	s2 =	sld [smem:$0x3FFC];
	_ =	sdelay $0x3  }
0x94: {  	_ =	strace s2  }
0x95: {  	s2 =	sld [smem:$0x3FFD];
	_ =	sdelay $0x3  }
0x96: {  	_ =	strace s2  }
0x97: {  	_ =	strace $0x8FFFFFFF  }
0x98: {  	s19 =	sld [smem:$0x3FDB];
	_ =	sdelay $0x1  }
0x99: {  	s20 =	simm.s32 $_scs_section_size  }
0x9a: {  	s4 =	simm.s32 $_size__tile_overlayer_lowered;
	s5 =	simm.s32 $_tile_overlayer_lowered  }
0x9b: {  	s6 =	simm.s32 $0x1BFF;
	s21 =	sshll.u32 s5, $0x1;
	s3 =	sadd.s32 s20, s19  }
0x9c: {  	s22 =	simm.s32 $0x0;
	s4 =	sshll.u32 s4, $0x1;
	s5 =	sadd.s32 s21, s3  }
0x9d: {  	[timem:s22], [sflag:s6] =	dma.local [hbm:s5], s4  }
0x9e: {  	_ =	swait.ge [sflag:s6], s4  }
0x9f: {  	s4 =	ssub.s32 $0x0, s4;
	[sflag:s6] =	ssyncset.done $0x0  }
0xa0: {  	[sflag:s6] =	ssyncadd.s32 s4;
	_ =	sdelay $0x1  }
0xa1: {  	s23 =	simm.s32 $0x1B8B  }
0xa2: {  	_ =	swait.ge [sflag:s23], $0x1  }
0xa3: {  	[sflag:s23] =	ssyncset.done $0x0  }
0xa4: {  	[sflag:s23] =	ssyncadd.s32 $0xFFFFFFFF  }
0xa5: {  	s4 =	sld [smem:$0x0]  }
0xa6: {  	s5 =	sand.u32 $0xFFFFFFFE, s1  }
0xa7: {  	p0 =	sne.s32 s1, s5  }
0xa8: {  	s5 =	sshll.u32 @p0 s5, $0xE  }
0xa9: {  	s5 =	sadd.s32 @p0 $0x11B8D, s5;
	s6 =	sshll.u32 @p0 s4, $0x11  }
0xaa: {  	s5 =	sor.u32 @p0 s6, s5  }
0xab: {  	[sflag:s5] =	ssyncadd.remote.s32 @p0 $0x1;
	_ =	sdelay $0x1  }
0xac: {  	s5 =	simm.s32 @p0 $0x1B8D  }
0xad: {  	_ =	swait.eq @p0 [sflag:s5], $0x1  }
0xae: {  	[sflag:s5] =	ssyncadd.s32 @p0 $0xFFFFFFFF  }
0xaf: {  	s6 =	sshll.u32 @!p0 s1, $0xE  }
0xb0: {  	s6 =	sor.u32 @!p0 $0x4000, s6;
	s5 =	simm.s32 @!p0 $0x1B8D  }
0xb1: {  	s4 =	sshll.u32 @!p0 s4, $0x11;
	s6 =	sadd.s32 @!p0 $0x11B8D, s6;
	_ =	swait.eq @!p0 [sflag:s5], $0x1  }
0xb2: {  	s4 =	sor.u32 @!p0 s4, s6;
	[sflag:s5] =	ssyncadd.s32 @!p0 $0xFFFFFFFF  }
0xb3: {  	s25 =	simm.s32 $0x1B8E;
	s24 =	sld [smem:$0x3FFE];
	[sflag:s4] =	ssyncadd.remote.s32 @!p0 $0x1  }
0xb4: {  	s26 =	simm.s32 $execute0_lowered;
	[smem:$0x3FD2] =	sst s25  }
0xb5: {  	s5 =	sshll.u32 s26, $0x1;
	_ =	strace $0x80000049;
	[dreg:$0x1] =	wrdreg $0xFFFFFFFF  }
0xb6: {  	s28 =	simm.s32 $_size_execute0_lowered;
	s3 =	sadd.s32 s3, s5;
	[dreg:$0x0] =	wrdreg $0x0  }
0xb7: {  	s5 =	sshll.u32 s28, $0x1;
	[dreg:$0x2] =	wrdreg s3  }
0xb8: {  	[dreg:$0x3] =	wrdreg s5  }
0xb9: {  	[dreg:$0x4] =	wrdreg $0xC0  }
0xba: {  	_ =	task [dreg:s22], $0x5FFFF  }
0xbb: {  	[dreg:$0x1] =	wrdreg $0xFFFFFFFF  }
0xbc: {  	[dreg:$0x0] =	wrdreg $0x60  }
0xbd: {  	[dreg:$0x2] =	wrdreg s24  }
0xbe: {  	[dreg:$0x3] =	wrdreg $0x2A000  }
0xbf: {  	[dreg:$0x4] =	wrdreg $0x9  }
0xc0: {  	_ =	task.clear_ibuf [dreg:s22], $0x5FFFF;
	_ =	strace $0x90000049  }
0xc1: {  	s29 =	simm.s32 $0x9;
	_ =	strace $0x8000004B  }
0xc2: {  	_ =	swait.ge [sflag:s29], $0x1  }
0xc3: {  	[sflag:s29] =	ssyncadd.s32 $0xFFFFFFFF  }
0xc4: {  	_ =	strace $0x9000004B  }
0xc5: {  	_ =	sfence  }
0xc6: {  	s30 =	sld [smem:$0x0];
	_ =	sdelay $0x2  }
0xc7: {  	s31 =	sshll.u32 s1, $0xD;
	s1 =	sshrl.u32 s1, $0x2  }
0xc8: {  	s4 =	sand.u32 $0x4000, s31;
	s1 =	sadd.s32 s1, s30  }
0xc9: {  	s0 =	sor.u32 s4, s0;
	s1 =	sshll.u32 s1, $0x11  }
0xca: {  	s0 =	sor.u32 s1, s0  }
0xcb: {  	s0 =	sadd.s32 $0x8F2B, s0  }
0xcc: {  	[sflag:s0] =	ssyncadd.remote.s32 $0x1  }
0xcd: {  	_ =	sfence.sel $0xFFFF  }
0xce: {  	[dreg:$0x0] =	wrdreg $0xFFFFFFFF;
	(pc) =	sbr.abs _section_cstart, $3  }
0xcf: {  	[dreg:$0x1] =	wrdreg $0xFFFFFFFF  }
0xd0: {  	_ =	task.clear_ibuf [dreg:s22], $0x2FFFF;
	_ =	strace $0x9FFFFFFF  }
0xd1: {  	(tm) =	ssettm $0x7FFFFFFF  }
tec
execute0_lowered:
.L_overlay_start_1:
0x0: {  	(tag) =	ssettag $0x1  }
0x1: {  	s0 =	rddreg [dreg:$0x0]  }
0x2: {  	s1 =	rddreg [dreg:$0x1];
	s3 =	srdreg.scid  }
0x3: {  	s2 =	simm.s32 $0x0;
	s7 =	stileid.u32;
	s28 =	simm.s32 $0x2  }
0x4: {  	s29 =	simm.s32 $0x180;
	s30 =	simm.s32 $0x3;
	s31 =	simm.s32 $0x5  }
0x5: {  	s4 =	sand.u32 $0x1, s3;
	[smem:$0x7FF] =	sst s2;
	s10 =	smul.u32 $0x4E000, s7  }
0x6: {  	s3 =	sadd.s32 $0x3A00, s0;
	s6 =	sadd.s32 $0x68000, s0;
	s15 =	smul.u32 $0x13800, s7  }
0x7: {  	s16 =	sadd.s32 $0x138000, s1;
	s19 =	smul.u32 $0x2710, s7;
	p0 =	sne.s32 s7, $0x0  }
0x8: {  	s26 =	sshll.u32 s7, $0x6;
	s5 =	sshll.u32 s4, $0x4;
	_ =	strace $0x8000004A  }
0x9: {  	[dreg:$0x3] =	wrdreg s6;
	s11 =	ssub.s32 $0x2, s4;
	s14 =	smul.u32 $0x138800, s4  }
0xa: {  	[dreg:$0x6] =	wrdreg s16;
	s4 =	smul.u32 $0x27100, s4;
	s5 =	sor.u32 s7, s5  }
0xb: {  	s9 =	sshrl.u32 s11, $0x1;
	s13 =	sshrl.u32 s10, $0x2;
	s7 =	simm.s32 $0x7  }
0xc: {  	s8 =	smul.u32 $0x2710, s5;
	s5 =	sadd.s32 $0x17600, s0;
	s0 =	sadd.s32 $0x68600, s0  }
0xd: {  	s9 =	ssub.s32 s11, s9;
	s10 =	sshrl.u32 s14, $0x3;
	s4 =	sadd.s32 s19, s4  }
0xe: {  	s20 =	smax.u32 s9, $0x1;
	s21 =	sadd.s32 $0x230, s4;
	s22 =	sadd.s32 $0x1E0, s4  }
0xf: {  	s23 =	sadd.s32 $0x190, s4;
	s19 =	sadd.s32 $0x140, s4;
	s4 =	simm.s32 $0x6  }
0x10: {  	s9 =	simm.s32 $0x0;
	s12 =	sshrl.u32 s8, $0x3;
	s8 =	sadd.s32 s13, s1  }
0x11: {  	[dreg:$0xc] =	wrdreg s20;
	s24 =	sshrl.u32 s22, $0x3;
	s25 =	sshrl.u32 s23, $0x3  }
0x12: {  	s20 =	simm.s32 $0x200;
	s22 =	simm.s32 $0x80;
	s6 =	sadd.s32 s3, s12  }
0x13: {  	s23 =	sor.u32 $0x1C09, s26;
	[dreg:$0x5] =	wrdreg s8;
	s11 =	sadd.s32 $0xA, s6  }
0x14: {  	s26 =	simm.s32 $0x100;
	s17 =	sadd.s32 $0x14, s6;
	[dreg:$0x4] =	wrdreg s11  }
0x15: {  	s8 =	sadd.s32 s15, s14;
	s18 =	sadd.s32 $0x1E, s6;
	[dreg:$0x7] =	wrdreg s17  }
0x16: {  	s12 =	sadd.s32 $0x4D8, s6;
	s8 =	sshrl.u32 s8, $0x3;
	[dreg:$0x8] =	wrdreg s18  }
0x17: {  	[dreg:$0x9] =	wrdreg s12;
	s8 =	sadd.s32 s0, s8;
	s0 =	sadd.s32 s0, s10  }
0x18: {  	s17 =	sadd.s32 s24, s3;
	s18 =	sadd.s32 s25, s3;
	s24 =	simm.s32 $0x1  }
0x19: {  	s25 =	simm.s32 $0x50;
	[dreg:$0xa] =	wrdreg s8;
	s0 =	sadd.s32 $0x27000, s0  }
0x1a: {  	s8 =	simm.s32 $0x8;
	[dreg:$0xb] =	wrdreg s0;
	s0 =	sshrl.u32 s21, $0x3  }
0x1b: {  	s21 =	simm.s32 $0x9;
	s16 =	sadd.s32 s0, s3;
	s0 =	simm.s32 $0x4  }
.LBB2_1:
0x1c: {  	s10 =	rddreg [dreg:$0x3]  }
0x1d: {  	[tilespmem:s20], [sflag:$0x9] =	stream.linear.gather [hbm4b:s10+s2], $0x2800, $0x38;
	[tilespmem:$0x16280] =	vst v63  }
0x1e: {  	_ =	swait.ge [sflag:s21], $0x2800  }
0x1f: {  	[sflag:s21] =	ssyncset.done $0x0  }
0x20: {  	s13 =	rddreg [dreg:$0x5];
	[sflag:s21] =	ssyncadd.s32 $0xFFFFD800  }
0x21: {  	[tilespmem:s2], [sflag:$0x1] =	stream.linear.gather [hbm4b:s6+s2], $0x50, $0x38;
	[tilespmem:$0x16280] =	vst v63  }
0x22: {  	s12 =	rddreg [dreg:$0x4];
	s10 =	sshrl.u32 s13, $0x3  }
0x23: {  	[tilespmem:s22], [sflag:$0x2] =	stream.linear.gather [hbm4b:s12+s2], $0x50, $0x38;
	[tilespmem:$0x16280] =	vst v63  }
0x24: {  	[spmem:s10], [sflag:s23] =	dma.local [hbm:s5], $0x2700  }
0x25: {  	_ =	swait.ge [sflag:s21], $0x2700  }
0x26: {  	[sflag:s21] =	ssyncset.done $0x0;
	s11 =	rddreg [dreg:$0x6]  }
0x27: {  	s12 =	simm.s32 @!p0 $0x9;
	[sflag:s21] =	ssyncadd.s32 $0xFFFFD900;
	s11 =	sshrl.u32 @!p0 s11, $0x3  }
0x28: {  	[spmem:s11], [sflag:s23] =	dma.local @!p0 [hbm:s5], $0x100  }
0x29: {  	_ =	swait.ge @!p0 [sflag:s12], $0x100  }
0x2a: {  	[sflag:s12] =	ssyncset.done @!p0 $0x0  }
0x2b: {  	[sflag:s12] =	ssyncadd.s32 @!p0 $0xFFFFFF00  }
0x2c: {  	[bflag:$0x0] =	sbarrier.arrive $0xFFFF  }
0x2d: {  	_ =	swait.ge [sflag:s24], $0x50  }
0x2e: {  	[sflag:s24] =	ssyncset.done $0x0  }
0x2f: {  	[sflag:s24] =	ssyncadd.s32 $0xFFFFFFB0  }
0x30: {  	[spmem:s1] =	stream.indirect.scatter.add.f32 [tilespmem:s20], [sflag:$0x5], $0x80, s2, s25, $0xb8;
	[tilespmem:$0x16280] =	vst v63  }
0x31: {  	s14 =	rddreg [dreg:$0x7]  }
0x32: {  	[tilespmem:s26], [sflag:$0x3] =	stream.linear.gather [hbm4b:s14+s2], $0x50, $0x38;
	[tilespmem:$0x16280] =	vst v63  }
0x33: {  	_ =	swait.ge [sflag:s28], $0x50  }
0x34: {  	[sflag:s28] =	ssyncset.done $0x0  }
0x35: {  	[sflag:s28] =	ssyncadd.s32 $0xFFFFFFB0  }
0x36: {  	[spmem:s1] =	stream.indirect.scatter.add.f32 [tilespmem:s20], [sflag:$0x6], $0x80, s22, s25, $0xb8;
	[tilespmem:$0x16280] =	vst v63  }
0x37: {  	s15 =	rddreg [dreg:$0x8]  }
0x38: {  	[tilespmem:s29], [sflag:$0x4] =	stream.linear.gather [hbm4b:s15+s2], $0x50, $0x38;
	[tilespmem:$0x16280] =	vst v63  }
0x39: {  	_ =	swait.ge [sflag:s30], $0x50  }
0x3a: {  	[sflag:s30] =	ssyncset.done $0x0  }
0x3b: {  	[sflag:s30] =	ssyncadd.s32 $0xFFFFFFB0  }
0x3c: {  	_ =	swait.ge [sflag:s31], $0x2800  }
0x3d: {  	[sflag:s31] =	ssyncset.done $0x0  }
0x3e: {  	s13 =	sshrl.u32 s19, $0x3;
	[sflag:s31] =	ssyncadd.s32 $0xFFFFD800  }
0x3f: {  	[spmem:s1] =	stream.indirect.scatter.add.f32 [tilespmem:s20], [sflag:$0x7], $0x80, s26, s25, $0xb8;
	[tilespmem:$0x16280] =	vst v63  }
0x40: {  	s12 =	sadd.s32 s3, s13  }
0x41: {  	[tilespmem:s2], [sflag:$0x1] =	stream.linear.gather [hbm4b:s12+s2], $0x50, $0x38;
	[tilespmem:$0x16280] =	vst v63  }
0x42: {  	_ =	swait.ge [sflag:s0], $0x50  }
0x43: {  	[sflag:s0] =	ssyncset.done $0x0  }
0x44: {  	[sflag:s0] =	ssyncadd.s32 $0xFFFFFFB0  }
0x45: {  	_ =	swait.ge [sflag:s4], $0x2800  }
0x46: {  	[sflag:s4] =	ssyncset.done $0x0  }
0x47: {  	[sflag:s4] =	ssyncadd.s32 $0xFFFFD800  }
0x48: {  	[spmem:s1] =	stream.indirect.scatter.add.f32 [tilespmem:s20], [sflag:$0x8], $0x80, s29, s25, $0xb8;
	[tilespmem:$0x16280] =	vst v63  }
0x49: {  	s14 =	sadd.s32 $0x0, s18  }
0x4a: {  	[tilespmem:s22], [sflag:$0x2] =	stream.linear.gather [hbm4b:s14+s2], $0x50, $0x38;
	[tilespmem:$0x16280] =	vst v63  }
0x4b: {  	_ =	swait.ge [sflag:s24], $0x50  }
0x4c: {  	[sflag:s24] =	ssyncset.done $0x0  }
0x4d: {  	[sflag:s24] =	ssyncadd.s32 $0xFFFFFFB0  }
0x4e: {  	_ =	swait.ge [sflag:s7], $0x2800  }
0x4f: {  	[sflag:s7] =	ssyncset.done $0x0  }
0x50: {  	[sflag:s7] =	ssyncadd.s32 $0xFFFFD800  }
0x51: {  	[spmem:s1] =	stream.indirect.scatter.add.f32 [tilespmem:s20], [sflag:$0x5], $0x80, s2, s25, $0xb8;
	[tilespmem:$0x16280] =	vst v63  }
0x52: {  	s15 =	sadd.s32 $0x0, s17  }
0x53: {  	[tilespmem:s26], [sflag:$0x3] =	stream.linear.gather [hbm4b:s15+s2], $0x50, $0x38;
	[tilespmem:$0x16280] =	vst v63  }
0x54: {  	_ =	swait.ge [sflag:s28], $0x50  }
0x55: {  	[sflag:s28] =	ssyncset.done $0x0  }
0x56: {  	[sflag:s28] =	ssyncadd.s32 $0xFFFFFFB0  }
0x57: {  	_ =	swait.ge [sflag:s8], $0x2800  }
0x58: {  	s13 =	sadd.s32 $0x140, s19;
	[sflag:s8] =	ssyncset.done $0x0  }
0x59: {  	s12 =	simm.s32 $0x28;
	s14 =	sadd.s32 $0x0, s16;
	[sflag:s8] =	ssyncadd.s32 $0xFFFFD800  }
0x5a: {  	[spmem:s1] =	stream.indirect.scatter.add.f32 [tilespmem:s20], [sflag:$0x6], $0x80, s22, s25, $0xb8;
	[tilespmem:$0x16280] =	vst v63  }
.LBB2_2:
0x5b: {  	[tilespmem:s29], [sflag:$0x4] =	stream.linear.gather [hbm4b:s14+s2], $0x50, $0x38;
	[tilespmem:$0x16280] =	vst v63  }
0x5c: {  	s14 =	smov.u32 s12  }
0x5d: {  	p1 =	sne.s32 s12, $0x488;
	s12 =	sadd.s32 $0x28, s12;
	_ =	swait.ge [sflag:s30], $0x50  }
0x5e: {  	[sflag:s30] =	ssyncset.done $0x0  }
0x5f: {  	[sflag:s30] =	ssyncadd.s32 $0xFFFFFFB0  }
0x60: {  	_ =	swait.ge [sflag:s31], $0x2800  }
0x61: {  	[sflag:s31] =	ssyncset.done $0x0  }
0x62: {  	s15 =	sshrl.u32 s13, $0x3;
	[sflag:s31] =	ssyncadd.s32 $0xFFFFD800  }
0x63: {  	[spmem:s1] =	stream.indirect.scatter.add.f32 [tilespmem:s20], [sflag:$0x7], $0x80, s26, s25, $0xb8;
	[tilespmem:$0x16280] =	vst v63  }
0x64: {  	s15 =	sadd.s32 s3, s15  }
0x65: {  	[tilespmem:s2], [sflag:$0x1] =	stream.linear.gather [hbm4b:s15+s2], $0x50, $0x38;
	[tilespmem:$0x16280] =	vst v63  }
0x66: {  	_ =	swait.ge [sflag:s0], $0x50  }
0x67: {  	[sflag:s0] =	ssyncset.done $0x0  }
0x68: {  	[sflag:s0] =	ssyncadd.s32 $0xFFFFFFB0  }
0x69: {  	_ =	swait.ge [sflag:s4], $0x2800  }
0x6a: {  	[sflag:s4] =	ssyncset.done $0x0  }
0x6b: {  	[sflag:s4] =	ssyncadd.s32 $0xFFFFD800  }
0x6c: {  	[spmem:s1] =	stream.indirect.scatter.add.f32 [tilespmem:s20], [sflag:$0x8], $0x80, s29, s25, $0xb8;
	[tilespmem:$0x16280] =	vst v63  }
0x6d: {  	s15 =	sadd.s32 s14, s18  }
0x6e: {  	[tilespmem:s22], [sflag:$0x2] =	stream.linear.gather [hbm4b:s15+s2], $0x50, $0x38;
	[tilespmem:$0x16280] =	vst v63  }
0x6f: {  	_ =	swait.ge [sflag:s24], $0x50  }
0x70: {  	[sflag:s24] =	ssyncset.done $0x0  }
0x71: {  	[sflag:s24] =	ssyncadd.s32 $0xFFFFFFB0  }
0x72: {  	_ =	swait.ge [sflag:s7], $0x2800  }
0x73: {  	[sflag:s7] =	ssyncset.done $0x0  }
0x74: {  	[sflag:s7] =	ssyncadd.s32 $0xFFFFD800  }
0x75: {  	[spmem:s1] =	stream.indirect.scatter.add.f32 [tilespmem:s20], [sflag:$0x5], $0x80, s2, s25, $0xb8;
	[tilespmem:$0x16280] =	vst v63  }
0x76: {  	s15 =	sadd.s32 s14, s17  }
0x77: {  	[tilespmem:s26], [sflag:$0x3] =	stream.linear.gather [hbm4b:s15+s2], $0x50, $0x38;
	[tilespmem:$0x16280] =	vst v63  }
0x78: {  	_ =	swait.ge [sflag:s28], $0x50  }
0x79: {  	[sflag:s28] =	ssyncset.done $0x0  }
0x7a: {  	[sflag:s28] =	ssyncadd.s32 $0xFFFFFFB0  }
.Ltmp0:
0x7b: {  	_ =	swait.ge [sflag:s8], $0x2800;
	(pc) =	sbr.rel @p1 .LBB2_2-.Ltmp0, $4  }
0x7c: {  	[sflag:s8] =	ssyncset.done $0x0  }
0x7d: {  	[sflag:s8] =	ssyncadd.s32 $0xFFFFD800  }
0x7e: {  	[spmem:s1] =	stream.indirect.scatter.add.f32 [tilespmem:s20], [sflag:$0x6], $0x80, s22, s25, $0xb8;
	[tilespmem:$0x16280] =	vst v63  }
0x7f: {  	s13 =	sadd.s32 $0x140, s13;
	s14 =	sadd.s32 s14, s16  }
0x80: {  	[tilespmem:s29], [sflag:$0x4] =	stream.linear.gather [hbm4b:s14+s2], $0x50, $0x38;
	[tilespmem:$0x16280] =	vst v63  }
0x81: {  	_ =	swait.ge [sflag:s30], $0x50  }
0x82: {  	[sflag:s30] =	ssyncset.done $0x0  }
0x83: {  	[sflag:s30] =	ssyncadd.s32 $0xFFFFFFB0  }
0x84: {  	_ =	swait.ge [sflag:s31], $0x2800  }
0x85: {  	[sflag:s31] =	ssyncset.done $0x0  }
0x86: {  	[sflag:s31] =	ssyncadd.s32 $0xFFFFD800  }
0x87: {  	[spmem:s1] =	stream.indirect.scatter.add.f32 [tilespmem:s20], [sflag:$0x7], $0x80, s26, s25, $0xb8;
	[tilespmem:$0x16280] =	vst v63  }
0x88: {  	s12 =	rddreg [dreg:$0x9]  }
0x89: {  	[tilespmem:s2], [sflag:$0x1] =	stream.linear.gather [hbm4b:s12+s2], $0x50, $0x38;
	[tilespmem:$0x16280] =	vst v63  }
0x8a: {  	_ =	swait.ge [sflag:s0], $0x50  }
0x8b: {  	[sflag:s0] =	ssyncset.done $0x0  }
0x8c: {  	[sflag:s0] =	ssyncadd.s32 $0xFFFFFFB0  }
0x8d: {  	_ =	swait.ge [sflag:s4], $0x2800  }
0x8e: {  	[sflag:s4] =	ssyncset.done $0x0  }
0x8f: {  	[sflag:s4] =	ssyncadd.s32 $0xFFFFD800  }
0x90: {  	[spmem:s1] =	stream.indirect.scatter.add.f32 [tilespmem:s20], [sflag:$0x8], $0x80, s29, s25, $0xb8;
	[tilespmem:$0x16280] =	vst v63  }
0x91: {  	_ =	swait.ge [sflag:s24], $0x50  }
0x92: {  	[sflag:s24] =	ssyncset.done $0x0  }
0x93: {  	[sflag:s24] =	ssyncadd.s32 $0xFFFFFFB0  }
0x94: {  	_ =	swait.ge [sflag:s7], $0x2800  }
0x95: {  	[sflag:s7] =	ssyncset.done $0x0  }
0x96: {  	[sflag:s7] =	ssyncadd.s32 $0xFFFFD800  }
0x97: {  	[spmem:s1] =	stream.indirect.scatter.add.f32 [tilespmem:s20], [sflag:$0x5], $0x80, s2, s25, $0xb8;
	[tilespmem:$0x16280] =	vst v63  }
0x98: {  	_ =	swait.ge [sflag:s8], $0x2800  }
0x99: {  	[sflag:s8] =	ssyncset.done $0x0  }
0x9a: {  	[sflag:s8] =	ssyncadd.s32 $0xFFFFD800  }
0x9b: {  	_ =	swait.ge [sflag:s31], $0x2800  }
0x9c: {  	[sflag:s31] =	ssyncset.done $0x0  }
0x9d: {  	[sflag:s31] =	ssyncadd.s32 $0xFFFFD800  }
0x9e: {  	[bflag:$0x0] =	sbarrier.arrive $0xFFFF  }
0x9f: {  	s14 =	rddreg [dreg:$0xa]  }
0xa0: {  	[hbm:s14], [sflag:s23] =	dma.local [spmem:s10], $0x2700  }
0xa1: {  	_ =	swait.ge [sflag:s21], $0x2700  }
0xa2: {  	[sflag:s21] =	ssyncset.done $0x0  }
0xa3: {  	s10 =	rddreg [dreg:$0xb];
	[sflag:s21] =	ssyncadd.s32 $0xFFFFD900  }
0xa4: {  	[hbm:s10], [sflag:s23] =	dma.local @!p0 [spmem:s11], $0x100  }
0xa5: {  	s10 =	simm.s32 @!p0 $0x9  }
0xa6: {  	_ =	swait.ge @!p0 [sflag:s10], $0x100  }
0xa7: {  	s9 =	sadd.s32 $0x1, s9;
	s15 =	rddreg [dreg:$0xc]  }
0xa8: {  	p1 =	sne.s32 s9, s15  }
.Ltmp1:
0xa9: {  	_ = 	snop;
	(pc) =	sbr.rel @p1 .LBB2_1-.Ltmp1, $3  }
0xaa: {  	_ =	sdelay $0x1  }
0xab: {  	[sflag:s10] =	ssyncset.done @!p0 $0x0  }
0xac: {  	[sflag:s10] =	ssyncadd.s32 @!p0 $0xFFFFFF00  }
0xad: {  	_ =	sfence.sel $0x180000  }
0xae: {  	[bflag:$0x0] =	sbarrier.arrive $0xFFFF  }
0xaf: {  	_ =	strace $0x9000004A  }
0xb0: {  	[bflag:$0x2] =	sbarrier.arrive $0xFFFF  }
0xb1: {  	s0 =	rddreg [dreg:$0x2]  }
0xb2: {  	s0 =	sadd.s32 @!p0 $0x100000, s0  }
0xb3: {  	[sflag:s0] =	ssyncadd.tile.s32 @!p0 $0x1;
	_ =	shalt  }
.Lfunc_end2:
_tile_overlayer_lowered:
.L_overlay_start_2:
0xb4: {  	(tag) =	ssettag $0x2  }
0xb5: {  	s0 =	rddreg [dreg:$0x0];
	s2 =	stileid.u32  }
0xb6: {  	s1 =	rddreg [dreg:$0x1];
	p0 =	sne.s32 s2, $0x0  }
0xb7: {  	s3 =	rddreg [dreg:$0x2];
	[bflag:$0x3] =	sbarrier.arrive $0xFFFF;
	s2 =	simm.s32 @!p0 $0x1C09  }
0xb8: {  	[timem:s3], [sflag:s2] =	dma.local @!p0 [hbm:s0], s1  }
0xb9: {  	s0 =	simm.s32 @!p0 $0x9  }
0xba: {  	_ =	swait.ge @!p0 [sflag:s0], s1  }
0xbb: {  	s1 =	ssub.s32 @!p0 $0x0, s1;
	[sflag:s0] =	ssyncset.done @!p0 $0x0  }
0xbc: {  	[sflag:s0] =	ssyncadd.s32 @!p0 s1  }
0xbd: {  	[bflag:$0x3] =	sbarrier.arrive $0xFFFF  }
0xbe: {  	_ =	shalt  }

</sc_bundles>
